<compile_context>
chip_gen: v7x
topology: tpu7x:2x2x1
jax: 0.10.2.dev20260603
libtpu: 0.0.44.dev20260713+nightly
codegen_flags: <defaults>
</compile_context>

<pallas_src>
import jax
import jax.numpy as jnp
from jax import lax
from jax.experimental import pallas as pl
from jax.experimental.pallas import tpu as pltpu
from jax.experimental.pallas import tpu_sc as plsc

B = 16384
H = 200
E = 64
HID = 256

NW = 32
BPW = B // NW
CB = 4
NIDX = CB * H
NCH = BPW // CB
UNROLL = 8


def _sc_pool(idx_hbm, table_hbm, out_hbm,
             i0, i1, i2, i3, r0, r1, s0, s1,
             is0, is1, is2, is3, gs0, gs1, osem):
    wid = lax.axis_index("s") * 2 + lax.axis_index("c")
    base_row = wid * BPW

    idxs = (i0, i1, i2, i3)
    rows = (r0, r1)
    stages = (s0, s1)
    isems = (is0, is1, is2, is3)
    gsems = (gs0, gs1)

    def idx_fetch(chunk, j):
        start = pl.multiple_of((base_row + chunk * CB) * H, NIDX)
        pltpu.async_copy(idx_hbm.at[pl.ds(start, NIDX)], idxs[j], isems[j])

    def gather_issue(j, rb):
        pltpu.make_async_copy(idx_hbm.at[pl.ds(0, NIDX)], idxs[j],
                              isems[j]).wait()
        for r in range(CB):
            pltpu.async_copy(table_hbm.at[idxs[j].at[pl.ds(r * H, H)]],
                             rows[rb].at[r], gsems[rb])

    for c in range(4):
        idx_fetch(c, c)
    gather_issue(0, 0)
    gather_issue(1, 1)

    def outer(g, _):
        for b4 in range(4):
            t = g * 4 + b4
            rb = b4 % 2
            for r in range(CB):
                pltpu.make_async_copy(
                    table_hbm.at[idxs[b4].at[pl.ds(r * H, H)]],
                    rows[rb].at[r], gsems[rb]).wait()
            @pl.when(t >= 2)
            def _(rb=rb):
                pltpu.make_async_copy(stages[rb],
                                      out_hbm.at[pl.ds(0, CB)], osem).wait()
            for r in range(CB):
                def jbody(jj, accs, r=r, rb=rb):
                    accs = list(accs)
                    for u in range(UNROLL):
                        row = jj * UNROLL + u
                        for c in range(E // 16):
                            accs[c] = accs[c] + rows[rb][r, row,
                                                         pl.ds(c * 16, 16)]
                    return tuple(accs)

                zero = jnp.zeros((16,), jnp.float32)
                accs = lax.fori_loop(0, H // UNROLL, jbody,
                                     (zero,) * (E // 16))
                for c in range(E // 16):
                    stages[rb][r, pl.ds(c * 16, 16)] = accs[c]
            out_start = pl.multiple_of(base_row + t * CB, CB)
            pltpu.async_copy(stages[rb], out_hbm.at[pl.ds(out_start, CB)],
                             osem)
            @pl.when(t + 4 < NCH)
            def _(t=t, b4=b4):
                idx_fetch(t + 4, b4)
            @pl.when(t + 2 < NCH)
            def _(b4=b4, rb=rb):
                gather_issue((b4 + 2) % 4, rb)
        return _

    lax.fori_loop(0, NCH // 4, outer, None)
    for _ in range(2):
        pltpu.make_async_copy(stages[0], out_hbm.at[pl.ds(0, CB)],
                              osem).wait()


def _mlp_body(x_ref, w1_ref, b1_ref, w2_ref, b2_ref, o_ref):
    x = x_ref[...] * (1.0 / H)
    h = jnp.dot(x, w1_ref[...], preferred_element_type=jnp.float32)
    h = jnp.maximum(h + b1_ref[...], 0.0)
    z = jnp.sum(h * w2_ref[...], axis=1, keepdims=True) + b2_ref[...]
    o_ref[...] = 1.0 / (1.0 + jnp.exp(-z))


def kernel(inputs, table, W1, b1, W2, b2):
    idx_flat = inputs.reshape(-1).astype(jnp.int32)

    mesh = plsc.VectorSubcoreMesh(core_axis_name="c", subcore_axis_name="s")
    pooled = pl.kernel(
        _sc_pool,
        out_type=jax.ShapeDtypeStruct((B, E), jnp.float32),
        mesh=mesh,
        compiler_params=pltpu.CompilerParams(
            use_tc_tiling_on_sc=False, needs_layout_passes=False),
        scratch_types=[
            pltpu.VMEM((NIDX,), jnp.int32),
            pltpu.VMEM((NIDX,), jnp.int32),
            pltpu.VMEM((NIDX,), jnp.int32),
            pltpu.VMEM((NIDX,), jnp.int32),
            pltpu.VMEM((CB, H, E), jnp.float32),
            pltpu.VMEM((CB, H, E), jnp.float32),
            pltpu.VMEM((CB, E), jnp.float32),
            pltpu.VMEM((CB, E), jnp.float32),
            pltpu.SemaphoreType.DMA,
            pltpu.SemaphoreType.DMA,
            pltpu.SemaphoreType.DMA,
            pltpu.SemaphoreType.DMA,
            pltpu.SemaphoreType.DMA,
            pltpu.SemaphoreType.DMA,
            pltpu.SemaphoreType.DMA,
        ],
    )(idx_flat, table)

    BM = 2048
    out = pl.pallas_call(
        _mlp_body,
        grid=(B // BM,),
        in_specs=[
            pl.BlockSpec((BM, E), lambda i: (i, 0)),
            pl.BlockSpec((E, HID), lambda i: (0, 0)),
            pl.BlockSpec((1, HID), lambda i: (0, 0)),
            pl.BlockSpec((1, HID), lambda i: (0, 0)),
            pl.BlockSpec((1, 1), lambda i: (0, 0)),
        ],
        out_specs=pl.BlockSpec((BM, 1), lambda i: (i, 0)),
        out_shape=jax.ShapeDtypeStruct((B, 1), jnp.float32),
    )(pooled, W1, b1.reshape(1, HID), W2.reshape(1, HID), b2.reshape(1, 1))
    return out

# --- scband reference (transcript-rebuilt; emitter-appended) ---
"""Pipeline reference for scband-custom-model-29265907155017 (READ-ONLY COPY).

The authoritative reference and input builder live on the scoring server;
editing this copy changes nothing except your own understanding.
"""

import jax, jax.numpy as jnp
import numpy as np

VOCAB = 1000000
EMBED = 64
HIDDEN = 256
OUT = 1
BATCH = 16384
HIST = 200

def setup_inputs(seed: int = 0) -> dict:
    key = jax.random.key(seed)
    k_idx, k_tab, k_w1, k_b1, k_w2, k_b2 = jax.random.split(key, 6)
    inputs = jax.random.randint(k_idx, (BATCH, HIST), 0, VOCAB, dtype=jnp.int64 if jax.config.jax_enable_x64 else jnp.int32)
    table = jax.random.normal(k_tab, (VOCAB, EMBED), dtype=jnp.float32) * 0.05
    W1 = jax.random.normal(k_w1, (EMBED, HIDDEN), dtype=jnp.float32) * (1.0 / np.sqrt(EMBED))
    b1 = jnp.zeros((HIDDEN,), dtype=jnp.float32)
    W2 = jax.random.normal(k_w2, (HIDDEN, OUT), dtype=jnp.float32) * (1.0 / np.sqrt(HIDDEN))
    b2 = jnp.zeros((OUT,), dtype=jnp.float32)
    return {"inputs": inputs, "table": table, "W1": W1, "b1": b1, "W2": W2, "b2": b2}

def reference(inputs, table, W1, b1, W2, b2):
    # Embedding lookup (gather)
    x = jnp.take(table, inputs, axis=0)          # [B, L, E]
    # Mean pool over sequence axis
    x = jnp.mean(x, axis=1)                      # [B, E]
    # Dense + relu
    x = jax.nn.relu(x @ W1 + b1)                 # [B, H]
    # Dense + sigmoid
    x = jax.nn.sigmoid(x @ W2 + b2)              # [B, 1]
    return x

if __name__ == "__main__":
    import jax
    _d = setup_inputs()
    print(jax.jit(kernel)(*tuple(_d.values())))

</pallas_src>

<mosaic_0001>
#map = affine_map<(d0, d1) -> (0)>
#map1 = affine_map<(d0, d1) -> (0, 0)>
module attributes {stable_mosaic.version = 14 : i64} {
  func.func @_sc_pool(%arg0: i32, %arg1: i32, %arg2: memref<3276800xi32, #tpu.memory_space<hbm>>, %arg3: memref<1000000x64xf32, #tpu.memory_space<hbm>>, %arg4: memref<16384x64xf32, #tpu.memory_space<hbm>>, %arg5: memref<800xi32, #tpu.memory_space<vmem>>, %arg6: memref<800xi32, #tpu.memory_space<vmem>>, %arg7: memref<800xi32, #tpu.memory_space<vmem>>, %arg8: memref<800xi32, #tpu.memory_space<vmem>>, %arg9: memref<4x200x64xf32, #tpu.memory_space<vmem>>, %arg10: memref<4x200x64xf32, #tpu.memory_space<vmem>>, %arg11: memref<4x64xf32, #tpu.memory_space<vmem>>, %arg12: memref<4x64xf32, #tpu.memory_space<vmem>>, %arg13: memref<!tpu.dma_semaphore, #tpu.memory_space<semaphore_mem>>, %arg14: memref<!tpu.dma_semaphore, #tpu.memory_space<semaphore_mem>>, %arg15: memref<!tpu.dma_semaphore, #tpu.memory_space<semaphore_mem>>, %arg16: memref<!tpu.dma_semaphore, #tpu.memory_space<semaphore_mem>>, %arg17: memref<!tpu.dma_semaphore, #tpu.memory_space<semaphore_mem>>, %arg18: memref<!tpu.dma_semaphore, #tpu.memory_space<semaphore_mem>>, %arg19: memref<!tpu.dma_semaphore, #tpu.memory_space<semaphore_mem>>) attributes {dimension_semantics = [#tpu.dimension_semantics<core_parallel>, #tpu.dimension_semantics<subcore_parallel>], iteration_bounds = array<i64: 2, 16>, scalar_prefetch = 0 : i64, scratch_operands = 15 : i64, tpu.core_type = #tpu.core_type<sc_vector_subcore>, window_params = [{transform_indices = #map}, {transform_indices = #map1}, {transform_indices = #map1}]} {
    %mul3A = arith.constant 2 : i32
    %mul3A_0 = arith.muli %arg1, %mul3A : i32
    %add3A = arith.addi %mul3A_0, %arg0 : i32
    %mul3A_1 = arith.constant 512 : i32
    %mul3A_2 = arith.muli %add3A, %mul3A_1 : i32
    %add3A_3 = arith.constant 0 : i32
    %add3A_4 = arith.addi %mul3A_2, %add3A_3 : i32
    %mul3A_5 = arith.constant 200 : i32
    %mul3A_6 = arith.muli %add3A_4, %mul3A_5 : i32
    %multiple_of3A = tpu.assume_multiple %mul3A_6, 800 : i32
    %dma_start3A = tpu.memref_slice %arg2[%multiple_of3A] : memref<3276800xi32, #tpu.memory_space<hbm>> -> memref<800xi32, #tpu.memory_space<hbm>>
    %dma_start3A_7 = tpu.memref_slice %arg2[%multiple_of3A] : memref<3276800xi32, #tpu.memory_space<hbm>> -> memref<800xi32, #tpu.memory_space<hbm>>
    tpu.enqueue_dma source(%dma_start3A_7 : memref<800xi32, #tpu.memory_space<hbm>>) target(%arg5 : memref<800xi32, #tpu.memory_space<vmem>>) target_semaphore(%arg13 : memref<!tpu.dma_semaphore, #tpu.memory_space<semaphore_mem>>)
    %add3A_8 = arith.constant 4 : i32
    %add3A_9 = arith.addi %mul3A_2, %add3A_8 : i32
    %mul3A_10 = arith.constant 200 : i32
    %mul3A_11 = arith.muli %add3A_9, %mul3A_10 : i32
    %multiple_of3A_12 = tpu.assume_multiple %mul3A_11, 800 : i32
    %dma_start3A_13 = tpu.memref_slice %arg2[%multiple_of3A_12] : memref<3276800xi32, #tpu.memory_space<hbm>> -> memref<800xi32, #tpu.memory_space<hbm>>
    %dma_start3A_14 = tpu.memref_slice %arg2[%multiple_of3A_12] : memref<3276800xi32, #tpu.memory_space<hbm>> -> memref<800xi32, #tpu.memory_space<hbm>>
    tpu.enqueue_dma source(%dma_start3A_14 : memref<800xi32, #tpu.memory_space<hbm>>) target(%arg6 : memref<800xi32, #tpu.memory_space<vmem>>) target_semaphore(%arg14 : memref<!tpu.dma_semaphore, #tpu.memory_space<semaphore_mem>>)
    %add3A_15 = arith.constant 8 : i32
    %add3A_16 = arith.addi %mul3A_2, %add3A_15 : i32
    %mul3A_17 = arith.constant 200 : i32
    %mul3A_18 = arith.muli %add3A_16, %mul3A_17 : i32
    %multiple_of3A_19 = tpu.assume_multiple %mul3A_18, 800 : i32
    %dma_start3A_20 = tpu.memref_slice %arg2[%multiple_of3A_19] : memref<3276800xi32, #tpu.memory_space<hbm>> -> memref<800xi32, #tpu.memory_space<hbm>>
    %dma_start3A_21 = tpu.memref_slice %arg2[%multiple_of3A_19] : memref<3276800xi32, #tpu.memory_space<hbm>> -> memref<800xi32, #tpu.memory_space<hbm>>
    tpu.enqueue_dma source(%dma_start3A_21 : memref<800xi32, #tpu.memory_space<hbm>>) target(%arg7 : memref<800xi32, #tpu.memory_space<vmem>>) target_semaphore(%arg15 : memref<!tpu.dma_semaphore, #tpu.memory_space<semaphore_mem>>)
    %add3A_22 = arith.constant 12 : i32
    %add3A_23 = arith.addi %mul3A_2, %add3A_22 : i32
    %mul3A_24 = arith.constant 200 : i32
    %mul3A_25 = arith.muli %add3A_23, %mul3A_24 : i32
    %multiple_of3A_26 = tpu.assume_multiple %mul3A_25, 800 : i32
    %dma_start3A_27 = tpu.memref_slice %arg2[%multiple_of3A_26] : memref<3276800xi32, #tpu.memory_space<hbm>> -> memref<800xi32, #tpu.memory_space<hbm>>
    %dma_start3A_28 = tpu.memref_slice %arg2[%multiple_of3A_26] : memref<3276800xi32, #tpu.memory_space<hbm>> -> memref<800xi32, #tpu.memory_space<hbm>>
    tpu.enqueue_dma source(%dma_start3A_28 : memref<800xi32, #tpu.memory_space<hbm>>) target(%arg8 : memref<800xi32, #tpu.memory_space<vmem>>) target_semaphore(%arg16 : memref<!tpu.dma_semaphore, #tpu.memory_space<semaphore_mem>>)
    %dma_wait3A = arith.constant 0 : i32
    %dma_wait3A_29 = tpu.memref_slice %arg2[%dma_wait3A] : memref<3276800xi32, #tpu.memory_space<hbm>> -> memref<800xi32, #tpu.memory_space<hbm>>
    %dma_wait3A_30 = arith.constant 0 : i32
    %dma_wait3A_31 = tpu.memref_slice %arg2[%dma_wait3A_30] : memref<3276800xi32, #tpu.memory_space<hbm>> -> memref<800xi32, #tpu.memory_space<hbm>>
    tpu.wait_dma2 semaphore(%arg13 : memref<!tpu.dma_semaphore, #tpu.memory_space<semaphore_mem>>) src(%dma_wait3A_31 : memref<800xi32, #tpu.memory_space<hbm>>) dst(%arg5 : memref<800xi32, #tpu.memory_space<vmem>>)
    %dma_start3A_32 = arith.constant 0 : i32
    %dma_start3A_33 = arith.constant 0 : i32
    %dma_start3A_34 = arith.constant 0 : i32
    %dma_start3A_35 = tpu.memref_slice %arg9[%dma_start3A_32, %dma_start3A_33, %dma_start3A_34] : memref<4x200x64xf32, #tpu.memory_space<vmem>> -> memref<1x200x64xf32, #tpu.memory_space<vmem>>
    %dma_start3A_36 = tpu.memref_squeeze %dma_start3A_35 : memref<1x200x64xf32, #tpu.memory_space<vmem>> -> memref<200x64xf32, #tpu.memory_space<vmem>>
    %dma_start3A_37 = arith.constant 0 : i32
    %dma_start3A_38 = tpu.memref_slice %arg5[%dma_start3A_37] : memref<800xi32, #tpu.memory_space<vmem>> -> memref<200xi32, #tpu.memory_space<vmem>>
    %dma_start3A_39 = arith.constant 0 : i32
    %dma_start3A_40 = arith.constant 0 : i32
    %dma_start3A_41 = tpu.memref_slice %arg3[%dma_start3A_39, %dma_start3A_40] : memref<1000000x64xf32, #tpu.memory_space<hbm>> -> memref<1000000x64xf32, #tpu.memory_space<hbm>>
    tpu.enqueue_indirect_dma source(%dma_start3A_41 : memref<1000000x64xf32, #tpu.memory_space<hbm>>) target(%dma_start3A_36 : memref<200x64xf32, #tpu.memory_space<vmem>>) offsets(%dma_start3A_38 : memref<200xi32, #tpu.memory_space<vmem>>) semaphore(%arg17 : memref<!tpu.dma_semaphore, #tpu.memory_space<semaphore_mem>>)
    %dma_start3A_42 = arith.constant 1 : i32
    %dma_start3A_43 = arith.constant 0 : i32
    %dma_start3A_44 = arith.constant 0 : i32
    %dma_start3A_45 = tpu.memref_slice %arg9[%dma_start3A_42, %dma_start3A_43, %dma_start3A_44] : memref<4x200x64xf32, #tpu.memory_space<vmem>> -> memref<1x200x64xf32, #tpu.memory_space<vmem>>
    %dma_start3A_46 = tpu.memref_squeeze %dma_start3A_45 : memref<1x200x64xf32, #tpu.memory_space<vmem>> -> memref<200x64xf32, #tpu.memory_space<vmem>>
    %dma_start3A_47 = arith.constant 200 : i32
    %dma_start3A_48 = tpu.memref_slice %arg5[%dma_start3A_47] : memref<800xi32, #tpu.memory_space<vmem>> -> memref<200xi32, #tpu.memory_space<vmem>>
    %dma_start3A_49 = arith.constant 0 : i32
    %dma_start3A_50 = arith.constant 0 : i32
    %dma_start3A_51 = tpu.memref_slice %arg3[%dma_start3A_49, %dma_start3A_50] : memref<1000000x64xf32, #tpu.memory_space<hbm>> -> memref<1000000x64xf32, #tpu.memory_space<hbm>>
    tpu.enqueue_indirect_dma source(%dma_start3A_51 : memref<1000000x64xf32, #tpu.memory_space<hbm>>) target(%dma_start3A_46 : memref<200x64xf32, #tpu.memory_space<vmem>>) offsets(%dma_start3A_48 : memref<200xi32, #tpu.memory_space<vmem>>) semaphore(%arg17 : memref<!tpu.dma_semaphore, #tpu.memory_space<semaphore_mem>>)
    %dma_start3A_52 = arith.constant 2 : i32
    %dma_start3A_53 = arith.constant 0 : i32
    %dma_start3A_54 = arith.constant 0 : i32
    %dma_start3A_55 = tpu.memref_slice %arg9[%dma_start3A_52, %dma_start3A_53, %dma_start3A_54] : memref<4x200x64xf32, #tpu.memory_space<vmem>> -> memref<1x200x64xf32, #tpu.memory_space<vmem>>
    %dma_start3A_56 = tpu.memref_squeeze %dma_start3A_55 : memref<1x200x64xf32, #tpu.memory_space<vmem>> -> memref<200x64xf32, #tpu.memory_space<vmem>>
    %dma_start3A_57 = arith.constant 400 : i32
    %dma_start3A_58 = tpu.memref_slice %arg5[%dma_start3A_57] : memref<800xi32, #tpu.memory_space<vmem>> -> memref<200xi32, #tpu.memory_space<vmem>>
    %dma_start3A_59 = arith.constant 0 : i32
    %dma_start3A_60 = arith.constant 0 : i32
    %dma_start3A_61 = tpu.memref_slice %arg3[%dma_start3A_59, %dma_start3A_60] : memref<1000000x64xf32, #tpu.memory_space<hbm>> -> memref<1000000x64xf32, #tpu.memory_space<hbm>>
    tpu.enqueue_indirect_dma source(%dma_start3A_61 : memref<1000000x64xf32, #tpu.memory_space<hbm>>) target(%dma_start3A_56 : memref<200x64xf32, #tpu.memory_space<vmem>>) offsets(%dma_start3A_58 : memref<200xi32, #tpu.memory_space<vmem>>) semaphore(%arg17 : memref<!tpu.dma_semaphore, #tpu.memory_space<semaphore_mem>>)
    %dma_start3A_62 = arith.constant 3 : i32
    %dma_start3A_63 = arith.constant 0 : i32
    %dma_start3A_64 = arith.constant 0 : i32
    %dma_start3A_65 = tpu.memref_slice %arg9[%dma_start3A_62, %dma_start3A_63, %dma_start3A_64] : memref<4x200x64xf32, #tpu.memory_space<vmem>> -> memref<1x200x64xf32, #tpu.memory_space<vmem>>
    %dma_start3A_66 = tpu.memref_squeeze %dma_start3A_65 : memref<1x200x64xf32, #tpu.memory_space<vmem>> -> memref<200x64xf32, #tpu.memory_space<vmem>>
    %dma_start3A_67 = arith.constant 600 : i32
    %dma_start3A_68 = tpu.memref_slice %arg5[%dma_start3A_67] : memref<800xi32, #tpu.memory_space<vmem>> -> memref<200xi32, #tpu.memory_space<vmem>>
    %dma_start3A_69 = arith.constant 0 : i32
    %dma_start3A_70 = arith.constant 0 : i32
    %dma_start3A_71 = tpu.memref_slice %arg3[%dma_start3A_69, %dma_start3A_70] : memref<1000000x64xf32, #tpu.memory_space<hbm>> -> memref<1000000x64xf32, #tpu.memory_space<hbm>>
    tpu.enqueue_indirect_dma source(%dma_start3A_71 : memref<1000000x64xf32, #tpu.memory_space<hbm>>) target(%dma_start3A_66 : memref<200x64xf32, #tpu.memory_space<vmem>>) offsets(%dma_start3A_68 : memref<200xi32, #tpu.memory_space<vmem>>) semaphore(%arg17 : memref<!tpu.dma_semaphore, #tpu.memory_space<semaphore_mem>>)
    %dma_wait3A_72 = arith.constant 0 : i32
    %dma_wait3A_73 = tpu.memref_slice %arg2[%dma_wait3A_72] : memref<3276800xi32, #tpu.memory_space<hbm>> -> memref<800xi32, #tpu.memory_space<hbm>>
    %dma_wait3A_74 = arith.constant 0 : i32
    %dma_wait3A_75 = tpu.memref_slice %arg2[%dma_wait3A_74] : memref<3276800xi32, #tpu.memory_space<hbm>> -> memref<800xi32, #tpu.memory_space<hbm>>
    tpu.wait_dma2 semaphore(%arg14 : memref<!tpu.dma_semaphore, #tpu.memory_space<semaphore_mem>>) src(%dma_wait3A_75 : memref<800xi32, #tpu.memory_space<hbm>>) dst(%arg6 : memref<800xi32, #tpu.memory_space<vmem>>)
    %dma_start3A_76 = arith.constant 0 : i32
    %dma_start3A_77 = arith.constant 0 : i32
    %dma_start3A_78 = arith.constant 0 : i32
    %dma_start3A_79 = tpu.memref_slice %arg10[%dma_start3A_76, %dma_start3A_77, %dma_start3A_78] : memref<4x200x64xf32, #tpu.memory_space<vmem>> -> memref<1x200x64xf32, #tpu.memory_space<vmem>>
    %dma_start3A_80 = tpu.memref_squeeze %dma_start3A_79 : memref<1x200x64xf32, #tpu.memory_space<vmem>> -> memref<200x64xf32, #tpu.memory_space<vmem>>
    %dma_start3A_81 = arith.constant 0 : i32
    %dma_start3A_82 = tpu.memref_slice %arg6[%dma_start3A_81] : memref<800xi32, #tpu.memory_space<vmem>> -> memref<200xi32, #tpu.memory_space<vmem>>
    %dma_start3A_83 = arith.constant 0 : i32
    %dma_start3A_84 = arith.constant 0 : i32
    %dma_start3A_85 = tpu.memref_slice %arg3[%dma_start3A_83, %dma_start3A_84] : memref<1000000x64xf32, #tpu.memory_space<hbm>> -> memref<1000000x64xf32, #tpu.memory_space<hbm>>
    tpu.enqueue_indirect_dma source(%dma_start3A_85 : memref<1000000x64xf32, #tpu.memory_space<hbm>>) target(%dma_start3A_80 : memref<200x64xf32, #tpu.memory_space<vmem>>) offsets(%dma_start3A_82 : memref<200xi32, #tpu.memory_space<vmem>>) semaphore(%arg18 : memref<!tpu.dma_semaphore, #tpu.memory_space<semaphore_mem>>)
    %dma_start3A_86 = arith.constant 1 : i32
    %dma_start3A_87 = arith.constant 0 : i32
    %dma_start3A_88 = arith.constant 0 : i32
    %dma_start3A_89 = tpu.memref_slice %arg10[%dma_start3A_86, %dma_start3A_87, %dma_start3A_88] : memref<4x200x64xf32, #tpu.memory_space<vmem>> -> memref<1x200x64xf32, #tpu.memory_space<vmem>>
    %dma_start3A_90 = tpu.memref_squeeze %dma_start3A_89 : memref<1x200x64xf32, #tpu.memory_space<vmem>> -> memref<200x64xf32, #tpu.memory_space<vmem>>
    %dma_start3A_91 = arith.constant 200 : i32
    %dma_start3A_92 = tpu.memref_slice %arg6[%dma_start3A_91] : memref<800xi32, #tpu.memory_space<vmem>> -> memref<200xi32, #tpu.memory_space<vmem>>
    %dma_start3A_93 = arith.constant 0 : i32
    %dma_start3A_94 = arith.constant 0 : i32
    %dma_start3A_95 = tpu.memref_slice %arg3[%dma_start3A_93, %dma_start3A_94] : memref<1000000x64xf32, #tpu.memory_space<hbm>> -> memref<1000000x64xf32, #tpu.memory_space<hbm>>
    tpu.enqueue_indirect_dma source(%dma_start3A_95 : memref<1000000x64xf32, #tpu.memory_space<hbm>>) target(%dma_start3A_90 : memref<200x64xf32, #tpu.memory_space<vmem>>) offsets(%dma_start3A_92 : memref<200xi32, #tpu.memory_space<vmem>>) semaphore(%arg18 : memref<!tpu.dma_semaphore, #tpu.memory_space<semaphore_mem>>)
    %dma_start3A_96 = arith.constant 2 : i32
    %dma_start3A_97 = arith.constant 0 : i32
    %dma_start3A_98 = arith.constant 0 : i32
    %dma_start3A_99 = tpu.memref_slice %arg10[%dma_start3A_96, %dma_start3A_97, %dma_start3A_98] : memref<4x200x64xf32, #tpu.memory_space<vmem>> -> memref<1x200x64xf32, #tpu.memory_space<vmem>>
    %dma_start3A_100 = tpu.memref_squeeze %dma_start3A_99 : memref<1x200x64xf32, #tpu.memory_space<vmem>> -> memref<200x64xf32, #tpu.memory_space<vmem>>
    %dma_start3A_101 = arith.constant 400 : i32
    %dma_start3A_102 = tpu.memref_slice %arg6[%dma_start3A_101] : memref<800xi32, #tpu.memory_space<vmem>> -> memref<200xi32, #tpu.memory_space<vmem>>
    %dma_start3A_103 = arith.constant 0 : i32
    %dma_start3A_104 = arith.constant 0 : i32
    %dma_start3A_105 = tpu.memref_slice %arg3[%dma_start3A_103, %dma_start3A_104] : memref<1000000x64xf32, #tpu.memory_space<hbm>> -> memref<1000000x64xf32, #tpu.memory_space<hbm>>
    tpu.enqueue_indirect_dma source(%dma_start3A_105 : memref<1000000x64xf32, #tpu.memory_space<hbm>>) target(%dma_start3A_100 : memref<200x64xf32, #tpu.memory_space<vmem>>) offsets(%dma_start3A_102 : memref<200xi32, #tpu.memory_space<vmem>>) semaphore(%arg18 : memref<!tpu.dma_semaphore, #tpu.memory_space<semaphore_mem>>)
    %dma_start3A_106 = arith.constant 3 : i32
    %dma_start3A_107 = arith.constant 0 : i32
    %dma_start3A_108 = arith.constant 0 : i32
    %dma_start3A_109 = tpu.memref_slice %arg10[%dma_start3A_106, %dma_start3A_107, %dma_start3A_108] : memref<4x200x64xf32, #tpu.memory_space<vmem>> -> memref<1x200x64xf32, #tpu.memory_space<vmem>>
    %dma_start3A_110 = tpu.memref_squeeze %dma_start3A_109 : memref<1x200x64xf32, #tpu.memory_space<vmem>> -> memref<200x64xf32, #tpu.memory_space<vmem>>
    %dma_start3A_111 = arith.constant 600 : i32
    %dma_start3A_112 = tpu.memref_slice %arg6[%dma_start3A_111] : memref<800xi32, #tpu.memory_space<vmem>> -> memref<200xi32, #tpu.memory_space<vmem>>
    %dma_start3A_113 = arith.constant 0 : i32
    %dma_start3A_114 = arith.constant 0 : i32
    %dma_start3A_115 = tpu.memref_slice %arg3[%dma_start3A_113, %dma_start3A_114] : memref<1000000x64xf32, #tpu.memory_space<hbm>> -> memref<1000000x64xf32, #tpu.memory_space<hbm>>
    tpu.enqueue_indirect_dma source(%dma_start3A_115 : memref<1000000x64xf32, #tpu.memory_space<hbm>>) target(%dma_start3A_110 : memref<200x64xf32, #tpu.memory_space<vmem>>) offsets(%dma_start3A_112 : memref<200xi32, #tpu.memory_space<vmem>>) semaphore(%arg18 : memref<!tpu.dma_semaphore, #tpu.memory_space<semaphore_mem>>)
    %scan3A = arith.constant 0 : i32
    %scan3A_116 = arith.constant 32 : i32
    %scan3A_117 = arith.addi %scan3A, %scan3A_116 : i32
    %scan3A_118 = arith.constant 1 : i32
    scf.for %scan3A_132 = %scan3A to %scan3A_117 step %scan3A_118  : i32 {
      %mul3A_133 = arith.constant 4 : i32
      %mul3A_134 = arith.muli %scan3A_132, %mul3A_133 : i32
      %add3A_135 = arith.constant 0 : i32
      %add3A_136 = arith.addi %mul3A_134, %add3A_135 : i32
      %dma_wait3A_137 = arith.constant 0 : i32
      %dma_wait3A_138 = arith.constant 0 : i32
      %dma_wait3A_139 = arith.constant 0 : i32
      %dma_wait3A_140 = tpu.memref_slice %arg9[%dma_wait3A_137, %dma_wait3A_138, %dma_wait3A_139] : memref<4x200x64xf32, #tpu.memory_space<vmem>> -> memref<1x200x64xf32, #tpu.memory_space<vmem>>
      %dma_wait3A_141 = tpu.memref_squeeze %dma_wait3A_140 : memref<1x200x64xf32, #tpu.memory_space<vmem>> -> memref<200x64xf32, #tpu.memory_space<vmem>>
      %dma_wait3A_142 = arith.constant 0 : i32
      %dma_wait3A_143 = tpu.memref_slice %arg5[%dma_wait3A_142] : memref<800xi32, #tpu.memory_space<vmem>> -> memref<200xi32, #tpu.memory_space<vmem>>
      %dma_wait3A_144 = arith.constant 0 : i32
      %dma_wait3A_145 = arith.constant 0 : i32
      %dma_wait3A_146 = tpu.memref_slice %arg3[%dma_wait3A_144, %dma_wait3A_145] : memref<1000000x64xf32, #tpu.memory_space<hbm>> -> memref<1000000x64xf32, #tpu.memory_space<hbm>>
      tpu.wait_indirect_dma semaphore(%arg17 : memref<!tpu.dma_semaphore, #tpu.memory_space<semaphore_mem>>) src(%dma_wait3A_146 : memref<1000000x64xf32, #tpu.memory_space<hbm>>) dst(%dma_wait3A_141 : memref<200x64xf32, #tpu.memory_space<vmem>>)
      %dma_wait3A_147 = arith.constant 1 : i32
      %dma_wait3A_148 = arith.constant 0 : i32
      %dma_wait3A_149 = arith.constant 0 : i32
      %dma_wait3A_150 = tpu.memref_slice %arg9[%dma_wait3A_147, %dma_wait3A_148, %dma_wait3A_149] : memref<4x200x64xf32, #tpu.memory_space<vmem>> -> memref<1x200x64xf32, #tpu.memory_space<vmem>>
      %dma_wait3A_151 = tpu.memref_squeeze %dma_wait3A_150 : memref<1x200x64xf32, #tpu.memory_space<vmem>> -> memref<200x64xf32, #tpu.memory_space<vmem>>
      %dma_wait3A_152 = arith.constant 200 : i32
      %dma_wait3A_153 = tpu.memref_slice %arg5[%dma_wait3A_152] : memref<800xi32, #tpu.memory_space<vmem>> -> memref<200xi32, #tpu.memory_space<vmem>>
      %dma_wait3A_154 = arith.constant 0 : i32
      %dma_wait3A_155 = arith.constant 0 : i32
      %dma_wait3A_156 = tpu.memref_slice %arg3[%dma_wait3A_154, %dma_wait3A_155] : memref<1000000x64xf32, #tpu.memory_space<hbm>> -> memref<1000000x64xf32, #tpu.memory_space<hbm>>
      tpu.wait_indirect_dma semaphore(%arg17 : memref<!tpu.dma_semaphore, #tpu.memory_space<semaphore_mem>>) src(%dma_wait3A_156 : memref<1000000x64xf32, #tpu.memory_space<hbm>>) dst(%dma_wait3A_151 : memref<200x64xf32, #tpu.memory_space<vmem>>)
      %dma_wait3A_157 = arith.constant 2 : i32
      %dma_wait3A_158 = arith.constant 0 : i32
      %dma_wait3A_159 = arith.constant 0 : i32
      %dma_wait3A_160 = tpu.memref_slice %arg9[%dma_wait3A_157, %dma_wait3A_158, %dma_wait3A_159] : memref<4x200x64xf32, #tpu.memory_space<vmem>> -> memref<1x200x64xf32, #tpu.memory_space<vmem>>
      %dma_wait3A_161 = tpu.memref_squeeze %dma_wait3A_160 : memref<1x200x64xf32, #tpu.memory_space<vmem>> -> memref<200x64xf32, #tpu.memory_space<vmem>>
      %dma_wait3A_162 = arith.constant 400 : i32
      %dma_wait3A_163 = tpu.memref_slice %arg5[%dma_wait3A_162] : memref<800xi32, #tpu.memory_space<vmem>> -> memref<200xi32, #tpu.memory_space<vmem>>
      %dma_wait3A_164 = arith.constant 0 : i32
      %dma_wait3A_165 = arith.constant 0 : i32
      %dma_wait3A_166 = tpu.memref_slice %arg3[%dma_wait3A_164, %dma_wait3A_165] : memref<1000000x64xf32, #tpu.memory_space<hbm>> -> memref<1000000x64xf32, #tpu.memory_space<hbm>>
      tpu.wait_indirect_dma semaphore(%arg17 : memref<!tpu.dma_semaphore, #tpu.memory_space<semaphore_mem>>) src(%dma_wait3A_166 : memref<1000000x64xf32, #tpu.memory_space<hbm>>) dst(%dma_wait3A_161 : memref<200x64xf32, #tpu.memory_space<vmem>>)
      %dma_wait3A_167 = arith.constant 3 : i32
      %dma_wait3A_168 = arith.constant 0 : i32
      %dma_wait3A_169 = arith.constant 0 : i32
      %dma_wait3A_170 = tpu.memref_slice %arg9[%dma_wait3A_167, %dma_wait3A_168, %dma_wait3A_169] : memref<4x200x64xf32, #tpu.memory_space<vmem>> -> memref<1x200x64xf32, #tpu.memory_space<vmem>>
      %dma_wait3A_171 = tpu.memref_squeeze %dma_wait3A_170 : memref<1x200x64xf32, #tpu.memory_space<vmem>> -> memref<200x64xf32, #tpu.memory_space<vmem>>
      %dma_wait3A_172 = arith.constant 600 : i32
      %dma_wait3A_173 = tpu.memref_slice %arg5[%dma_wait3A_172] : memref<800xi32, #tpu.memory_space<vmem>> -> memref<200xi32, #tpu.memory_space<vmem>>
      %dma_wait3A_174 = arith.constant 0 : i32
      %dma_wait3A_175 = arith.constant 0 : i32
      %dma_wait3A_176 = tpu.memref_slice %arg3[%dma_wait3A_174, %dma_wait3A_175] : memref<1000000x64xf32, #tpu.memory_space<hbm>> -> memref<1000000x64xf32, #tpu.memory_space<hbm>>
      tpu.wait_indirect_dma semaphore(%arg17 : memref<!tpu.dma_semaphore, #tpu.memory_space<semaphore_mem>>) src(%dma_wait3A_176 : memref<1000000x64xf32, #tpu.memory_space<hbm>>) dst(%dma_wait3A_171 : memref<200x64xf32, #tpu.memory_space<vmem>>)
      %ge3A = arith.constant 2 : i32
      %ge3A_177 = arith.cmpi sge, %add3A_136, %ge3A : i32
      %convert_element_type3A = arith.extui %ge3A_177 : i1 to i32
      %cond3A = arith.constant 0 : i32
      %cond3A_178 = arith.cmpi ne, %convert_element_type3A, %cond3A : i32
      scf.if %cond3A_178 {
        %dma_wait3A_795 = arith.constant 0 : i32
        %dma_wait3A_796 = arith.constant 0 : i32
        %dma_wait3A_797 = tpu.memref_slice %arg4[%dma_wait3A_795, %dma_wait3A_796] : memref<16384x64xf32, #tpu.memory_space<hbm>> -> memref<4x64xf32, #tpu.memory_space<hbm>>
        %dma_wait3A_798 = arith.constant 0 : i32
        %dma_wait3A_799 = arith.constant 0 : i32
        %dma_wait3A_800 = tpu.memref_slice %arg4[%dma_wait3A_798, %dma_wait3A_799] : memref<16384x64xf32, #tpu.memory_space<hbm>> -> memref<4x64xf32, #tpu.memory_space<hbm>>
        tpu.wait_dma2 semaphore(%arg19 : memref<!tpu.dma_semaphore, #tpu.memory_space<semaphore_mem>>) src(%arg11 : memref<4x64xf32, #tpu.memory_space<vmem>>) dst(%dma_wait3A_800 : memref<4x64xf32, #tpu.memory_space<hbm>>)
      } else {
      }
      %broadcast_in_dim3A = arith.constant 0.000000e+00 : f32
      %broadcast_in_dim3A_179 = vector.broadcast %broadcast_in_dim3A : f32 to vector<16xf32>
      %scan3A_180 = arith.constant 0 : i32
      %scan3A_181 = arith.constant 25 : i32
      %scan3A_182 = arith.addi %scan3A_180, %scan3A_181 : i32
      %scan3A_183 = arith.constant 1 : i32
      %scan3A_184:4 = scf.for %scan3A_795 = %scan3A_180 to %scan3A_182 step %scan3A_183 iter_args(%scan3A_796 = %broadcast_in_dim3A_179, %scan3A_797 = %broadcast_in_dim3A_179, %scan3A_798 = %broadcast_in_dim3A_179, %scan3A_799 = %broadcast_in_dim3A_179) -> (vector<16xf32>, vector<16xf32>, vector<16xf32>, vector<16xf32>)  : i32 {
        %mul3A_800 = arith.constant 8 : i32
        %mul3A_801 = arith.muli %scan3A_795, %mul3A_800 : i32
        %add3A_802 = arith.constant 0 : i32
        %add3A_803 = arith.addi %mul3A_801, %add3A_802 : i32
        %get3A = arith.constant 0 : i32
        %get3A_804 = arith.index_cast %get3A : i32 to index
        %get3A_805 = arith.index_cast %add3A_803 : i32 to index
        %get3A_806 = arith.constant 0 : index
        %get3A_807 = tpu.vector_load %arg9[%get3A_804, %get3A_805, %get3A_806] {strides = array<i32>} : memref<4x200x64xf32, #tpu.memory_space<vmem>>, vector<16xf32>,
        %add3A_808 = arith.addf %scan3A_796, %get3A_807 : vector<16xf32>
        %get3A_809 = arith.constant 0 : i32
        %get3A_810 = arith.index_cast %get3A_809 : i32 to index
        %get3A_811 = arith.index_cast %add3A_803 : i32 to index
        %get3A_812 = arith.constant 16 : index
        %get3A_813 = tpu.vector_load %arg9[%get3A_810, %get3A_811, %get3A_812] {strides = array<i32>} : memref<4x200x64xf32, #tpu.memory_space<vmem>>, vector<16xf32>,
        %add3A_814 = arith.addf %scan3A_797, %get3A_813 : vector<16xf32>
        %get3A_815 = arith.constant 0 : i32
        %get3A_816 = arith.index_cast %get3A_815 : i32 to index
        %get3A_817 = arith.index_cast %add3A_803 : i32 to index
        %get3A_818 = arith.constant 32 : index
        %get3A_819 = tpu.vector_load %arg9[%get3A_816, %get3A_817, %get3A_818] {strides = array<i32>} : memref<4x200x64xf32, #tpu.memory_space<vmem>>, vector<16xf32>,
        %add3A_820 = arith.addf %scan3A_798, %get3A_819 : vector<16xf32>
        %get3A_821 = arith.constant 0 : i32
        %get3A_822 = arith.index_cast %get3A_821 : i32 to index
        %get3A_823 = arith.index_cast %add3A_803 : i32 to index
        %get3A_824 = arith.constant 48 : index
        %get3A_825 = tpu.vector_load %arg9[%get3A_822, %get3A_823, %get3A_824] {strides = array<i32>} : memref<4x200x64xf32, #tpu.memory_space<vmem>>, vector<16xf32>,
        %add3A_826 = arith.addf %scan3A_799, %get3A_825 : vector<16xf32>
        %mul3A_827 = arith.constant 8 : i32
        %mul3A_828 = arith.muli %scan3A_795, %mul3A_827 : i32
        %add3A_829 = arith.constant 1 : i32
        %add3A_830 = arith.addi %mul3A_828, %add3A_829 : i32
        %get3A_831 = arith.constant 0 : i32
        %get3A_832 = arith.index_cast %get3A_831 : i32 to index
        %get3A_833 = arith.index_cast %add3A_830 : i32 to index
        %get3A_834 = arith.constant 0 : index
        %get3A_835 = tpu.vector_load %arg9[%get3A_832, %get3A_833, %get3A_834] {strides = array<i32>} : memref<4x200x64xf32, #tpu.memory_space<vmem>>, vector<16xf32>,
        %add3A_836 = arith.addf %add3A_808, %get3A_835 : vector<16xf32>
        %get3A_837 = arith.constant 0 : i32
        %get3A_838 = arith.index_cast %get3A_837 : i32 to index
        %get3A_839 = arith.index_cast %add3A_830 : i32 to index
        %get3A_840 = arith.constant 16 : index
        %get3A_841 = tpu.vector_load %arg9[%get3A_838, %get3A_839, %get3A_840] {strides = array<i32>} : memref<4x200x64xf32, #tpu.memory_space<vmem>>, vector<16xf32>,
        %add3A_842 = arith.addf %add3A_814, %get3A_841 : vector<16xf32>
        %get3A_843 = arith.constant 0 : i32
        %get3A_844 = arith.index_cast %get3A_843 : i32 to index
        %get3A_845 = arith.index_cast %add3A_830 : i32 to index
        %get3A_846 = arith.constant 32 : index
        %get3A_847 = tpu.vector_load %arg9[%get3A_844, %get3A_845, %get3A_846] {strides = array<i32>} : memref<4x200x64xf32, #tpu.memory_space<vmem>>, vector<16xf32>,
        %add3A_848 = arith.addf %add3A_820, %get3A_847 : vector<16xf32>
        %get3A_849 = arith.constant 0 : i32
        %get3A_850 = arith.index_cast %get3A_849 : i32 to index
        %get3A_851 = arith.index_cast %add3A_830 : i32 to index
        %get3A_852 = arith.constant 48 : index
        %get3A_853 = tpu.vector_load %arg9[%get3A_850, %get3A_851, %get3A_852] {strides = array<i32>} : memref<4x200x64xf32, #tpu.memory_space<vmem>>, vector<16xf32>,
        %add3A_854 = arith.addf %add3A_826, %get3A_853 : vector<16xf32>
        %mul3A_855 = arith.constant 8 : i32
        %mul3A_856 = arith.muli %scan3A_795, %mul3A_855 : i32
        %add3A_857 = arith.constant 2 : i32
        %add3A_858 = arith.addi %mul3A_856, %add3A_857 : i32
        %get3A_859 = arith.constant 0 : i32
        %get3A_860 = arith.index_cast %get3A_859 : i32 to index
        %get3A_861 = arith.index_cast %add3A_858 : i32 to index
        %get3A_862 = arith.constant 0 : index
        %get3A_863 = tpu.vector_load %arg9[%get3A_860, %get3A_861, %get3A_862] {strides = array<i32>} : memref<4x200x64xf32, #tpu.memory_space<vmem>>, vector<16xf32>,
        %add3A_864 = arith.addf %add3A_836, %get3A_863 : vector<16xf32>
        %get3A_865 = arith.constant 0 : i32
        %get3A_866 = arith.index_cast %get3A_865 : i32 to index
        %get3A_867 = arith.index_cast %add3A_858 : i32 to index
        %get3A_868 = arith.constant 16 : index
        %get3A_869 = tpu.vector_load %arg9[%get3A_866, %get3A_867, %get3A_868] {strides = array<i32>} : memref<4x200x64xf32, #tpu.memory_space<vmem>>, vector<16xf32>,
        %add3A_870 = arith.addf %add3A_842, %get3A_869 : vector<16xf32>
        %get3A_871 = arith.constant 0 : i32
        %get3A_872 = arith.index_cast %get3A_871 : i32 to index
        %get3A_873 = arith.index_cast %add3A_858 : i32 to index
        %get3A_874 = arith.constant 32 : index
        %get3A_875 = tpu.vector_load %arg9[%get3A_872, %get3A_873, %get3A_874] {strides = array<i32>} : memref<4x200x64xf32, #tpu.memory_space<vmem>>, vector<16xf32>,
        %add3A_876 = arith.addf %add3A_848, %get3A_875 : vector<16xf32>
        %get3A_877 = arith.constant 0 : i32
        %get3A_878 = arith.index_cast %get3A_877 : i32 to index
        %get3A_879 = arith.index_cast %add3A_858 : i32 to index
        %get3A_880 = arith.constant 48 : index
        %get3A_881 = tpu.vector_load %arg9[%get3A_878, %get3A_879, %get3A_880] {strides = array<i32>} : memref<4x200x64xf32, #tpu.memory_space<vmem>>, vector<16xf32>,
        %add3A_882 = arith.addf %add3A_854, %get3A_881 : vector<16xf32>
        %mul3A_883 = arith.constant 8 : i32
        %mul3A_884 = arith.muli %scan3A_795, %mul3A_883 : i32
        %add3A_885 = arith.constant 3 : i32
        %add3A_886 = arith.addi %mul3A_884, %add3A_885 : i32
        %get3A_887 = arith.constant 0 : i32
        %get3A_888 = arith.index_cast %get3A_887 : i32 to index
        %get3A_889 = arith.index_cast %add3A_886 : i32 to index
        %get3A_890 = arith.constant 0 : index
        %get3A_891 = tpu.vector_load %arg9[%get3A_888, %get3A_889, %get3A_890] {strides = array<i32>} : memref<4x200x64xf32, #tpu.memory_space<vmem>>, vector<16xf32>,
        %add3A_892 = arith.addf %add3A_864, %get3A_891 : vector<16xf32>
        %get3A_893 = arith.constant 0 : i32
        %get3A_894 = arith.index_cast %get3A_893 : i32 to index
        %get3A_895 = arith.index_cast %add3A_886 : i32 to index
        %get3A_896 = arith.constant 16 : index
        %get3A_897 = tpu.vector_load %arg9[%get3A_894, %get3A_895, %get3A_896] {strides = array<i32>} : memref<4x200x64xf32, #tpu.memory_space<vmem>>, vector<16xf32>,
        %add3A_898 = arith.addf %add3A_870, %get3A_897 : vector<16xf32>
        %get3A_899 = arith.constant 0 : i32
        %get3A_900 = arith.index_cast %get3A_899 : i32 to index
        %get3A_901 = arith.index_cast %add3A_886 : i32 to index
        %get3A_902 = arith.constant 32 : index
        %get3A_903 = tpu.vector_load %arg9[%get3A_900, %get3A_901, %get3A_902] {strides = array<i32>} : memref<4x200x64xf32, #tpu.memory_space<vmem>>, vector<16xf32>,
        %add3A_904 = arith.addf %add3A_876, %get3A_903 : vector<16xf32>
        %get3A_905 = arith.constant 0 : i32
        %get3A_906 = arith.index_cast %get3A_905 : i32 to index
        %get3A_907 = arith.index_cast %add3A_886 : i32 to index
        %get3A_908 = arith.constant 48 : index
        %get3A_909 = tpu.vector_load %arg9[%get3A_906, %get3A_907, %get3A_908] {strides = array<i32>} : memref<4x200x64xf32, #tpu.memory_space<vmem>>, vector<16xf32>,
        %add3A_910 = arith.addf %add3A_882, %get3A_909 : vector<16xf32>
        %mul3A_911 = arith.constant 8 : i32
        %mul3A_912 = arith.muli %scan3A_795, %mul3A_911 : i32
        %add3A_913 = arith.constant 4 : i32
        %add3A_914 = arith.addi %mul3A_912, %add3A_913 : i32
        %get3A_915 = arith.constant 0 : i32
        %get3A_916 = arith.index_cast %get3A_915 : i32 to index
        %get3A_917 = arith.index_cast %add3A_914 : i32 to index
        %get3A_918 = arith.constant 0 : index
        %get3A_919 = tpu.vector_load %arg9[%get3A_916, %get3A_917, %get3A_918] {strides = array<i32>} : memref<4x200x64xf32, #tpu.memory_space<vmem>>, vector<16xf32>,
        %add3A_920 = arith.addf %add3A_892, %get3A_919 : vector<16xf32>
        %get3A_921 = arith.constant 0 : i32
        %get3A_922 = arith.index_cast %get3A_921 : i32 to index
        %get3A_923 = arith.index_cast %add3A_914 : i32 to index
        %get3A_924 = arith.constant 16 : index
        %get3A_925 = tpu.vector_load %arg9[%get3A_922, %get3A_923, %get3A_924] {strides = array<i32>} : memref<4x200x64xf32, #tpu.memory_space<vmem>>, vector<16xf32>,
        %add3A_926 = arith.addf %add3A_898, %get3A_925 : vector<16xf32>
        %get3A_927 = arith.constant 0 : i32
        %get3A_928 = arith.index_cast %get3A_927 : i32 to index
        %get3A_929 = arith.index_cast %add3A_914 : i32 to index
        %get3A_930 = arith.constant 32 : index
        %get3A_931 = tpu.vector_load %arg9[%get3A_928, %get3A_929, %get3A_930] {strides = array<i32>} : memref<4x200x64xf32, #tpu.memory_space<vmem>>, vector<16xf32>,
        %add3A_932 = arith.addf %add3A_904, %get3A_931 : vector<16xf32>
        %get3A_933 = arith.constant 0 : i32
        %get3A_934 = arith.index_cast %get3A_933 : i32 to index
        %get3A_935 = arith.index_cast %add3A_914 : i32 to index
        %get3A_936 = arith.constant 48 : index
        %get3A_937 = tpu.vector_load %arg9[%get3A_934, %get3A_935, %get3A_936] {strides = array<i32>} : memref<4x200x64xf32, #tpu.memory_space<vmem>>, vector<16xf32>,
        %add3A_938 = arith.addf %add3A_910, %get3A_937 : vector<16xf32>
        %mul3A_939 = arith.constant 8 : i32
        %mul3A_940 = arith.muli %scan3A_795, %mul3A_939 : i32
        %add3A_941 = arith.constant 5 : i32
        %add3A_942 = arith.addi %mul3A_940, %add3A_941 : i32
        %get3A_943 = arith.constant 0 : i32
        %get3A_944 = arith.index_cast %get3A_943 : i32 to index
        %get3A_945 = arith.index_cast %add3A_942 : i32 to index
        %get3A_946 = arith.constant 0 : index
        %get3A_947 = tpu.vector_load %arg9[%get3A_944, %get3A_945, %get3A_946] {strides = array<i32>} : memref<4x200x64xf32, #tpu.memory_space<vmem>>, vector<16xf32>,
        %add3A_948 = arith.addf %add3A_920, %get3A_947 : vector<16xf32>
        %get3A_949 = arith.constant 0 : i32
        %get3A_950 = arith.index_cast %get3A_949 : i32 to index
        %get3A_951 = arith.index_cast %add3A_942 : i32 to index
        %get3A_952 = arith.constant 16 : index
        %get3A_953 = tpu.vector_load %arg9[%get3A_950, %get3A_951, %get3A_952] {strides = array<i32>} : memref<4x200x64xf32, #tpu.memory_space<vmem>>, vector<16xf32>,
        %add3A_954 = arith.addf %add3A_926, %get3A_953 : vector<16xf32>
        %get3A_955 = arith.constant 0 : i32
        %get3A_956 = arith.index_cast %get3A_955 : i32 to index
        %get3A_957 = arith.index_cast %add3A_942 : i32 to index
        %get3A_958 = arith.constant 32 : index
        %get3A_959 = tpu.vector_load %arg9[%get3A_956, %get3A_957, %get3A_958] {strides = array<i32>} : memref<4x200x64xf32, #tpu.memory_space<vmem>>, vector<16xf32>,
        %add3A_960 = arith.addf %add3A_932, %get3A_959 : vector<16xf32>
        %get3A_961 = arith.constant 0 : i32
        %get3A_962 = arith.index_cast %get3A_961 : i32 to index
        %get3A_963 = arith.index_cast %add3A_942 : i32 to index
        %get3A_964 = arith.constant 48 : index
        %get3A_965 = tpu.vector_load %arg9[%get3A_962, %get3A_963, %get3A_964] {strides = array<i32>} : memref<4x200x64xf32, #tpu.memory_space<vmem>>, vector<16xf32>,
        %add3A_966 = arith.addf %add3A_938, %get3A_965 : vector<16xf32>
        %mul3A_967 = arith.constant 8 : i32
        %mul3A_968 = arith.muli %scan3A_795, %mul3A_967 : i32
        %add3A_969 = arith.constant 6 : i32
        %add3A_970 = arith.addi %mul3A_968, %add3A_969 : i32
        %get3A_971 = arith.constant 0 : i32
        %get3A_972 = arith.index_cast %get3A_971 : i32 to index
        %get3A_973 = arith.index_cast %add3A_970 : i32 to index
        %get3A_974 = arith.constant 0 : index
        %get3A_975 = tpu.vector_load %arg9[%get3A_972, %get3A_973, %get3A_974] {strides = array<i32>} : memref<4x200x64xf32, #tpu.memory_space<vmem>>, vector<16xf32>,
        %add3A_976 = arith.addf %add3A_948, %get3A_975 : vector<16xf32>
        %get3A_977 = arith.constant 0 : i32
        %get3A_978 = arith.index_cast %get3A_977 : i32 to index
        %get3A_979 = arith.index_cast %add3A_970 : i32 to index
        %get3A_980 = arith.constant 16 : index
        %get3A_981 = tpu.vector_load %arg9[%get3A_978, %get3A_979, %get3A_980] {strides = array<i32>} : memref<4x200x64xf32, #tpu.memory_space<vmem>>, vector<16xf32>,
        %add3A_982 = arith.addf %add3A_954, %get3A_981 : vector<16xf32>
        %get3A_983 = arith.constant 0 : i32
        %get3A_984 = arith.index_cast %get3A_983 : i32 to index
        %get3A_985 = arith.index_cast %add3A_970 : i32 to index
        %get3A_986 = arith.constant 32 : index
        %get3A_987 = tpu.vector_load %arg9[%get3A_984, %get3A_985, %get3A_986] {strides = array<i32>} : memref<4x200x64xf32, #tpu.memory_space<vmem>>, vector<16xf32>,
        %add3A_988 = arith.addf %add3A_960, %get3A_987 : vector<16xf32>
        %get3A_989 = arith.constant 0 : i32
        %get3A_990 = arith.index_cast %get3A_989 : i32 to index
        %get3A_991 = arith.index_cast %add3A_970 : i32 to index
        %get3A_992 = arith.constant 48 : index
        %get3A_993 = tpu.vector_load %arg9[%get3A_990, %get3A_991, %get3A_992] {strides = array<i32>} : memref<4x200x64xf32, #tpu.memory_space<vmem>>, vector<16xf32>,
        %add3A_994 = arith.addf %add3A_966, %get3A_993 : vector<16xf32>
        %mul3A_995 = arith.constant 8 : i32
        %mul3A_996 = arith.muli %scan3A_795, %mul3A_995 : i32
        %add3A_997 = arith.constant 7 : i32
        %add3A_998 = arith.addi %mul3A_996, %add3A_997 : i32
        %get3A_999 = arith.constant 0 : i32
        %get3A_1000 = arith.index_cast %get3A_999 : i32 to index
        %get3A_1001 = arith.index_cast %add3A_998 : i32 to index
        %get3A_1002 = arith.constant 0 : index
        %get3A_1003 = tpu.vector_load %arg9[%get3A_1000, %get3A_1001, %get3A_1002] {strides = array<i32>} : memref<4x200x64xf32, #tpu.memory_space<vmem>>, vector<16xf32>,
        %add3A_1004 = arith.addf %add3A_976, %get3A_1003 : vector<16xf32>
        %get3A_1005 = arith.constant 0 : i32
        %get3A_1006 = arith.index_cast %get3A_1005 : i32 to index
        %get3A_1007 = arith.index_cast %add3A_998 : i32 to index
        %get3A_1008 = arith.constant 16 : index
        %get3A_1009 = tpu.vector_load %arg9[%get3A_1006, %get3A_1007, %get3A_1008] {strides = array<i32>} : memref<4x200x64xf32, #tpu.memory_space<vmem>>, vector<16xf32>,
        %add3A_1010 = arith.addf %add3A_982, %get3A_1009 : vector<16xf32>
        %get3A_1011 = arith.constant 0 : i32
        %get3A_1012 = arith.index_cast %get3A_1011 : i32 to index
        %get3A_1013 = arith.index_cast %add3A_998 : i32 to index
        %get3A_1014 = arith.constant 32 : index
        %get3A_1015 = tpu.vector_load %arg9[%get3A_1012, %get3A_1013, %get3A_1014] {strides = array<i32>} : memref<4x200x64xf32, #tpu.memory_space<vmem>>, vector<16xf32>,
        %add3A_1016 = arith.addf %add3A_988, %get3A_1015 : vector<16xf32>
        %get3A_1017 = arith.constant 0 : i32
        %get3A_1018 = arith.index_cast %get3A_1017 : i32 to index
        %get3A_1019 = arith.index_cast %add3A_998 : i32 to index
        %get3A_1020 = arith.constant 48 : index
        %get3A_1021 = tpu.vector_load %arg9[%get3A_1018, %get3A_1019, %get3A_1020] {strides = array<i32>} : memref<4x200x64xf32, #tpu.memory_space<vmem>>, vector<16xf32>,
        %add3A_1022 = arith.addf %add3A_994, %get3A_1021 : vector<16xf32>
        scf.yield %add3A_1004, %add3A_1010, %add3A_1016, %add3A_1022 : vector<16xf32>, vector<16xf32>, vector<16xf32>, vector<16xf32>
      }
      %scan3A_185 = arith.constant 25 : i32
      %swap3A = arith.constant 0 : i32
      %swap3A_186 = arith.index_cast %swap3A : i32 to index
      %swap3A_187 = arith.constant 0 : index
      %swap3A_188 = tpu.vector_load %arg11[%swap3A_186, %swap3A_187] {strides = array<i32>} : memref<4x64xf32, #tpu.memory_space<vmem>>, vector<16xf32>,
      tpu.vector_store %arg11[%swap3A_186, %swap3A_187], %scan3A_184#0 {strides = array<i32>} : memref<4x64xf32, #tpu.memory_space<vmem>>, vector<16xf32>,
      %swap3A_189 = arith.constant 0 : i32
      %swap3A_190 = arith.index_cast %swap3A_189 : i32 to index
      %swap3A_191 = arith.constant 16 : index
      %swap3A_192 = tpu.vector_load %arg11[%swap3A_190, %swap3A_191] {strides = array<i32>} : memref<4x64xf32, #tpu.memory_space<vmem>>, vector<16xf32>,
      tpu.vector_store %arg11[%swap3A_190, %swap3A_191], %scan3A_184#1 {strides = array<i32>} : memref<4x64xf32, #tpu.memory_space<vmem>>, vector<16xf32>,
      %swap3A_193 = arith.constant 0 : i32
      %swap3A_194 = arith.index_cast %swap3A_193 : i32 to index
      %swap3A_195 = arith.constant 32 : index
      %swap3A_196 = tpu.vector_load %arg11[%swap3A_194, %swap3A_195] {strides = array<i32>} : memref<4x64xf32, #tpu.memory_space<vmem>>, vector<16xf32>,
      tpu.vector_store %arg11[%swap3A_194, %swap3A_195], %scan3A_184#2 {strides = array<i32>} : memref<4x64xf32, #tpu.memory_space<vmem>>, vector<16xf32>,
      %swap3A_197 = arith.constant 0 : i32
      %swap3A_198 = arith.index_cast %swap3A_197 : i32 to index
      %swap3A_199 = arith.constant 48 : index
      %swap3A_200 = tpu.vector_load %arg11[%swap3A_198, %swap3A_199] {strides = array<i32>} : memref<4x64xf32, #tpu.memory_space<vmem>>, vector<16xf32>,
      tpu.vector_store %arg11[%swap3A_198, %swap3A_199], %scan3A_184#3 {strides = array<i32>} : memref<4x64xf32, #tpu.memory_space<vmem>>, vector<16xf32>,
      %broadcast_in_dim3A_201 = arith.constant 0.000000e+00 : f32
      %broadcast_in_dim3A_202 = vector.broadcast %broadcast_in_dim3A_201 : f32 to vector<16xf32>
      %scan3A_203 = arith.constant 0 : i32
      %scan3A_204 = arith.constant 25 : i32
      %scan3A_205 = arith.addi %scan3A_203, %scan3A_204 : i32
      %scan3A_206 = arith.constant 1 : i32
      %scan3A_207:4 = scf.for %scan3A_795 = %scan3A_203 to %scan3A_205 step %scan3A_206 iter_args(%scan3A_796 = %broadcast_in_dim3A_202, %scan3A_797 = %broadcast_in_dim3A_202, %scan3A_798 = %broadcast_in_dim3A_202, %scan3A_799 = %broadcast_in_dim3A_202) -> (vector<16xf32>, vector<16xf32>, vector<16xf32>, vector<16xf32>)  : i32 {
        %mul3A_800 = arith.constant 8 : i32
        %mul3A_801 = arith.muli %scan3A_795, %mul3A_800 : i32
        %add3A_802 = arith.constant 0 : i32
        %add3A_803 = arith.addi %mul3A_801, %add3A_802 : i32
        %get3A = arith.constant 1 : i32
        %get3A_804 = arith.index_cast %get3A : i32 to index
        %get3A_805 = arith.index_cast %add3A_803 : i32 to index
        %get3A_806 = arith.constant 0 : index
        %get3A_807 = tpu.vector_load %arg9[%get3A_804, %get3A_805, %get3A_806] {strides = array<i32>} : memref<4x200x64xf32, #tpu.memory_space<vmem>>, vector<16xf32>,
        %add3A_808 = arith.addf %scan3A_796, %get3A_807 : vector<16xf32>
        %get3A_809 = arith.constant 1 : i32
        %get3A_810 = arith.index_cast %get3A_809 : i32 to index
        %get3A_811 = arith.index_cast %add3A_803 : i32 to index
        %get3A_812 = arith.constant 16 : index
        %get3A_813 = tpu.vector_load %arg9[%get3A_810, %get3A_811, %get3A_812] {strides = array<i32>} : memref<4x200x64xf32, #tpu.memory_space<vmem>>, vector<16xf32>,
        %add3A_814 = arith.addf %scan3A_797, %get3A_813 : vector<16xf32>
        %get3A_815 = arith.constant 1 : i32
        %get3A_816 = arith.index_cast %get3A_815 : i32 to index
        %get3A_817 = arith.index_cast %add3A_803 : i32 to index
        %get3A_818 = arith.constant 32 : index
        %get3A_819 = tpu.vector_load %arg9[%get3A_816, %get3A_817, %get3A_818] {strides = array<i32>} : memref<4x200x64xf32, #tpu.memory_space<vmem>>, vector<16xf32>,
        %add3A_820 = arith.addf %scan3A_798, %get3A_819 : vector<16xf32>
        %get3A_821 = arith.constant 1 : i32
        %get3A_822 = arith.index_cast %get3A_821 : i32 to index
        %get3A_823 = arith.index_cast %add3A_803 : i32 to index
        %get3A_824 = arith.constant 48 : index
        %get3A_825 = tpu.vector_load %arg9[%get3A_822, %get3A_823, %get3A_824] {strides = array<i32>} : memref<4x200x64xf32, #tpu.memory_space<vmem>>, vector<16xf32>,
        %add3A_826 = arith.addf %scan3A_799, %get3A_825 : vector<16xf32>
        %mul3A_827 = arith.constant 8 : i32
        %mul3A_828 = arith.muli %scan3A_795, %mul3A_827 : i32
        %add3A_829 = arith.constant 1 : i32
        %add3A_830 = arith.addi %mul3A_828, %add3A_829 : i32
        %get3A_831 = arith.constant 1 : i32
        %get3A_832 = arith.index_cast %get3A_831 : i32 to index
        %get3A_833 = arith.index_cast %add3A_830 : i32 to index
        %get3A_834 = arith.constant 0 : index
        %get3A_835 = tpu.vector_load %arg9[%get3A_832, %get3A_833, %get3A_834] {strides = array<i32>} : memref<4x200x64xf32, #tpu.memory_space<vmem>>, vector<16xf32>,
        %add3A_836 = arith.addf %add3A_808, %get3A_835 : vector<16xf32>
        %get3A_837 = arith.constant 1 : i32
        %get3A_838 = arith.index_cast %get3A_837 : i32 to index
        %get3A_839 = arith.index_cast %add3A_830 : i32 to index
        %get3A_840 = arith.constant 16 : index
        %get3A_841 = tpu.vector_load %arg9[%get3A_838, %get3A_839, %get3A_840] {strides = array<i32>} : memref<4x200x64xf32, #tpu.memory_space<vmem>>, vector<16xf32>,
        %add3A_842 = arith.addf %add3A_814, %get3A_841 : vector<16xf32>
        %get3A_843 = arith.constant 1 : i32
        %get3A_844 = arith.index_cast %get3A_843 : i32 to index
        %get3A_845 = arith.index_cast %add3A_830 : i32 to index
        %get3A_846 = arith.constant 32 : index
        %get3A_847 = tpu.vector_load %arg9[%get3A_844, %get3A_845, %get3A_846] {strides = array<i32>} : memref<4x200x64xf32, #tpu.memory_space<vmem>>, vector<16xf32>,
        %add3A_848 = arith.addf %add3A_820, %get3A_847 : vector<16xf32>
        %get3A_849 = arith.constant 1 : i32
        %get3A_850 = arith.index_cast %get3A_849 : i32 to index
        %get3A_851 = arith.index_cast %add3A_830 : i32 to index
        %get3A_852 = arith.constant 48 : index
        %get3A_853 = tpu.vector_load %arg9[%get3A_850, %get3A_851, %get3A_852] {strides = array<i32>} : memref<4x200x64xf32, #tpu.memory_space<vmem>>, vector<16xf32>,
        %add3A_854 = arith.addf %add3A_826, %get3A_853 : vector<16xf32>
        %mul3A_855 = arith.constant 8 : i32
        %mul3A_856 = arith.muli %scan3A_795, %mul3A_855 : i32
        %add3A_857 = arith.constant 2 : i32
        %add3A_858 = arith.addi %mul3A_856, %add3A_857 : i32
        %get3A_859 = arith.constant 1 : i32
        %get3A_860 = arith.index_cast %get3A_859 : i32 to index
        %get3A_861 = arith.index_cast %add3A_858 : i32 to index
        %get3A_862 = arith.constant 0 : index
        %get3A_863 = tpu.vector_load %arg9[%get3A_860, %get3A_861, %get3A_862] {strides = array<i32>} : memref<4x200x64xf32, #tpu.memory_space<vmem>>, vector<16xf32>,
        %add3A_864 = arith.addf %add3A_836, %get3A_863 : vector<16xf32>
        %get3A_865 = arith.constant 1 : i32
        %get3A_866 = arith.index_cast %get3A_865 : i32 to index
        %get3A_867 = arith.index_cast %add3A_858 : i32 to index
        %get3A_868 = arith.constant 16 : index
        %get3A_869 = tpu.vector_load %arg9[%get3A_866, %get3A_867, %get3A_868] {strides = array<i32>} : memref<4x200x64xf32, #tpu.memory_space<vmem>>, vector<16xf32>,
        %add3A_870 = arith.addf %add3A_842, %get3A_869 : vector<16xf32>
        %get3A_871 = arith.constant 1 : i32
        %get3A_872 = arith.index_cast %get3A_871 : i32 to index
        %get3A_873 = arith.index_cast %add3A_858 : i32 to index
        %get3A_874 = arith.constant 32 : index
        %get3A_875 = tpu.vector_load %arg9[%get3A_872, %get3A_873, %get3A_874] {strides = array<i32>} : memref<4x200x64xf32, #tpu.memory_space<vmem>>, vector<16xf32>,
        %add3A_876 = arith.addf %add3A_848, %get3A_875 : vector<16xf32>
        %get3A_877 = arith.constant 1 : i32
        %get3A_878 = arith.index_cast %get3A_877 : i32 to index
        %get3A_879 = arith.index_cast %add3A_858 : i32 to index
        %get3A_880 = arith.constant 48 : index
        %get3A_881 = tpu.vector_load %arg9[%get3A_878, %get3A_879, %get3A_880] {strides = array<i32>} : memref<4x200x64xf32, #tpu.memory_space<vmem>>, vector<16xf32>,
        %add3A_882 = arith.addf %add3A_854, %get3A_881 : vector<16xf32>
        %mul3A_883 = arith.constant 8 : i32
        %mul3A_884 = arith.muli %scan3A_795, %mul3A_883 : i32
        %add3A_885 = arith.constant 3 : i32
        %add3A_886 = arith.addi %mul3A_884, %add3A_885 : i32
        %get3A_887 = arith.constant 1 : i32
        %get3A_888 = arith.index_cast %get3A_887 : i32 to index
        %get3A_889 = arith.index_cast %add3A_886 : i32 to index
        %get3A_890 = arith.constant 0 : index
        %get3A_891 = tpu.vector_load %arg9[%get3A_888, %get3A_889, %get3A_890] {strides = array<i32>} : memref<4x200x64xf32, #tpu.memory_space<vmem>>, vector<16xf32>,
        %add3A_892 = arith.addf %add3A_864, %get3A_891 : vector<16xf32>
        %get3A_893 = arith.constant 1 : i32
        %get3A_894 = arith.index_cast %get3A_893 : i32 to index
        %get3A_895 = arith.index_cast %add3A_886 : i32 to index
        %get3A_896 = arith.constant 16 : index
        %get3A_897 = tpu.vector_load %arg9[%get3A_894, %get3A_895, %get3A_896] {strides = array<i32>} : memref<4x200x64xf32, #tpu.memory_space<vmem>>, vector<16xf32>,
        %add3A_898 = arith.addf %add3A_870, %get3A_897 : vector<16xf32>
        %get3A_899 = arith.constant 1 : i32
        %get3A_900 = arith.index_cast %get3A_899 : i32 to index
        %get3A_901 = arith.index_cast %add3A_886 : i32 to index
        %get3A_902 = arith.constant 32 : index
        %get3A_903 = tpu.vector_load %arg9[%get3A_900, %get3A_901, %get3A_902] {strides = array<i32>} : memref<4x200x64xf32, #tpu.memory_space<vmem>>, vector<16xf32>,
        %add3A_904 = arith.addf %add3A_876, %get3A_903 : vector<16xf32>
        %get3A_905 = arith.constant 1 : i32
        %get3A_906 = arith.index_cast %get3A_905 : i32 to index
        %get3A_907 = arith.index_cast %add3A_886 : i32 to index
        %get3A_908 = arith.constant 48 : index
        %get3A_909 = tpu.vector_load %arg9[%get3A_906, %get3A_907, %get3A_908] {strides = array<i32>} : memref<4x200x64xf32, #tpu.memory_space<vmem>>, vector<16xf32>,
        %add3A_910 = arith.addf %add3A_882, %get3A_909 : vector<16xf32>
        %mul3A_911 = arith.constant 8 : i32
        %mul3A_912 = arith.muli %scan3A_795, %mul3A_911 : i32
        %add3A_913 = arith.constant 4 : i32
        %add3A_914 = arith.addi %mul3A_912, %add3A_913 : i32
        %get3A_915 = arith.constant 1 : i32
        %get3A_916 = arith.index_cast %get3A_915 : i32 to index
        %get3A_917 = arith.index_cast %add3A_914 : i32 to index
        %get3A_918 = arith.constant 0 : index
        %get3A_919 = tpu.vector_load %arg9[%get3A_916, %get3A_917, %get3A_918] {strides = array<i32>} : memref<4x200x64xf32, #tpu.memory_space<vmem>>, vector<16xf32>,
        %add3A_920 = arith.addf %add3A_892, %get3A_919 : vector<16xf32>
        %get3A_921 = arith.constant 1 : i32
        %get3A_922 = arith.index_cast %get3A_921 : i32 to index
        %get3A_923 = arith.index_cast %add3A_914 : i32 to index
        %get3A_924 = arith.constant 16 : index
        %get3A_925 = tpu.vector_load %arg9[%get3A_922, %get3A_923, %get3A_924] {strides = array<i32>} : memref<4x200x64xf32, #tpu.memory_space<vmem>>, vector<16xf32>,
        %add3A_926 = arith.addf %add3A_898, %get3A_925 : vector<16xf32>
        %get3A_927 = arith.constant 1 : i32
        %get3A_928 = arith.index_cast %get3A_927 : i32 to index
        %get3A_929 = arith.index_cast %add3A_914 : i32 to index
        %get3A_930 = arith.constant 32 : index
        %get3A_931 = tpu.vector_load %arg9[%get3A_928, %get3A_929, %get3A_930] {strides = array<i32>} : memref<4x200x64xf32, #tpu.memory_space<vmem>>, vector<16xf32>,
        %add3A_932 = arith.addf %add3A_904, %get3A_931 : vector<16xf32>
        %get3A_933 = arith.constant 1 : i32
        %get3A_934 = arith.index_cast %get3A_933 : i32 to index
        %get3A_935 = arith.index_cast %add3A_914 : i32 to index
        %get3A_936 = arith.constant 48 : index
        %get3A_937 = tpu.vector_load %arg9[%get3A_934, %get3A_935, %get3A_936] {strides = array<i32>} : memref<4x200x64xf32, #tpu.memory_space<vmem>>, vector<16xf32>,
        %add3A_938 = arith.addf %add3A_910, %get3A_937 : vector<16xf32>
        %mul3A_939 = arith.constant 8 : i32
        %mul3A_940 = arith.muli %scan3A_795, %mul3A_939 : i32
        %add3A_941 = arith.constant 5 : i32
        %add3A_942 = arith.addi %mul3A_940, %add3A_941 : i32
        %get3A_943 = arith.constant 1 : i32
        %get3A_944 = arith.index_cast %get3A_943 : i32 to index
        %get3A_945 = arith.index_cast %add3A_942 : i32 to index
        %get3A_946 = arith.constant 0 : index
        %get3A_947 = tpu.vector_load %arg9[%get3A_944, %get3A_945, %get3A_946] {strides = array<i32>} : memref<4x200x64xf32, #tpu.memory_space<vmem>>, vector<16xf32>,
        %add3A_948 = arith.addf %add3A_920, %get3A_947 : vector<16xf32>
        %get3A_949 = arith.constant 1 : i32
        %get3A_950 = arith.index_cast %get3A_949 : i32 to index
        %get3A_951 = arith.index_cast %add3A_942 : i32 to index
        %get3A_952 = arith.constant 16 : index
        %get3A_953 = tpu.vector_load %arg9[%get3A_950, %get3A_951, %get3A_952] {strides = array<i32>} : memref<4x200x64xf32, #tpu.memory_space<vmem>>, vector<16xf32>,
        %add3A_954 = arith.addf %add3A_926, %get3A_953 : vector<16xf32>
        %get3A_955 = arith.constant 1 : i32
        %get3A_956 = arith.index_cast %get3A_955 : i32 to index
        %get3A_957 = arith.index_cast %add3A_942 : i32 to index
        %get3A_958 = arith.constant 32 : index
        %get3A_959 = tpu.vector_load %arg9[%get3A_956, %get3A_957, %get3A_958] {strides = array<i32>} : memref<4x200x64xf32, #tpu.memory_space<vmem>>, vector<16xf32>,
        %add3A_960 = arith.addf %add3A_932, %get3A_959 : vector<16xf32>
        %get3A_961 = arith.constant 1 : i32
        %get3A_962 = arith.index_cast %get3A_961 : i32 to index
        %get3A_963 = arith.index_cast %add3A_942 : i32 to index
        %get3A_964 = arith.constant 48 : index
        %get3A_965 = tpu.vector_load %arg9[%get3A_962, %get3A_963, %get3A_964] {strides = array<i32>} : memref<4x200x64xf32, #tpu.memory_space<vmem>>, vector<16xf32>,
        %add3A_966 = arith.addf %add3A_938, %get3A_965 : vector<16xf32>
        %mul3A_967 = arith.constant 8 : i32
        %mul3A_968 = arith.muli %scan3A_795, %mul3A_967 : i32
        %add3A_969 = arith.constant 6 : i32
        %add3A_970 = arith.addi %mul3A_968, %add3A_969 : i32
        %get3A_971 = arith.constant 1 : i32
        %get3A_972 = arith.index_cast %get3A_971 : i32 to index
        %get3A_973 = arith.index_cast %add3A_970 : i32 to index
        %get3A_974 = arith.constant 0 : index
        %get3A_975 = tpu.vector_load %arg9[%get3A_972, %get3A_973, %get3A_974] {strides = array<i32>} : memref<4x200x64xf32, #tpu.memory_space<vmem>>, vector<16xf32>,
        %add3A_976 = arith.addf %add3A_948, %get3A_975 : vector<16xf32>
        %get3A_977 = arith.constant 1 : i32
        %get3A_978 = arith.index_cast %get3A_977 : i32 to index
        %get3A_979 = arith.index_cast %add3A_970 : i32 to index
        %get3A_980 = arith.constant 16 : index
        %get3A_981 = tpu.vector_load %arg9[%get3A_978, %get3A_979, %get3A_980] {strides = array<i32>} : memref<4x200x64xf32, #tpu.memory_space<vmem>>, vector<16xf32>,
        %add3A_982 = arith.addf %add3A_954, %get3A_981 : vector<16xf32>
        %get3A_983 = arith.constant 1 : i32
        %get3A_984 = arith.index_cast %get3A_983 : i32 to index
        %get3A_985 = arith.index_cast %add3A_970 : i32 to index
        %get3A_986 = arith.constant 32 : index
        %get3A_987 = tpu.vector_load %arg9[%get3A_984, %get3A_985, %get3A_986] {strides = array<i32>} : memref<4x200x64xf32, #tpu.memory_space<vmem>>, vector<16xf32>,
        %add3A_988 = arith.addf %add3A_960, %get3A_987 : vector<16xf32>
        %get3A_989 = arith.constant 1 : i32
        %get3A_990 = arith.index_cast %get3A_989 : i32 to index
        %get3A_991 = arith.index_cast %add3A_970 : i32 to index
        %get3A_992 = arith.constant 48 : index
        %get3A_993 = tpu.vector_load %arg9[%get3A_990, %get3A_991, %get3A_992] {strides = array<i32>} : memref<4x200x64xf32, #tpu.memory_space<vmem>>, vector<16xf32>,
        %add3A_994 = arith.addf %add3A_966, %get3A_993 : vector<16xf32>
        %mul3A_995 = arith.constant 8 : i32
        %mul3A_996 = arith.muli %scan3A_795, %mul3A_995 : i32
        %add3A_997 = arith.constant 7 : i32
        %add3A_998 = arith.addi %mul3A_996, %add3A_997 : i32
        %get3A_999 = arith.constant 1 : i32
        %get3A_1000 = arith.index_cast %get3A_999 : i32 to index
        %get3A_1001 = arith.index_cast %add3A_998 : i32 to index
        %get3A_1002 = arith.constant 0 : index
        %get3A_1003 = tpu.vector_load %arg9[%get3A_1000, %get3A_1001, %get3A_1002] {strides = array<i32>} : memref<4x200x64xf32, #tpu.memory_space<vmem>>, vector<16xf32>,
        %add3A_1004 = arith.addf %add3A_976, %get3A_1003 : vector<16xf32>
        %get3A_1005 = arith.constant 1 : i32
        %get3A_1006 = arith.index_cast %get3A_1005 : i32 to index
        %get3A_1007 = arith.index_cast %add3A_998 : i32 to index
        %get3A_1008 = arith.constant 16 : index
        %get3A_1009 = tpu.vector_load %arg9[%get3A_1006, %get3A_1007, %get3A_1008] {strides = array<i32>} : memref<4x200x64xf32, #tpu.memory_space<vmem>>, vector<16xf32>,
        %add3A_1010 = arith.addf %add3A_982, %get3A_1009 : vector<16xf32>
        %get3A_1011 = arith.constant 1 : i32
        %get3A_1012 = arith.index_cast %get3A_1011 : i32 to index
        %get3A_1013 = arith.index_cast %add3A_998 : i32 to index
        %get3A_1014 = arith.constant 32 : index
        %get3A_1015 = tpu.vector_load %arg9[%get3A_1012, %get3A_1013, %get3A_1014] {strides = array<i32>} : memref<4x200x64xf32, #tpu.memory_space<vmem>>, vector<16xf32>,
        %add3A_1016 = arith.addf %add3A_988, %get3A_1015 : vector<16xf32>
        %get3A_1017 = arith.constant 1 : i32
        %get3A_1018 = arith.index_cast %get3A_1017 : i32 to index
        %get3A_1019 = arith.index_cast %add3A_998 : i32 to index
        %get3A_1020 = arith.constant 48 : index
        %get3A_1021 = tpu.vector_load %arg9[%get3A_1018, %get3A_1019, %get3A_1020] {strides = array<i32>} : memref<4x200x64xf32, #tpu.memory_space<vmem>>, vector<16xf32>,
        %add3A_1022 = arith.addf %add3A_994, %get3A_1021 : vector<16xf32>
        scf.yield %add3A_1004, %add3A_1010, %add3A_1016, %add3A_1022 : vector<16xf32>, vector<16xf32>, vector<16xf32>, vector<16xf32>
      }
      %scan3A_208 = arith.constant 25 : i32
      %swap3A_209 = arith.constant 1 : i32
      %swap3A_210 = arith.index_cast %swap3A_209 : i32 to index
      %swap3A_211 = arith.constant 0 : index
      %swap3A_212 = tpu.vector_load %arg11[%swap3A_210, %swap3A_211] {strides = array<i32>} : memref<4x64xf32, #tpu.memory_space<vmem>>, vector<16xf32>,
      tpu.vector_store %arg11[%swap3A_210, %swap3A_211], %scan3A_207#0 {strides = array<i32>} : memref<4x64xf32, #tpu.memory_space<vmem>>, vector<16xf32>,
      %swap3A_213 = arith.constant 1 : i32
      %swap3A_214 = arith.index_cast %swap3A_213 : i32 to index
      %swap3A_215 = arith.constant 16 : index
      %swap3A_216 = tpu.vector_load %arg11[%swap3A_214, %swap3A_215] {strides = array<i32>} : memref<4x64xf32, #tpu.memory_space<vmem>>, vector<16xf32>,
      tpu.vector_store %arg11[%swap3A_214, %swap3A_215], %scan3A_207#1 {strides = array<i32>} : memref<4x64xf32, #tpu.memory_space<vmem>>, vector<16xf32>,
      %swap3A_217 = arith.constant 1 : i32
      %swap3A_218 = arith.index_cast %swap3A_217 : i32 to index
      %swap3A_219 = arith.constant 32 : index
      %swap3A_220 = tpu.vector_load %arg11[%swap3A_218, %swap3A_219] {strides = array<i32>} : memref<4x64xf32, #tpu.memory_space<vmem>>, vector<16xf32>,
      tpu.vector_store %arg11[%swap3A_218, %swap3A_219], %scan3A_207#2 {strides = array<i32>} : memref<4x64xf32, #tpu.memory_space<vmem>>, vector<16xf32>,
      %swap3A_221 = arith.constant 1 : i32
      %swap3A_222 = arith.index_cast %swap3A_221 : i32 to index
      %swap3A_223 = arith.constant 48 : index
      %swap3A_224 = tpu.vector_load %arg11[%swap3A_222, %swap3A_223] {strides = array<i32>} : memref<4x64xf32, #tpu.memory_space<vmem>>, vector<16xf32>,
      tpu.vector_store %arg11[%swap3A_222, %swap3A_223], %scan3A_207#3 {strides = array<i32>} : memref<4x64xf32, #tpu.memory_space<vmem>>, vector<16xf32>,
      %broadcast_in_dim3A_225 = arith.constant 0.000000e+00 : f32
      %broadcast_in_dim3A_226 = vector.broadcast %broadcast_in_dim3A_225 : f32 to vector<16xf32>
      %scan3A_227 = arith.constant 0 : i32
      %scan3A_228 = arith.constant 25 : i32
      %scan3A_229 = arith.addi %scan3A_227, %scan3A_228 : i32
      %scan3A_230 = arith.constant 1 : i32
      %scan3A_231:4 = scf.for %scan3A_795 = %scan3A_227 to %scan3A_229 step %scan3A_230 iter_args(%scan3A_796 = %broadcast_in_dim3A_226, %scan3A_797 = %broadcast_in_dim3A_226, %scan3A_798 = %broadcast_in_dim3A_226, %scan3A_799 = %broadcast_in_dim3A_226) -> (vector<16xf32>, vector<16xf32>, vector<16xf32>, vector<16xf32>)  : i32 {
        %mul3A_800 = arith.constant 8 : i32
        %mul3A_801 = arith.muli %scan3A_795, %mul3A_800 : i32
        %add3A_802 = arith.constant 0 : i32
        %add3A_803 = arith.addi %mul3A_801, %add3A_802 : i32
        %get3A = arith.constant 2 : i32
        %get3A_804 = arith.index_cast %get3A : i32 to index
        %get3A_805 = arith.index_cast %add3A_803 : i32 to index
        %get3A_806 = arith.constant 0 : index
        %get3A_807 = tpu.vector_load %arg9[%get3A_804, %get3A_805, %get3A_806] {strides = array<i32>} : memref<4x200x64xf32, #tpu.memory_space<vmem>>, vector<16xf32>,
        %add3A_808 = arith.addf %scan3A_796, %get3A_807 : vector<16xf32>
        %get3A_809 = arith.constant 2 : i32
        %get3A_810 = arith.index_cast %get3A_809 : i32 to index
        %get3A_811 = arith.index_cast %add3A_803 : i32 to index
        %get3A_812 = arith.constant 16 : index
        %get3A_813 = tpu.vector_load %arg9[%get3A_810, %get3A_811, %get3A_812] {strides = array<i32>} : memref<4x200x64xf32, #tpu.memory_space<vmem>>, vector<16xf32>,
        %add3A_814 = arith.addf %scan3A_797, %get3A_813 : vector<16xf32>
        %get3A_815 = arith.constant 2 : i32
        %get3A_816 = arith.index_cast %get3A_815 : i32 to index
        %get3A_817 = arith.index_cast %add3A_803 : i32 to index
        %get3A_818 = arith.constant 32 : index
        %get3A_819 = tpu.vector_load %arg9[%get3A_816, %get3A_817, %get3A_818] {strides = array<i32>} : memref<4x200x64xf32, #tpu.memory_space<vmem>>, vector<16xf32>,
        %add3A_820 = arith.addf %scan3A_798, %get3A_819 : vector<16xf32>
        %get3A_821 = arith.constant 2 : i32
        %get3A_822 = arith.index_cast %get3A_821 : i32 to index
        %get3A_823 = arith.index_cast %add3A_803 : i32 to index
        %get3A_824 = arith.constant 48 : index
        %get3A_825 = tpu.vector_load %arg9[%get3A_822, %get3A_823, %get3A_824] {strides = array<i32>} : memref<4x200x64xf32, #tpu.memory_space<vmem>>, vector<16xf32>,
        %add3A_826 = arith.addf %scan3A_799, %get3A_825 : vector<16xf32>
        %mul3A_827 = arith.constant 8 : i32
        %mul3A_828 = arith.muli %scan3A_795, %mul3A_827 : i32
        %add3A_829 = arith.constant 1 : i32
        %add3A_830 = arith.addi %mul3A_828, %add3A_829 : i32
        %get3A_831 = arith.constant 2 : i32
        %get3A_832 = arith.index_cast %get3A_831 : i32 to index
        %get3A_833 = arith.index_cast %add3A_830 : i32 to index
        %get3A_834 = arith.constant 0 : index
        %get3A_835 = tpu.vector_load %arg9[%get3A_832, %get3A_833, %get3A_834] {strides = array<i32>} : memref<4x200x64xf32, #tpu.memory_space<vmem>>, vector<16xf32>,
        %add3A_836 = arith.addf %add3A_808, %get3A_835 : vector<16xf32>
        %get3A_837 = arith.constant 2 : i32
        %get3A_838 = arith.index_cast %get3A_837 : i32 to index
        %get3A_839 = arith.index_cast %add3A_830 : i32 to index
        %get3A_840 = arith.constant 16 : index
        %get3A_841 = tpu.vector_load %arg9[%get3A_838, %get3A_839, %get3A_840] {strides = array<i32>} : memref<4x200x64xf32, #tpu.memory_space<vmem>>, vector<16xf32>,
        %add3A_842 = arith.addf %add3A_814, %get3A_841 : vector<16xf32>
        %get3A_843 = arith.constant 2 : i32
        %get3A_844 = arith.index_cast %get3A_843 : i32 to index
        %get3A_845 = arith.index_cast %add3A_830 : i32 to index
        %get3A_846 = arith.constant 32 : index
        %get3A_847 = tpu.vector_load %arg9[%get3A_844, %get3A_845, %get3A_846] {strides = array<i32>} : memref<4x200x64xf32, #tpu.memory_space<vmem>>, vector<16xf32>,
        %add3A_848 = arith.addf %add3A_820, %get3A_847 : vector<16xf32>
        %get3A_849 = arith.constant 2 : i32
        %get3A_850 = arith.index_cast %get3A_849 : i32 to index
        %get3A_851 = arith.index_cast %add3A_830 : i32 to index
        %get3A_852 = arith.constant 48 : index
        %get3A_853 = tpu.vector_load %arg9[%get3A_850, %get3A_851, %get3A_852] {strides = array<i32>} : memref<4x200x64xf32, #tpu.memory_space<vmem>>, vector<16xf32>,
        %add3A_854 = arith.addf %add3A_826, %get3A_853 : vector<16xf32>
        %mul3A_855 = arith.constant 8 : i32
        %mul3A_856 = arith.muli %scan3A_795, %mul3A_855 : i32
        %add3A_857 = arith.constant 2 : i32
        %add3A_858 = arith.addi %mul3A_856, %add3A_857 : i32
        %get3A_859 = arith.constant 2 : i32
        %get3A_860 = arith.index_cast %get3A_859 : i32 to index
        %get3A_861 = arith.index_cast %add3A_858 : i32 to index
        %get3A_862 = arith.constant 0 : index
        %get3A_863 = tpu.vector_load %arg9[%get3A_860, %get3A_861, %get3A_862] {strides = array<i32>} : memref<4x200x64xf32, #tpu.memory_space<vmem>>, vector<16xf32>,
        %add3A_864 = arith.addf %add3A_836, %get3A_863 : vector<16xf32>
        %get3A_865 = arith.constant 2 : i32
        %get3A_866 = arith.index_cast %get3A_865 : i32 to index
        %get3A_867 = arith.index_cast %add3A_858 : i32 to index
        %get3A_868 = arith.constant 16 : index
        %get3A_869 = tpu.vector_load %arg9[%get3A_866, %get3A_867, %get3A_868] {strides = array<i32>} : memref<4x200x64xf32, #tpu.memory_space<vmem>>, vector<16xf32>,
        %add3A_870 = arith.addf %add3A_842, %get3A_869 : vector<16xf32>
        %get3A_871 = arith.constant 2 : i32
        %get3A_872 = arith.index_cast %get3A_871 : i32 to index
        %get3A_873 = arith.index_cast %add3A_858 : i32 to index
        %get3A_874 = arith.constant 32 : index
        %get3A_875 = tpu.vector_load %arg9[%get3A_872, %get3A_873, %get3A_874] {strides = array<i32>} : memref<4x200x64xf32, #tpu.memory_space<vmem>>, vector<16xf32>,
        %add3A_876 = arith.addf %add3A_848, %get3A_875 : vector<16xf32>
        %get3A_877 = arith.constant 2 : i32
        %get3A_878 = arith.index_cast %get3A_877 : i32 to index
        %get3A_879 = arith.index_cast %add3A_858 : i32 to index
        %get3A_880 = arith.constant 48 : index
        %get3A_881 = tpu.vector_load %arg9[%get3A_878, %get3A_879, %get3A_880] {strides = array<i32>} : memref<4x200x64xf32, #tpu.memory_space<vmem>>, vector<16xf32>,
        %add3A_882 = arith.addf %add3A_854, %get3A_881 : vector<16xf32>
        %mul3A_883 = arith.constant 8 : i32
        %mul3A_884 = arith.muli %scan3A_795, %mul3A_883 : i32
        %add3A_885 = arith.constant 3 : i32
        %add3A_886 = arith.addi %mul3A_884, %add3A_885 : i32
        %get3A_887 = arith.constant 2 : i32
        %get3A_888 = arith.index_cast %get3A_887 : i32 to index
        %get3A_889 = arith.index_cast %add3A_886 : i32 to index
        %get3A_890 = arith.constant 0 : index
        %get3A_891 = tpu.vector_load %arg9[%get3A_888, %get3A_889, %get3A_890] {strides = array<i32>} : memref<4x200x64xf32, #tpu.memory_space<vmem>>, vector<16xf32>,
        %add3A_892 = arith.addf %add3A_864, %get3A_891 : vector<16xf32>
        %get3A_893 = arith.constant 2 : i32
        %get3A_894 = arith.index_cast %get3A_893 : i32 to index
        %get3A_895 = arith.index_cast %add3A_886 : i32 to index
        %get3A_896 = arith.constant 16 : index
        %get3A_897 = tpu.vector_load %arg9[%get3A_894, %get3A_895, %get3A_896] {strides = array<i32>} : memref<4x200x64xf32, #tpu.memory_space<vmem>>, vector<16xf32>,
        %add3A_898 = arith.addf %add3A_870, %get3A_897 : vector<16xf32>
        %get3A_899 = arith.constant 2 : i32
        %get3A_900 = arith.index_cast %get3A_899 : i32 to index
        %get3A_901 = arith.index_cast %add3A_886 : i32 to index
        %get3A_902 = arith.constant 32 : index
        %get3A_903 = tpu.vector_load %arg9[%get3A_900, %get3A_901, %get3A_902] {strides = array<i32>} : memref<4x200x64xf32, #tpu.memory_space<vmem>>, vector<16xf32>,
        %add3A_904 = arith.addf %add3A_876, %get3A_903 : vector<16xf32>
        %get3A_905 = arith.constant 2 : i32
        %get3A_906 = arith.index_cast %get3A_905 : i32 to index
        %get3A_907 = arith.index_cast %add3A_886 : i32 to index
        %get3A_908 = arith.constant 48 : index
        %get3A_909 = tpu.vector_load %arg9[%get3A_906, %get3A_907, %get3A_908] {strides = array<i32>} : memref<4x200x64xf32, #tpu.memory_space<vmem>>, vector<16xf32>,
        %add3A_910 = arith.addf %add3A_882, %get3A_909 : vector<16xf32>
        %mul3A_911 = arith.constant 8 : i32
        %mul3A_912 = arith.muli %scan3A_795, %mul3A_911 : i32
        %add3A_913 = arith.constant 4 : i32
        %add3A_914 = arith.addi %mul3A_912, %add3A_913 : i32
        %get3A_915 = arith.constant 2 : i32
        %get3A_916 = arith.index_cast %get3A_915 : i32 to index
        %get3A_917 = arith.index_cast %add3A_914 : i32 to index
        %get3A_918 = arith.constant 0 : index
        %get3A_919 = tpu.vector_load %arg9[%get3A_916, %get3A_917, %get3A_918] {strides = array<i32>} : memref<4x200x64xf32, #tpu.memory_space<vmem>>, vector<16xf32>,
        %add3A_920 = arith.addf %add3A_892, %get3A_919 : vector<16xf32>
        %get3A_921 = arith.constant 2 : i32
        %get3A_922 = arith.index_cast %get3A_921 : i32 to index
        %get3A_923 = arith.index_cast %add3A_914 : i32 to index
        %get3A_924 = arith.constant 16 : index
        %get3A_925 = tpu.vector_load %arg9[%get3A_922, %get3A_923, %get3A_924] {strides = array<i32>} : memref<4x200x64xf32, #tpu.memory_space<vmem>>, vector<16xf32>,
        %add3A_926 = arith.addf %add3A_898, %get3A_925 : vector<16xf32>
        %get3A_927 = arith.constant 2 : i32
        %get3A_928 = arith.index_cast %get3A_927 : i32 to index
        %get3A_929 = arith.index_cast %add3A_914 : i32 to index
        %get3A_930 = arith.constant 32 : index
        %get3A_931 = tpu.vector_load %arg9[%get3A_928, %get3A_929, %get3A_930] {strides = array<i32>} : memref<4x200x64xf32, #tpu.memory_space<vmem>>, vector<16xf32>,
        %add3A_932 = arith.addf %add3A_904, %get3A_931 : vector<16xf32>
        %get3A_933 = arith.constant 2 : i32
        %get3A_934 = arith.index_cast %get3A_933 : i32 to index
        %get3A_935 = arith.index_cast %add3A_914 : i32 to index
        %get3A_936 = arith.constant 48 : index
        %get3A_937 = tpu.vector_load %arg9[%get3A_934, %get3A_935, %get3A_936] {strides = array<i32>} : memref<4x200x64xf32, #tpu.memory_space<vmem>>, vector<16xf32>,
        %add3A_938 = arith.addf %add3A_910, %get3A_937 : vector<16xf32>
        %mul3A_939 = arith.constant 8 : i32
        %mul3A_940 = arith.muli %scan3A_795, %mul3A_939 : i32
        %add3A_941 = arith.constant 5 : i32
        %add3A_942 = arith.addi %mul3A_940, %add3A_941 : i32
        %get3A_943 = arith.constant 2 : i32
        %get3A_944 = arith.index_cast %get3A_943 : i32 to index
        %get3A_945 = arith.index_cast %add3A_942 : i32 to index
        %get3A_946 = arith.constant 0 : index
        %get3A_947 = tpu.vector_load %arg9[%get3A_944, %get3A_945, %get3A_946] {strides = array<i32>} : memref<4x200x64xf32, #tpu.memory_space<vmem>>, vector<16xf32>,
        %add3A_948 = arith.addf %add3A_920, %get3A_947 : vector<16xf32>
        %get3A_949 = arith.constant 2 : i32
        %get3A_950 = arith.index_cast %get3A_949 : i32 to index
        %get3A_951 = arith.index_cast %add3A_942 : i32 to index
        %get3A_952 = arith.constant 16 : index
        %get3A_953 = tpu.vector_load %arg9[%get3A_950, %get3A_951, %get3A_952] {strides = array<i32>} : memref<4x200x64xf32, #tpu.memory_space<vmem>>, vector<16xf32>,
        %add3A_954 = arith.addf %add3A_926, %get3A_953 : vector<16xf32>
        %get3A_955 = arith.constant 2 : i32
        %get3A_956 = arith.index_cast %get3A_955 : i32 to index
        %get3A_957 = arith.index_cast %add3A_942 : i32 to index
        %get3A_958 = arith.constant 32 : index
        %get3A_959 = tpu.vector_load %arg9[%get3A_956, %get3A_957, %get3A_958] {strides = array<i32>} : memref<4x200x64xf32, #tpu.memory_space<vmem>>, vector<16xf32>,
        %add3A_960 = arith.addf %add3A_932, %get3A_959 : vector<16xf32>
        %get3A_961 = arith.constant 2 : i32
        %get3A_962 = arith.index_cast %get3A_961 : i32 to index
        %get3A_963 = arith.index_cast %add3A_942 : i32 to index
        %get3A_964 = arith.constant 48 : index
        %get3A_965 = tpu.vector_load %arg9[%get3A_962, %get3A_963, %get3A_964] {strides = array<i32>} : memref<4x200x64xf32, #tpu.memory_space<vmem>>, vector<16xf32>,
        %add3A_966 = arith.addf %add3A_938, %get3A_965 : vector<16xf32>
        %mul3A_967 = arith.constant 8 : i32
        %mul3A_968 = arith.muli %scan3A_795, %mul3A_967 : i32
        %add3A_969 = arith.constant 6 : i32
        %add3A_970 = arith.addi %mul3A_968, %add3A_969 : i32
        %get3A_971 = arith.constant 2 : i32
        %get3A_972 = arith.index_cast %get3A_971 : i32 to index
        %get3A_973 = arith.index_cast %add3A_970 : i32 to index
        %get3A_974 = arith.constant 0 : index
        %get3A_975 = tpu.vector_load %arg9[%get3A_972, %get3A_973, %get3A_974] {strides = array<i32>} : memref<4x200x64xf32, #tpu.memory_space<vmem>>, vector<16xf32>,
        %add3A_976 = arith.addf %add3A_948, %get3A_975 : vector<16xf32>
        %get3A_977 = arith.constant 2 : i32
        %get3A_978 = arith.index_cast %get3A_977 : i32 to index
        %get3A_979 = arith.index_cast %add3A_970 : i32 to index
        %get3A_980 = arith.constant 16 : index
        %get3A_981 = tpu.vector_load %arg9[%get3A_978, %get3A_979, %get3A_980] {strides = array<i32>} : memref<4x200x64xf32, #tpu.memory_space<vmem>>, vector<16xf32>,
        %add3A_982 = arith.addf %add3A_954, %get3A_981 : vector<16xf32>
        %get3A_983 = arith.constant 2 : i32
        %get3A_984 = arith.index_cast %get3A_983 : i32 to index
        %get3A_985 = arith.index_cast %add3A_970 : i32 to index
        %get3A_986 = arith.constant 32 : index
        %get3A_987 = tpu.vector_load %arg9[%get3A_984, %get3A_985, %get3A_986] {strides = array<i32>} : memref<4x200x64xf32, #tpu.memory_space<vmem>>, vector<16xf32>,
        %add3A_988 = arith.addf %add3A_960, %get3A_987 : vector<16xf32>
        %get3A_989 = arith.constant 2 : i32
        %get3A_990 = arith.index_cast %get3A_989 : i32 to index
        %get3A_991 = arith.index_cast %add3A_970 : i32 to index
        %get3A_992 = arith.constant 48 : index
        %get3A_993 = tpu.vector_load %arg9[%get3A_990, %get3A_991, %get3A_992] {strides = array<i32>} : memref<4x200x64xf32, #tpu.memory_space<vmem>>, vector<16xf32>,
        %add3A_994 = arith.addf %add3A_966, %get3A_993 : vector<16xf32>
        %mul3A_995 = arith.constant 8 : i32
        %mul3A_996 = arith.muli %scan3A_795, %mul3A_995 : i32
        %add3A_997 = arith.constant 7 : i32
        %add3A_998 = arith.addi %mul3A_996, %add3A_997 : i32
        %get3A_999 = arith.constant 2 : i32
        %get3A_1000 = arith.index_cast %get3A_999 : i32 to index
        %get3A_1001 = arith.index_cast %add3A_998 : i32 to index
        %get3A_1002 = arith.constant 0 : index
        %get3A_1003 = tpu.vector_load %arg9[%get3A_1000, %get3A_1001, %get3A_1002] {strides = array<i32>} : memref<4x200x64xf32, #tpu.memory_space<vmem>>, vector<16xf32>,
        %add3A_1004 = arith.addf %add3A_976, %get3A_1003 : vector<16xf32>
        %get3A_1005 = arith.constant 2 : i32
        %get3A_1006 = arith.index_cast %get3A_1005 : i32 to index
        %get3A_1007 = arith.index_cast %add3A_998 : i32 to index
        %get3A_1008 = arith.constant 16 : index
        %get3A_1009 = tpu.vector_load %arg9[%get3A_1006, %get3A_1007, %get3A_1008] {strides = array<i32>} : memref<4x200x64xf32, #tpu.memory_space<vmem>>, vector<16xf32>,
        %add3A_1010 = arith.addf %add3A_982, %get3A_1009 : vector<16xf32>
        %get3A_1011 = arith.constant 2 : i32
        %get3A_1012 = arith.index_cast %get3A_1011 : i32 to index
        %get3A_1013 = arith.index_cast %add3A_998 : i32 to index
        %get3A_1014 = arith.constant 32 : index
        %get3A_1015 = tpu.vector_load %arg9[%get3A_1012, %get3A_1013, %get3A_1014] {strides = array<i32>} : memref<4x200x64xf32, #tpu.memory_space<vmem>>, vector<16xf32>,
        %add3A_1016 = arith.addf %add3A_988, %get3A_1015 : vector<16xf32>
        %get3A_1017 = arith.constant 2 : i32
        %get3A_1018 = arith.index_cast %get3A_1017 : i32 to index
        %get3A_1019 = arith.index_cast %add3A_998 : i32 to index
        %get3A_1020 = arith.constant 48 : index
        %get3A_1021 = tpu.vector_load %arg9[%get3A_1018, %get3A_1019, %get3A_1020] {strides = array<i32>} : memref<4x200x64xf32, #tpu.memory_space<vmem>>, vector<16xf32>,
        %add3A_1022 = arith.addf %add3A_994, %get3A_1021 : vector<16xf32>
        scf.yield %add3A_1004, %add3A_1010, %add3A_1016, %add3A_1022 : vector<16xf32>, vector<16xf32>, vector<16xf32>, vector<16xf32>
      }
      %scan3A_232 = arith.constant 25 : i32
      %swap3A_233 = arith.constant 2 : i32
      %swap3A_234 = arith.index_cast %swap3A_233 : i32 to index
      %swap3A_235 = arith.constant 0 : index
      %swap3A_236 = tpu.vector_load %arg11[%swap3A_234, %swap3A_235] {strides = array<i32>} : memref<4x64xf32, #tpu.memory_space<vmem>>, vector<16xf32>,
      tpu.vector_store %arg11[%swap3A_234, %swap3A_235], %scan3A_231#0 {strides = array<i32>} : memref<4x64xf32, #tpu.memory_space<vmem>>, vector<16xf32>,
      %swap3A_237 = arith.constant 2 : i32
      %swap3A_238 = arith.index_cast %swap3A_237 : i32 to index
      %swap3A_239 = arith.constant 16 : index
      %swap3A_240 = tpu.vector_load %arg11[%swap3A_238, %swap3A_239] {strides = array<i32>} : memref<4x64xf32, #tpu.memory_space<vmem>>, vector<16xf32>,
      tpu.vector_store %arg11[%swap3A_238, %swap3A_239], %scan3A_231#1 {strides = array<i32>} : memref<4x64xf32, #tpu.memory_space<vmem>>, vector<16xf32>,
      %swap3A_241 = arith.constant 2 : i32
      %swap3A_242 = arith.index_cast %swap3A_241 : i32 to index
      %swap3A_243 = arith.constant 32 : index
      %swap3A_244 = tpu.vector_load %arg11[%swap3A_242, %swap3A_243] {strides = array<i32>} : memref<4x64xf32, #tpu.memory_space<vmem>>, vector<16xf32>,
      tpu.vector_store %arg11[%swap3A_242, %swap3A_243], %scan3A_231#2 {strides = array<i32>} : memref<4x64xf32, #tpu.memory_space<vmem>>, vector<16xf32>,
      %swap3A_245 = arith.constant 2 : i32
      %swap3A_246 = arith.index_cast %swap3A_245 : i32 to index
      %swap3A_247 = arith.constant 48 : index
      %swap3A_248 = tpu.vector_load %arg11[%swap3A_246, %swap3A_247] {strides = array<i32>} : memref<4x64xf32, #tpu.memory_space<vmem>>, vector<16xf32>,
      tpu.vector_store %arg11[%swap3A_246, %swap3A_247], %scan3A_231#3 {strides = array<i32>} : memref<4x64xf32, #tpu.memory_space<vmem>>, vector<16xf32>,
      %broadcast_in_dim3A_249 = arith.constant 0.000000e+00 : f32
      %broadcast_in_dim3A_250 = vector.broadcast %broadcast_in_dim3A_249 : f32 to vector<16xf32>
      %scan3A_251 = arith.constant 0 : i32
      %scan3A_252 = arith.constant 25 : i32
      %scan3A_253 = arith.addi %scan3A_251, %scan3A_252 : i32
      %scan3A_254 = arith.constant 1 : i32
      %scan3A_255:4 = scf.for %scan3A_795 = %scan3A_251 to %scan3A_253 step %scan3A_254 iter_args(%scan3A_796 = %broadcast_in_dim3A_250, %scan3A_797 = %broadcast_in_dim3A_250, %scan3A_798 = %broadcast_in_dim3A_250, %scan3A_799 = %broadcast_in_dim3A_250) -> (vector<16xf32>, vector<16xf32>, vector<16xf32>, vector<16xf32>)  : i32 {
        %mul3A_800 = arith.constant 8 : i32
        %mul3A_801 = arith.muli %scan3A_795, %mul3A_800 : i32
        %add3A_802 = arith.constant 0 : i32
        %add3A_803 = arith.addi %mul3A_801, %add3A_802 : i32
        %get3A = arith.constant 3 : i32
        %get3A_804 = arith.index_cast %get3A : i32 to index
        %get3A_805 = arith.index_cast %add3A_803 : i32 to index
        %get3A_806 = arith.constant 0 : index
        %get3A_807 = tpu.vector_load %arg9[%get3A_804, %get3A_805, %get3A_806] {strides = array<i32>} : memref<4x200x64xf32, #tpu.memory_space<vmem>>, vector<16xf32>,
        %add3A_808 = arith.addf %scan3A_796, %get3A_807 : vector<16xf32>
        %get3A_809 = arith.constant 3 : i32
        %get3A_810 = arith.index_cast %get3A_809 : i32 to index
        %get3A_811 = arith.index_cast %add3A_803 : i32 to index
        %get3A_812 = arith.constant 16 : index
        %get3A_813 = tpu.vector_load %arg9[%get3A_810, %get3A_811, %get3A_812] {strides = array<i32>} : memref<4x200x64xf32, #tpu.memory_space<vmem>>, vector<16xf32>,
        %add3A_814 = arith.addf %scan3A_797, %get3A_813 : vector<16xf32>
        %get3A_815 = arith.constant 3 : i32
        %get3A_816 = arith.index_cast %get3A_815 : i32 to index
        %get3A_817 = arith.index_cast %add3A_803 : i32 to index
        %get3A_818 = arith.constant 32 : index
        %get3A_819 = tpu.vector_load %arg9[%get3A_816, %get3A_817, %get3A_818] {strides = array<i32>} : memref<4x200x64xf32, #tpu.memory_space<vmem>>, vector<16xf32>,
        %add3A_820 = arith.addf %scan3A_798, %get3A_819 : vector<16xf32>
        %get3A_821 = arith.constant 3 : i32
        %get3A_822 = arith.index_cast %get3A_821 : i32 to index
        %get3A_823 = arith.index_cast %add3A_803 : i32 to index
        %get3A_824 = arith.constant 48 : index
        %get3A_825 = tpu.vector_load %arg9[%get3A_822, %get3A_823, %get3A_824] {strides = array<i32>} : memref<4x200x64xf32, #tpu.memory_space<vmem>>, vector<16xf32>,
        %add3A_826 = arith.addf %scan3A_799, %get3A_825 : vector<16xf32>
        %mul3A_827 = arith.constant 8 : i32
        %mul3A_828 = arith.muli %scan3A_795, %mul3A_827 : i32
        %add3A_829 = arith.constant 1 : i32
        %add3A_830 = arith.addi %mul3A_828, %add3A_829 : i32
        %get3A_831 = arith.constant 3 : i32
        %get3A_832 = arith.index_cast %get3A_831 : i32 to index
        %get3A_833 = arith.index_cast %add3A_830 : i32 to index
        %get3A_834 = arith.constant 0 : index
        %get3A_835 = tpu.vector_load %arg9[%get3A_832, %get3A_833, %get3A_834] {strides = array<i32>} : memref<4x200x64xf32, #tpu.memory_space<vmem>>, vector<16xf32>,
        %add3A_836 = arith.addf %add3A_808, %get3A_835 : vector<16xf32>
        %get3A_837 = arith.constant 3 : i32
        %get3A_838 = arith.index_cast %get3A_837 : i32 to index
        %get3A_839 = arith.index_cast %add3A_830 : i32 to index
        %get3A_840 = arith.constant 16 : index
        %get3A_841 = tpu.vector_load %arg9[%get3A_838, %get3A_839, %get3A_840] {strides = array<i32>} : memref<4x200x64xf32, #tpu.memory_space<vmem>>, vector<16xf32>,
        %add3A_842 = arith.addf %add3A_814, %get3A_841 : vector<16xf32>
        %get3A_843 = arith.constant 3 : i32
        %get3A_844 = arith.index_cast %get3A_843 : i32 to index
        %get3A_845 = arith.index_cast %add3A_830 : i32 to index
        %get3A_846 = arith.constant 32 : index
        %get3A_847 = tpu.vector_load %arg9[%get3A_844, %get3A_845, %get3A_846] {strides = array<i32>} : memref<4x200x64xf32, #tpu.memory_space<vmem>>, vector<16xf32>,
        %add3A_848 = arith.addf %add3A_820, %get3A_847 : vector<16xf32>
        %get3A_849 = arith.constant 3 : i32
        %get3A_850 = arith.index_cast %get3A_849 : i32 to index
        %get3A_851 = arith.index_cast %add3A_830 : i32 to index
        %get3A_852 = arith.constant 48 : index
        %get3A_853 = tpu.vector_load %arg9[%get3A_850, %get3A_851, %get3A_852] {strides = array<i32>} : memref<4x200x64xf32, #tpu.memory_space<vmem>>, vector<16xf32>,
        %add3A_854 = arith.addf %add3A_826, %get3A_853 : vector<16xf32>
        %mul3A_855 = arith.constant 8 : i32
        %mul3A_856 = arith.muli %scan3A_795, %mul3A_855 : i32
        %add3A_857 = arith.constant 2 : i32
        %add3A_858 = arith.addi %mul3A_856, %add3A_857 : i32
        %get3A_859 = arith.constant 3 : i32
        %get3A_860 = arith.index_cast %get3A_859 : i32 to index
        %get3A_861 = arith.index_cast %add3A_858 : i32 to index
        %get3A_862 = arith.constant 0 : index
        %get3A_863 = tpu.vector_load %arg9[%get3A_860, %get3A_861, %get3A_862] {strides = array<i32>} : memref<4x200x64xf32, #tpu.memory_space<vmem>>, vector<16xf32>,
        %add3A_864 = arith.addf %add3A_836, %get3A_863 : vector<16xf32>
        %get3A_865 = arith.constant 3 : i32
        %get3A_866 = arith.index_cast %get3A_865 : i32 to index
        %get3A_867 = arith.index_cast %add3A_858 : i32 to index
        %get3A_868 = arith.constant 16 : index
        %get3A_869 = tpu.vector_load %arg9[%get3A_866, %get3A_867, %get3A_868] {strides = array<i32>} : memref<4x200x64xf32, #tpu.memory_space<vmem>>, vector<16xf32>,
        %add3A_870 = arith.addf %add3A_842, %get3A_869 : vector<16xf32>
        %get3A_871 = arith.constant 3 : i32
        %get3A_872 = arith.index_cast %get3A_871 : i32 to index
        %get3A_873 = arith.index_cast %add3A_858 : i32 to index
        %get3A_874 = arith.constant 32 : index
        %get3A_875 = tpu.vector_load %arg9[%get3A_872, %get3A_873, %get3A_874] {strides = array<i32>} : memref<4x200x64xf32, #tpu.memory_space<vmem>>, vector<16xf32>,
        %add3A_876 = arith.addf %add3A_848, %get3A_875 : vector<16xf32>
        %get3A_877 = arith.constant 3 : i32
        %get3A_878 = arith.index_cast %get3A_877 : i32 to index
        %get3A_879 = arith.index_cast %add3A_858 : i32 to index
        %get3A_880 = arith.constant 48 : index
        %get3A_881 = tpu.vector_load %arg9[%get3A_878, %get3A_879, %get3A_880] {strides = array<i32>} : memref<4x200x64xf32, #tpu.memory_space<vmem>>, vector<16xf32>,
        %add3A_882 = arith.addf %add3A_854, %get3A_881 : vector<16xf32>
        %mul3A_883 = arith.constant 8 : i32
        %mul3A_884 = arith.muli %scan3A_795, %mul3A_883 : i32
        %add3A_885 = arith.constant 3 : i32
        %add3A_886 = arith.addi %mul3A_884, %add3A_885 : i32
        %get3A_887 = arith.constant 3 : i32
        %get3A_888 = arith.index_cast %get3A_887 : i32 to index
        %get3A_889 = arith.index_cast %add3A_886 : i32 to index
        %get3A_890 = arith.constant 0 : index
        %get3A_891 = tpu.vector_load %arg9[%get3A_888, %get3A_889, %get3A_890] {strides = array<i32>} : memref<4x200x64xf32, #tpu.memory_space<vmem>>, vector<16xf32>,
        %add3A_892 = arith.addf %add3A_864, %get3A_891 : vector<16xf32>
        %get3A_893 = arith.constant 3 : i32
        %get3A_894 = arith.index_cast %get3A_893 : i32 to index
        %get3A_895 = arith.index_cast %add3A_886 : i32 to index
        %get3A_896 = arith.constant 16 : index
        %get3A_897 = tpu.vector_load %arg9[%get3A_894, %get3A_895, %get3A_896] {strides = array<i32>} : memref<4x200x64xf32, #tpu.memory_space<vmem>>, vector<16xf32>,
        %add3A_898 = arith.addf %add3A_870, %get3A_897 : vector<16xf32>
        %get3A_899 = arith.constant 3 : i32
        %get3A_900 = arith.index_cast %get3A_899 : i32 to index
        %get3A_901 = arith.index_cast %add3A_886 : i32 to index
        %get3A_902 = arith.constant 32 : index
        %get3A_903 = tpu.vector_load %arg9[%get3A_900, %get3A_901, %get3A_902] {strides = array<i32>} : memref<4x200x64xf32, #tpu.memory_space<vmem>>, vector<16xf32>,
        %add3A_904 = arith.addf %add3A_876, %get3A_903 : vector<16xf32>
        %get3A_905 = arith.constant 3 : i32
        %get3A_906 = arith.index_cast %get3A_905 : i32 to index
        %get3A_907 = arith.index_cast %add3A_886 : i32 to index
        %get3A_908 = arith.constant 48 : index
        %get3A_909 = tpu.vector_load %arg9[%get3A_906, %get3A_907, %get3A_908] {strides = array<i32>} : memref<4x200x64xf32, #tpu.memory_space<vmem>>, vector<16xf32>,
        %add3A_910 = arith.addf %add3A_882, %get3A_909 : vector<16xf32>
        %mul3A_911 = arith.constant 8 : i32
        %mul3A_912 = arith.muli %scan3A_795, %mul3A_911 : i32
        %add3A_913 = arith.constant 4 : i32
        %add3A_914 = arith.addi %mul3A_912, %add3A_913 : i32
        %get3A_915 = arith.constant 3 : i32
        %get3A_916 = arith.index_cast %get3A_915 : i32 to index
        %get3A_917 = arith.index_cast %add3A_914 : i32 to index
        %get3A_918 = arith.constant 0 : index
        %get3A_919 = tpu.vector_load %arg9[%get3A_916, %get3A_917, %get3A_918] {strides = array<i32>} : memref<4x200x64xf32, #tpu.memory_space<vmem>>, vector<16xf32>,
        %add3A_920 = arith.addf %add3A_892, %get3A_919 : vector<16xf32>
        %get3A_921 = arith.constant 3 : i32
        %get3A_922 = arith.index_cast %get3A_921 : i32 to index
        %get3A_923 = arith.index_cast %add3A_914 : i32 to index
        %get3A_924 = arith.constant 16 : index
        %get3A_925 = tpu.vector_load %arg9[%get3A_922, %get3A_923, %get3A_924] {strides = array<i32>} : memref<4x200x64xf32, #tpu.memory_space<vmem>>, vector<16xf32>,
        %add3A_926 = arith.addf %add3A_898, %get3A_925 : vector<16xf32>
        %get3A_927 = arith.constant 3 : i32
        %get3A_928 = arith.index_cast %get3A_927 : i32 to index
        %get3A_929 = arith.index_cast %add3A_914 : i32 to index
        %get3A_930 = arith.constant 32 : index
        %get3A_931 = tpu.vector_load %arg9[%get3A_928, %get3A_929, %get3A_930] {strides = array<i32>} : memref<4x200x64xf32, #tpu.memory_space<vmem>>, vector<16xf32>,
        %add3A_932 = arith.addf %add3A_904, %get3A_931 : vector<16xf32>
        %get3A_933 = arith.constant 3 : i32
        %get3A_934 = arith.index_cast %get3A_933 : i32 to index
        %get3A_935 = arith.index_cast %add3A_914 : i32 to index
        %get3A_936 = arith.constant 48 : index
        %get3A_937 = tpu.vector_load %arg9[%get3A_934, %get3A_935, %get3A_936] {strides = array<i32>} : memref<4x200x64xf32, #tpu.memory_space<vmem>>, vector<16xf32>,
        %add3A_938 = arith.addf %add3A_910, %get3A_937 : vector<16xf32>
        %mul3A_939 = arith.constant 8 : i32
        %mul3A_940 = arith.muli %scan3A_795, %mul3A_939 : i32
        %add3A_941 = arith.constant 5 : i32
        %add3A_942 = arith.addi %mul3A_940, %add3A_941 : i32
        %get3A_943 = arith.constant 3 : i32
        %get3A_944 = arith.index_cast %get3A_943 : i32 to index
        %get3A_945 = arith.index_cast %add3A_942 : i32 to index
        %get3A_946 = arith.constant 0 : index
        %get3A_947 = tpu.vector_load %arg9[%get3A_944, %get3A_945, %get3A_946] {strides = array<i32>} : memref<4x200x64xf32, #tpu.memory_space<vmem>>, vector<16xf32>,
        %add3A_948 = arith.addf %add3A_920, %get3A_947 : vector<16xf32>
        %get3A_949 = arith.constant 3 : i32
        %get3A_950 = arith.index_cast %get3A_949 : i32 to index
        %get3A_951 = arith.index_cast %add3A_942 : i32 to index
        %get3A_952 = arith.constant 16 : index
        %get3A_953 = tpu.vector_load %arg9[%get3A_950, %get3A_951, %get3A_952] {strides = array<i32>} : memref<4x200x64xf32, #tpu.memory_space<vmem>>, vector<16xf32>,
        %add3A_954 = arith.addf %add3A_926, %get3A_953 : vector<16xf32>
        %get3A_955 = arith.constant 3 : i32
        %get3A_956 = arith.index_cast %get3A_955 : i32 to index
        %get3A_957 = arith.index_cast %add3A_942 : i32 to index
        %get3A_958 = arith.constant 32 : index
        %get3A_959 = tpu.vector_load %arg9[%get3A_956, %get3A_957, %get3A_958] {strides = array<i32>} : memref<4x200x64xf32, #tpu.memory_space<vmem>>, vector<16xf32>,
        %add3A_960 = arith.addf %add3A_932, %get3A_959 : vector<16xf32>
        %get3A_961 = arith.constant 3 : i32
        %get3A_962 = arith.index_cast %get3A_961 : i32 to index
        %get3A_963 = arith.index_cast %add3A_942 : i32 to index
        %get3A_964 = arith.constant 48 : index
        %get3A_965 = tpu.vector_load %arg9[%get3A_962, %get3A_963, %get3A_964] {strides = array<i32>} : memref<4x200x64xf32, #tpu.memory_space<vmem>>, vector<16xf32>,
        %add3A_966 = arith.addf %add3A_938, %get3A_965 : vector<16xf32>
        %mul3A_967 = arith.constant 8 : i32
        %mul3A_968 = arith.muli %scan3A_795, %mul3A_967 : i32
        %add3A_969 = arith.constant 6 : i32
        %add3A_970 = arith.addi %mul3A_968, %add3A_969 : i32
        %get3A_971 = arith.constant 3 : i32
        %get3A_972 = arith.index_cast %get3A_971 : i32 to index
        %get3A_973 = arith.index_cast %add3A_970 : i32 to index
        %get3A_974 = arith.constant 0 : index
        %get3A_975 = tpu.vector_load %arg9[%get3A_972, %get3A_973, %get3A_974] {strides = array<i32>} : memref<4x200x64xf32, #tpu.memory_space<vmem>>, vector<16xf32>,
        %add3A_976 = arith.addf %add3A_948, %get3A_975 : vector<16xf32>
        %get3A_977 = arith.constant 3 : i32
        %get3A_978 = arith.index_cast %get3A_977 : i32 to index
        %get3A_979 = arith.index_cast %add3A_970 : i32 to index
        %get3A_980 = arith.constant 16 : index
        %get3A_981 = tpu.vector_load %arg9[%get3A_978, %get3A_979, %get3A_980] {strides = array<i32>} : memref<4x200x64xf32, #tpu.memory_space<vmem>>, vector<16xf32>,
        %add3A_982 = arith.addf %add3A_954, %get3A_981 : vector<16xf32>
        %get3A_983 = arith.constant 3 : i32
        %get3A_984 = arith.index_cast %get3A_983 : i32 to index
        %get3A_985 = arith.index_cast %add3A_970 : i32 to index
        %get3A_986 = arith.constant 32 : index
        %get3A_987 = tpu.vector_load %arg9[%get3A_984, %get3A_985, %get3A_986] {strides = array<i32>} : memref<4x200x64xf32, #tpu.memory_space<vmem>>, vector<16xf32>,
        %add3A_988 = arith.addf %add3A_960, %get3A_987 : vector<16xf32>
        %get3A_989 = arith.constant 3 : i32
        %get3A_990 = arith.index_cast %get3A_989 : i32 to index
        %get3A_991 = arith.index_cast %add3A_970 : i32 to index
        %get3A_992 = arith.constant 48 : index
        %get3A_993 = tpu.vector_load %arg9[%get3A_990, %get3A_991, %get3A_992] {strides = array<i32>} : memref<4x200x64xf32, #tpu.memory_space<vmem>>, vector<16xf32>,
        %add3A_994 = arith.addf %add3A_966, %get3A_993 : vector<16xf32>
        %mul3A_995 = arith.constant 8 : i32
        %mul3A_996 = arith.muli %scan3A_795, %mul3A_995 : i32
        %add3A_997 = arith.constant 7 : i32
        %add3A_998 = arith.addi %mul3A_996, %add3A_997 : i32
        %get3A_999 = arith.constant 3 : i32
        %get3A_1000 = arith.index_cast %get3A_999 : i32 to index
        %get3A_1001 = arith.index_cast %add3A_998 : i32 to index
        %get3A_1002 = arith.constant 0 : index
        %get3A_1003 = tpu.vector_load %arg9[%get3A_1000, %get3A_1001, %get3A_1002] {strides = array<i32>} : memref<4x200x64xf32, #tpu.memory_space<vmem>>, vector<16xf32>,
        %add3A_1004 = arith.addf %add3A_976, %get3A_1003 : vector<16xf32>
        %get3A_1005 = arith.constant 3 : i32
        %get3A_1006 = arith.index_cast %get3A_1005 : i32 to index
        %get3A_1007 = arith.index_cast %add3A_998 : i32 to index
        %get3A_1008 = arith.constant 16 : index
        %get3A_1009 = tpu.vector_load %arg9[%get3A_1006, %get3A_1007, %get3A_1008] {strides = array<i32>} : memref<4x200x64xf32, #tpu.memory_space<vmem>>, vector<16xf32>,
        %add3A_1010 = arith.addf %add3A_982, %get3A_1009 : vector<16xf32>
        %get3A_1011 = arith.constant 3 : i32
        %get3A_1012 = arith.index_cast %get3A_1011 : i32 to index
        %get3A_1013 = arith.index_cast %add3A_998 : i32 to index
        %get3A_1014 = arith.constant 32 : index
        %get3A_1015 = tpu.vector_load %arg9[%get3A_1012, %get3A_1013, %get3A_1014] {strides = array<i32>} : memref<4x200x64xf32, #tpu.memory_space<vmem>>, vector<16xf32>,
        %add3A_1016 = arith.addf %add3A_988, %get3A_1015 : vector<16xf32>
        %get3A_1017 = arith.constant 3 : i32
        %get3A_1018 = arith.index_cast %get3A_1017 : i32 to index
        %get3A_1019 = arith.index_cast %add3A_998 : i32 to index
        %get3A_1020 = arith.constant 48 : index
        %get3A_1021 = tpu.vector_load %arg9[%get3A_1018, %get3A_1019, %get3A_1020] {strides = array<i32>} : memref<4x200x64xf32, #tpu.memory_space<vmem>>, vector<16xf32>,
        %add3A_1022 = arith.addf %add3A_994, %get3A_1021 : vector<16xf32>
        scf.yield %add3A_1004, %add3A_1010, %add3A_1016, %add3A_1022 : vector<16xf32>, vector<16xf32>, vector<16xf32>, vector<16xf32>
      }
      %scan3A_256 = arith.constant 25 : i32
      %swap3A_257 = arith.constant 3 : i32
      %swap3A_258 = arith.index_cast %swap3A_257 : i32 to index
      %swap3A_259 = arith.constant 0 : index
      %swap3A_260 = tpu.vector_load %arg11[%swap3A_258, %swap3A_259] {strides = array<i32>} : memref<4x64xf32, #tpu.memory_space<vmem>>, vector<16xf32>,
      tpu.vector_store %arg11[%swap3A_258, %swap3A_259], %scan3A_255#0 {strides = array<i32>} : memref<4x64xf32, #tpu.memory_space<vmem>>, vector<16xf32>,
      %swap3A_261 = arith.constant 3 : i32
      %swap3A_262 = arith.index_cast %swap3A_261 : i32 to index
      %swap3A_263 = arith.constant 16 : index
      %swap3A_264 = tpu.vector_load %arg11[%swap3A_262, %swap3A_263] {strides = array<i32>} : memref<4x64xf32, #tpu.memory_space<vmem>>, vector<16xf32>,
      tpu.vector_store %arg11[%swap3A_262, %swap3A_263], %scan3A_255#1 {strides = array<i32>} : memref<4x64xf32, #tpu.memory_space<vmem>>, vector<16xf32>,
      %swap3A_265 = arith.constant 3 : i32
      %swap3A_266 = arith.index_cast %swap3A_265 : i32 to index
      %swap3A_267 = arith.constant 32 : index
      %swap3A_268 = tpu.vector_load %arg11[%swap3A_266, %swap3A_267] {strides = array<i32>} : memref<4x64xf32, #tpu.memory_space<vmem>>, vector<16xf32>,
      tpu.vector_store %arg11[%swap3A_266, %swap3A_267], %scan3A_255#2 {strides = array<i32>} : memref<4x64xf32, #tpu.memory_space<vmem>>, vector<16xf32>,
      %swap3A_269 = arith.constant 3 : i32
      %swap3A_270 = arith.index_cast %swap3A_269 : i32 to index
      %swap3A_271 = arith.constant 48 : index
      %swap3A_272 = tpu.vector_load %arg11[%swap3A_270, %swap3A_271] {strides = array<i32>} : memref<4x64xf32, #tpu.memory_space<vmem>>, vector<16xf32>,
      tpu.vector_store %arg11[%swap3A_270, %swap3A_271], %scan3A_255#3 {strides = array<i32>} : memref<4x64xf32, #tpu.memory_space<vmem>>, vector<16xf32>,
      %mul3A_273 = arith.constant 4 : i32
      %mul3A_274 = arith.muli %add3A_136, %mul3A_273 : i32
      %add3A_275 = arith.addi %mul3A_2, %mul3A_274 : i32
      %multiple_of3A_276 = tpu.assume_multiple %add3A_275, 4 : i32
      %dma_start3A_277 = arith.constant 0 : i32
      %dma_start3A_278 = tpu.memref_slice %arg4[%multiple_of3A_276, %dma_start3A_277] : memref<16384x64xf32, #tpu.memory_space<hbm>> -> memref<4x64xf32, #tpu.memory_space<hbm>>
      %dma_start3A_279 = arith.constant 0 : i32
      %dma_start3A_280 = tpu.memref_slice %arg4[%multiple_of3A_276, %dma_start3A_279] : memref<16384x64xf32, #tpu.memory_space<hbm>> -> memref<4x64xf32, #tpu.memory_space<hbm>>
      tpu.enqueue_dma source(%arg11 : memref<4x64xf32, #tpu.memory_space<vmem>>) target(%dma_start3A_280 : memref<4x64xf32, #tpu.memory_space<hbm>>) target_semaphore(%arg19 : memref<!tpu.dma_semaphore, #tpu.memory_space<semaphore_mem>>)
      %add3A_281 = arith.constant 4 : i32
      %add3A_282 = arith.addi %add3A_136, %add3A_281 : i32
      %lt3A = arith.constant 128 : i32
      %lt3A_283 = arith.cmpi slt, %add3A_282, %lt3A : i32
      %convert_element_type3A_284 = arith.extui %lt3A_283 : i1 to i32
      %cond3A_285 = arith.constant 0 : i32
      %cond3A_286 = arith.cmpi ne, %convert_element_type3A_284, %cond3A_285 : i32
      scf.if %cond3A_286 {
        %add3A_795 = arith.constant 4 : i32
        %add3A_796 = arith.addi %add3A_136, %add3A_795 : i32
        %mul3A_797 = arith.constant 4 : i32
        %mul3A_798 = arith.muli %add3A_796, %mul3A_797 : i32
        %add3A_799 = arith.addi %mul3A_2, %mul3A_798 : i32
        %mul3A_800 = arith.constant 200 : i32
        %mul3A_801 = arith.muli %add3A_799, %mul3A_800 : i32
        %multiple_of3A_802 = tpu.assume_multiple %mul3A_801, 800 : i32
        %dma_start3A_803 = tpu.memref_slice %arg2[%multiple_of3A_802] : memref<3276800xi32, #tpu.memory_space<hbm>> -> memref<800xi32, #tpu.memory_space<hbm>>
        %dma_start3A_804 = tpu.memref_slice %arg2[%multiple_of3A_802] : memref<3276800xi32, #tpu.memory_space<hbm>> -> memref<800xi32, #tpu.memory_space<hbm>>
        tpu.enqueue_dma source(%dma_start3A_804 : memref<800xi32, #tpu.memory_space<hbm>>) target(%arg5 : memref<800xi32, #tpu.memory_space<vmem>>) target_semaphore(%arg13 : memref<!tpu.dma_semaphore, #tpu.memory_space<semaphore_mem>>)
      } else {
      }
      %add3A_287 = arith.constant 2 : i32
      %add3A_288 = arith.addi %add3A_136, %add3A_287 : i32
      %lt3A_289 = arith.constant 128 : i32
      %lt3A_290 = arith.cmpi slt, %add3A_288, %lt3A_289 : i32
      %convert_element_type3A_291 = arith.extui %lt3A_290 : i1 to i32
      %cond3A_292 = arith.constant 0 : i32
      %cond3A_293 = arith.cmpi ne, %convert_element_type3A_291, %cond3A_292 : i32
      scf.if %cond3A_293 {
        %dma_wait3A_795 = arith.constant 0 : i32
        %dma_wait3A_796 = tpu.memref_slice %arg2[%dma_wait3A_795] : memref<3276800xi32, #tpu.memory_space<hbm>> -> memref<800xi32, #tpu.memory_space<hbm>>
        %dma_wait3A_797 = arith.constant 0 : i32
        %dma_wait3A_798 = tpu.memref_slice %arg2[%dma_wait3A_797] : memref<3276800xi32, #tpu.memory_space<hbm>> -> memref<800xi32, #tpu.memory_space<hbm>>
        tpu.wait_dma2 semaphore(%arg15 : memref<!tpu.dma_semaphore, #tpu.memory_space<semaphore_mem>>) src(%dma_wait3A_798 : memref<800xi32, #tpu.memory_space<hbm>>) dst(%arg7 : memref<800xi32, #tpu.memory_space<vmem>>)
        %dma_start3A_799 = arith.constant 0 : i32
        %dma_start3A_800 = arith.constant 0 : i32
        %dma_start3A_801 = arith.constant 0 : i32
        %dma_start3A_802 = tpu.memref_slice %arg9[%dma_start3A_799, %dma_start3A_800, %dma_start3A_801] : memref<4x200x64xf32, #tpu.memory_space<vmem>> -> memref<1x200x64xf32, #tpu.memory_space<vmem>>
        %dma_start3A_803 = tpu.memref_squeeze %dma_start3A_802 : memref<1x200x64xf32, #tpu.memory_space<vmem>> -> memref<200x64xf32, #tpu.memory_space<vmem>>
        %dma_start3A_804 = arith.constant 0 : i32
        %dma_start3A_805 = tpu.memref_slice %arg7[%dma_start3A_804] : memref<800xi32, #tpu.memory_space<vmem>> -> memref<200xi32, #tpu.memory_space<vmem>>
        %dma_start3A_806 = arith.constant 0 : i32
        %dma_start3A_807 = arith.constant 0 : i32
        %dma_start3A_808 = tpu.memref_slice %arg3[%dma_start3A_806, %dma_start3A_807] : memref<1000000x64xf32, #tpu.memory_space<hbm>> -> memref<1000000x64xf32, #tpu.memory_space<hbm>>
        tpu.enqueue_indirect_dma source(%dma_start3A_808 : memref<1000000x64xf32, #tpu.memory_space<hbm>>) target(%dma_start3A_803 : memref<200x64xf32, #tpu.memory_space<vmem>>) offsets(%dma_start3A_805 : memref<200xi32, #tpu.memory_space<vmem>>) semaphore(%arg17 : memref<!tpu.dma_semaphore, #tpu.memory_space<semaphore_mem>>)
        %dma_start3A_809 = arith.constant 1 : i32
        %dma_start3A_810 = arith.constant 0 : i32
        %dma_start3A_811 = arith.constant 0 : i32
        %dma_start3A_812 = tpu.memref_slice %arg9[%dma_start3A_809, %dma_start3A_810, %dma_start3A_811] : memref<4x200x64xf32, #tpu.memory_space<vmem>> -> memref<1x200x64xf32, #tpu.memory_space<vmem>>
        %dma_start3A_813 = tpu.memref_squeeze %dma_start3A_812 : memref<1x200x64xf32, #tpu.memory_space<vmem>> -> memref<200x64xf32, #tpu.memory_space<vmem>>
        %dma_start3A_814 = arith.constant 200 : i32
        %dma_start3A_815 = tpu.memref_slice %arg7[%dma_start3A_814] : memref<800xi32, #tpu.memory_space<vmem>> -> memref<200xi32, #tpu.memory_space<vmem>>
        %dma_start3A_816 = arith.constant 0 : i32
        %dma_start3A_817 = arith.constant 0 : i32
        %dma_start3A_818 = tpu.memref_slice %arg3[%dma_start3A_816, %dma_start3A_817] : memref<1000000x64xf32, #tpu.memory_space<hbm>> -> memref<1000000x64xf32, #tpu.memory_space<hbm>>
        tpu.enqueue_indirect_dma source(%dma_start3A_818 : memref<1000000x64xf32, #tpu.memory_space<hbm>>) target(%dma_start3A_813 : memref<200x64xf32, #tpu.memory_space<vmem>>) offsets(%dma_start3A_815 : memref<200xi32, #tpu.memory_space<vmem>>) semaphore(%arg17 : memref<!tpu.dma_semaphore, #tpu.memory_space<semaphore_mem>>)
        %dma_start3A_819 = arith.constant 2 : i32
        %dma_start3A_820 = arith.constant 0 : i32
        %dma_start3A_821 = arith.constant 0 : i32
        %dma_start3A_822 = tpu.memref_slice %arg9[%dma_start3A_819, %dma_start3A_820, %dma_start3A_821] : memref<4x200x64xf32, #tpu.memory_space<vmem>> -> memref<1x200x64xf32, #tpu.memory_space<vmem>>
        %dma_start3A_823 = tpu.memref_squeeze %dma_start3A_822 : memref<1x200x64xf32, #tpu.memory_space<vmem>> -> memref<200x64xf32, #tpu.memory_space<vmem>>
        %dma_start3A_824 = arith.constant 400 : i32
        %dma_start3A_825 = tpu.memref_slice %arg7[%dma_start3A_824] : memref<800xi32, #tpu.memory_space<vmem>> -> memref<200xi32, #tpu.memory_space<vmem>>
        %dma_start3A_826 = arith.constant 0 : i32
        %dma_start3A_827 = arith.constant 0 : i32
        %dma_start3A_828 = tpu.memref_slice %arg3[%dma_start3A_826, %dma_start3A_827] : memref<1000000x64xf32, #tpu.memory_space<hbm>> -> memref<1000000x64xf32, #tpu.memory_space<hbm>>
        tpu.enqueue_indirect_dma source(%dma_start3A_828 : memref<1000000x64xf32, #tpu.memory_space<hbm>>) target(%dma_start3A_823 : memref<200x64xf32, #tpu.memory_space<vmem>>) offsets(%dma_start3A_825 : memref<200xi32, #tpu.memory_space<vmem>>) semaphore(%arg17 : memref<!tpu.dma_semaphore, #tpu.memory_space<semaphore_mem>>)
        %dma_start3A_829 = arith.constant 3 : i32
        %dma_start3A_830 = arith.constant 0 : i32
        %dma_start3A_831 = arith.constant 0 : i32
        %dma_start3A_832 = tpu.memref_slice %arg9[%dma_start3A_829, %dma_start3A_830, %dma_start3A_831] : memref<4x200x64xf32, #tpu.memory_space<vmem>> -> memref<1x200x64xf32, #tpu.memory_space<vmem>>
        %dma_start3A_833 = tpu.memref_squeeze %dma_start3A_832 : memref<1x200x64xf32, #tpu.memory_space<vmem>> -> memref<200x64xf32, #tpu.memory_space<vmem>>
        %dma_start3A_834 = arith.constant 600 : i32
        %dma_start3A_835 = tpu.memref_slice %arg7[%dma_start3A_834] : memref<800xi32, #tpu.memory_space<vmem>> -> memref<200xi32, #tpu.memory_space<vmem>>
        %dma_start3A_836 = arith.constant 0 : i32
        %dma_start3A_837 = arith.constant 0 : i32
        %dma_start3A_838 = tpu.memref_slice %arg3[%dma_start3A_836, %dma_start3A_837] : memref<1000000x64xf32, #tpu.memory_space<hbm>> -> memref<1000000x64xf32, #tpu.memory_space<hbm>>
        tpu.enqueue_indirect_dma source(%dma_start3A_838 : memref<1000000x64xf32, #tpu.memory_space<hbm>>) target(%dma_start3A_833 : memref<200x64xf32, #tpu.memory_space<vmem>>) offsets(%dma_start3A_835 : memref<200xi32, #tpu.memory_space<vmem>>) semaphore(%arg17 : memref<!tpu.dma_semaphore, #tpu.memory_space<semaphore_mem>>)
      } else {
      }
      %mul3A_294 = arith.constant 4 : i32
      %mul3A_295 = arith.muli %scan3A_132, %mul3A_294 : i32
      %add3A_296 = arith.constant 1 : i32
      %add3A_297 = arith.addi %mul3A_295, %add3A_296 : i32
      %dma_wait3A_298 = arith.constant 0 : i32
      %dma_wait3A_299 = arith.constant 0 : i32
      %dma_wait3A_300 = arith.constant 0 : i32
      %dma_wait3A_301 = tpu.memref_slice %arg10[%dma_wait3A_298, %dma_wait3A_299, %dma_wait3A_300] : memref<4x200x64xf32, #tpu.memory_space<vmem>> -> memref<1x200x64xf32, #tpu.memory_space<vmem>>
      %dma_wait3A_302 = tpu.memref_squeeze %dma_wait3A_301 : memref<1x200x64xf32, #tpu.memory_space<vmem>> -> memref<200x64xf32, #tpu.memory_space<vmem>>
      %dma_wait3A_303 = arith.constant 0 : i32
      %dma_wait3A_304 = tpu.memref_slice %arg6[%dma_wait3A_303] : memref<800xi32, #tpu.memory_space<vmem>> -> memref<200xi32, #tpu.memory_space<vmem>>
      %dma_wait3A_305 = arith.constant 0 : i32
      %dma_wait3A_306 = arith.constant 0 : i32
      %dma_wait3A_307 = tpu.memref_slice %arg3[%dma_wait3A_305, %dma_wait3A_306] : memref<1000000x64xf32, #tpu.memory_space<hbm>> -> memref<1000000x64xf32, #tpu.memory_space<hbm>>
      tpu.wait_indirect_dma semaphore(%arg18 : memref<!tpu.dma_semaphore, #tpu.memory_space<semaphore_mem>>) src(%dma_wait3A_307 : memref<1000000x64xf32, #tpu.memory_space<hbm>>) dst(%dma_wait3A_302 : memref<200x64xf32, #tpu.memory_space<vmem>>)
      %dma_wait3A_308 = arith.constant 1 : i32
      %dma_wait3A_309 = arith.constant 0 : i32
      %dma_wait3A_310 = arith.constant 0 : i32
      %dma_wait3A_311 = tpu.memref_slice %arg10[%dma_wait3A_308, %dma_wait3A_309, %dma_wait3A_310] : memref<4x200x64xf32, #tpu.memory_space<vmem>> -> memref<1x200x64xf32, #tpu.memory_space<vmem>>
      %dma_wait3A_312 = tpu.memref_squeeze %dma_wait3A_311 : memref<1x200x64xf32, #tpu.memory_space<vmem>> -> memref<200x64xf32, #tpu.memory_space<vmem>>
      %dma_wait3A_313 = arith.constant 200 : i32
      %dma_wait3A_314 = tpu.memref_slice %arg6[%dma_wait3A_313] : memref<800xi32, #tpu.memory_space<vmem>> -> memref<200xi32, #tpu.memory_space<vmem>>
      %dma_wait3A_315 = arith.constant 0 : i32
      %dma_wait3A_316 = arith.constant 0 : i32
      %dma_wait3A_317 = tpu.memref_slice %arg3[%dma_wait3A_315, %dma_wait3A_316] : memref<1000000x64xf32, #tpu.memory_space<hbm>> -> memref<1000000x64xf32, #tpu.memory_space<hbm>>
      tpu.wait_indirect_dma semaphore(%arg18 : memref<!tpu.dma_semaphore, #tpu.memory_space<semaphore_mem>>) src(%dma_wait3A_317 : memref<1000000x64xf32, #tpu.memory_space<hbm>>) dst(%dma_wait3A_312 : memref<200x64xf32, #tpu.memory_space<vmem>>)
      %dma_wait3A_318 = arith.constant 2 : i32
      %dma_wait3A_319 = arith.constant 0 : i32
      %dma_wait3A_320 = arith.constant 0 : i32
      %dma_wait3A_321 = tpu.memref_slice %arg10[%dma_wait3A_318, %dma_wait3A_319, %dma_wait3A_320] : memref<4x200x64xf32, #tpu.memory_space<vmem>> -> memref<1x200x64xf32, #tpu.memory_space<vmem>>
      %dma_wait3A_322 = tpu.memref_squeeze %dma_wait3A_321 : memref<1x200x64xf32, #tpu.memory_space<vmem>> -> memref<200x64xf32, #tpu.memory_space<vmem>>
      %dma_wait3A_323 = arith.constant 400 : i32
      %dma_wait3A_324 = tpu.memref_slice %arg6[%dma_wait3A_323] : memref<800xi32, #tpu.memory_space<vmem>> -> memref<200xi32, #tpu.memory_space<vmem>>
      %dma_wait3A_325 = arith.constant 0 : i32
      %dma_wait3A_326 = arith.constant 0 : i32
      %dma_wait3A_327 = tpu.memref_slice %arg3[%dma_wait3A_325, %dma_wait3A_326] : memref<1000000x64xf32, #tpu.memory_space<hbm>> -> memref<1000000x64xf32, #tpu.memory_space<hbm>>
      tpu.wait_indirect_dma semaphore(%arg18 : memref<!tpu.dma_semaphore, #tpu.memory_space<semaphore_mem>>) src(%dma_wait3A_327 : memref<1000000x64xf32, #tpu.memory_space<hbm>>) dst(%dma_wait3A_322 : memref<200x64xf32, #tpu.memory_space<vmem>>)
      %dma_wait3A_328 = arith.constant 3 : i32
      %dma_wait3A_329 = arith.constant 0 : i32
      %dma_wait3A_330 = arith.constant 0 : i32
      %dma_wait3A_331 = tpu.memref_slice %arg10[%dma_wait3A_328, %dma_wait3A_329, %dma_wait3A_330] : memref<4x200x64xf32, #tpu.memory_space<vmem>> -> memref<1x200x64xf32, #tpu.memory_space<vmem>>
      %dma_wait3A_332 = tpu.memref_squeeze %dma_wait3A_331 : memref<1x200x64xf32, #tpu.memory_space<vmem>> -> memref<200x64xf32, #tpu.memory_space<vmem>>
      %dma_wait3A_333 = arith.constant 600 : i32
      %dma_wait3A_334 = tpu.memref_slice %arg6[%dma_wait3A_333] : memref<800xi32, #tpu.memory_space<vmem>> -> memref<200xi32, #tpu.memory_space<vmem>>
      %dma_wait3A_335 = arith.constant 0 : i32
      %dma_wait3A_336 = arith.constant 0 : i32
      %dma_wait3A_337 = tpu.memref_slice %arg3[%dma_wait3A_335, %dma_wait3A_336] : memref<1000000x64xf32, #tpu.memory_space<hbm>> -> memref<1000000x64xf32, #tpu.memory_space<hbm>>
      tpu.wait_indirect_dma semaphore(%arg18 : memref<!tpu.dma_semaphore, #tpu.memory_space<semaphore_mem>>) src(%dma_wait3A_337 : memref<1000000x64xf32, #tpu.memory_space<hbm>>) dst(%dma_wait3A_332 : memref<200x64xf32, #tpu.memory_space<vmem>>)
      %ge3A_338 = arith.constant 2 : i32
      %ge3A_339 = arith.cmpi sge, %add3A_297, %ge3A_338 : i32
      %convert_element_type3A_340 = arith.extui %ge3A_339 : i1 to i32
      %cond3A_341 = arith.constant 0 : i32
      %cond3A_342 = arith.cmpi ne, %convert_element_type3A_340, %cond3A_341 : i32
      scf.if %cond3A_342 {
        %dma_wait3A_795 = arith.constant 0 : i32
        %dma_wait3A_796 = arith.constant 0 : i32
        %dma_wait3A_797 = tpu.memref_slice %arg4[%dma_wait3A_795, %dma_wait3A_796] : memref<16384x64xf32, #tpu.memory_space<hbm>> -> memref<4x64xf32, #tpu.memory_space<hbm>>
        %dma_wait3A_798 = arith.constant 0 : i32
        %dma_wait3A_799 = arith.constant 0 : i32
        %dma_wait3A_800 = tpu.memref_slice %arg4[%dma_wait3A_798, %dma_wait3A_799] : memref<16384x64xf32, #tpu.memory_space<hbm>> -> memref<4x64xf32, #tpu.memory_space<hbm>>
        tpu.wait_dma2 semaphore(%arg19 : memref<!tpu.dma_semaphore, #tpu.memory_space<semaphore_mem>>) src(%arg12 : memref<4x64xf32, #tpu.memory_space<vmem>>) dst(%dma_wait3A_800 : memref<4x64xf32, #tpu.memory_space<hbm>>)
      } else {
      }
      %broadcast_in_dim3A_343 = arith.constant 0.000000e+00 : f32
      %broadcast_in_dim3A_344 = vector.broadcast %broadcast_in_dim3A_343 : f32 to vector<16xf32>
      %scan3A_345 = arith.constant 0 : i32
      %scan3A_346 = arith.constant 25 : i32
      %scan3A_347 = arith.addi %scan3A_345, %scan3A_346 : i32
      %scan3A_348 = arith.constant 1 : i32
      %scan3A_349:4 = scf.for %scan3A_795 = %scan3A_345 to %scan3A_347 step %scan3A_348 iter_args(%scan3A_796 = %broadcast_in_dim3A_344, %scan3A_797 = %broadcast_in_dim3A_344, %scan3A_798 = %broadcast_in_dim3A_344, %scan3A_799 = %broadcast_in_dim3A_344) -> (vector<16xf32>, vector<16xf32>, vector<16xf32>, vector<16xf32>)  : i32 {
        %mul3A_800 = arith.constant 8 : i32
        %mul3A_801 = arith.muli %scan3A_795, %mul3A_800 : i32
        %add3A_802 = arith.constant 0 : i32
        %add3A_803 = arith.addi %mul3A_801, %add3A_802 : i32
        %get3A = arith.constant 0 : i32
        %get3A_804 = arith.index_cast %get3A : i32 to index
        %get3A_805 = arith.index_cast %add3A_803 : i32 to index
        %get3A_806 = arith.constant 0 : index
        %get3A_807 = tpu.vector_load %arg10[%get3A_804, %get3A_805, %get3A_806] {strides = array<i32>} : memref<4x200x64xf32, #tpu.memory_space<vmem>>, vector<16xf32>,
        %add3A_808 = arith.addf %scan3A_796, %get3A_807 : vector<16xf32>
        %get3A_809 = arith.constant 0 : i32
        %get3A_810 = arith.index_cast %get3A_809 : i32 to index
        %get3A_811 = arith.index_cast %add3A_803 : i32 to index
        %get3A_812 = arith.constant 16 : index
        %get3A_813 = tpu.vector_load %arg10[%get3A_810, %get3A_811, %get3A_812] {strides = array<i32>} : memref<4x200x64xf32, #tpu.memory_space<vmem>>, vector<16xf32>,
        %add3A_814 = arith.addf %scan3A_797, %get3A_813 : vector<16xf32>
        %get3A_815 = arith.constant 0 : i32
        %get3A_816 = arith.index_cast %get3A_815 : i32 to index
        %get3A_817 = arith.index_cast %add3A_803 : i32 to index
        %get3A_818 = arith.constant 32 : index
        %get3A_819 = tpu.vector_load %arg10[%get3A_816, %get3A_817, %get3A_818] {strides = array<i32>} : memref<4x200x64xf32, #tpu.memory_space<vmem>>, vector<16xf32>,
        %add3A_820 = arith.addf %scan3A_798, %get3A_819 : vector<16xf32>
        %get3A_821 = arith.constant 0 : i32
        %get3A_822 = arith.index_cast %get3A_821 : i32 to index
        %get3A_823 = arith.index_cast %add3A_803 : i32 to index
        %get3A_824 = arith.constant 48 : index
        %get3A_825 = tpu.vector_load %arg10[%get3A_822, %get3A_823, %get3A_824] {strides = array<i32>} : memref<4x200x64xf32, #tpu.memory_space<vmem>>, vector<16xf32>,
        %add3A_826 = arith.addf %scan3A_799, %get3A_825 : vector<16xf32>
        %mul3A_827 = arith.constant 8 : i32
        %mul3A_828 = arith.muli %scan3A_795, %mul3A_827 : i32
        %add3A_829 = arith.constant 1 : i32
        %add3A_830 = arith.addi %mul3A_828, %add3A_829 : i32
        %get3A_831 = arith.constant 0 : i32
        %get3A_832 = arith.index_cast %get3A_831 : i32 to index
        %get3A_833 = arith.index_cast %add3A_830 : i32 to index
        %get3A_834 = arith.constant 0 : index
        %get3A_835 = tpu.vector_load %arg10[%get3A_832, %get3A_833, %get3A_834] {strides = array<i32>} : memref<4x200x64xf32, #tpu.memory_space<vmem>>, vector<16xf32>,
        %add3A_836 = arith.addf %add3A_808, %get3A_835 : vector<16xf32>
        %get3A_837 = arith.constant 0 : i32
        %get3A_838 = arith.index_cast %get3A_837 : i32 to index
        %get3A_839 = arith.index_cast %add3A_830 : i32 to index
        %get3A_840 = arith.constant 16 : index
        %get3A_841 = tpu.vector_load %arg10[%get3A_838, %get3A_839, %get3A_840] {strides = array<i32>} : memref<4x200x64xf32, #tpu.memory_space<vmem>>, vector<16xf32>,
        %add3A_842 = arith.addf %add3A_814, %get3A_841 : vector<16xf32>
        %get3A_843 = arith.constant 0 : i32
        %get3A_844 = arith.index_cast %get3A_843 : i32 to index
        %get3A_845 = arith.index_cast %add3A_830 : i32 to index
        %get3A_846 = arith.constant 32 : index
        %get3A_847 = tpu.vector_load %arg10[%get3A_844, %get3A_845, %get3A_846] {strides = array<i32>} : memref<4x200x64xf32, #tpu.memory_space<vmem>>, vector<16xf32>,
        %add3A_848 = arith.addf %add3A_820, %get3A_847 : vector<16xf32>
        %get3A_849 = arith.constant 0 : i32
        %get3A_850 = arith.index_cast %get3A_849 : i32 to index
        %get3A_851 = arith.index_cast %add3A_830 : i32 to index
        %get3A_852 = arith.constant 48 : index
        %get3A_853 = tpu.vector_load %arg10[%get3A_850, %get3A_851, %get3A_852] {strides = array<i32>} : memref<4x200x64xf32, #tpu.memory_space<vmem>>, vector<16xf32>,
        %add3A_854 = arith.addf %add3A_826, %get3A_853 : vector<16xf32>
        %mul3A_855 = arith.constant 8 : i32
        %mul3A_856 = arith.muli %scan3A_795, %mul3A_855 : i32
        %add3A_857 = arith.constant 2 : i32
        %add3A_858 = arith.addi %mul3A_856, %add3A_857 : i32
        %get3A_859 = arith.constant 0 : i32
        %get3A_860 = arith.index_cast %get3A_859 : i32 to index
        %get3A_861 = arith.index_cast %add3A_858 : i32 to index
        %get3A_862 = arith.constant 0 : index
        %get3A_863 = tpu.vector_load %arg10[%get3A_860, %get3A_861, %get3A_862] {strides = array<i32>} : memref<4x200x64xf32, #tpu.memory_space<vmem>>, vector<16xf32>,
        %add3A_864 = arith.addf %add3A_836, %get3A_863 : vector<16xf32>
        %get3A_865 = arith.constant 0 : i32
        %get3A_866 = arith.index_cast %get3A_865 : i32 to index
        %get3A_867 = arith.index_cast %add3A_858 : i32 to index
        %get3A_868 = arith.constant 16 : index
        %get3A_869 = tpu.vector_load %arg10[%get3A_866, %get3A_867, %get3A_868] {strides = array<i32>} : memref<4x200x64xf32, #tpu.memory_space<vmem>>, vector<16xf32>,
        %add3A_870 = arith.addf %add3A_842, %get3A_869 : vector<16xf32>
        %get3A_871 = arith.constant 0 : i32
        %get3A_872 = arith.index_cast %get3A_871 : i32 to index
        %get3A_873 = arith.index_cast %add3A_858 : i32 to index
        %get3A_874 = arith.constant 32 : index
        %get3A_875 = tpu.vector_load %arg10[%get3A_872, %get3A_873, %get3A_874] {strides = array<i32>} : memref<4x200x64xf32, #tpu.memory_space<vmem>>, vector<16xf32>,
        %add3A_876 = arith.addf %add3A_848, %get3A_875 : vector<16xf32>
        %get3A_877 = arith.constant 0 : i32
        %get3A_878 = arith.index_cast %get3A_877 : i32 to index
        %get3A_879 = arith.index_cast %add3A_858 : i32 to index
        %get3A_880 = arith.constant 48 : index
        %get3A_881 = tpu.vector_load %arg10[%get3A_878, %get3A_879, %get3A_880] {strides = array<i32>} : memref<4x200x64xf32, #tpu.memory_space<vmem>>, vector<16xf32>,
        %add3A_882 = arith.addf %add3A_854, %get3A_881 : vector<16xf32>
        %mul3A_883 = arith.constant 8 : i32
        %mul3A_884 = arith.muli %scan3A_795, %mul3A_883 : i32
        %add3A_885 = arith.constant 3 : i32
        %add3A_886 = arith.addi %mul3A_884, %add3A_885 : i32
        %get3A_887 = arith.constant 0 : i32
        %get3A_888 = arith.index_cast %get3A_887 : i32 to index
        %get3A_889 = arith.index_cast %add3A_886 : i32 to index
        %get3A_890 = arith.constant 0 : index
        %get3A_891 = tpu.vector_load %arg10[%get3A_888, %get3A_889, %get3A_890] {strides = array<i32>} : memref<4x200x64xf32, #tpu.memory_space<vmem>>, vector<16xf32>,
        %add3A_892 = arith.addf %add3A_864, %get3A_891 : vector<16xf32>
        %get3A_893 = arith.constant 0 : i32
        %get3A_894 = arith.index_cast %get3A_893 : i32 to index
        %get3A_895 = arith.index_cast %add3A_886 : i32 to index
        %get3A_896 = arith.constant 16 : index
        %get3A_897 = tpu.vector_load %arg10[%get3A_894, %get3A_895, %get3A_896] {strides = array<i32>} : memref<4x200x64xf32, #tpu.memory_space<vmem>>, vector<16xf32>,
        %add3A_898 = arith.addf %add3A_870, %get3A_897 : vector<16xf32>
        %get3A_899 = arith.constant 0 : i32
        %get3A_900 = arith.index_cast %get3A_899 : i32 to index
        %get3A_901 = arith.index_cast %add3A_886 : i32 to index
        %get3A_902 = arith.constant 32 : index
        %get3A_903 = tpu.vector_load %arg10[%get3A_900, %get3A_901, %get3A_902] {strides = array<i32>} : memref<4x200x64xf32, #tpu.memory_space<vmem>>, vector<16xf32>,
        %add3A_904 = arith.addf %add3A_876, %get3A_903 : vector<16xf32>
        %get3A_905 = arith.constant 0 : i32
        %get3A_906 = arith.index_cast %get3A_905 : i32 to index
        %get3A_907 = arith.index_cast %add3A_886 : i32 to index
        %get3A_908 = arith.constant 48 : index
        %get3A_909 = tpu.vector_load %arg10[%get3A_906, %get3A_907, %get3A_908] {strides = array<i32>} : memref<4x200x64xf32, #tpu.memory_space<vmem>>, vector<16xf32>,
        %add3A_910 = arith.addf %add3A_882, %get3A_909 : vector<16xf32>
        %mul3A_911 = arith.constant 8 : i32
        %mul3A_912 = arith.muli %scan3A_795, %mul3A_911 : i32
        %add3A_913 = arith.constant 4 : i32
        %add3A_914 = arith.addi %mul3A_912, %add3A_913 : i32
        %get3A_915 = arith.constant 0 : i32
        %get3A_916 = arith.index_cast %get3A_915 : i32 to index
        %get3A_917 = arith.index_cast %add3A_914 : i32 to index
        %get3A_918 = arith.constant 0 : index
        %get3A_919 = tpu.vector_load %arg10[%get3A_916, %get3A_917, %get3A_918] {strides = array<i32>} : memref<4x200x64xf32, #tpu.memory_space<vmem>>, vector<16xf32>,
        %add3A_920 = arith.addf %add3A_892, %get3A_919 : vector<16xf32>
        %get3A_921 = arith.constant 0 : i32
        %get3A_922 = arith.index_cast %get3A_921 : i32 to index
        %get3A_923 = arith.index_cast %add3A_914 : i32 to index
        %get3A_924 = arith.constant 16 : index
        %get3A_925 = tpu.vector_load %arg10[%get3A_922, %get3A_923, %get3A_924] {strides = array<i32>} : memref<4x200x64xf32, #tpu.memory_space<vmem>>, vector<16xf32>,
        %add3A_926 = arith.addf %add3A_898, %get3A_925 : vector<16xf32>
        %get3A_927 = arith.constant 0 : i32
        %get3A_928 = arith.index_cast %get3A_927 : i32 to index
        %get3A_929 = arith.index_cast %add3A_914 : i32 to index
        %get3A_930 = arith.constant 32 : index
        %get3A_931 = tpu.vector_load %arg10[%get3A_928, %get3A_929, %get3A_930] {strides = array<i32>} : memref<4x200x64xf32, #tpu.memory_space<vmem>>, vector<16xf32>,
        %add3A_932 = arith.addf %add3A_904, %get3A_931 : vector<16xf32>
        %get3A_933 = arith.constant 0 : i32
        %get3A_934 = arith.index_cast %get3A_933 : i32 to index
        %get3A_935 = arith.index_cast %add3A_914 : i32 to index
        %get3A_936 = arith.constant 48 : index
        %get3A_937 = tpu.vector_load %arg10[%get3A_934, %get3A_935, %get3A_936] {strides = array<i32>} : memref<4x200x64xf32, #tpu.memory_space<vmem>>, vector<16xf32>,
        %add3A_938 = arith.addf %add3A_910, %get3A_937 : vector<16xf32>
        %mul3A_939 = arith.constant 8 : i32
        %mul3A_940 = arith.muli %scan3A_795, %mul3A_939 : i32
        %add3A_941 = arith.constant 5 : i32
        %add3A_942 = arith.addi %mul3A_940, %add3A_941 : i32
        %get3A_943 = arith.constant 0 : i32
        %get3A_944 = arith.index_cast %get3A_943 : i32 to index
        %get3A_945 = arith.index_cast %add3A_942 : i32 to index
        %get3A_946 = arith.constant 0 : index
        %get3A_947 = tpu.vector_load %arg10[%get3A_944, %get3A_945, %get3A_946] {strides = array<i32>} : memref<4x200x64xf32, #tpu.memory_space<vmem>>, vector<16xf32>,
        %add3A_948 = arith.addf %add3A_920, %get3A_947 : vector<16xf32>
        %get3A_949 = arith.constant 0 : i32
        %get3A_950 = arith.index_cast %get3A_949 : i32 to index
        %get3A_951 = arith.index_cast %add3A_942 : i32 to index
        %get3A_952 = arith.constant 16 : index
        %get3A_953 = tpu.vector_load %arg10[%get3A_950, %get3A_951, %get3A_952] {strides = array<i32>} : memref<4x200x64xf32, #tpu.memory_space<vmem>>, vector<16xf32>,
        %add3A_954 = arith.addf %add3A_926, %get3A_953 : vector<16xf32>
        %get3A_955 = arith.constant 0 : i32
        %get3A_956 = arith.index_cast %get3A_955 : i32 to index
        %get3A_957 = arith.index_cast %add3A_942 : i32 to index
        %get3A_958 = arith.constant 32 : index
        %get3A_959 = tpu.vector_load %arg10[%get3A_956, %get3A_957, %get3A_958] {strides = array<i32>} : memref<4x200x64xf32, #tpu.memory_space<vmem>>, vector<16xf32>,
        %add3A_960 = arith.addf %add3A_932, %get3A_959 : vector<16xf32>
        %get3A_961 = arith.constant 0 : i32
        %get3A_962 = arith.index_cast %get3A_961 : i32 to index
        %get3A_963 = arith.index_cast %add3A_942 : i32 to index
        %get3A_964 = arith.constant 48 : index
        %get3A_965 = tpu.vector_load %arg10[%get3A_962, %get3A_963, %get3A_964] {strides = array<i32>} : memref<4x200x64xf32, #tpu.memory_space<vmem>>, vector<16xf32>,
        %add3A_966 = arith.addf %add3A_938, %get3A_965 : vector<16xf32>
        %mul3A_967 = arith.constant 8 : i32
        %mul3A_968 = arith.muli %scan3A_795, %mul3A_967 : i32
        %add3A_969 = arith.constant 6 : i32
        %add3A_970 = arith.addi %mul3A_968, %add3A_969 : i32
        %get3A_971 = arith.constant 0 : i32
        %get3A_972 = arith.index_cast %get3A_971 : i32 to index
        %get3A_973 = arith.index_cast %add3A_970 : i32 to index
        %get3A_974 = arith.constant 0 : index
        %get3A_975 = tpu.vector_load %arg10[%get3A_972, %get3A_973, %get3A_974] {strides = array<i32>} : memref<4x200x64xf32, #tpu.memory_space<vmem>>, vector<16xf32>,
        %add3A_976 = arith.addf %add3A_948, %get3A_975 : vector<16xf32>
        %get3A_977 = arith.constant 0 : i32
        %get3A_978 = arith.index_cast %get3A_977 : i32 to index
        %get3A_979 = arith.index_cast %add3A_970 : i32 to index
        %get3A_980 = arith.constant 16 : index
        %get3A_981 = tpu.vector_load %arg10[%get3A_978, %get3A_979, %get3A_980] {strides = array<i32>} : memref<4x200x64xf32, #tpu.memory_space<vmem>>, vector<16xf32>,
        %add3A_982 = arith.addf %add3A_954, %get3A_981 : vector<16xf32>
        %get3A_983 = arith.constant 0 : i32
        %get3A_984 = arith.index_cast %get3A_983 : i32 to index
        %get3A_985 = arith.index_cast %add3A_970 : i32 to index
        %get3A_986 = arith.constant 32 : index
        %get3A_987 = tpu.vector_load %arg10[%get3A_984, %get3A_985, %get3A_986] {strides = array<i32>} : memref<4x200x64xf32, #tpu.memory_space<vmem>>, vector<16xf32>,
        %add3A_988 = arith.addf %add3A_960, %get3A_987 : vector<16xf32>
        %get3A_989 = arith.constant 0 : i32
        %get3A_990 = arith.index_cast %get3A_989 : i32 to index
        %get3A_991 = arith.index_cast %add3A_970 : i32 to index
        %get3A_992 = arith.constant 48 : index
        %get3A_993 = tpu.vector_load %arg10[%get3A_990, %get3A_991, %get3A_992] {strides = array<i32>} : memref<4x200x64xf32, #tpu.memory_space<vmem>>, vector<16xf32>,
        %add3A_994 = arith.addf %add3A_966, %get3A_993 : vector<16xf32>
        %mul3A_995 = arith.constant 8 : i32
        %mul3A_996 = arith.muli %scan3A_795, %mul3A_995 : i32
        %add3A_997 = arith.constant 7 : i32
        %add3A_998 = arith.addi %mul3A_996, %add3A_997 : i32
        %get3A_999 = arith.constant 0 : i32
        %get3A_1000 = arith.index_cast %get3A_999 : i32 to index
        %get3A_1001 = arith.index_cast %add3A_998 : i32 to index
        %get3A_1002 = arith.constant 0 : index
        %get3A_1003 = tpu.vector_load %arg10[%get3A_1000, %get3A_1001, %get3A_1002] {strides = array<i32>} : memref<4x200x64xf32, #tpu.memory_space<vmem>>, vector<16xf32>,
        %add3A_1004 = arith.addf %add3A_976, %get3A_1003 : vector<16xf32>
        %get3A_1005 = arith.constant 0 : i32
        %get3A_1006 = arith.index_cast %get3A_1005 : i32 to index
        %get3A_1007 = arith.index_cast %add3A_998 : i32 to index
        %get3A_1008 = arith.constant 16 : index
        %get3A_1009 = tpu.vector_load %arg10[%get3A_1006, %get3A_1007, %get3A_1008] {strides = array<i32>} : memref<4x200x64xf32, #tpu.memory_space<vmem>>, vector<16xf32>,
        %add3A_1010 = arith.addf %add3A_982, %get3A_1009 : vector<16xf32>
        %get3A_1011 = arith.constant 0 : i32
        %get3A_1012 = arith.index_cast %get3A_1011 : i32 to index
        %get3A_1013 = arith.index_cast %add3A_998 : i32 to index
        %get3A_1014 = arith.constant 32 : index
        %get3A_1015 = tpu.vector_load %arg10[%get3A_1012, %get3A_1013, %get3A_1014] {strides = array<i32>} : memref<4x200x64xf32, #tpu.memory_space<vmem>>, vector<16xf32>,
        %add3A_1016 = arith.addf %add3A_988, %get3A_1015 : vector<16xf32>
        %get3A_1017 = arith.constant 0 : i32
        %get3A_1018 = arith.index_cast %get3A_1017 : i32 to index
        %get3A_1019 = arith.index_cast %add3A_998 : i32 to index
        %get3A_1020 = arith.constant 48 : index
        %get3A_1021 = tpu.vector_load %arg10[%get3A_1018, %get3A_1019, %get3A_1020] {strides = array<i32>} : memref<4x200x64xf32, #tpu.memory_space<vmem>>, vector<16xf32>,
        %add3A_1022 = arith.addf %add3A_994, %get3A_1021 : vector<16xf32>
        scf.yield %add3A_1004, %add3A_1010, %add3A_1016, %add3A_1022 : vector<16xf32>, vector<16xf32>, vector<16xf32>, vector<16xf32>
      }
      %scan3A_350 = arith.constant 25 : i32
      %swap3A_351 = arith.constant 0 : i32
      %swap3A_352 = arith.index_cast %swap3A_351 : i32 to index
      %swap3A_353 = arith.constant 0 : index
      %swap3A_354 = tpu.vector_load %arg12[%swap3A_352, %swap3A_353] {strides = array<i32>} : memref<4x64xf32, #tpu.memory_space<vmem>>, vector<16xf32>,
      tpu.vector_store %arg12[%swap3A_352, %swap3A_353], %scan3A_349#0 {strides = array<i32>} : memref<4x64xf32, #tpu.memory_space<vmem>>, vector<16xf32>,
      %swap3A_355 = arith.constant 0 : i32
      %swap3A_356 = arith.index_cast %swap3A_355 : i32 to index
      %swap3A_357 = arith.constant 16 : index
      %swap3A_358 = tpu.vector_load %arg12[%swap3A_356, %swap3A_357] {strides = array<i32>} : memref<4x64xf32, #tpu.memory_space<vmem>>, vector<16xf32>,
      tpu.vector_store %arg12[%swap3A_356, %swap3A_357], %scan3A_349#1 {strides = array<i32>} : memref<4x64xf32, #tpu.memory_space<vmem>>, vector<16xf32>,
      %swap3A_359 = arith.constant 0 : i32
      %swap3A_360 = arith.index_cast %swap3A_359 : i32 to index
      %swap3A_361 = arith.constant 32 : index
      %swap3A_362 = tpu.vector_load %arg12[%swap3A_360, %swap3A_361] {strides = array<i32>} : memref<4x64xf32, #tpu.memory_space<vmem>>, vector<16xf32>,
      tpu.vector_store %arg12[%swap3A_360, %swap3A_361], %scan3A_349#2 {strides = array<i32>} : memref<4x64xf32, #tpu.memory_space<vmem>>, vector<16xf32>,
      %swap3A_363 = arith.constant 0 : i32
      %swap3A_364 = arith.index_cast %swap3A_363 : i32 to index
      %swap3A_365 = arith.constant 48 : index
      %swap3A_366 = tpu.vector_load %arg12[%swap3A_364, %swap3A_365] {strides = array<i32>} : memref<4x64xf32, #tpu.memory_space<vmem>>, vector<16xf32>,
      tpu.vector_store %arg12[%swap3A_364, %swap3A_365], %scan3A_349#3 {strides = array<i32>} : memref<4x64xf32, #tpu.memory_space<vmem>>, vector<16xf32>,
      %broadcast_in_dim3A_367 = arith.constant 0.000000e+00 : f32
      %broadcast_in_dim3A_368 = vector.broadcast %broadcast_in_dim3A_367 : f32 to vector<16xf32>
      %scan3A_369 = arith.constant 0 : i32
      %scan3A_370 = arith.constant 25 : i32
      %scan3A_371 = arith.addi %scan3A_369, %scan3A_370 : i32
      %scan3A_372 = arith.constant 1 : i32
      %scan3A_373:4 = scf.for %scan3A_795 = %scan3A_369 to %scan3A_371 step %scan3A_372 iter_args(%scan3A_796 = %broadcast_in_dim3A_368, %scan3A_797 = %broadcast_in_dim3A_368, %scan3A_798 = %broadcast_in_dim3A_368, %scan3A_799 = %broadcast_in_dim3A_368) -> (vector<16xf32>, vector<16xf32>, vector<16xf32>, vector<16xf32>)  : i32 {
        %mul3A_800 = arith.constant 8 : i32
        %mul3A_801 = arith.muli %scan3A_795, %mul3A_800 : i32
        %add3A_802 = arith.constant 0 : i32
        %add3A_803 = arith.addi %mul3A_801, %add3A_802 : i32
        %get3A = arith.constant 1 : i32
        %get3A_804 = arith.index_cast %get3A : i32 to index
        %get3A_805 = arith.index_cast %add3A_803 : i32 to index
        %get3A_806 = arith.constant 0 : index
        %get3A_807 = tpu.vector_load %arg10[%get3A_804, %get3A_805, %get3A_806] {strides = array<i32>} : memref<4x200x64xf32, #tpu.memory_space<vmem>>, vector<16xf32>,
        %add3A_808 = arith.addf %scan3A_796, %get3A_807 : vector<16xf32>
        %get3A_809 = arith.constant 1 : i32
        %get3A_810 = arith.index_cast %get3A_809 : i32 to index
        %get3A_811 = arith.index_cast %add3A_803 : i32 to index
        %get3A_812 = arith.constant 16 : index
        %get3A_813 = tpu.vector_load %arg10[%get3A_810, %get3A_811, %get3A_812] {strides = array<i32>} : memref<4x200x64xf32, #tpu.memory_space<vmem>>, vector<16xf32>,
        %add3A_814 = arith.addf %scan3A_797, %get3A_813 : vector<16xf32>
        %get3A_815 = arith.constant 1 : i32
        %get3A_816 = arith.index_cast %get3A_815 : i32 to index
        %get3A_817 = arith.index_cast %add3A_803 : i32 to index
        %get3A_818 = arith.constant 32 : index
        %get3A_819 = tpu.vector_load %arg10[%get3A_816, %get3A_817, %get3A_818] {strides = array<i32>} : memref<4x200x64xf32, #tpu.memory_space<vmem>>, vector<16xf32>,
        %add3A_820 = arith.addf %scan3A_798, %get3A_819 : vector<16xf32>
        %get3A_821 = arith.constant 1 : i32
        %get3A_822 = arith.index_cast %get3A_821 : i32 to index
        %get3A_823 = arith.index_cast %add3A_803 : i32 to index
        %get3A_824 = arith.constant 48 : index
        %get3A_825 = tpu.vector_load %arg10[%get3A_822, %get3A_823, %get3A_824] {strides = array<i32>} : memref<4x200x64xf32, #tpu.memory_space<vmem>>, vector<16xf32>,
        %add3A_826 = arith.addf %scan3A_799, %get3A_825 : vector<16xf32>
        %mul3A_827 = arith.constant 8 : i32
        %mul3A_828 = arith.muli %scan3A_795, %mul3A_827 : i32
        %add3A_829 = arith.constant 1 : i32
        %add3A_830 = arith.addi %mul3A_828, %add3A_829 : i32
        %get3A_831 = arith.constant 1 : i32
        %get3A_832 = arith.index_cast %get3A_831 : i32 to index
        %get3A_833 = arith.index_cast %add3A_830 : i32 to index
        %get3A_834 = arith.constant 0 : index
        %get3A_835 = tpu.vector_load %arg10[%get3A_832, %get3A_833, %get3A_834] {strides = array<i32>} : memref<4x200x64xf32, #tpu.memory_space<vmem>>, vector<16xf32>,
        %add3A_836 = arith.addf %add3A_808, %get3A_835 : vector<16xf32>
        %get3A_837 = arith.constant 1 : i32
        %get3A_838 = arith.index_cast %get3A_837 : i32 to index
        %get3A_839 = arith.index_cast %add3A_830 : i32 to index
        %get3A_840 = arith.constant 16 : index
        %get3A_841 = tpu.vector_load %arg10[%get3A_838, %get3A_839, %get3A_840] {strides = array<i32>} : memref<4x200x64xf32, #tpu.memory_space<vmem>>, vector<16xf32>,
        %add3A_842 = arith.addf %add3A_814, %get3A_841 : vector<16xf32>
        %get3A_843 = arith.constant 1 : i32
        %get3A_844 = arith.index_cast %get3A_843 : i32 to index
        %get3A_845 = arith.index_cast %add3A_830 : i32 to index
        %get3A_846 = arith.constant 32 : index
        %get3A_847 = tpu.vector_load %arg10[%get3A_844, %get3A_845, %get3A_846] {strides = array<i32>} : memref<4x200x64xf32, #tpu.memory_space<vmem>>, vector<16xf32>,
        %add3A_848 = arith.addf %add3A_820, %get3A_847 : vector<16xf32>
        %get3A_849 = arith.constant 1 : i32
        %get3A_850 = arith.index_cast %get3A_849 : i32 to index
        %get3A_851 = arith.index_cast %add3A_830 : i32 to index
        %get3A_852 = arith.constant 48 : index
        %get3A_853 = tpu.vector_load %arg10[%get3A_850, %get3A_851, %get3A_852] {strides = array<i32>} : memref<4x200x64xf32, #tpu.memory_space<vmem>>, vector<16xf32>,
        %add3A_854 = arith.addf %add3A_826, %get3A_853 : vector<16xf32>
        %mul3A_855 = arith.constant 8 : i32
        %mul3A_856 = arith.muli %scan3A_795, %mul3A_855 : i32
        %add3A_857 = arith.constant 2 : i32
        %add3A_858 = arith.addi %mul3A_856, %add3A_857 : i32
        %get3A_859 = arith.constant 1 : i32
        %get3A_860 = arith.index_cast %get3A_859 : i32 to index
        %get3A_861 = arith.index_cast %add3A_858 : i32 to index
        %get3A_862 = arith.constant 0 : index
        %get3A_863 = tpu.vector_load %arg10[%get3A_860, %get3A_861, %get3A_862] {strides = array<i32>} : memref<4x200x64xf32, #tpu.memory_space<vmem>>, vector<16xf32>,
        %add3A_864 = arith.addf %add3A_836, %get3A_863 : vector<16xf32>
        %get3A_865 = arith.constant 1 : i32
        %get3A_866 = arith.index_cast %get3A_865 : i32 to index
        %get3A_867 = arith.index_cast %add3A_858 : i32 to index
        %get3A_868 = arith.constant 16 : index
        %get3A_869 = tpu.vector_load %arg10[%get3A_866, %get3A_867, %get3A_868] {strides = array<i32>} : memref<4x200x64xf32, #tpu.memory_space<vmem>>, vector<16xf32>,
        %add3A_870 = arith.addf %add3A_842, %get3A_869 : vector<16xf32>
        %get3A_871 = arith.constant 1 : i32
        %get3A_872 = arith.index_cast %get3A_871 : i32 to index
        %get3A_873 = arith.index_cast %add3A_858 : i32 to index
        %get3A_874 = arith.constant 32 : index
        %get3A_875 = tpu.vector_load %arg10[%get3A_872, %get3A_873, %get3A_874] {strides = array<i32>} : memref<4x200x64xf32, #tpu.memory_space<vmem>>, vector<16xf32>,
        %add3A_876 = arith.addf %add3A_848, %get3A_875 : vector<16xf32>
        %get3A_877 = arith.constant 1 : i32
        %get3A_878 = arith.index_cast %get3A_877 : i32 to index
        %get3A_879 = arith.index_cast %add3A_858 : i32 to index
        %get3A_880 = arith.constant 48 : index
        %get3A_881 = tpu.vector_load %arg10[%get3A_878, %get3A_879, %get3A_880] {strides = array<i32>} : memref<4x200x64xf32, #tpu.memory_space<vmem>>, vector<16xf32>,
        %add3A_882 = arith.addf %add3A_854, %get3A_881 : vector<16xf32>
        %mul3A_883 = arith.constant 8 : i32
        %mul3A_884 = arith.muli %scan3A_795, %mul3A_883 : i32
        %add3A_885 = arith.constant 3 : i32
        %add3A_886 = arith.addi %mul3A_884, %add3A_885 : i32
        %get3A_887 = arith.constant 1 : i32
        %get3A_888 = arith.index_cast %get3A_887 : i32 to index
        %get3A_889 = arith.index_cast %add3A_886 : i32 to index
        %get3A_890 = arith.constant 0 : index
        %get3A_891 = tpu.vector_load %arg10[%get3A_888, %get3A_889, %get3A_890] {strides = array<i32>} : memref<4x200x64xf32, #tpu.memory_space<vmem>>, vector<16xf32>,
        %add3A_892 = arith.addf %add3A_864, %get3A_891 : vector<16xf32>
        %get3A_893 = arith.constant 1 : i32
        %get3A_894 = arith.index_cast %get3A_893 : i32 to index
        %get3A_895 = arith.index_cast %add3A_886 : i32 to index
        %get3A_896 = arith.constant 16 : index
        %get3A_897 = tpu.vector_load %arg10[%get3A_894, %get3A_895, %get3A_896] {strides = array<i32>} : memref<4x200x64xf32, #tpu.memory_space<vmem>>, vector<16xf32>,
        %add3A_898 = arith.addf %add3A_870, %get3A_897 : vector<16xf32>
        %get3A_899 = arith.constant 1 : i32
        %get3A_900 = arith.index_cast %get3A_899 : i32 to index
        %get3A_901 = arith.index_cast %add3A_886 : i32 to index
        %get3A_902 = arith.constant 32 : index
        %get3A_903 = tpu.vector_load %arg10[%get3A_900, %get3A_901, %get3A_902] {strides = array<i32>} : memref<4x200x64xf32, #tpu.memory_space<vmem>>, vector<16xf32>,
        %add3A_904 = arith.addf %add3A_876, %get3A_903 : vector<16xf32>
        %get3A_905 = arith.constant 1 : i32
        %get3A_906 = arith.index_cast %get3A_905 : i32 to index
        %get3A_907 = arith.index_cast %add3A_886 : i32 to index
        %get3A_908 = arith.constant 48 : index
        %get3A_909 = tpu.vector_load %arg10[%get3A_906, %get3A_907, %get3A_908] {strides = array<i32>} : memref<4x200x64xf32, #tpu.memory_space<vmem>>, vector<16xf32>,
        %add3A_910 = arith.addf %add3A_882, %get3A_909 : vector<16xf32>
        %mul3A_911 = arith.constant 8 : i32
        %mul3A_912 = arith.muli %scan3A_795, %mul3A_911 : i32
        %add3A_913 = arith.constant 4 : i32
        %add3A_914 = arith.addi %mul3A_912, %add3A_913 : i32
        %get3A_915 = arith.constant 1 : i32
        %get3A_916 = arith.index_cast %get3A_915 : i32 to index
        %get3A_917 = arith.index_cast %add3A_914 : i32 to index
        %get3A_918 = arith.constant 0 : index
        %get3A_919 = tpu.vector_load %arg10[%get3A_916, %get3A_917, %get3A_918] {strides = array<i32>} : memref<4x200x64xf32, #tpu.memory_space<vmem>>, vector<16xf32>,
        %add3A_920 = arith.addf %add3A_892, %get3A_919 : vector<16xf32>
        %get3A_921 = arith.constant 1 : i32
        %get3A_922 = arith.index_cast %get3A_921 : i32 to index
        %get3A_923 = arith.index_cast %add3A_914 : i32 to index
        %get3A_924 = arith.constant 16 : index
        %get3A_925 = tpu.vector_load %arg10[%get3A_922, %get3A_923, %get3A_924] {strides = array<i32>} : memref<4x200x64xf32, #tpu.memory_space<vmem>>, vector<16xf32>,
        %add3A_926 = arith.addf %add3A_898, %get3A_925 : vector<16xf32>
        %get3A_927 = arith.constant 1 : i32
        %get3A_928 = arith.index_cast %get3A_927 : i32 to index
        %get3A_929 = arith.index_cast %add3A_914 : i32 to index
        %get3A_930 = arith.constant 32 : index
        %get3A_931 = tpu.vector_load %arg10[%get3A_928, %get3A_929, %get3A_930] {strides = array<i32>} : memref<4x200x64xf32, #tpu.memory_space<vmem>>, vector<16xf32>,
        %add3A_932 = arith.addf %add3A_904, %get3A_931 : vector<16xf32>
        %get3A_933 = arith.constant 1 : i32
        %get3A_934 = arith.index_cast %get3A_933 : i32 to index
        %get3A_935 = arith.index_cast %add3A_914 : i32 to index
        %get3A_936 = arith.constant 48 : index
        %get3A_937 = tpu.vector_load %arg10[%get3A_934, %get3A_935, %get3A_936] {strides = array<i32>} : memref<4x200x64xf32, #tpu.memory_space<vmem>>, vector<16xf32>,
        %add3A_938 = arith.addf %add3A_910, %get3A_937 : vector<16xf32>
        %mul3A_939 = arith.constant 8 : i32
        %mul3A_940 = arith.muli %scan3A_795, %mul3A_939 : i32
        %add3A_941 = arith.constant 5 : i32
        %add3A_942 = arith.addi %mul3A_940, %add3A_941 : i32
        %get3A_943 = arith.constant 1 : i32
        %get3A_944 = arith.index_cast %get3A_943 : i32 to index
        %get3A_945 = arith.index_cast %add3A_942 : i32 to index
        %get3A_946 = arith.constant 0 : index
        %get3A_947 = tpu.vector_load %arg10[%get3A_944, %get3A_945, %get3A_946] {strides = array<i32>} : memref<4x200x64xf32, #tpu.memory_space<vmem>>, vector<16xf32>,
        %add3A_948 = arith.addf %add3A_920, %get3A_947 : vector<16xf32>
        %get3A_949 = arith.constant 1 : i32
        %get3A_950 = arith.index_cast %get3A_949 : i32 to index
        %get3A_951 = arith.index_cast %add3A_942 : i32 to index
        %get3A_952 = arith.constant 16 : index
        %get3A_953 = tpu.vector_load %arg10[%get3A_950, %get3A_951, %get3A_952] {strides = array<i32>} : memref<4x200x64xf32, #tpu.memory_space<vmem>>, vector<16xf32>,
        %add3A_954 = arith.addf %add3A_926, %get3A_953 : vector<16xf32>
        %get3A_955 = arith.constant 1 : i32
        %get3A_956 = arith.index_cast %get3A_955 : i32 to index
        %get3A_957 = arith.index_cast %add3A_942 : i32 to index
        %get3A_958 = arith.constant 32 : index
        %get3A_959 = tpu.vector_load %arg10[%get3A_956, %get3A_957, %get3A_958] {strides = array<i32>} : memref<4x200x64xf32, #tpu.memory_space<vmem>>, vector<16xf32>,
        %add3A_960 = arith.addf %add3A_932, %get3A_959 : vector<16xf32>
        %get3A_961 = arith.constant 1 : i32
        %get3A_962 = arith.index_cast %get3A_961 : i32 to index
        %get3A_963 = arith.index_cast %add3A_942 : i32 to index
        %get3A_964 = arith.constant 48 : index
        %get3A_965 = tpu.vector_load %arg10[%get3A_962, %get3A_963, %get3A_964] {strides = array<i32>} : memref<4x200x64xf32, #tpu.memory_space<vmem>>, vector<16xf32>,
        %add3A_966 = arith.addf %add3A_938, %get3A_965 : vector<16xf32>
        %mul3A_967 = arith.constant 8 : i32
        %mul3A_968 = arith.muli %scan3A_795, %mul3A_967 : i32
        %add3A_969 = arith.constant 6 : i32
        %add3A_970 = arith.addi %mul3A_968, %add3A_969 : i32
        %get3A_971 = arith.constant 1 : i32
        %get3A_972 = arith.index_cast %get3A_971 : i32 to index
        %get3A_973 = arith.index_cast %add3A_970 : i32 to index
        %get3A_974 = arith.constant 0 : index
        %get3A_975 = tpu.vector_load %arg10[%get3A_972, %get3A_973, %get3A_974] {strides = array<i32>} : memref<4x200x64xf32, #tpu.memory_space<vmem>>, vector<16xf32>,
        %add3A_976 = arith.addf %add3A_948, %get3A_975 : vector<16xf32>
        %get3A_977 = arith.constant 1 : i32
        %get3A_978 = arith.index_cast %get3A_977 : i32 to index
        %get3A_979 = arith.index_cast %add3A_970 : i32 to index
        %get3A_980 = arith.constant 16 : index
        %get3A_981 = tpu.vector_load %arg10[%get3A_978, %get3A_979, %get3A_980] {strides = array<i32>} : memref<4x200x64xf32, #tpu.memory_space<vmem>>, vector<16xf32>,
        %add3A_982 = arith.addf %add3A_954, %get3A_981 : vector<16xf32>
        %get3A_983 = arith.constant 1 : i32
        %get3A_984 = arith.index_cast %get3A_983 : i32 to index
        %get3A_985 = arith.index_cast %add3A_970 : i32 to index
        %get3A_986 = arith.constant 32 : index
        %get3A_987 = tpu.vector_load %arg10[%get3A_984, %get3A_985, %get3A_986] {strides = array<i32>} : memref<4x200x64xf32, #tpu.memory_space<vmem>>, vector<16xf32>,
        %add3A_988 = arith.addf %add3A_960, %get3A_987 : vector<16xf32>
        %get3A_989 = arith.constant 1 : i32
        %get3A_990 = arith.index_cast %get3A_989 : i32 to index
        %get3A_991 = arith.index_cast %add3A_970 : i32 to index
        %get3A_992 = arith.constant 48 : index
        %get3A_993 = tpu.vector_load %arg10[%get3A_990, %get3A_991, %get3A_992] {strides = array<i32>} : memref<4x200x64xf32, #tpu.memory_space<vmem>>, vector<16xf32>,
        %add3A_994 = arith.addf %add3A_966, %get3A_993 : vector<16xf32>
        %mul3A_995 = arith.constant 8 : i32
        %mul3A_996 = arith.muli %scan3A_795, %mul3A_995 : i32
        %add3A_997 = arith.constant 7 : i32
        %add3A_998 = arith.addi %mul3A_996, %add3A_997 : i32
        %get3A_999 = arith.constant 1 : i32
        %get3A_1000 = arith.index_cast %get3A_999 : i32 to index
        %get3A_1001 = arith.index_cast %add3A_998 : i32 to index
        %get3A_1002 = arith.constant 0 : index
        %get3A_1003 = tpu.vector_load %arg10[%get3A_1000, %get3A_1001, %get3A_1002] {strides = array<i32>} : memref<4x200x64xf32, #tpu.memory_space<vmem>>, vector<16xf32>,
        %add3A_1004 = arith.addf %add3A_976, %get3A_1003 : vector<16xf32>
        %get3A_1005 = arith.constant 1 : i32
        %get3A_1006 = arith.index_cast %get3A_1005 : i32 to index
        %get3A_1007 = arith.index_cast %add3A_998 : i32 to index
        %get3A_1008 = arith.constant 16 : index
        %get3A_1009 = tpu.vector_load %arg10[%get3A_1006, %get3A_1007, %get3A_1008] {strides = array<i32>} : memref<4x200x64xf32, #tpu.memory_space<vmem>>, vector<16xf32>,
        %add3A_1010 = arith.addf %add3A_982, %get3A_1009 : vector<16xf32>
        %get3A_1011 = arith.constant 1 : i32
        %get3A_1012 = arith.index_cast %get3A_1011 : i32 to index
        %get3A_1013 = arith.index_cast %add3A_998 : i32 to index
        %get3A_1014 = arith.constant 32 : index
        %get3A_1015 = tpu.vector_load %arg10[%get3A_1012, %get3A_1013, %get3A_1014] {strides = array<i32>} : memref<4x200x64xf32, #tpu.memory_space<vmem>>, vector<16xf32>,
        %add3A_1016 = arith.addf %add3A_988, %get3A_1015 : vector<16xf32>
        %get3A_1017 = arith.constant 1 : i32
        %get3A_1018 = arith.index_cast %get3A_1017 : i32 to index
        %get3A_1019 = arith.index_cast %add3A_998 : i32 to index
        %get3A_1020 = arith.constant 48 : index
        %get3A_1021 = tpu.vector_load %arg10[%get3A_1018, %get3A_1019, %get3A_1020] {strides = array<i32>} : memref<4x200x64xf32, #tpu.memory_space<vmem>>, vector<16xf32>,
        %add3A_1022 = arith.addf %add3A_994, %get3A_1021 : vector<16xf32>
        scf.yield %add3A_1004, %add3A_1010, %add3A_1016, %add3A_1022 : vector<16xf32>, vector<16xf32>, vector<16xf32>, vector<16xf32>
      }
      %scan3A_374 = arith.constant 25 : i32
      %swap3A_375 = arith.constant 1 : i32
      %swap3A_376 = arith.index_cast %swap3A_375 : i32 to index
      %swap3A_377 = arith.constant 0 : index
      %swap3A_378 = tpu.vector_load %arg12[%swap3A_376, %swap3A_377] {strides = array<i32>} : memref<4x64xf32, #tpu.memory_space<vmem>>, vector<16xf32>,
      tpu.vector_store %arg12[%swap3A_376, %swap3A_377], %scan3A_373#0 {strides = array<i32>} : memref<4x64xf32, #tpu.memory_space<vmem>>, vector<16xf32>,
      %swap3A_379 = arith.constant 1 : i32
      %swap3A_380 = arith.index_cast %swap3A_379 : i32 to index
      %swap3A_381 = arith.constant 16 : index
      %swap3A_382 = tpu.vector_load %arg12[%swap3A_380, %swap3A_381] {strides = array<i32>} : memref<4x64xf32, #tpu.memory_space<vmem>>, vector<16xf32>,
      tpu.vector_store %arg12[%swap3A_380, %swap3A_381], %scan3A_373#1 {strides = array<i32>} : memref<4x64xf32, #tpu.memory_space<vmem>>, vector<16xf32>,
      %swap3A_383 = arith.constant 1 : i32
      %swap3A_384 = arith.index_cast %swap3A_383 : i32 to index
      %swap3A_385 = arith.constant 32 : index
      %swap3A_386 = tpu.vector_load %arg12[%swap3A_384, %swap3A_385] {strides = array<i32>} : memref<4x64xf32, #tpu.memory_space<vmem>>, vector<16xf32>,
      tpu.vector_store %arg12[%swap3A_384, %swap3A_385], %scan3A_373#2 {strides = array<i32>} : memref<4x64xf32, #tpu.memory_space<vmem>>, vector<16xf32>,
      %swap3A_387 = arith.constant 1 : i32
      %swap3A_388 = arith.index_cast %swap3A_387 : i32 to index
      %swap3A_389 = arith.constant 48 : index
      %swap3A_390 = tpu.vector_load %arg12[%swap3A_388, %swap3A_389] {strides = array<i32>} : memref<4x64xf32, #tpu.memory_space<vmem>>, vector<16xf32>,
      tpu.vector_store %arg12[%swap3A_388, %swap3A_389], %scan3A_373#3 {strides = array<i32>} : memref<4x64xf32, #tpu.memory_space<vmem>>, vector<16xf32>,
      %broadcast_in_dim3A_391 = arith.constant 0.000000e+00 : f32
      %broadcast_in_dim3A_392 = vector.broadcast %broadcast_in_dim3A_391 : f32 to vector<16xf32>
      %scan3A_393 = arith.constant 0 : i32
      %scan3A_394 = arith.constant 25 : i32
      %scan3A_395 = arith.addi %scan3A_393, %scan3A_394 : i32
      %scan3A_396 = arith.constant 1 : i32
      %scan3A_397:4 = scf.for %scan3A_795 = %scan3A_393 to %scan3A_395 step %scan3A_396 iter_args(%scan3A_796 = %broadcast_in_dim3A_392, %scan3A_797 = %broadcast_in_dim3A_392, %scan3A_798 = %broadcast_in_dim3A_392, %scan3A_799 = %broadcast_in_dim3A_392) -> (vector<16xf32>, vector<16xf32>, vector<16xf32>, vector<16xf32>)  : i32 {
        %mul3A_800 = arith.constant 8 : i32
        %mul3A_801 = arith.muli %scan3A_795, %mul3A_800 : i32
        %add3A_802 = arith.constant 0 : i32
        %add3A_803 = arith.addi %mul3A_801, %add3A_802 : i32
        %get3A = arith.constant 2 : i32
        %get3A_804 = arith.index_cast %get3A : i32 to index
        %get3A_805 = arith.index_cast %add3A_803 : i32 to index
        %get3A_806 = arith.constant 0 : index
        %get3A_807 = tpu.vector_load %arg10[%get3A_804, %get3A_805, %get3A_806] {strides = array<i32>} : memref<4x200x64xf32, #tpu.memory_space<vmem>>, vector<16xf32>,
        %add3A_808 = arith.addf %scan3A_796, %get3A_807 : vector<16xf32>
        %get3A_809 = arith.constant 2 : i32
        %get3A_810 = arith.index_cast %get3A_809 : i32 to index
        %get3A_811 = arith.index_cast %add3A_803 : i32 to index
        %get3A_812 = arith.constant 16 : index
        %get3A_813 = tpu.vector_load %arg10[%get3A_810, %get3A_811, %get3A_812] {strides = array<i32>} : memref<4x200x64xf32, #tpu.memory_space<vmem>>, vector<16xf32>,
        %add3A_814 = arith.addf %scan3A_797, %get3A_813 : vector<16xf32>
        %get3A_815 = arith.constant 2 : i32
        %get3A_816 = arith.index_cast %get3A_815 : i32 to index
        %get3A_817 = arith.index_cast %add3A_803 : i32 to index
        %get3A_818 = arith.constant 32 : index
        %get3A_819 = tpu.vector_load %arg10[%get3A_816, %get3A_817, %get3A_818] {strides = array<i32>} : memref<4x200x64xf32, #tpu.memory_space<vmem>>, vector<16xf32>,
        %add3A_820 = arith.addf %scan3A_798, %get3A_819 : vector<16xf32>
        %get3A_821 = arith.constant 2 : i32
        %get3A_822 = arith.index_cast %get3A_821 : i32 to index
        %get3A_823 = arith.index_cast %add3A_803 : i32 to index
        %get3A_824 = arith.constant 48 : index
        %get3A_825 = tpu.vector_load %arg10[%get3A_822, %get3A_823, %get3A_824] {strides = array<i32>} : memref<4x200x64xf32, #tpu.memory_space<vmem>>, vector<16xf32>,
        %add3A_826 = arith.addf %scan3A_799, %get3A_825 : vector<16xf32>
        %mul3A_827 = arith.constant 8 : i32
        %mul3A_828 = arith.muli %scan3A_795, %mul3A_827 : i32
        %add3A_829 = arith.constant 1 : i32
        %add3A_830 = arith.addi %mul3A_828, %add3A_829 : i32
        %get3A_831 = arith.constant 2 : i32
        %get3A_832 = arith.index_cast %get3A_831 : i32 to index
        %get3A_833 = arith.index_cast %add3A_830 : i32 to index
        %get3A_834 = arith.constant 0 : index
        %get3A_835 = tpu.vector_load %arg10[%get3A_832, %get3A_833, %get3A_834] {strides = array<i32>} : memref<4x200x64xf32, #tpu.memory_space<vmem>>, vector<16xf32>,
        %add3A_836 = arith.addf %add3A_808, %get3A_835 : vector<16xf32>
        %get3A_837 = arith.constant 2 : i32
        %get3A_838 = arith.index_cast %get3A_837 : i32 to index
        %get3A_839 = arith.index_cast %add3A_830 : i32 to index
        %get3A_840 = arith.constant 16 : index
        %get3A_841 = tpu.vector_load %arg10[%get3A_838, %get3A_839, %get3A_840] {strides = array<i32>} : memref<4x200x64xf32, #tpu.memory_space<vmem>>, vector<16xf32>,
        %add3A_842 = arith.addf %add3A_814, %get3A_841 : vector<16xf32>
        %get3A_843 = arith.constant 2 : i32
        %get3A_844 = arith.index_cast %get3A_843 : i32 to index
        %get3A_845 = arith.index_cast %add3A_830 : i32 to index
        %get3A_846 = arith.constant 32 : index
        %get3A_847 = tpu.vector_load %arg10[%get3A_844, %get3A_845, %get3A_846] {strides = array<i32>} : memref<4x200x64xf32, #tpu.memory_space<vmem>>, vector<16xf32>,
        %add3A_848 = arith.addf %add3A_820, %get3A_847 : vector<16xf32>
        %get3A_849 = arith.constant 2 : i32
        %get3A_850 = arith.index_cast %get3A_849 : i32 to index
        %get3A_851 = arith.index_cast %add3A_830 : i32 to index
        %get3A_852 = arith.constant 48 : index
        %get3A_853 = tpu.vector_load %arg10[%get3A_850, %get3A_851, %get3A_852] {strides = array<i32>} : memref<4x200x64xf32, #tpu.memory_space<vmem>>, vector<16xf32>,
        %add3A_854 = arith.addf %add3A_826, %get3A_853 : vector<16xf32>
        %mul3A_855 = arith.constant 8 : i32
        %mul3A_856 = arith.muli %scan3A_795, %mul3A_855 : i32
        %add3A_857 = arith.constant 2 : i32
        %add3A_858 = arith.addi %mul3A_856, %add3A_857 : i32
        %get3A_859 = arith.constant 2 : i32
        %get3A_860 = arith.index_cast %get3A_859 : i32 to index
        %get3A_861 = arith.index_cast %add3A_858 : i32 to index
        %get3A_862 = arith.constant 0 : index
        %get3A_863 = tpu.vector_load %arg10[%get3A_860, %get3A_861, %get3A_862] {strides = array<i32>} : memref<4x200x64xf32, #tpu.memory_space<vmem>>, vector<16xf32>,
        %add3A_864 = arith.addf %add3A_836, %get3A_863 : vector<16xf32>
        %get3A_865 = arith.constant 2 : i32
        %get3A_866 = arith.index_cast %get3A_865 : i32 to index
        %get3A_867 = arith.index_cast %add3A_858 : i32 to index
        %get3A_868 = arith.constant 16 : index
        %get3A_869 = tpu.vector_load %arg10[%get3A_866, %get3A_867, %get3A_868] {strides = array<i32>} : memref<4x200x64xf32, #tpu.memory_space<vmem>>, vector<16xf32>,
        %add3A_870 = arith.addf %add3A_842, %get3A_869 : vector<16xf32>
        %get3A_871 = arith.constant 2 : i32
        %get3A_872 = arith.index_cast %get3A_871 : i32 to index
        %get3A_873 = arith.index_cast %add3A_858 : i32 to index
        %get3A_874 = arith.constant 32 : index
        %get3A_875 = tpu.vector_load %arg10[%get3A_872, %get3A_873, %get3A_874] {strides = array<i32>} : memref<4x200x64xf32, #tpu.memory_space<vmem>>, vector<16xf32>,
        %add3A_876 = arith.addf %add3A_848, %get3A_875 : vector<16xf32>
        %get3A_877 = arith.constant 2 : i32
        %get3A_878 = arith.index_cast %get3A_877 : i32 to index
        %get3A_879 = arith.index_cast %add3A_858 : i32 to index
        %get3A_880 = arith.constant 48 : index
        %get3A_881 = tpu.vector_load %arg10[%get3A_878, %get3A_879, %get3A_880] {strides = array<i32>} : memref<4x200x64xf32, #tpu.memory_space<vmem>>, vector<16xf32>,
        %add3A_882 = arith.addf %add3A_854, %get3A_881 : vector<16xf32>
        %mul3A_883 = arith.constant 8 : i32
        %mul3A_884 = arith.muli %scan3A_795, %mul3A_883 : i32
        %add3A_885 = arith.constant 3 : i32
        %add3A_886 = arith.addi %mul3A_884, %add3A_885 : i32
        %get3A_887 = arith.constant 2 : i32
        %get3A_888 = arith.index_cast %get3A_887 : i32 to index
        %get3A_889 = arith.index_cast %add3A_886 : i32 to index
        %get3A_890 = arith.constant 0 : index
        %get3A_891 = tpu.vector_load %arg10[%get3A_888, %get3A_889, %get3A_890] {strides = array<i32>} : memref<4x200x64xf32, #tpu.memory_space<vmem>>, vector<16xf32>,
        %add3A_892 = arith.addf %add3A_864, %get3A_891 : vector<16xf32>
        %get3A_893 = arith.constant 2 : i32
        %get3A_894 = arith.index_cast %get3A_893 : i32 to index
        %get3A_895 = arith.index_cast %add3A_886 : i32 to index
        %get3A_896 = arith.constant 16 : index
        %get3A_897 = tpu.vector_load %arg10[%get3A_894, %get3A_895, %get3A_896] {strides = array<i32>} : memref<4x200x64xf32, #tpu.memory_space<vmem>>, vector<16xf32>,
        %add3A_898 = arith.addf %add3A_870, %get3A_897 : vector<16xf32>
        %get3A_899 = arith.constant 2 : i32
        %get3A_900 = arith.index_cast %get3A_899 : i32 to index
        %get3A_901 = arith.index_cast %add3A_886 : i32 to index
        %get3A_902 = arith.constant 32 : index
        %get3A_903 = tpu.vector_load %arg10[%get3A_900, %get3A_901, %get3A_902] {strides = array<i32>} : memref<4x200x64xf32, #tpu.memory_space<vmem>>, vector<16xf32>,
        %add3A_904 = arith.addf %add3A_876, %get3A_903 : vector<16xf32>
        %get3A_905 = arith.constant 2 : i32
        %get3A_906 = arith.index_cast %get3A_905 : i32 to index
        %get3A_907 = arith.index_cast %add3A_886 : i32 to index
        %get3A_908 = arith.constant 48 : index
        %get3A_909 = tpu.vector_load %arg10[%get3A_906, %get3A_907, %get3A_908] {strides = array<i32>} : memref<4x200x64xf32, #tpu.memory_space<vmem>>, vector<16xf32>,
        %add3A_910 = arith.addf %add3A_882, %get3A_909 : vector<16xf32>
        %mul3A_911 = arith.constant 8 : i32
        %mul3A_912 = arith.muli %scan3A_795, %mul3A_911 : i32
        %add3A_913 = arith.constant 4 : i32
        %add3A_914 = arith.addi %mul3A_912, %add3A_913 : i32
        %get3A_915 = arith.constant 2 : i32
        %get3A_916 = arith.index_cast %get3A_915 : i32 to index
        %get3A_917 = arith.index_cast %add3A_914 : i32 to index
        %get3A_918 = arith.constant 0 : index
        %get3A_919 = tpu.vector_load %arg10[%get3A_916, %get3A_917, %get3A_918] {strides = array<i32>} : memref<4x200x64xf32, #tpu.memory_space<vmem>>, vector<16xf32>,
        %add3A_920 = arith.addf %add3A_892, %get3A_919 : vector<16xf32>
        %get3A_921 = arith.constant 2 : i32
        %get3A_922 = arith.index_cast %get3A_921 : i32 to index
        %get3A_923 = arith.index_cast %add3A_914 : i32 to index
        %get3A_924 = arith.constant 16 : index
        %get3A_925 = tpu.vector_load %arg10[%get3A_922, %get3A_923, %get3A_924] {strides = array<i32>} : memref<4x200x64xf32, #tpu.memory_space<vmem>>, vector<16xf32>,
        %add3A_926 = arith.addf %add3A_898, %get3A_925 : vector<16xf32>
        %get3A_927 = arith.constant 2 : i32
        %get3A_928 = arith.index_cast %get3A_927 : i32 to index
        %get3A_929 = arith.index_cast %add3A_914 : i32 to index
        %get3A_930 = arith.constant 32 : index
        %get3A_931 = tpu.vector_load %arg10[%get3A_928, %get3A_929, %get3A_930] {strides = array<i32>} : memref<4x200x64xf32, #tpu.memory_space<vmem>>, vector<16xf32>,
        %add3A_932 = arith.addf %add3A_904, %get3A_931 : vector<16xf32>
        %get3A_933 = arith.constant 2 : i32
        %get3A_934 = arith.index_cast %get3A_933 : i32 to index
        %get3A_935 = arith.index_cast %add3A_914 : i32 to index
        %get3A_936 = arith.constant 48 : index
        %get3A_937 = tpu.vector_load %arg10[%get3A_934, %get3A_935, %get3A_936] {strides = array<i32>} : memref<4x200x64xf32, #tpu.memory_space<vmem>>, vector<16xf32>,
        %add3A_938 = arith.addf %add3A_910, %get3A_937 : vector<16xf32>
        %mul3A_939 = arith.constant 8 : i32
        %mul3A_940 = arith.muli %scan3A_795, %mul3A_939 : i32
        %add3A_941 = arith.constant 5 : i32
        %add3A_942 = arith.addi %mul3A_940, %add3A_941 : i32
        %get3A_943 = arith.constant 2 : i32
        %get3A_944 = arith.index_cast %get3A_943 : i32 to index
        %get3A_945 = arith.index_cast %add3A_942 : i32 to index
        %get3A_946 = arith.constant 0 : index
        %get3A_947 = tpu.vector_load %arg10[%get3A_944, %get3A_945, %get3A_946] {strides = array<i32>} : memref<4x200x64xf32, #tpu.memory_space<vmem>>, vector<16xf32>,
        %add3A_948 = arith.addf %add3A_920, %get3A_947 : vector<16xf32>
        %get3A_949 = arith.constant 2 : i32
        %get3A_950 = arith.index_cast %get3A_949 : i32 to index
        %get3A_951 = arith.index_cast %add3A_942 : i32 to index
        %get3A_952 = arith.constant 16 : index
        %get3A_953 = tpu.vector_load %arg10[%get3A_950, %get3A_951, %get3A_952] {strides = array<i32>} : memref<4x200x64xf32, #tpu.memory_space<vmem>>, vector<16xf32>,
        %add3A_954 = arith.addf %add3A_926, %get3A_953 : vector<16xf32>
        %get3A_955 = arith.constant 2 : i32
        %get3A_956 = arith.index_cast %get3A_955 : i32 to index
        %get3A_957 = arith.index_cast %add3A_942 : i32 to index
        %get3A_958 = arith.constant 32 : index
        %get3A_959 = tpu.vector_load %arg10[%get3A_956, %get3A_957, %get3A_958] {strides = array<i32>} : memref<4x200x64xf32, #tpu.memory_space<vmem>>, vector<16xf32>,
        %add3A_960 = arith.addf %add3A_932, %get3A_959 : vector<16xf32>
        %get3A_961 = arith.constant 2 : i32
        %get3A_962 = arith.index_cast %get3A_961 : i32 to index
        %get3A_963 = arith.index_cast %add3A_942 : i32 to index
        %get3A_964 = arith.constant 48 : index
        %get3A_965 = tpu.vector_load %arg10[%get3A_962, %get3A_963, %get3A_964] {strides = array<i32>} : memref<4x200x64xf32, #tpu.memory_space<vmem>>, vector<16xf32>,
        %add3A_966 = arith.addf %add3A_938, %get3A_965 : vector<16xf32>
        %mul3A_967 = arith.constant 8 : i32
        %mul3A_968 = arith.muli %scan3A_795, %mul3A_967 : i32
        %add3A_969 = arith.constant 6 : i32
        %add3A_970 = arith.addi %mul3A_968, %add3A_969 : i32
        %get3A_971 = arith.constant 2 : i32
        %get3A_972 = arith.index_cast %get3A_971 : i32 to index
        %get3A_973 = arith.index_cast %add3A_970 : i32 to index
        %get3A_974 = arith.constant 0 : index
        %get3A_975 = tpu.vector_load %arg10[%get3A_972, %get3A_973, %get3A_974] {strides = array<i32>} : memref<4x200x64xf32, #tpu.memory_space<vmem>>, vector<16xf32>,
        %add3A_976 = arith.addf %add3A_948, %get3A_975 : vector<16xf32>
        %get3A_977 = arith.constant 2 : i32
        %get3A_978 = arith.index_cast %get3A_977 : i32 to index
        %get3A_979 = arith.index_cast %add3A_970 : i32 to index
        %get3A_980 = arith.constant 16 : index
        %get3A_981 = tpu.vector_load %arg10[%get3A_978, %get3A_979, %get3A_980] {strides = array<i32>} : memref<4x200x64xf32, #tpu.memory_space<vmem>>, vector<16xf32>,
        %add3A_982 = arith.addf %add3A_954, %get3A_981 : vector<16xf32>
        %get3A_983 = arith.constant 2 : i32
        %get3A_984 = arith.index_cast %get3A_983 : i32 to index
        %get3A_985 = arith.index_cast %add3A_970 : i32 to index
        %get3A_986 = arith.constant 32 : index
        %get3A_987 = tpu.vector_load %arg10[%get3A_984, %get3A_985, %get3A_986] {strides = array<i32>} : memref<4x200x64xf32, #tpu.memory_space<vmem>>, vector<16xf32>,
        %add3A_988 = arith.addf %add3A_960, %get3A_987 : vector<16xf32>
        %get3A_989 = arith.constant 2 : i32
        %get3A_990 = arith.index_cast %get3A_989 : i32 to index
        %get3A_991 = arith.index_cast %add3A_970 : i32 to index
        %get3A_992 = arith.constant 48 : index
        %get3A_993 = tpu.vector_load %arg10[%get3A_990, %get3A_991, %get3A_992] {strides = array<i32>} : memref<4x200x64xf32, #tpu.memory_space<vmem>>, vector<16xf32>,
        %add3A_994 = arith.addf %add3A_966, %get3A_993 : vector<16xf32>
        %mul3A_995 = arith.constant 8 : i32
        %mul3A_996 = arith.muli %scan3A_795, %mul3A_995 : i32
        %add3A_997 = arith.constant 7 : i32
        %add3A_998 = arith.addi %mul3A_996, %add3A_997 : i32
        %get3A_999 = arith.constant 2 : i32
        %get3A_1000 = arith.index_cast %get3A_999 : i32 to index
        %get3A_1001 = arith.index_cast %add3A_998 : i32 to index
        %get3A_1002 = arith.constant 0 : index
        %get3A_1003 = tpu.vector_load %arg10[%get3A_1000, %get3A_1001, %get3A_1002] {strides = array<i32>} : memref<4x200x64xf32, #tpu.memory_space<vmem>>, vector<16xf32>,
        %add3A_1004 = arith.addf %add3A_976, %get3A_1003 : vector<16xf32>
        %get3A_1005 = arith.constant 2 : i32
        %get3A_1006 = arith.index_cast %get3A_1005 : i32 to index
        %get3A_1007 = arith.index_cast %add3A_998 : i32 to index
        %get3A_1008 = arith.constant 16 : index
        %get3A_1009 = tpu.vector_load %arg10[%get3A_1006, %get3A_1007, %get3A_1008] {strides = array<i32>} : memref<4x200x64xf32, #tpu.memory_space<vmem>>, vector<16xf32>,
        %add3A_1010 = arith.addf %add3A_982, %get3A_1009 : vector<16xf32>
        %get3A_1011 = arith.constant 2 : i32
        %get3A_1012 = arith.index_cast %get3A_1011 : i32 to index
        %get3A_1013 = arith.index_cast %add3A_998 : i32 to index
        %get3A_1014 = arith.constant 32 : index
        %get3A_1015 = tpu.vector_load %arg10[%get3A_1012, %get3A_1013, %get3A_1014] {strides = array<i32>} : memref<4x200x64xf32, #tpu.memory_space<vmem>>, vector<16xf32>,
        %add3A_1016 = arith.addf %add3A_988, %get3A_1015 : vector<16xf32>
        %get3A_1017 = arith.constant 2 : i32
        %get3A_1018 = arith.index_cast %get3A_1017 : i32 to index
        %get3A_1019 = arith.index_cast %add3A_998 : i32 to index
        %get3A_1020 = arith.constant 48 : index
        %get3A_1021 = tpu.vector_load %arg10[%get3A_1018, %get3A_1019, %get3A_1020] {strides = array<i32>} : memref<4x200x64xf32, #tpu.memory_space<vmem>>, vector<16xf32>,
        %add3A_1022 = arith.addf %add3A_994, %get3A_1021 : vector<16xf32>
        scf.yield %add3A_1004, %add3A_1010, %add3A_1016, %add3A_1022 : vector<16xf32>, vector<16xf32>, vector<16xf32>, vector<16xf32>
      }
      %scan3A_398 = arith.constant 25 : i32
      %swap3A_399 = arith.constant 2 : i32
      %swap3A_400 = arith.index_cast %swap3A_399 : i32 to index
      %swap3A_401 = arith.constant 0 : index
      %swap3A_402 = tpu.vector_load %arg12[%swap3A_400, %swap3A_401] {strides = array<i32>} : memref<4x64xf32, #tpu.memory_space<vmem>>, vector<16xf32>,
      tpu.vector_store %arg12[%swap3A_400, %swap3A_401], %scan3A_397#0 {strides = array<i32>} : memref<4x64xf32, #tpu.memory_space<vmem>>, vector<16xf32>,
      %swap3A_403 = arith.constant 2 : i32
      %swap3A_404 = arith.index_cast %swap3A_403 : i32 to index
      %swap3A_405 = arith.constant 16 : index
      %swap3A_406 = tpu.vector_load %arg12[%swap3A_404, %swap3A_405] {strides = array<i32>} : memref<4x64xf32, #tpu.memory_space<vmem>>, vector<16xf32>,
      tpu.vector_store %arg12[%swap3A_404, %swap3A_405], %scan3A_397#1 {strides = array<i32>} : memref<4x64xf32, #tpu.memory_space<vmem>>, vector<16xf32>,
      %swap3A_407 = arith.constant 2 : i32
      %swap3A_408 = arith.index_cast %swap3A_407 : i32 to index
      %swap3A_409 = arith.constant 32 : index
      %swap3A_410 = tpu.vector_load %arg12[%swap3A_408, %swap3A_409] {strides = array<i32>} : memref<4x64xf32, #tpu.memory_space<vmem>>, vector<16xf32>,
      tpu.vector_store %arg12[%swap3A_408, %swap3A_409], %scan3A_397#2 {strides = array<i32>} : memref<4x64xf32, #tpu.memory_space<vmem>>, vector<16xf32>,
      %swap3A_411 = arith.constant 2 : i32
      %swap3A_412 = arith.index_cast %swap3A_411 : i32 to index
      %swap3A_413 = arith.constant 48 : index
      %swap3A_414 = tpu.vector_load %arg12[%swap3A_412, %swap3A_413] {strides = array<i32>} : memref<4x64xf32, #tpu.memory_space<vmem>>, vector<16xf32>,
      tpu.vector_store %arg12[%swap3A_412, %swap3A_413], %scan3A_397#3 {strides = array<i32>} : memref<4x64xf32, #tpu.memory_space<vmem>>, vector<16xf32>,
      %broadcast_in_dim3A_415 = arith.constant 0.000000e+00 : f32
      %broadcast_in_dim3A_416 = vector.broadcast %broadcast_in_dim3A_415 : f32 to vector<16xf32>
      %scan3A_417 = arith.constant 0 : i32
      %scan3A_418 = arith.constant 25 : i32
      %scan3A_419 = arith.addi %scan3A_417, %scan3A_418 : i32
      %scan3A_420 = arith.constant 1 : i32
      %scan3A_421:4 = scf.for %scan3A_795 = %scan3A_417 to %scan3A_419 step %scan3A_420 iter_args(%scan3A_796 = %broadcast_in_dim3A_416, %scan3A_797 = %broadcast_in_dim3A_416, %scan3A_798 = %broadcast_in_dim3A_416, %scan3A_799 = %broadcast_in_dim3A_416) -> (vector<16xf32>, vector<16xf32>, vector<16xf32>, vector<16xf32>)  : i32 {
        %mul3A_800 = arith.constant 8 : i32
        %mul3A_801 = arith.muli %scan3A_795, %mul3A_800 : i32
        %add3A_802 = arith.constant 0 : i32
        %add3A_803 = arith.addi %mul3A_801, %add3A_802 : i32
        %get3A = arith.constant 3 : i32
        %get3A_804 = arith.index_cast %get3A : i32 to index
        %get3A_805 = arith.index_cast %add3A_803 : i32 to index
        %get3A_806 = arith.constant 0 : index
        %get3A_807 = tpu.vector_load %arg10[%get3A_804, %get3A_805, %get3A_806] {strides = array<i32>} : memref<4x200x64xf32, #tpu.memory_space<vmem>>, vector<16xf32>,
        %add3A_808 = arith.addf %scan3A_796, %get3A_807 : vector<16xf32>
        %get3A_809 = arith.constant 3 : i32
        %get3A_810 = arith.index_cast %get3A_809 : i32 to index
        %get3A_811 = arith.index_cast %add3A_803 : i32 to index
        %get3A_812 = arith.constant 16 : index
        %get3A_813 = tpu.vector_load %arg10[%get3A_810, %get3A_811, %get3A_812] {strides = array<i32>} : memref<4x200x64xf32, #tpu.memory_space<vmem>>, vector<16xf32>,
        %add3A_814 = arith.addf %scan3A_797, %get3A_813 : vector<16xf32>
        %get3A_815 = arith.constant 3 : i32
        %get3A_816 = arith.index_cast %get3A_815 : i32 to index
        %get3A_817 = arith.index_cast %add3A_803 : i32 to index
        %get3A_818 = arith.constant 32 : index
        %get3A_819 = tpu.vector_load %arg10[%get3A_816, %get3A_817, %get3A_818] {strides = array<i32>} : memref<4x200x64xf32, #tpu.memory_space<vmem>>, vector<16xf32>,
        %add3A_820 = arith.addf %scan3A_798, %get3A_819 : vector<16xf32>
        %get3A_821 = arith.constant 3 : i32
        %get3A_822 = arith.index_cast %get3A_821 : i32 to index
        %get3A_823 = arith.index_cast %add3A_803 : i32 to index
        %get3A_824 = arith.constant 48 : index
        %get3A_825 = tpu.vector_load %arg10[%get3A_822, %get3A_823, %get3A_824] {strides = array<i32>} : memref<4x200x64xf32, #tpu.memory_space<vmem>>, vector<16xf32>,
        %add3A_826 = arith.addf %scan3A_799, %get3A_825 : vector<16xf32>
        %mul3A_827 = arith.constant 8 : i32
        %mul3A_828 = arith.muli %scan3A_795, %mul3A_827 : i32
        %add3A_829 = arith.constant 1 : i32
        %add3A_830 = arith.addi %mul3A_828, %add3A_829 : i32
        %get3A_831 = arith.constant 3 : i32
        %get3A_832 = arith.index_cast %get3A_831 : i32 to index
        %get3A_833 = arith.index_cast %add3A_830 : i32 to index
        %get3A_834 = arith.constant 0 : index
        %get3A_835 = tpu.vector_load %arg10[%get3A_832, %get3A_833, %get3A_834] {strides = array<i32>} : memref<4x200x64xf32, #tpu.memory_space<vmem>>, vector<16xf32>,
        %add3A_836 = arith.addf %add3A_808, %get3A_835 : vector<16xf32>
        %get3A_837 = arith.constant 3 : i32
        %get3A_838 = arith.index_cast %get3A_837 : i32 to index
        %get3A_839 = arith.index_cast %add3A_830 : i32 to index
        %get3A_840 = arith.constant 16 : index
        %get3A_841 = tpu.vector_load %arg10[%get3A_838, %get3A_839, %get3A_840] {strides = array<i32>} : memref<4x200x64xf32, #tpu.memory_space<vmem>>, vector<16xf32>,
        %add3A_842 = arith.addf %add3A_814, %get3A_841 : vector<16xf32>
        %get3A_843 = arith.constant 3 : i32
        %get3A_844 = arith.index_cast %get3A_843 : i32 to index
        %get3A_845 = arith.index_cast %add3A_830 : i32 to index
        %get3A_846 = arith.constant 32 : index
        %get3A_847 = tpu.vector_load %arg10[%get3A_844, %get3A_845, %get3A_846] {strides = array<i32>} : memref<4x200x64xf32, #tpu.memory_space<vmem>>, vector<16xf32>,
        %add3A_848 = arith.addf %add3A_820, %get3A_847 : vector<16xf32>
        %get3A_849 = arith.constant 3 : i32
        %get3A_850 = arith.index_cast %get3A_849 : i32 to index
        %get3A_851 = arith.index_cast %add3A_830 : i32 to index
        %get3A_852 = arith.constant 48 : index
        %get3A_853 = tpu.vector_load %arg10[%get3A_850, %get3A_851, %get3A_852] {strides = array<i32>} : memref<4x200x64xf32, #tpu.memory_space<vmem>>, vector<16xf32>,
        %add3A_854 = arith.addf %add3A_826, %get3A_853 : vector<16xf32>
        %mul3A_855 = arith.constant 8 : i32
        %mul3A_856 = arith.muli %scan3A_795, %mul3A_855 : i32
        %add3A_857 = arith.constant 2 : i32
        %add3A_858 = arith.addi %mul3A_856, %add3A_857 : i32
        %get3A_859 = arith.constant 3 : i32
        %get3A_860 = arith.index_cast %get3A_859 : i32 to index
        %get3A_861 = arith.index_cast %add3A_858 : i32 to index
        %get3A_862 = arith.constant 0 : index
        %get3A_863 = tpu.vector_load %arg10[%get3A_860, %get3A_861, %get3A_862] {strides = array<i32>} : memref<4x200x64xf32, #tpu.memory_space<vmem>>, vector<16xf32>,
        %add3A_864 = arith.addf %add3A_836, %get3A_863 : vector<16xf32>
        %get3A_865 = arith.constant 3 : i32
        %get3A_866 = arith.index_cast %get3A_865 : i32 to index
        %get3A_867 = arith.index_cast %add3A_858 : i32 to index
        %get3A_868 = arith.constant 16 : index
        %get3A_869 = tpu.vector_load %arg10[%get3A_866, %get3A_867, %get3A_868] {strides = array<i32>} : memref<4x200x64xf32, #tpu.memory_space<vmem>>, vector<16xf32>,
        %add3A_870 = arith.addf %add3A_842, %get3A_869 : vector<16xf32>
        %get3A_871 = arith.constant 3 : i32
        %get3A_872 = arith.index_cast %get3A_871 : i32 to index
        %get3A_873 = arith.index_cast %add3A_858 : i32 to index
        %get3A_874 = arith.constant 32 : index
        %get3A_875 = tpu.vector_load %arg10[%get3A_872, %get3A_873, %get3A_874] {strides = array<i32>} : memref<4x200x64xf32, #tpu.memory_space<vmem>>, vector<16xf32>,
        %add3A_876 = arith.addf %add3A_848, %get3A_875 : vector<16xf32>
        %get3A_877 = arith.constant 3 : i32
        %get3A_878 = arith.index_cast %get3A_877 : i32 to index
        %get3A_879 = arith.index_cast %add3A_858 : i32 to index
        %get3A_880 = arith.constant 48 : index
        %get3A_881 = tpu.vector_load %arg10[%get3A_878, %get3A_879, %get3A_880] {strides = array<i32>} : memref<4x200x64xf32, #tpu.memory_space<vmem>>, vector<16xf32>,
        %add3A_882 = arith.addf %add3A_854, %get3A_881 : vector<16xf32>
        %mul3A_883 = arith.constant 8 : i32
        %mul3A_884 = arith.muli %scan3A_795, %mul3A_883 : i32
        %add3A_885 = arith.constant 3 : i32
        %add3A_886 = arith.addi %mul3A_884, %add3A_885 : i32
        %get3A_887 = arith.constant 3 : i32
        %get3A_888 = arith.index_cast %get3A_887 : i32 to index
        %get3A_889 = arith.index_cast %add3A_886 : i32 to index
        %get3A_890 = arith.constant 0 : index
        %get3A_891 = tpu.vector_load %arg10[%get3A_888, %get3A_889, %get3A_890] {strides = array<i32>} : memref<4x200x64xf32, #tpu.memory_space<vmem>>, vector<16xf32>,
        %add3A_892 = arith.addf %add3A_864, %get3A_891 : vector<16xf32>
        %get3A_893 = arith.constant 3 : i32
        %get3A_894 = arith.index_cast %get3A_893 : i32 to index
        %get3A_895 = arith.index_cast %add3A_886 : i32 to index
        %get3A_896 = arith.constant 16 : index
        %get3A_897 = tpu.vector_load %arg10[%get3A_894, %get3A_895, %get3A_896] {strides = array<i32>} : memref<4x200x64xf32, #tpu.memory_space<vmem>>, vector<16xf32>,
        %add3A_898 = arith.addf %add3A_870, %get3A_897 : vector<16xf32>
        %get3A_899 = arith.constant 3 : i32
        %get3A_900 = arith.index_cast %get3A_899 : i32 to index
        %get3A_901 = arith.index_cast %add3A_886 : i32 to index
        %get3A_902 = arith.constant 32 : index
        %get3A_903 = tpu.vector_load %arg10[%get3A_900, %get3A_901, %get3A_902] {strides = array<i32>} : memref<4x200x64xf32, #tpu.memory_space<vmem>>, vector<16xf32>,
        %add3A_904 = arith.addf %add3A_876, %get3A_903 : vector<16xf32>
        %get3A_905 = arith.constant 3 : i32
        %get3A_906 = arith.index_cast %get3A_905 : i32 to index
        %get3A_907 = arith.index_cast %add3A_886 : i32 to index
        %get3A_908 = arith.constant 48 : index
        %get3A_909 = tpu.vector_load %arg10[%get3A_906, %get3A_907, %get3A_908] {strides = array<i32>} : memref<4x200x64xf32, #tpu.memory_space<vmem>>, vector<16xf32>,
        %add3A_910 = arith.addf %add3A_882, %get3A_909 : vector<16xf32>
        %mul3A_911 = arith.constant 8 : i32
        %mul3A_912 = arith.muli %scan3A_795, %mul3A_911 : i32
        %add3A_913 = arith.constant 4 : i32
        %add3A_914 = arith.addi %mul3A_912, %add3A_913 : i32
        %get3A_915 = arith.constant 3 : i32
        %get3A_916 = arith.index_cast %get3A_915 : i32 to index
        %get3A_917 = arith.index_cast %add3A_914 : i32 to index
        %get3A_918 = arith.constant 0 : index
        %get3A_919 = tpu.vector_load %arg10[%get3A_916, %get3A_917, %get3A_918] {strides = array<i32>} : memref<4x200x64xf32, #tpu.memory_space<vmem>>, vector<16xf32>,
        %add3A_920 = arith.addf %add3A_892, %get3A_919 : vector<16xf32>
        %get3A_921 = arith.constant 3 : i32
        %get3A_922 = arith.index_cast %get3A_921 : i32 to index
        %get3A_923 = arith.index_cast %add3A_914 : i32 to index
        %get3A_924 = arith.constant 16 : index
        %get3A_925 = tpu.vector_load %arg10[%get3A_922, %get3A_923, %get3A_924] {strides = array<i32>} : memref<4x200x64xf32, #tpu.memory_space<vmem>>, vector<16xf32>,
        %add3A_926 = arith.addf %add3A_898, %get3A_925 : vector<16xf32>
        %get3A_927 = arith.constant 3 : i32
        %get3A_928 = arith.index_cast %get3A_927 : i32 to index
        %get3A_929 = arith.index_cast %add3A_914 : i32 to index
        %get3A_930 = arith.constant 32 : index
        %get3A_931 = tpu.vector_load %arg10[%get3A_928, %get3A_929, %get3A_930] {strides = array<i32>} : memref<4x200x64xf32, #tpu.memory_space<vmem>>, vector<16xf32>,
        %add3A_932 = arith.addf %add3A_904, %get3A_931 : vector<16xf32>
        %get3A_933 = arith.constant 3 : i32
        %get3A_934 = arith.index_cast %get3A_933 : i32 to index
        %get3A_935 = arith.index_cast %add3A_914 : i32 to index
        %get3A_936 = arith.constant 48 : index
        %get3A_937 = tpu.vector_load %arg10[%get3A_934, %get3A_935, %get3A_936] {strides = array<i32>} : memref<4x200x64xf32, #tpu.memory_space<vmem>>, vector<16xf32>,
        %add3A_938 = arith.addf %add3A_910, %get3A_937 : vector<16xf32>
        %mul3A_939 = arith.constant 8 : i32
        %mul3A_940 = arith.muli %scan3A_795, %mul3A_939 : i32
        %add3A_941 = arith.constant 5 : i32
        %add3A_942 = arith.addi %mul3A_940, %add3A_941 : i32
        %get3A_943 = arith.constant 3 : i32
        %get3A_944 = arith.index_cast %get3A_943 : i32 to index
        %get3A_945 = arith.index_cast %add3A_942 : i32 to index
        %get3A_946 = arith.constant 0 : index
        %get3A_947 = tpu.vector_load %arg10[%get3A_944, %get3A_945, %get3A_946] {strides = array<i32>} : memref<4x200x64xf32, #tpu.memory_space<vmem>>, vector<16xf32>,
        %add3A_948 = arith.addf %add3A_920, %get3A_947 : vector<16xf32>
        %get3A_949 = arith.constant 3 : i32
        %get3A_950 = arith.index_cast %get3A_949 : i32 to index
        %get3A_951 = arith.index_cast %add3A_942 : i32 to index
        %get3A_952 = arith.constant 16 : index
        %get3A_953 = tpu.vector_load %arg10[%get3A_950, %get3A_951, %get3A_952] {strides = array<i32>} : memref<4x200x64xf32, #tpu.memory_space<vmem>>, vector<16xf32>,
        %add3A_954 = arith.addf %add3A_926, %get3A_953 : vector<16xf32>
        %get3A_955 = arith.constant 3 : i32
        %get3A_956 = arith.index_cast %get3A_955 : i32 to index
        %get3A_957 = arith.index_cast %add3A_942 : i32 to index
        %get3A_958 = arith.constant 32 : index
        %get3A_959 = tpu.vector_load %arg10[%get3A_956, %get3A_957, %get3A_958] {strides = array<i32>} : memref<4x200x64xf32, #tpu.memory_space<vmem>>, vector<16xf32>,
        %add3A_960 = arith.addf %add3A_932, %get3A_959 : vector<16xf32>
        %get3A_961 = arith.constant 3 : i32
        %get3A_962 = arith.index_cast %get3A_961 : i32 to index
        %get3A_963 = arith.index_cast %add3A_942 : i32 to index
        %get3A_964 = arith.constant 48 : index
        %get3A_965 = tpu.vector_load %arg10[%get3A_962, %get3A_963, %get3A_964] {strides = array<i32>} : memref<4x200x64xf32, #tpu.memory_space<vmem>>, vector<16xf32>,
        %add3A_966 = arith.addf %add3A_938, %get3A_965 : vector<16xf32>
        %mul3A_967 = arith.constant 8 : i32
        %mul3A_968 = arith.muli %scan3A_795, %mul3A_967 : i32
        %add3A_969 = arith.constant 6 : i32
        %add3A_970 = arith.addi %mul3A_968, %add3A_969 : i32
        %get3A_971 = arith.constant 3 : i32
        %get3A_972 = arith.index_cast %get3A_971 : i32 to index
        %get3A_973 = arith.index_cast %add3A_970 : i32 to index
        %get3A_974 = arith.constant 0 : index
        %get3A_975 = tpu.vector_load %arg10[%get3A_972, %get3A_973, %get3A_974] {strides = array<i32>} : memref<4x200x64xf32, #tpu.memory_space<vmem>>, vector<16xf32>,
        %add3A_976 = arith.addf %add3A_948, %get3A_975 : vector<16xf32>
        %get3A_977 = arith.constant 3 : i32
        %get3A_978 = arith.index_cast %get3A_977 : i32 to index
        %get3A_979 = arith.index_cast %add3A_970 : i32 to index
        %get3A_980 = arith.constant 16 : index
        %get3A_981 = tpu.vector_load %arg10[%get3A_978, %get3A_979, %get3A_980] {strides = array<i32>} : memref<4x200x64xf32, #tpu.memory_space<vmem>>, vector<16xf32>,
        %add3A_982 = arith.addf %add3A_954, %get3A_981 : vector<16xf32>
        %get3A_983 = arith.constant 3 : i32
        %get3A_984 = arith.index_cast %get3A_983 : i32 to index
        %get3A_985 = arith.index_cast %add3A_970 : i32 to index
        %get3A_986 = arith.constant 32 : index
        %get3A_987 = tpu.vector_load %arg10[%get3A_984, %get3A_985, %get3A_986] {strides = array<i32>} : memref<4x200x64xf32, #tpu.memory_space<vmem>>, vector<16xf32>,
        %add3A_988 = arith.addf %add3A_960, %get3A_987 : vector<16xf32>
        %get3A_989 = arith.constant 3 : i32
        %get3A_990 = arith.index_cast %get3A_989 : i32 to index
        %get3A_991 = arith.index_cast %add3A_970 : i32 to index
        %get3A_992 = arith.constant 48 : index
        %get3A_993 = tpu.vector_load %arg10[%get3A_990, %get3A_991, %get3A_992] {strides = array<i32>} : memref<4x200x64xf32, #tpu.memory_space<vmem>>, vector<16xf32>,
        %add3A_994 = arith.addf %add3A_966, %get3A_993 : vector<16xf32>
        %mul3A_995 = arith.constant 8 : i32
        %mul3A_996 = arith.muli %scan3A_795, %mul3A_995 : i32
        %add3A_997 = arith.constant 7 : i32
        %add3A_998 = arith.addi %mul3A_996, %add3A_997 : i32
        %get3A_999 = arith.constant 3 : i32
        %get3A_1000 = arith.index_cast %get3A_999 : i32 to index
        %get3A_1001 = arith.index_cast %add3A_998 : i32 to index
        %get3A_1002 = arith.constant 0 : index
        %get3A_1003 = tpu.vector_load %arg10[%get3A_1000, %get3A_1001, %get3A_1002] {strides = array<i32>} : memref<4x200x64xf32, #tpu.memory_space<vmem>>, vector<16xf32>,
        %add3A_1004 = arith.addf %add3A_976, %get3A_1003 : vector<16xf32>
        %get3A_1005 = arith.constant 3 : i32
        %get3A_1006 = arith.index_cast %get3A_1005 : i32 to index
        %get3A_1007 = arith.index_cast %add3A_998 : i32 to index
        %get3A_1008 = arith.constant 16 : index
        %get3A_1009 = tpu.vector_load %arg10[%get3A_1006, %get3A_1007, %get3A_1008] {strides = array<i32>} : memref<4x200x64xf32, #tpu.memory_space<vmem>>, vector<16xf32>,
        %add3A_1010 = arith.addf %add3A_982, %get3A_1009 : vector<16xf32>
        %get3A_1011 = arith.constant 3 : i32
        %get3A_1012 = arith.index_cast %get3A_1011 : i32 to index
        %get3A_1013 = arith.index_cast %add3A_998 : i32 to index
        %get3A_1014 = arith.constant 32 : index
        %get3A_1015 = tpu.vector_load %arg10[%get3A_1012, %get3A_1013, %get3A_1014] {strides = array<i32>} : memref<4x200x64xf32, #tpu.memory_space<vmem>>, vector<16xf32>,
        %add3A_1016 = arith.addf %add3A_988, %get3A_1015 : vector<16xf32>
        %get3A_1017 = arith.constant 3 : i32
        %get3A_1018 = arith.index_cast %get3A_1017 : i32 to index
        %get3A_1019 = arith.index_cast %add3A_998 : i32 to index
        %get3A_1020 = arith.constant 48 : index
        %get3A_1021 = tpu.vector_load %arg10[%get3A_1018, %get3A_1019, %get3A_1020] {strides = array<i32>} : memref<4x200x64xf32, #tpu.memory_space<vmem>>, vector<16xf32>,
        %add3A_1022 = arith.addf %add3A_994, %get3A_1021 : vector<16xf32>
        scf.yield %add3A_1004, %add3A_1010, %add3A_1016, %add3A_1022 : vector<16xf32>, vector<16xf32>, vector<16xf32>, vector<16xf32>
      }
      %scan3A_422 = arith.constant 25 : i32
      %swap3A_423 = arith.constant 3 : i32
      %swap3A_424 = arith.index_cast %swap3A_423 : i32 to index
      %swap3A_425 = arith.constant 0 : index
      %swap3A_426 = tpu.vector_load %arg12[%swap3A_424, %swap3A_425] {strides = array<i32>} : memref<4x64xf32, #tpu.memory_space<vmem>>, vector<16xf32>,
      tpu.vector_store %arg12[%swap3A_424, %swap3A_425], %scan3A_421#0 {strides = array<i32>} : memref<4x64xf32, #tpu.memory_space<vmem>>, vector<16xf32>,
      %swap3A_427 = arith.constant 3 : i32
      %swap3A_428 = arith.index_cast %swap3A_427 : i32 to index
      %swap3A_429 = arith.constant 16 : index
      %swap3A_430 = tpu.vector_load %arg12[%swap3A_428, %swap3A_429] {strides = array<i32>} : memref<4x64xf32, #tpu.memory_space<vmem>>, vector<16xf32>,
      tpu.vector_store %arg12[%swap3A_428, %swap3A_429], %scan3A_421#1 {strides = array<i32>} : memref<4x64xf32, #tpu.memory_space<vmem>>, vector<16xf32>,
      %swap3A_431 = arith.constant 3 : i32
      %swap3A_432 = arith.index_cast %swap3A_431 : i32 to index
      %swap3A_433 = arith.constant 32 : index
      %swap3A_434 = tpu.vector_load %arg12[%swap3A_432, %swap3A_433] {strides = array<i32>} : memref<4x64xf32, #tpu.memory_space<vmem>>, vector<16xf32>,
      tpu.vector_store %arg12[%swap3A_432, %swap3A_433], %scan3A_421#2 {strides = array<i32>} : memref<4x64xf32, #tpu.memory_space<vmem>>, vector<16xf32>,
      %swap3A_435 = arith.constant 3 : i32
      %swap3A_436 = arith.index_cast %swap3A_435 : i32 to index
      %swap3A_437 = arith.constant 48 : index
      %swap3A_438 = tpu.vector_load %arg12[%swap3A_436, %swap3A_437] {strides = array<i32>} : memref<4x64xf32, #tpu.memory_space<vmem>>, vector<16xf32>,
      tpu.vector_store %arg12[%swap3A_436, %swap3A_437], %scan3A_421#3 {strides = array<i32>} : memref<4x64xf32, #tpu.memory_space<vmem>>, vector<16xf32>,
      %mul3A_439 = arith.constant 4 : i32
      %mul3A_440 = arith.muli %add3A_297, %mul3A_439 : i32
      %add3A_441 = arith.addi %mul3A_2, %mul3A_440 : i32
      %multiple_of3A_442 = tpu.assume_multiple %add3A_441, 4 : i32
      %dma_start3A_443 = arith.constant 0 : i32
      %dma_start3A_444 = tpu.memref_slice %arg4[%multiple_of3A_442, %dma_start3A_443] : memref<16384x64xf32, #tpu.memory_space<hbm>> -> memref<4x64xf32, #tpu.memory_space<hbm>>
      %dma_start3A_445 = arith.constant 0 : i32
      %dma_start3A_446 = tpu.memref_slice %arg4[%multiple_of3A_442, %dma_start3A_445] : memref<16384x64xf32, #tpu.memory_space<hbm>> -> memref<4x64xf32, #tpu.memory_space<hbm>>
      tpu.enqueue_dma source(%arg12 : memref<4x64xf32, #tpu.memory_space<vmem>>) target(%dma_start3A_446 : memref<4x64xf32, #tpu.memory_space<hbm>>) target_semaphore(%arg19 : memref<!tpu.dma_semaphore, #tpu.memory_space<semaphore_mem>>)
      %add3A_447 = arith.constant 4 : i32
      %add3A_448 = arith.addi %add3A_297, %add3A_447 : i32
      %lt3A_449 = arith.constant 128 : i32
      %lt3A_450 = arith.cmpi slt, %add3A_448, %lt3A_449 : i32
      %convert_element_type3A_451 = arith.extui %lt3A_450 : i1 to i32
      %cond3A_452 = arith.constant 0 : i32
      %cond3A_453 = arith.cmpi ne, %convert_element_type3A_451, %cond3A_452 : i32
      scf.if %cond3A_453 {
        %add3A_795 = arith.constant 4 : i32
        %add3A_796 = arith.addi %add3A_297, %add3A_795 : i32
        %mul3A_797 = arith.constant 4 : i32
        %mul3A_798 = arith.muli %add3A_796, %mul3A_797 : i32
        %add3A_799 = arith.addi %mul3A_2, %mul3A_798 : i32
        %mul3A_800 = arith.constant 200 : i32
        %mul3A_801 = arith.muli %add3A_799, %mul3A_800 : i32
        %multiple_of3A_802 = tpu.assume_multiple %mul3A_801, 800 : i32
        %dma_start3A_803 = tpu.memref_slice %arg2[%multiple_of3A_802] : memref<3276800xi32, #tpu.memory_space<hbm>> -> memref<800xi32, #tpu.memory_space<hbm>>
        %dma_start3A_804 = tpu.memref_slice %arg2[%multiple_of3A_802] : memref<3276800xi32, #tpu.memory_space<hbm>> -> memref<800xi32, #tpu.memory_space<hbm>>
        tpu.enqueue_dma source(%dma_start3A_804 : memref<800xi32, #tpu.memory_space<hbm>>) target(%arg6 : memref<800xi32, #tpu.memory_space<vmem>>) target_semaphore(%arg14 : memref<!tpu.dma_semaphore, #tpu.memory_space<semaphore_mem>>)
      } else {
      }
      %add3A_454 = arith.constant 2 : i32
      %add3A_455 = arith.addi %add3A_297, %add3A_454 : i32
      %lt3A_456 = arith.constant 128 : i32
      %lt3A_457 = arith.cmpi slt, %add3A_455, %lt3A_456 : i32
      %convert_element_type3A_458 = arith.extui %lt3A_457 : i1 to i32
      %cond3A_459 = arith.constant 0 : i32
      %cond3A_460 = arith.cmpi ne, %convert_element_type3A_458, %cond3A_459 : i32
      scf.if %cond3A_460 {
        %dma_wait3A_795 = arith.constant 0 : i32
        %dma_wait3A_796 = tpu.memref_slice %arg2[%dma_wait3A_795] : memref<3276800xi32, #tpu.memory_space<hbm>> -> memref<800xi32, #tpu.memory_space<hbm>>
        %dma_wait3A_797 = arith.constant 0 : i32
        %dma_wait3A_798 = tpu.memref_slice %arg2[%dma_wait3A_797] : memref<3276800xi32, #tpu.memory_space<hbm>> -> memref<800xi32, #tpu.memory_space<hbm>>
        tpu.wait_dma2 semaphore(%arg16 : memref<!tpu.dma_semaphore, #tpu.memory_space<semaphore_mem>>) src(%dma_wait3A_798 : memref<800xi32, #tpu.memory_space<hbm>>) dst(%arg8 : memref<800xi32, #tpu.memory_space<vmem>>)
        %dma_start3A_799 = arith.constant 0 : i32
        %dma_start3A_800 = arith.constant 0 : i32
        %dma_start3A_801 = arith.constant 0 : i32
        %dma_start3A_802 = tpu.memref_slice %arg10[%dma_start3A_799, %dma_start3A_800, %dma_start3A_801] : memref<4x200x64xf32, #tpu.memory_space<vmem>> -> memref<1x200x64xf32, #tpu.memory_space<vmem>>
        %dma_start3A_803 = tpu.memref_squeeze %dma_start3A_802 : memref<1x200x64xf32, #tpu.memory_space<vmem>> -> memref<200x64xf32, #tpu.memory_space<vmem>>
        %dma_start3A_804 = arith.constant 0 : i32
        %dma_start3A_805 = tpu.memref_slice %arg8[%dma_start3A_804] : memref<800xi32, #tpu.memory_space<vmem>> -> memref<200xi32, #tpu.memory_space<vmem>>
        %dma_start3A_806 = arith.constant 0 : i32
        %dma_start3A_807 = arith.constant 0 : i32
        %dma_start3A_808 = tpu.memref_slice %arg3[%dma_start3A_806, %dma_start3A_807] : memref<1000000x64xf32, #tpu.memory_space<hbm>> -> memref<1000000x64xf32, #tpu.memory_space<hbm>>
        tpu.enqueue_indirect_dma source(%dma_start3A_808 : memref<1000000x64xf32, #tpu.memory_space<hbm>>) target(%dma_start3A_803 : memref<200x64xf32, #tpu.memory_space<vmem>>) offsets(%dma_start3A_805 : memref<200xi32, #tpu.memory_space<vmem>>) semaphore(%arg18 : memref<!tpu.dma_semaphore, #tpu.memory_space<semaphore_mem>>)
        %dma_start3A_809 = arith.constant 1 : i32
        %dma_start3A_810 = arith.constant 0 : i32
        %dma_start3A_811 = arith.constant 0 : i32
        %dma_start3A_812 = tpu.memref_slice %arg10[%dma_start3A_809, %dma_start3A_810, %dma_start3A_811] : memref<4x200x64xf32, #tpu.memory_space<vmem>> -> memref<1x200x64xf32, #tpu.memory_space<vmem>>
        %dma_start3A_813 = tpu.memref_squeeze %dma_start3A_812 : memref<1x200x64xf32, #tpu.memory_space<vmem>> -> memref<200x64xf32, #tpu.memory_space<vmem>>
        %dma_start3A_814 = arith.constant 200 : i32
        %dma_start3A_815 = tpu.memref_slice %arg8[%dma_start3A_814] : memref<800xi32, #tpu.memory_space<vmem>> -> memref<200xi32, #tpu.memory_space<vmem>>
        %dma_start3A_816 = arith.constant 0 : i32
        %dma_start3A_817 = arith.constant 0 : i32
        %dma_start3A_818 = tpu.memref_slice %arg3[%dma_start3A_816, %dma_start3A_817] : memref<1000000x64xf32, #tpu.memory_space<hbm>> -> memref<1000000x64xf32, #tpu.memory_space<hbm>>
        tpu.enqueue_indirect_dma source(%dma_start3A_818 : memref<1000000x64xf32, #tpu.memory_space<hbm>>) target(%dma_start3A_813 : memref<200x64xf32, #tpu.memory_space<vmem>>) offsets(%dma_start3A_815 : memref<200xi32, #tpu.memory_space<vmem>>) semaphore(%arg18 : memref<!tpu.dma_semaphore, #tpu.memory_space<semaphore_mem>>)
        %dma_start3A_819 = arith.constant 2 : i32
        %dma_start3A_820 = arith.constant 0 : i32
        %dma_start3A_821 = arith.constant 0 : i32
        %dma_start3A_822 = tpu.memref_slice %arg10[%dma_start3A_819, %dma_start3A_820, %dma_start3A_821] : memref<4x200x64xf32, #tpu.memory_space<vmem>> -> memref<1x200x64xf32, #tpu.memory_space<vmem>>
        %dma_start3A_823 = tpu.memref_squeeze %dma_start3A_822 : memref<1x200x64xf32, #tpu.memory_space<vmem>> -> memref<200x64xf32, #tpu.memory_space<vmem>>
        %dma_start3A_824 = arith.constant 400 : i32
        %dma_start3A_825 = tpu.memref_slice %arg8[%dma_start3A_824] : memref<800xi32, #tpu.memory_space<vmem>> -> memref<200xi32, #tpu.memory_space<vmem>>
        %dma_start3A_826 = arith.constant 0 : i32
        %dma_start3A_827 = arith.constant 0 : i32
        %dma_start3A_828 = tpu.memref_slice %arg3[%dma_start3A_826, %dma_start3A_827] : memref<1000000x64xf32, #tpu.memory_space<hbm>> -> memref<1000000x64xf32, #tpu.memory_space<hbm>>
        tpu.enqueue_indirect_dma source(%dma_start3A_828 : memref<1000000x64xf32, #tpu.memory_space<hbm>>) target(%dma_start3A_823 : memref<200x64xf32, #tpu.memory_space<vmem>>) offsets(%dma_start3A_825 : memref<200xi32, #tpu.memory_space<vmem>>) semaphore(%arg18 : memref<!tpu.dma_semaphore, #tpu.memory_space<semaphore_mem>>)
        %dma_start3A_829 = arith.constant 3 : i32
        %dma_start3A_830 = arith.constant 0 : i32
        %dma_start3A_831 = arith.constant 0 : i32
        %dma_start3A_832 = tpu.memref_slice %arg10[%dma_start3A_829, %dma_start3A_830, %dma_start3A_831] : memref<4x200x64xf32, #tpu.memory_space<vmem>> -> memref<1x200x64xf32, #tpu.memory_space<vmem>>
        %dma_start3A_833 = tpu.memref_squeeze %dma_start3A_832 : memref<1x200x64xf32, #tpu.memory_space<vmem>> -> memref<200x64xf32, #tpu.memory_space<vmem>>
        %dma_start3A_834 = arith.constant 600 : i32
        %dma_start3A_835 = tpu.memref_slice %arg8[%dma_start3A_834] : memref<800xi32, #tpu.memory_space<vmem>> -> memref<200xi32, #tpu.memory_space<vmem>>
        %dma_start3A_836 = arith.constant 0 : i32
        %dma_start3A_837 = arith.constant 0 : i32
        %dma_start3A_838 = tpu.memref_slice %arg3[%dma_start3A_836, %dma_start3A_837] : memref<1000000x64xf32, #tpu.memory_space<hbm>> -> memref<1000000x64xf32, #tpu.memory_space<hbm>>
        tpu.enqueue_indirect_dma source(%dma_start3A_838 : memref<1000000x64xf32, #tpu.memory_space<hbm>>) target(%dma_start3A_833 : memref<200x64xf32, #tpu.memory_space<vmem>>) offsets(%dma_start3A_835 : memref<200xi32, #tpu.memory_space<vmem>>) semaphore(%arg18 : memref<!tpu.dma_semaphore, #tpu.memory_space<semaphore_mem>>)
      } else {
      }
      %mul3A_461 = arith.constant 4 : i32
      %mul3A_462 = arith.muli %scan3A_132, %mul3A_461 : i32
      %add3A_463 = arith.constant 2 : i32
      %add3A_464 = arith.addi %mul3A_462, %add3A_463 : i32
      %dma_wait3A_465 = arith.constant 0 : i32
      %dma_wait3A_466 = arith.constant 0 : i32
      %dma_wait3A_467 = arith.constant 0 : i32
      %dma_wait3A_468 = tpu.memref_slice %arg9[%dma_wait3A_465, %dma_wait3A_466, %dma_wait3A_467] : memref<4x200x64xf32, #tpu.memory_space<vmem>> -> memref<1x200x64xf32, #tpu.memory_space<vmem>>
      %dma_wait3A_469 = tpu.memref_squeeze %dma_wait3A_468 : memref<1x200x64xf32, #tpu.memory_space<vmem>> -> memref<200x64xf32, #tpu.memory_space<vmem>>
      %dma_wait3A_470 = arith.constant 0 : i32
      %dma_wait3A_471 = tpu.memref_slice %arg7[%dma_wait3A_470] : memref<800xi32, #tpu.memory_space<vmem>> -> memref<200xi32, #tpu.memory_space<vmem>>
      %dma_wait3A_472 = arith.constant 0 : i32
      %dma_wait3A_473 = arith.constant 0 : i32
      %dma_wait3A_474 = tpu.memref_slice %arg3[%dma_wait3A_472, %dma_wait3A_473] : memref<1000000x64xf32, #tpu.memory_space<hbm>> -> memref<1000000x64xf32, #tpu.memory_space<hbm>>
      tpu.wait_indirect_dma semaphore(%arg17 : memref<!tpu.dma_semaphore, #tpu.memory_space<semaphore_mem>>) src(%dma_wait3A_474 : memref<1000000x64xf32, #tpu.memory_space<hbm>>) dst(%dma_wait3A_469 : memref<200x64xf32, #tpu.memory_space<vmem>>)
      %dma_wait3A_475 = arith.constant 1 : i32
      %dma_wait3A_476 = arith.constant 0 : i32
      %dma_wait3A_477 = arith.constant 0 : i32
      %dma_wait3A_478 = tpu.memref_slice %arg9[%dma_wait3A_475, %dma_wait3A_476, %dma_wait3A_477] : memref<4x200x64xf32, #tpu.memory_space<vmem>> -> memref<1x200x64xf32, #tpu.memory_space<vmem>>
      %dma_wait3A_479 = tpu.memref_squeeze %dma_wait3A_478 : memref<1x200x64xf32, #tpu.memory_space<vmem>> -> memref<200x64xf32, #tpu.memory_space<vmem>>
      %dma_wait3A_480 = arith.constant 200 : i32
      %dma_wait3A_481 = tpu.memref_slice %arg7[%dma_wait3A_480] : memref<800xi32, #tpu.memory_space<vmem>> -> memref<200xi32, #tpu.memory_space<vmem>>
      %dma_wait3A_482 = arith.constant 0 : i32
      %dma_wait3A_483 = arith.constant 0 : i32
      %dma_wait3A_484 = tpu.memref_slice %arg3[%dma_wait3A_482, %dma_wait3A_483] : memref<1000000x64xf32, #tpu.memory_space<hbm>> -> memref<1000000x64xf32, #tpu.memory_space<hbm>>
      tpu.wait_indirect_dma semaphore(%arg17 : memref<!tpu.dma_semaphore, #tpu.memory_space<semaphore_mem>>) src(%dma_wait3A_484 : memref<1000000x64xf32, #tpu.memory_space<hbm>>) dst(%dma_wait3A_479 : memref<200x64xf32, #tpu.memory_space<vmem>>)
      %dma_wait3A_485 = arith.constant 2 : i32
      %dma_wait3A_486 = arith.constant 0 : i32
      %dma_wait3A_487 = arith.constant 0 : i32
      %dma_wait3A_488 = tpu.memref_slice %arg9[%dma_wait3A_485, %dma_wait3A_486, %dma_wait3A_487] : memref<4x200x64xf32, #tpu.memory_space<vmem>> -> memref<1x200x64xf32, #tpu.memory_space<vmem>>
      %dma_wait3A_489 = tpu.memref_squeeze %dma_wait3A_488 : memref<1x200x64xf32, #tpu.memory_space<vmem>> -> memref<200x64xf32, #tpu.memory_space<vmem>>
      %dma_wait3A_490 = arith.constant 400 : i32
      %dma_wait3A_491 = tpu.memref_slice %arg7[%dma_wait3A_490] : memref<800xi32, #tpu.memory_space<vmem>> -> memref<200xi32, #tpu.memory_space<vmem>>
      %dma_wait3A_492 = arith.constant 0 : i32
      %dma_wait3A_493 = arith.constant 0 : i32
      %dma_wait3A_494 = tpu.memref_slice %arg3[%dma_wait3A_492, %dma_wait3A_493] : memref<1000000x64xf32, #tpu.memory_space<hbm>> -> memref<1000000x64xf32, #tpu.memory_space<hbm>>
      tpu.wait_indirect_dma semaphore(%arg17 : memref<!tpu.dma_semaphore, #tpu.memory_space<semaphore_mem>>) src(%dma_wait3A_494 : memref<1000000x64xf32, #tpu.memory_space<hbm>>) dst(%dma_wait3A_489 : memref<200x64xf32, #tpu.memory_space<vmem>>)
      %dma_wait3A_495 = arith.constant 3 : i32
      %dma_wait3A_496 = arith.constant 0 : i32
      %dma_wait3A_497 = arith.constant 0 : i32
      %dma_wait3A_498 = tpu.memref_slice %arg9[%dma_wait3A_495, %dma_wait3A_496, %dma_wait3A_497] : memref<4x200x64xf32, #tpu.memory_space<vmem>> -> memref<1x200x64xf32, #tpu.memory_space<vmem>>
      %dma_wait3A_499 = tpu.memref_squeeze %dma_wait3A_498 : memref<1x200x64xf32, #tpu.memory_space<vmem>> -> memref<200x64xf32, #tpu.memory_space<vmem>>
      %dma_wait3A_500 = arith.constant 600 : i32
      %dma_wait3A_501 = tpu.memref_slice %arg7[%dma_wait3A_500] : memref<800xi32, #tpu.memory_space<vmem>> -> memref<200xi32, #tpu.memory_space<vmem>>
      %dma_wait3A_502 = arith.constant 0 : i32
      %dma_wait3A_503 = arith.constant 0 : i32
      %dma_wait3A_504 = tpu.memref_slice %arg3[%dma_wait3A_502, %dma_wait3A_503] : memref<1000000x64xf32, #tpu.memory_space<hbm>> -> memref<1000000x64xf32, #tpu.memory_space<hbm>>
      tpu.wait_indirect_dma semaphore(%arg17 : memref<!tpu.dma_semaphore, #tpu.memory_space<semaphore_mem>>) src(%dma_wait3A_504 : memref<1000000x64xf32, #tpu.memory_space<hbm>>) dst(%dma_wait3A_499 : memref<200x64xf32, #tpu.memory_space<vmem>>)
      %ge3A_505 = arith.constant 2 : i32
      %ge3A_506 = arith.cmpi sge, %add3A_464, %ge3A_505 : i32
      %convert_element_type3A_507 = arith.extui %ge3A_506 : i1 to i32
      %cond3A_508 = arith.constant 0 : i32
      %cond3A_509 = arith.cmpi ne, %convert_element_type3A_507, %cond3A_508 : i32
      scf.if %cond3A_509 {
        %dma_wait3A_795 = arith.constant 0 : i32
        %dma_wait3A_796 = arith.constant 0 : i32
        %dma_wait3A_797 = tpu.memref_slice %arg4[%dma_wait3A_795, %dma_wait3A_796] : memref<16384x64xf32, #tpu.memory_space<hbm>> -> memref<4x64xf32, #tpu.memory_space<hbm>>
        %dma_wait3A_798 = arith.constant 0 : i32
        %dma_wait3A_799 = arith.constant 0 : i32
        %dma_wait3A_800 = tpu.memref_slice %arg4[%dma_wait3A_798, %dma_wait3A_799] : memref<16384x64xf32, #tpu.memory_space<hbm>> -> memref<4x64xf32, #tpu.memory_space<hbm>>
        tpu.wait_dma2 semaphore(%arg19 : memref<!tpu.dma_semaphore, #tpu.memory_space<semaphore_mem>>) src(%arg11 : memref<4x64xf32, #tpu.memory_space<vmem>>) dst(%dma_wait3A_800 : memref<4x64xf32, #tpu.memory_space<hbm>>)
      } else {
      }
      %broadcast_in_dim3A_510 = arith.constant 0.000000e+00 : f32
      %broadcast_in_dim3A_511 = vector.broadcast %broadcast_in_dim3A_510 : f32 to vector<16xf32>
      %scan3A_512 = arith.constant 0 : i32
      %scan3A_513 = arith.constant 25 : i32
      %scan3A_514 = arith.addi %scan3A_512, %scan3A_513 : i32
      %scan3A_515 = arith.constant 1 : i32
      %scan3A_516:4 = scf.for %scan3A_795 = %scan3A_512 to %scan3A_514 step %scan3A_515 iter_args(%scan3A_796 = %broadcast_in_dim3A_511, %scan3A_797 = %broadcast_in_dim3A_511, %scan3A_798 = %broadcast_in_dim3A_511, %scan3A_799 = %broadcast_in_dim3A_511) -> (vector<16xf32>, vector<16xf32>, vector<16xf32>, vector<16xf32>)  : i32 {
        %mul3A_800 = arith.constant 8 : i32
        %mul3A_801 = arith.muli %scan3A_795, %mul3A_800 : i32
        %add3A_802 = arith.constant 0 : i32
        %add3A_803 = arith.addi %mul3A_801, %add3A_802 : i32
        %get3A = arith.constant 0 : i32
        %get3A_804 = arith.index_cast %get3A : i32 to index
        %get3A_805 = arith.index_cast %add3A_803 : i32 to index
        %get3A_806 = arith.constant 0 : index
        %get3A_807 = tpu.vector_load %arg9[%get3A_804, %get3A_805, %get3A_806] {strides = array<i32>} : memref<4x200x64xf32, #tpu.memory_space<vmem>>, vector<16xf32>,
        %add3A_808 = arith.addf %scan3A_796, %get3A_807 : vector<16xf32>
        %get3A_809 = arith.constant 0 : i32
        %get3A_810 = arith.index_cast %get3A_809 : i32 to index
        %get3A_811 = arith.index_cast %add3A_803 : i32 to index
        %get3A_812 = arith.constant 16 : index
        %get3A_813 = tpu.vector_load %arg9[%get3A_810, %get3A_811, %get3A_812] {strides = array<i32>} : memref<4x200x64xf32, #tpu.memory_space<vmem>>, vector<16xf32>,
        %add3A_814 = arith.addf %scan3A_797, %get3A_813 : vector<16xf32>
        %get3A_815 = arith.constant 0 : i32
        %get3A_816 = arith.index_cast %get3A_815 : i32 to index
        %get3A_817 = arith.index_cast %add3A_803 : i32 to index
        %get3A_818 = arith.constant 32 : index
        %get3A_819 = tpu.vector_load %arg9[%get3A_816, %get3A_817, %get3A_818] {strides = array<i32>} : memref<4x200x64xf32, #tpu.memory_space<vmem>>, vector<16xf32>,
        %add3A_820 = arith.addf %scan3A_798, %get3A_819 : vector<16xf32>
        %get3A_821 = arith.constant 0 : i32
        %get3A_822 = arith.index_cast %get3A_821 : i32 to index
        %get3A_823 = arith.index_cast %add3A_803 : i32 to index
        %get3A_824 = arith.constant 48 : index
        %get3A_825 = tpu.vector_load %arg9[%get3A_822, %get3A_823, %get3A_824] {strides = array<i32>} : memref<4x200x64xf32, #tpu.memory_space<vmem>>, vector<16xf32>,
        %add3A_826 = arith.addf %scan3A_799, %get3A_825 : vector<16xf32>
        %mul3A_827 = arith.constant 8 : i32
        %mul3A_828 = arith.muli %scan3A_795, %mul3A_827 : i32
        %add3A_829 = arith.constant 1 : i32
        %add3A_830 = arith.addi %mul3A_828, %add3A_829 : i32
        %get3A_831 = arith.constant 0 : i32
        %get3A_832 = arith.index_cast %get3A_831 : i32 to index
        %get3A_833 = arith.index_cast %add3A_830 : i32 to index
        %get3A_834 = arith.constant 0 : index
        %get3A_835 = tpu.vector_load %arg9[%get3A_832, %get3A_833, %get3A_834] {strides = array<i32>} : memref<4x200x64xf32, #tpu.memory_space<vmem>>, vector<16xf32>,
        %add3A_836 = arith.addf %add3A_808, %get3A_835 : vector<16xf32>
        %get3A_837 = arith.constant 0 : i32
        %get3A_838 = arith.index_cast %get3A_837 : i32 to index
        %get3A_839 = arith.index_cast %add3A_830 : i32 to index
        %get3A_840 = arith.constant 16 : index
        %get3A_841 = tpu.vector_load %arg9[%get3A_838, %get3A_839, %get3A_840] {strides = array<i32>} : memref<4x200x64xf32, #tpu.memory_space<vmem>>, vector<16xf32>,
        %add3A_842 = arith.addf %add3A_814, %get3A_841 : vector<16xf32>
        %get3A_843 = arith.constant 0 : i32
        %get3A_844 = arith.index_cast %get3A_843 : i32 to index
        %get3A_845 = arith.index_cast %add3A_830 : i32 to index
        %get3A_846 = arith.constant 32 : index
        %get3A_847 = tpu.vector_load %arg9[%get3A_844, %get3A_845, %get3A_846] {strides = array<i32>} : memref<4x200x64xf32, #tpu.memory_space<vmem>>, vector<16xf32>,
        %add3A_848 = arith.addf %add3A_820, %get3A_847 : vector<16xf32>
        %get3A_849 = arith.constant 0 : i32
        %get3A_850 = arith.index_cast %get3A_849 : i32 to index
        %get3A_851 = arith.index_cast %add3A_830 : i32 to index
        %get3A_852 = arith.constant 48 : index
        %get3A_853 = tpu.vector_load %arg9[%get3A_850, %get3A_851, %get3A_852] {strides = array<i32>} : memref<4x200x64xf32, #tpu.memory_space<vmem>>, vector<16xf32>,
        %add3A_854 = arith.addf %add3A_826, %get3A_853 : vector<16xf32>
        %mul3A_855 = arith.constant 8 : i32
        %mul3A_856 = arith.muli %scan3A_795, %mul3A_855 : i32
        %add3A_857 = arith.constant 2 : i32
        %add3A_858 = arith.addi %mul3A_856, %add3A_857 : i32
        %get3A_859 = arith.constant 0 : i32
        %get3A_860 = arith.index_cast %get3A_859 : i32 to index
        %get3A_861 = arith.index_cast %add3A_858 : i32 to index
        %get3A_862 = arith.constant 0 : index
        %get3A_863 = tpu.vector_load %arg9[%get3A_860, %get3A_861, %get3A_862] {strides = array<i32>} : memref<4x200x64xf32, #tpu.memory_space<vmem>>, vector<16xf32>,
        %add3A_864 = arith.addf %add3A_836, %get3A_863 : vector<16xf32>
        %get3A_865 = arith.constant 0 : i32
        %get3A_866 = arith.index_cast %get3A_865 : i32 to index
        %get3A_867 = arith.index_cast %add3A_858 : i32 to index
        %get3A_868 = arith.constant 16 : index
        %get3A_869 = tpu.vector_load %arg9[%get3A_866, %get3A_867, %get3A_868] {strides = array<i32>} : memref<4x200x64xf32, #tpu.memory_space<vmem>>, vector<16xf32>,
        %add3A_870 = arith.addf %add3A_842, %get3A_869 : vector<16xf32>
        %get3A_871 = arith.constant 0 : i32
        %get3A_872 = arith.index_cast %get3A_871 : i32 to index
        %get3A_873 = arith.index_cast %add3A_858 : i32 to index
        %get3A_874 = arith.constant 32 : index
        %get3A_875 = tpu.vector_load %arg9[%get3A_872, %get3A_873, %get3A_874] {strides = array<i32>} : memref<4x200x64xf32, #tpu.memory_space<vmem>>, vector<16xf32>,
        %add3A_876 = arith.addf %add3A_848, %get3A_875 : vector<16xf32>
        %get3A_877 = arith.constant 0 : i32
        %get3A_878 = arith.index_cast %get3A_877 : i32 to index
        %get3A_879 = arith.index_cast %add3A_858 : i32 to index
        %get3A_880 = arith.constant 48 : index
        %get3A_881 = tpu.vector_load %arg9[%get3A_878, %get3A_879, %get3A_880] {strides = array<i32>} : memref<4x200x64xf32, #tpu.memory_space<vmem>>, vector<16xf32>,
        %add3A_882 = arith.addf %add3A_854, %get3A_881 : vector<16xf32>
        %mul3A_883 = arith.constant 8 : i32
        %mul3A_884 = arith.muli %scan3A_795, %mul3A_883 : i32
        %add3A_885 = arith.constant 3 : i32
        %add3A_886 = arith.addi %mul3A_884, %add3A_885 : i32
        %get3A_887 = arith.constant 0 : i32
        %get3A_888 = arith.index_cast %get3A_887 : i32 to index
        %get3A_889 = arith.index_cast %add3A_886 : i32 to index
        %get3A_890 = arith.constant 0 : index
        %get3A_891 = tpu.vector_load %arg9[%get3A_888, %get3A_889, %get3A_890] {strides = array<i32>} : memref<4x200x64xf32, #tpu.memory_space<vmem>>, vector<16xf32>,
        %add3A_892 = arith.addf %add3A_864, %get3A_891 : vector<16xf32>
        %get3A_893 = arith.constant 0 : i32
        %get3A_894 = arith.index_cast %get3A_893 : i32 to index
        %get3A_895 = arith.index_cast %add3A_886 : i32 to index
        %get3A_896 = arith.constant 16 : index
        %get3A_897 = tpu.vector_load %arg9[%get3A_894, %get3A_895, %get3A_896] {strides = array<i32>} : memref<4x200x64xf32, #tpu.memory_space<vmem>>, vector<16xf32>,
        %add3A_898 = arith.addf %add3A_870, %get3A_897 : vector<16xf32>
        %get3A_899 = arith.constant 0 : i32
        %get3A_900 = arith.index_cast %get3A_899 : i32 to index
        %get3A_901 = arith.index_cast %add3A_886 : i32 to index
        %get3A_902 = arith.constant 32 : index
        %get3A_903 = tpu.vector_load %arg9[%get3A_900, %get3A_901, %get3A_902] {strides = array<i32>} : memref<4x200x64xf32, #tpu.memory_space<vmem>>, vector<16xf32>,
        %add3A_904 = arith.addf %add3A_876, %get3A_903 : vector<16xf32>
        %get3A_905 = arith.constant 0 : i32
        %get3A_906 = arith.index_cast %get3A_905 : i32 to index
        %get3A_907 = arith.index_cast %add3A_886 : i32 to index
        %get3A_908 = arith.constant 48 : index
        %get3A_909 = tpu.vector_load %arg9[%get3A_906, %get3A_907, %get3A_908] {strides = array<i32>} : memref<4x200x64xf32, #tpu.memory_space<vmem>>, vector<16xf32>,
        %add3A_910 = arith.addf %add3A_882, %get3A_909 : vector<16xf32>
        %mul3A_911 = arith.constant 8 : i32
        %mul3A_912 = arith.muli %scan3A_795, %mul3A_911 : i32
        %add3A_913 = arith.constant 4 : i32
        %add3A_914 = arith.addi %mul3A_912, %add3A_913 : i32
        %get3A_915 = arith.constant 0 : i32
        %get3A_916 = arith.index_cast %get3A_915 : i32 to index
        %get3A_917 = arith.index_cast %add3A_914 : i32 to index
        %get3A_918 = arith.constant 0 : index
        %get3A_919 = tpu.vector_load %arg9[%get3A_916, %get3A_917, %get3A_918] {strides = array<i32>} : memref<4x200x64xf32, #tpu.memory_space<vmem>>, vector<16xf32>,
        %add3A_920 = arith.addf %add3A_892, %get3A_919 : vector<16xf32>
        %get3A_921 = arith.constant 0 : i32
        %get3A_922 = arith.index_cast %get3A_921 : i32 to index
        %get3A_923 = arith.index_cast %add3A_914 : i32 to index
        %get3A_924 = arith.constant 16 : index
        %get3A_925 = tpu.vector_load %arg9[%get3A_922, %get3A_923, %get3A_924] {strides = array<i32>} : memref<4x200x64xf32, #tpu.memory_space<vmem>>, vector<16xf32>,
        %add3A_926 = arith.addf %add3A_898, %get3A_925 : vector<16xf32>
        %get3A_927 = arith.constant 0 : i32
        %get3A_928 = arith.index_cast %get3A_927 : i32 to index
        %get3A_929 = arith.index_cast %add3A_914 : i32 to index
        %get3A_930 = arith.constant 32 : index
        %get3A_931 = tpu.vector_load %arg9[%get3A_928, %get3A_929, %get3A_930] {strides = array<i32>} : memref<4x200x64xf32, #tpu.memory_space<vmem>>, vector<16xf32>,
        %add3A_932 = arith.addf %add3A_904, %get3A_931 : vector<16xf32>
        %get3A_933 = arith.constant 0 : i32
        %get3A_934 = arith.index_cast %get3A_933 : i32 to index
        %get3A_935 = arith.index_cast %add3A_914 : i32 to index
        %get3A_936 = arith.constant 48 : index
        %get3A_937 = tpu.vector_load %arg9[%get3A_934, %get3A_935, %get3A_936] {strides = array<i32>} : memref<4x200x64xf32, #tpu.memory_space<vmem>>, vector<16xf32>,
        %add3A_938 = arith.addf %add3A_910, %get3A_937 : vector<16xf32>
        %mul3A_939 = arith.constant 8 : i32
        %mul3A_940 = arith.muli %scan3A_795, %mul3A_939 : i32
        %add3A_941 = arith.constant 5 : i32
        %add3A_942 = arith.addi %mul3A_940, %add3A_941 : i32
        %get3A_943 = arith.constant 0 : i32
        %get3A_944 = arith.index_cast %get3A_943 : i32 to index
        %get3A_945 = arith.index_cast %add3A_942 : i32 to index
        %get3A_946 = arith.constant 0 : index
        %get3A_947 = tpu.vector_load %arg9[%get3A_944, %get3A_945, %get3A_946] {strides = array<i32>} : memref<4x200x64xf32, #tpu.memory_space<vmem>>, vector<16xf32>,
        %add3A_948 = arith.addf %add3A_920, %get3A_947 : vector<16xf32>
        %get3A_949 = arith.constant 0 : i32
        %get3A_950 = arith.index_cast %get3A_949 : i32 to index
        %get3A_951 = arith.index_cast %add3A_942 : i32 to index
        %get3A_952 = arith.constant 16 : index
        %get3A_953 = tpu.vector_load %arg9[%get3A_950, %get3A_951, %get3A_952] {strides = array<i32>} : memref<4x200x64xf32, #tpu.memory_space<vmem>>, vector<16xf32>,
        %add3A_954 = arith.addf %add3A_926, %get3A_953 : vector<16xf32>
        %get3A_955 = arith.constant 0 : i32
        %get3A_956 = arith.index_cast %get3A_955 : i32 to index
        %get3A_957 = arith.index_cast %add3A_942 : i32 to index
        %get3A_958 = arith.constant 32 : index
        %get3A_959 = tpu.vector_load %arg9[%get3A_956, %get3A_957, %get3A_958] {strides = array<i32>} : memref<4x200x64xf32, #tpu.memory_space<vmem>>, vector<16xf32>,
        %add3A_960 = arith.addf %add3A_932, %get3A_959 : vector<16xf32>
        %get3A_961 = arith.constant 0 : i32
        %get3A_962 = arith.index_cast %get3A_961 : i32 to index
        %get3A_963 = arith.index_cast %add3A_942 : i32 to index
        %get3A_964 = arith.constant 48 : index
        %get3A_965 = tpu.vector_load %arg9[%get3A_962, %get3A_963, %get3A_964] {strides = array<i32>} : memref<4x200x64xf32, #tpu.memory_space<vmem>>, vector<16xf32>,
        %add3A_966 = arith.addf %add3A_938, %get3A_965 : vector<16xf32>
        %mul3A_967 = arith.constant 8 : i32
        %mul3A_968 = arith.muli %scan3A_795, %mul3A_967 : i32
        %add3A_969 = arith.constant 6 : i32
        %add3A_970 = arith.addi %mul3A_968, %add3A_969 : i32
        %get3A_971 = arith.constant 0 : i32
        %get3A_972 = arith.index_cast %get3A_971 : i32 to index
        %get3A_973 = arith.index_cast %add3A_970 : i32 to index
        %get3A_974 = arith.constant 0 : index
        %get3A_975 = tpu.vector_load %arg9[%get3A_972, %get3A_973, %get3A_974] {strides = array<i32>} : memref<4x200x64xf32, #tpu.memory_space<vmem>>, vector<16xf32>,
        %add3A_976 = arith.addf %add3A_948, %get3A_975 : vector<16xf32>
        %get3A_977 = arith.constant 0 : i32
        %get3A_978 = arith.index_cast %get3A_977 : i32 to index
        %get3A_979 = arith.index_cast %add3A_970 : i32 to index
        %get3A_980 = arith.constant 16 : index
        %get3A_981 = tpu.vector_load %arg9[%get3A_978, %get3A_979, %get3A_980] {strides = array<i32>} : memref<4x200x64xf32, #tpu.memory_space<vmem>>, vector<16xf32>,
        %add3A_982 = arith.addf %add3A_954, %get3A_981 : vector<16xf32>
        %get3A_983 = arith.constant 0 : i32
        %get3A_984 = arith.index_cast %get3A_983 : i32 to index
        %get3A_985 = arith.index_cast %add3A_970 : i32 to index
        %get3A_986 = arith.constant 32 : index
        %get3A_987 = tpu.vector_load %arg9[%get3A_984, %get3A_985, %get3A_986] {strides = array<i32>} : memref<4x200x64xf32, #tpu.memory_space<vmem>>, vector<16xf32>,
        %add3A_988 = arith.addf %add3A_960, %get3A_987 : vector<16xf32>
        %get3A_989 = arith.constant 0 : i32
        %get3A_990 = arith.index_cast %get3A_989 : i32 to index
        %get3A_991 = arith.index_cast %add3A_970 : i32 to index
        %get3A_992 = arith.constant 48 : index
        %get3A_993 = tpu.vector_load %arg9[%get3A_990, %get3A_991, %get3A_992] {strides = array<i32>} : memref<4x200x64xf32, #tpu.memory_space<vmem>>, vector<16xf32>,
        %add3A_994 = arith.addf %add3A_966, %get3A_993 : vector<16xf32>
        %mul3A_995 = arith.constant 8 : i32
        %mul3A_996 = arith.muli %scan3A_795, %mul3A_995 : i32
        %add3A_997 = arith.constant 7 : i32
        %add3A_998 = arith.addi %mul3A_996, %add3A_997 : i32
        %get3A_999 = arith.constant 0 : i32
        %get3A_1000 = arith.index_cast %get3A_999 : i32 to index
        %get3A_1001 = arith.index_cast %add3A_998 : i32 to index
        %get3A_1002 = arith.constant 0 : index
        %get3A_1003 = tpu.vector_load %arg9[%get3A_1000, %get3A_1001, %get3A_1002] {strides = array<i32>} : memref<4x200x64xf32, #tpu.memory_space<vmem>>, vector<16xf32>,
        %add3A_1004 = arith.addf %add3A_976, %get3A_1003 : vector<16xf32>
        %get3A_1005 = arith.constant 0 : i32
        %get3A_1006 = arith.index_cast %get3A_1005 : i32 to index
        %get3A_1007 = arith.index_cast %add3A_998 : i32 to index
        %get3A_1008 = arith.constant 16 : index
        %get3A_1009 = tpu.vector_load %arg9[%get3A_1006, %get3A_1007, %get3A_1008] {strides = array<i32>} : memref<4x200x64xf32, #tpu.memory_space<vmem>>, vector<16xf32>,
        %add3A_1010 = arith.addf %add3A_982, %get3A_1009 : vector<16xf32>
        %get3A_1011 = arith.constant 0 : i32
        %get3A_1012 = arith.index_cast %get3A_1011 : i32 to index
        %get3A_1013 = arith.index_cast %add3A_998 : i32 to index
        %get3A_1014 = arith.constant 32 : index
        %get3A_1015 = tpu.vector_load %arg9[%get3A_1012, %get3A_1013, %get3A_1014] {strides = array<i32>} : memref<4x200x64xf32, #tpu.memory_space<vmem>>, vector<16xf32>,
        %add3A_1016 = arith.addf %add3A_988, %get3A_1015 : vector<16xf32>
        %get3A_1017 = arith.constant 0 : i32
        %get3A_1018 = arith.index_cast %get3A_1017 : i32 to index
        %get3A_1019 = arith.index_cast %add3A_998 : i32 to index
        %get3A_1020 = arith.constant 48 : index
        %get3A_1021 = tpu.vector_load %arg9[%get3A_1018, %get3A_1019, %get3A_1020] {strides = array<i32>} : memref<4x200x64xf32, #tpu.memory_space<vmem>>, vector<16xf32>,
        %add3A_1022 = arith.addf %add3A_994, %get3A_1021 : vector<16xf32>
        scf.yield %add3A_1004, %add3A_1010, %add3A_1016, %add3A_1022 : vector<16xf32>, vector<16xf32>, vector<16xf32>, vector<16xf32>
      }
      %scan3A_517 = arith.constant 25 : i32
      %swap3A_518 = arith.constant 0 : i32
      %swap3A_519 = arith.index_cast %swap3A_518 : i32 to index
      %swap3A_520 = arith.constant 0 : index
      %swap3A_521 = tpu.vector_load %arg11[%swap3A_519, %swap3A_520] {strides = array<i32>} : memref<4x64xf32, #tpu.memory_space<vmem>>, vector<16xf32>,
      tpu.vector_store %arg11[%swap3A_519, %swap3A_520], %scan3A_516#0 {strides = array<i32>} : memref<4x64xf32, #tpu.memory_space<vmem>>, vector<16xf32>,
      %swap3A_522 = arith.constant 0 : i32
      %swap3A_523 = arith.index_cast %swap3A_522 : i32 to index
      %swap3A_524 = arith.constant 16 : index
      %swap3A_525 = tpu.vector_load %arg11[%swap3A_523, %swap3A_524] {strides = array<i32>} : memref<4x64xf32, #tpu.memory_space<vmem>>, vector<16xf32>,
      tpu.vector_store %arg11[%swap3A_523, %swap3A_524], %scan3A_516#1 {strides = array<i32>} : memref<4x64xf32, #tpu.memory_space<vmem>>, vector<16xf32>,
      %swap3A_526 = arith.constant 0 : i32
      %swap3A_527 = arith.index_cast %swap3A_526 : i32 to index
      %swap3A_528 = arith.constant 32 : index
      %swap3A_529 = tpu.vector_load %arg11[%swap3A_527, %swap3A_528] {strides = array<i32>} : memref<4x64xf32, #tpu.memory_space<vmem>>, vector<16xf32>,
      tpu.vector_store %arg11[%swap3A_527, %swap3A_528], %scan3A_516#2 {strides = array<i32>} : memref<4x64xf32, #tpu.memory_space<vmem>>, vector<16xf32>,
      %swap3A_530 = arith.constant 0 : i32
      %swap3A_531 = arith.index_cast %swap3A_530 : i32 to index
      %swap3A_532 = arith.constant 48 : index
      %swap3A_533 = tpu.vector_load %arg11[%swap3A_531, %swap3A_532] {strides = array<i32>} : memref<4x64xf32, #tpu.memory_space<vmem>>, vector<16xf32>,
      tpu.vector_store %arg11[%swap3A_531, %swap3A_532], %scan3A_516#3 {strides = array<i32>} : memref<4x64xf32, #tpu.memory_space<vmem>>, vector<16xf32>,
      %broadcast_in_dim3A_534 = arith.constant 0.000000e+00 : f32
      %broadcast_in_dim3A_535 = vector.broadcast %broadcast_in_dim3A_534 : f32 to vector<16xf32>
      %scan3A_536 = arith.constant 0 : i32
      %scan3A_537 = arith.constant 25 : i32
      %scan3A_538 = arith.addi %scan3A_536, %scan3A_537 : i32
      %scan3A_539 = arith.constant 1 : i32
      %scan3A_540:4 = scf.for %scan3A_795 = %scan3A_536 to %scan3A_538 step %scan3A_539 iter_args(%scan3A_796 = %broadcast_in_dim3A_535, %scan3A_797 = %broadcast_in_dim3A_535, %scan3A_798 = %broadcast_in_dim3A_535, %scan3A_799 = %broadcast_in_dim3A_535) -> (vector<16xf32>, vector<16xf32>, vector<16xf32>, vector<16xf32>)  : i32 {
        %mul3A_800 = arith.constant 8 : i32
        %mul3A_801 = arith.muli %scan3A_795, %mul3A_800 : i32
        %add3A_802 = arith.constant 0 : i32
        %add3A_803 = arith.addi %mul3A_801, %add3A_802 : i32
        %get3A = arith.constant 1 : i32
        %get3A_804 = arith.index_cast %get3A : i32 to index
        %get3A_805 = arith.index_cast %add3A_803 : i32 to index
        %get3A_806 = arith.constant 0 : index
        %get3A_807 = tpu.vector_load %arg9[%get3A_804, %get3A_805, %get3A_806] {strides = array<i32>} : memref<4x200x64xf32, #tpu.memory_space<vmem>>, vector<16xf32>,
        %add3A_808 = arith.addf %scan3A_796, %get3A_807 : vector<16xf32>
        %get3A_809 = arith.constant 1 : i32
        %get3A_810 = arith.index_cast %get3A_809 : i32 to index
        %get3A_811 = arith.index_cast %add3A_803 : i32 to index
        %get3A_812 = arith.constant 16 : index
        %get3A_813 = tpu.vector_load %arg9[%get3A_810, %get3A_811, %get3A_812] {strides = array<i32>} : memref<4x200x64xf32, #tpu.memory_space<vmem>>, vector<16xf32>,
        %add3A_814 = arith.addf %scan3A_797, %get3A_813 : vector<16xf32>
        %get3A_815 = arith.constant 1 : i32
        %get3A_816 = arith.index_cast %get3A_815 : i32 to index
        %get3A_817 = arith.index_cast %add3A_803 : i32 to index
        %get3A_818 = arith.constant 32 : index
        %get3A_819 = tpu.vector_load %arg9[%get3A_816, %get3A_817, %get3A_818] {strides = array<i32>} : memref<4x200x64xf32, #tpu.memory_space<vmem>>, vector<16xf32>,
        %add3A_820 = arith.addf %scan3A_798, %get3A_819 : vector<16xf32>
        %get3A_821 = arith.constant 1 : i32
        %get3A_822 = arith.index_cast %get3A_821 : i32 to index
        %get3A_823 = arith.index_cast %add3A_803 : i32 to index
        %get3A_824 = arith.constant 48 : index
        %get3A_825 = tpu.vector_load %arg9[%get3A_822, %get3A_823, %get3A_824] {strides = array<i32>} : memref<4x200x64xf32, #tpu.memory_space<vmem>>, vector<16xf32>,
        %add3A_826 = arith.addf %scan3A_799, %get3A_825 : vector<16xf32>
        %mul3A_827 = arith.constant 8 : i32
        %mul3A_828 = arith.muli %scan3A_795, %mul3A_827 : i32
        %add3A_829 = arith.constant 1 : i32
        %add3A_830 = arith.addi %mul3A_828, %add3A_829 : i32
        %get3A_831 = arith.constant 1 : i32
        %get3A_832 = arith.index_cast %get3A_831 : i32 to index
        %get3A_833 = arith.index_cast %add3A_830 : i32 to index
        %get3A_834 = arith.constant 0 : index
        %get3A_835 = tpu.vector_load %arg9[%get3A_832, %get3A_833, %get3A_834] {strides = array<i32>} : memref<4x200x64xf32, #tpu.memory_space<vmem>>, vector<16xf32>,
        %add3A_836 = arith.addf %add3A_808, %get3A_835 : vector<16xf32>
        %get3A_837 = arith.constant 1 : i32
        %get3A_838 = arith.index_cast %get3A_837 : i32 to index
        %get3A_839 = arith.index_cast %add3A_830 : i32 to index
        %get3A_840 = arith.constant 16 : index
        %get3A_841 = tpu.vector_load %arg9[%get3A_838, %get3A_839, %get3A_840] {strides = array<i32>} : memref<4x200x64xf32, #tpu.memory_space<vmem>>, vector<16xf32>,
        %add3A_842 = arith.addf %add3A_814, %get3A_841 : vector<16xf32>
        %get3A_843 = arith.constant 1 : i32
        %get3A_844 = arith.index_cast %get3A_843 : i32 to index
        %get3A_845 = arith.index_cast %add3A_830 : i32 to index
        %get3A_846 = arith.constant 32 : index
        %get3A_847 = tpu.vector_load %arg9[%get3A_844, %get3A_845, %get3A_846] {strides = array<i32>} : memref<4x200x64xf32, #tpu.memory_space<vmem>>, vector<16xf32>,
        %add3A_848 = arith.addf %add3A_820, %get3A_847 : vector<16xf32>
        %get3A_849 = arith.constant 1 : i32
        %get3A_850 = arith.index_cast %get3A_849 : i32 to index
        %get3A_851 = arith.index_cast %add3A_830 : i32 to index
        %get3A_852 = arith.constant 48 : index
        %get3A_853 = tpu.vector_load %arg9[%get3A_850, %get3A_851, %get3A_852] {strides = array<i32>} : memref<4x200x64xf32, #tpu.memory_space<vmem>>, vector<16xf32>,
        %add3A_854 = arith.addf %add3A_826, %get3A_853 : vector<16xf32>
        %mul3A_855 = arith.constant 8 : i32
        %mul3A_856 = arith.muli %scan3A_795, %mul3A_855 : i32
        %add3A_857 = arith.constant 2 : i32
        %add3A_858 = arith.addi %mul3A_856, %add3A_857 : i32
        %get3A_859 = arith.constant 1 : i32
        %get3A_860 = arith.index_cast %get3A_859 : i32 to index
        %get3A_861 = arith.index_cast %add3A_858 : i32 to index
        %get3A_862 = arith.constant 0 : index
        %get3A_863 = tpu.vector_load %arg9[%get3A_860, %get3A_861, %get3A_862] {strides = array<i32>} : memref<4x200x64xf32, #tpu.memory_space<vmem>>, vector<16xf32>,
        %add3A_864 = arith.addf %add3A_836, %get3A_863 : vector<16xf32>
        %get3A_865 = arith.constant 1 : i32
        %get3A_866 = arith.index_cast %get3A_865 : i32 to index
        %get3A_867 = arith.index_cast %add3A_858 : i32 to index
        %get3A_868 = arith.constant 16 : index
        %get3A_869 = tpu.vector_load %arg9[%get3A_866, %get3A_867, %get3A_868] {strides = array<i32>} : memref<4x200x64xf32, #tpu.memory_space<vmem>>, vector<16xf32>,
        %add3A_870 = arith.addf %add3A_842, %get3A_869 : vector<16xf32>
        %get3A_871 = arith.constant 1 : i32
        %get3A_872 = arith.index_cast %get3A_871 : i32 to index
        %get3A_873 = arith.index_cast %add3A_858 : i32 to index
        %get3A_874 = arith.constant 32 : index
        %get3A_875 = tpu.vector_load %arg9[%get3A_872, %get3A_873, %get3A_874] {strides = array<i32>} : memref<4x200x64xf32, #tpu.memory_space<vmem>>, vector<16xf32>,
        %add3A_876 = arith.addf %add3A_848, %get3A_875 : vector<16xf32>
        %get3A_877 = arith.constant 1 : i32
        %get3A_878 = arith.index_cast %get3A_877 : i32 to index
        %get3A_879 = arith.index_cast %add3A_858 : i32 to index
        %get3A_880 = arith.constant 48 : index
        %get3A_881 = tpu.vector_load %arg9[%get3A_878, %get3A_879, %get3A_880] {strides = array<i32>} : memref<4x200x64xf32, #tpu.memory_space<vmem>>, vector<16xf32>,
        %add3A_882 = arith.addf %add3A_854, %get3A_881 : vector<16xf32>
        %mul3A_883 = arith.constant 8 : i32
        %mul3A_884 = arith.muli %scan3A_795, %mul3A_883 : i32
        %add3A_885 = arith.constant 3 : i32
        %add3A_886 = arith.addi %mul3A_884, %add3A_885 : i32
        %get3A_887 = arith.constant 1 : i32
        %get3A_888 = arith.index_cast %get3A_887 : i32 to index
        %get3A_889 = arith.index_cast %add3A_886 : i32 to index
        %get3A_890 = arith.constant 0 : index
        %get3A_891 = tpu.vector_load %arg9[%get3A_888, %get3A_889, %get3A_890] {strides = array<i32>} : memref<4x200x64xf32, #tpu.memory_space<vmem>>, vector<16xf32>,
        %add3A_892 = arith.addf %add3A_864, %get3A_891 : vector<16xf32>
        %get3A_893 = arith.constant 1 : i32
        %get3A_894 = arith.index_cast %get3A_893 : i32 to index
        %get3A_895 = arith.index_cast %add3A_886 : i32 to index
        %get3A_896 = arith.constant 16 : index
        %get3A_897 = tpu.vector_load %arg9[%get3A_894, %get3A_895, %get3A_896] {strides = array<i32>} : memref<4x200x64xf32, #tpu.memory_space<vmem>>, vector<16xf32>,
        %add3A_898 = arith.addf %add3A_870, %get3A_897 : vector<16xf32>
        %get3A_899 = arith.constant 1 : i32
        %get3A_900 = arith.index_cast %get3A_899 : i32 to index
        %get3A_901 = arith.index_cast %add3A_886 : i32 to index
        %get3A_902 = arith.constant 32 : index
        %get3A_903 = tpu.vector_load %arg9[%get3A_900, %get3A_901, %get3A_902] {strides = array<i32>} : memref<4x200x64xf32, #tpu.memory_space<vmem>>, vector<16xf32>,
        %add3A_904 = arith.addf %add3A_876, %get3A_903 : vector<16xf32>
        %get3A_905 = arith.constant 1 : i32
        %get3A_906 = arith.index_cast %get3A_905 : i32 to index
        %get3A_907 = arith.index_cast %add3A_886 : i32 to index
        %get3A_908 = arith.constant 48 : index
        %get3A_909 = tpu.vector_load %arg9[%get3A_906, %get3A_907, %get3A_908] {strides = array<i32>} : memref<4x200x64xf32, #tpu.memory_space<vmem>>, vector<16xf32>,
        %add3A_910 = arith.addf %add3A_882, %get3A_909 : vector<16xf32>
        %mul3A_911 = arith.constant 8 : i32
        %mul3A_912 = arith.muli %scan3A_795, %mul3A_911 : i32
        %add3A_913 = arith.constant 4 : i32
        %add3A_914 = arith.addi %mul3A_912, %add3A_913 : i32
        %get3A_915 = arith.constant 1 : i32
        %get3A_916 = arith.index_cast %get3A_915 : i32 to index
        %get3A_917 = arith.index_cast %add3A_914 : i32 to index
        %get3A_918 = arith.constant 0 : index
        %get3A_919 = tpu.vector_load %arg9[%get3A_916, %get3A_917, %get3A_918] {strides = array<i32>} : memref<4x200x64xf32, #tpu.memory_space<vmem>>, vector<16xf32>,
        %add3A_920 = arith.addf %add3A_892, %get3A_919 : vector<16xf32>
        %get3A_921 = arith.constant 1 : i32
        %get3A_922 = arith.index_cast %get3A_921 : i32 to index
        %get3A_923 = arith.index_cast %add3A_914 : i32 to index
        %get3A_924 = arith.constant 16 : index
        %get3A_925 = tpu.vector_load %arg9[%get3A_922, %get3A_923, %get3A_924] {strides = array<i32>} : memref<4x200x64xf32, #tpu.memory_space<vmem>>, vector<16xf32>,
        %add3A_926 = arith.addf %add3A_898, %get3A_925 : vector<16xf32>
        %get3A_927 = arith.constant 1 : i32
        %get3A_928 = arith.index_cast %get3A_927 : i32 to index
        %get3A_929 = arith.index_cast %add3A_914 : i32 to index
        %get3A_930 = arith.constant 32 : index
        %get3A_931 = tpu.vector_load %arg9[%get3A_928, %get3A_929, %get3A_930] {strides = array<i32>} : memref<4x200x64xf32, #tpu.memory_space<vmem>>, vector<16xf32>,
        %add3A_932 = arith.addf %add3A_904, %get3A_931 : vector<16xf32>
        %get3A_933 = arith.constant 1 : i32
        %get3A_934 = arith.index_cast %get3A_933 : i32 to index
        %get3A_935 = arith.index_cast %add3A_914 : i32 to index
        %get3A_936 = arith.constant 48 : index
        %get3A_937 = tpu.vector_load %arg9[%get3A_934, %get3A_935, %get3A_936] {strides = array<i32>} : memref<4x200x64xf32, #tpu.memory_space<vmem>>, vector<16xf32>,
        %add3A_938 = arith.addf %add3A_910, %get3A_937 : vector<16xf32>
        %mul3A_939 = arith.constant 8 : i32
        %mul3A_940 = arith.muli %scan3A_795, %mul3A_939 : i32
        %add3A_941 = arith.constant 5 : i32
        %add3A_942 = arith.addi %mul3A_940, %add3A_941 : i32
        %get3A_943 = arith.constant 1 : i32
        %get3A_944 = arith.index_cast %get3A_943 : i32 to index
        %get3A_945 = arith.index_cast %add3A_942 : i32 to index
        %get3A_946 = arith.constant 0 : index
        %get3A_947 = tpu.vector_load %arg9[%get3A_944, %get3A_945, %get3A_946] {strides = array<i32>} : memref<4x200x64xf32, #tpu.memory_space<vmem>>, vector<16xf32>,
        %add3A_948 = arith.addf %add3A_920, %get3A_947 : vector<16xf32>
        %get3A_949 = arith.constant 1 : i32
        %get3A_950 = arith.index_cast %get3A_949 : i32 to index
        %get3A_951 = arith.index_cast %add3A_942 : i32 to index
        %get3A_952 = arith.constant 16 : index
        %get3A_953 = tpu.vector_load %arg9[%get3A_950, %get3A_951, %get3A_952] {strides = array<i32>} : memref<4x200x64xf32, #tpu.memory_space<vmem>>, vector<16xf32>,
        %add3A_954 = arith.addf %add3A_926, %get3A_953 : vector<16xf32>
        %get3A_955 = arith.constant 1 : i32
        %get3A_956 = arith.index_cast %get3A_955 : i32 to index
        %get3A_957 = arith.index_cast %add3A_942 : i32 to index
        %get3A_958 = arith.constant 32 : index
        %get3A_959 = tpu.vector_load %arg9[%get3A_956, %get3A_957, %get3A_958] {strides = array<i32>} : memref<4x200x64xf32, #tpu.memory_space<vmem>>, vector<16xf32>,
        %add3A_960 = arith.addf %add3A_932, %get3A_959 : vector<16xf32>
        %get3A_961 = arith.constant 1 : i32
        %get3A_962 = arith.index_cast %get3A_961 : i32 to index
        %get3A_963 = arith.index_cast %add3A_942 : i32 to index
        %get3A_964 = arith.constant 48 : index
        %get3A_965 = tpu.vector_load %arg9[%get3A_962, %get3A_963, %get3A_964] {strides = array<i32>} : memref<4x200x64xf32, #tpu.memory_space<vmem>>, vector<16xf32>,
        %add3A_966 = arith.addf %add3A_938, %get3A_965 : vector<16xf32>
        %mul3A_967 = arith.constant 8 : i32
        %mul3A_968 = arith.muli %scan3A_795, %mul3A_967 : i32
        %add3A_969 = arith.constant 6 : i32
        %add3A_970 = arith.addi %mul3A_968, %add3A_969 : i32
        %get3A_971 = arith.constant 1 : i32
        %get3A_972 = arith.index_cast %get3A_971 : i32 to index
        %get3A_973 = arith.index_cast %add3A_970 : i32 to index
        %get3A_974 = arith.constant 0 : index
        %get3A_975 = tpu.vector_load %arg9[%get3A_972, %get3A_973, %get3A_974] {strides = array<i32>} : memref<4x200x64xf32, #tpu.memory_space<vmem>>, vector<16xf32>,
        %add3A_976 = arith.addf %add3A_948, %get3A_975 : vector<16xf32>
        %get3A_977 = arith.constant 1 : i32
        %get3A_978 = arith.index_cast %get3A_977 : i32 to index
        %get3A_979 = arith.index_cast %add3A_970 : i32 to index
        %get3A_980 = arith.constant 16 : index
        %get3A_981 = tpu.vector_load %arg9[%get3A_978, %get3A_979, %get3A_980] {strides = array<i32>} : memref<4x200x64xf32, #tpu.memory_space<vmem>>, vector<16xf32>,
        %add3A_982 = arith.addf %add3A_954, %get3A_981 : vector<16xf32>
        %get3A_983 = arith.constant 1 : i32
        %get3A_984 = arith.index_cast %get3A_983 : i32 to index
        %get3A_985 = arith.index_cast %add3A_970 : i32 to index
        %get3A_986 = arith.constant 32 : index
        %get3A_987 = tpu.vector_load %arg9[%get3A_984, %get3A_985, %get3A_986] {strides = array<i32>} : memref<4x200x64xf32, #tpu.memory_space<vmem>>, vector<16xf32>,
        %add3A_988 = arith.addf %add3A_960, %get3A_987 : vector<16xf32>
        %get3A_989 = arith.constant 1 : i32
        %get3A_990 = arith.index_cast %get3A_989 : i32 to index
        %get3A_991 = arith.index_cast %add3A_970 : i32 to index
        %get3A_992 = arith.constant 48 : index
        %get3A_993 = tpu.vector_load %arg9[%get3A_990, %get3A_991, %get3A_992] {strides = array<i32>} : memref<4x200x64xf32, #tpu.memory_space<vmem>>, vector<16xf32>,
        %add3A_994 = arith.addf %add3A_966, %get3A_993 : vector<16xf32>
        %mul3A_995 = arith.constant 8 : i32
        %mul3A_996 = arith.muli %scan3A_795, %mul3A_995 : i32
        %add3A_997 = arith.constant 7 : i32
        %add3A_998 = arith.addi %mul3A_996, %add3A_997 : i32
        %get3A_999 = arith.constant 1 : i32
        %get3A_1000 = arith.index_cast %get3A_999 : i32 to index
        %get3A_1001 = arith.index_cast %add3A_998 : i32 to index
        %get3A_1002 = arith.constant 0 : index
        %get3A_1003 = tpu.vector_load %arg9[%get3A_1000, %get3A_1001, %get3A_1002] {strides = array<i32>} : memref<4x200x64xf32, #tpu.memory_space<vmem>>, vector<16xf32>,
        %add3A_1004 = arith.addf %add3A_976, %get3A_1003 : vector<16xf32>
        %get3A_1005 = arith.constant 1 : i32
        %get3A_1006 = arith.index_cast %get3A_1005 : i32 to index
        %get3A_1007 = arith.index_cast %add3A_998 : i32 to index
        %get3A_1008 = arith.constant 16 : index
        %get3A_1009 = tpu.vector_load %arg9[%get3A_1006, %get3A_1007, %get3A_1008] {strides = array<i32>} : memref<4x200x64xf32, #tpu.memory_space<vmem>>, vector<16xf32>,
        %add3A_1010 = arith.addf %add3A_982, %get3A_1009 : vector<16xf32>
        %get3A_1011 = arith.constant 1 : i32
        %get3A_1012 = arith.index_cast %get3A_1011 : i32 to index
        %get3A_1013 = arith.index_cast %add3A_998 : i32 to index
        %get3A_1014 = arith.constant 32 : index
        %get3A_1015 = tpu.vector_load %arg9[%get3A_1012, %get3A_1013, %get3A_1014] {strides = array<i32>} : memref<4x200x64xf32, #tpu.memory_space<vmem>>, vector<16xf32>,
        %add3A_1016 = arith.addf %add3A_988, %get3A_1015 : vector<16xf32>
        %get3A_1017 = arith.constant 1 : i32
        %get3A_1018 = arith.index_cast %get3A_1017 : i32 to index
        %get3A_1019 = arith.index_cast %add3A_998 : i32 to index
        %get3A_1020 = arith.constant 48 : index
        %get3A_1021 = tpu.vector_load %arg9[%get3A_1018, %get3A_1019, %get3A_1020] {strides = array<i32>} : memref<4x200x64xf32, #tpu.memory_space<vmem>>, vector<16xf32>,
        %add3A_1022 = arith.addf %add3A_994, %get3A_1021 : vector<16xf32>
        scf.yield %add3A_1004, %add3A_1010, %add3A_1016, %add3A_1022 : vector<16xf32>, vector<16xf32>, vector<16xf32>, vector<16xf32>
      }
      %scan3A_541 = arith.constant 25 : i32
      %swap3A_542 = arith.constant 1 : i32
      %swap3A_543 = arith.index_cast %swap3A_542 : i32 to index
      %swap3A_544 = arith.constant 0 : index
      %swap3A_545 = tpu.vector_load %arg11[%swap3A_543, %swap3A_544] {strides = array<i32>} : memref<4x64xf32, #tpu.memory_space<vmem>>, vector<16xf32>,
      tpu.vector_store %arg11[%swap3A_543, %swap3A_544], %scan3A_540#0 {strides = array<i32>} : memref<4x64xf32, #tpu.memory_space<vmem>>, vector<16xf32>,
      %swap3A_546 = arith.constant 1 : i32
      %swap3A_547 = arith.index_cast %swap3A_546 : i32 to index
      %swap3A_548 = arith.constant 16 : index
      %swap3A_549 = tpu.vector_load %arg11[%swap3A_547, %swap3A_548] {strides = array<i32>} : memref<4x64xf32, #tpu.memory_space<vmem>>, vector<16xf32>,
      tpu.vector_store %arg11[%swap3A_547, %swap3A_548], %scan3A_540#1 {strides = array<i32>} : memref<4x64xf32, #tpu.memory_space<vmem>>, vector<16xf32>,
      %swap3A_550 = arith.constant 1 : i32
      %swap3A_551 = arith.index_cast %swap3A_550 : i32 to index
      %swap3A_552 = arith.constant 32 : index
      %swap3A_553 = tpu.vector_load %arg11[%swap3A_551, %swap3A_552] {strides = array<i32>} : memref<4x64xf32, #tpu.memory_space<vmem>>, vector<16xf32>,
      tpu.vector_store %arg11[%swap3A_551, %swap3A_552], %scan3A_540#2 {strides = array<i32>} : memref<4x64xf32, #tpu.memory_space<vmem>>, vector<16xf32>,
      %swap3A_554 = arith.constant 1 : i32
      %swap3A_555 = arith.index_cast %swap3A_554 : i32 to index
      %swap3A_556 = arith.constant 48 : index
      %swap3A_557 = tpu.vector_load %arg11[%swap3A_555, %swap3A_556] {strides = array<i32>} : memref<4x64xf32, #tpu.memory_space<vmem>>, vector<16xf32>,
      tpu.vector_store %arg11[%swap3A_555, %swap3A_556], %scan3A_540#3 {strides = array<i32>} : memref<4x64xf32, #tpu.memory_space<vmem>>, vector<16xf32>,
      %broadcast_in_dim3A_558 = arith.constant 0.000000e+00 : f32
      %broadcast_in_dim3A_559 = vector.broadcast %broadcast_in_dim3A_558 : f32 to vector<16xf32>
      %scan3A_560 = arith.constant 0 : i32
      %scan3A_561 = arith.constant 25 : i32
      %scan3A_562 = arith.addi %scan3A_560, %scan3A_561 : i32
      %scan3A_563 = arith.constant 1 : i32
      %scan3A_564:4 = scf.for %scan3A_795 = %scan3A_560 to %scan3A_562 step %scan3A_563 iter_args(%scan3A_796 = %broadcast_in_dim3A_559, %scan3A_797 = %broadcast_in_dim3A_559, %scan3A_798 = %broadcast_in_dim3A_559, %scan3A_799 = %broadcast_in_dim3A_559) -> (vector<16xf32>, vector<16xf32>, vector<16xf32>, vector<16xf32>)  : i32 {
        %mul3A_800 = arith.constant 8 : i32
        %mul3A_801 = arith.muli %scan3A_795, %mul3A_800 : i32
        %add3A_802 = arith.constant 0 : i32
        %add3A_803 = arith.addi %mul3A_801, %add3A_802 : i32
        %get3A = arith.constant 2 : i32
        %get3A_804 = arith.index_cast %get3A : i32 to index
        %get3A_805 = arith.index_cast %add3A_803 : i32 to index
        %get3A_806 = arith.constant 0 : index
        %get3A_807 = tpu.vector_load %arg9[%get3A_804, %get3A_805, %get3A_806] {strides = array<i32>} : memref<4x200x64xf32, #tpu.memory_space<vmem>>, vector<16xf32>,
        %add3A_808 = arith.addf %scan3A_796, %get3A_807 : vector<16xf32>
        %get3A_809 = arith.constant 2 : i32
        %get3A_810 = arith.index_cast %get3A_809 : i32 to index
        %get3A_811 = arith.index_cast %add3A_803 : i32 to index
        %get3A_812 = arith.constant 16 : index
        %get3A_813 = tpu.vector_load %arg9[%get3A_810, %get3A_811, %get3A_812] {strides = array<i32>} : memref<4x200x64xf32, #tpu.memory_space<vmem>>, vector<16xf32>,
        %add3A_814 = arith.addf %scan3A_797, %get3A_813 : vector<16xf32>
        %get3A_815 = arith.constant 2 : i32
        %get3A_816 = arith.index_cast %get3A_815 : i32 to index
        %get3A_817 = arith.index_cast %add3A_803 : i32 to index
        %get3A_818 = arith.constant 32 : index
        %get3A_819 = tpu.vector_load %arg9[%get3A_816, %get3A_817, %get3A_818] {strides = array<i32>} : memref<4x200x64xf32, #tpu.memory_space<vmem>>, vector<16xf32>,
        %add3A_820 = arith.addf %scan3A_798, %get3A_819 : vector<16xf32>
        %get3A_821 = arith.constant 2 : i32
        %get3A_822 = arith.index_cast %get3A_821 : i32 to index
        %get3A_823 = arith.index_cast %add3A_803 : i32 to index
        %get3A_824 = arith.constant 48 : index
        %get3A_825 = tpu.vector_load %arg9[%get3A_822, %get3A_823, %get3A_824] {strides = array<i32>} : memref<4x200x64xf32, #tpu.memory_space<vmem>>, vector<16xf32>,
        %add3A_826 = arith.addf %scan3A_799, %get3A_825 : vector<16xf32>
        %mul3A_827 = arith.constant 8 : i32
        %mul3A_828 = arith.muli %scan3A_795, %mul3A_827 : i32
        %add3A_829 = arith.constant 1 : i32
        %add3A_830 = arith.addi %mul3A_828, %add3A_829 : i32
        %get3A_831 = arith.constant 2 : i32
        %get3A_832 = arith.index_cast %get3A_831 : i32 to index
        %get3A_833 = arith.index_cast %add3A_830 : i32 to index
        %get3A_834 = arith.constant 0 : index
        %get3A_835 = tpu.vector_load %arg9[%get3A_832, %get3A_833, %get3A_834] {strides = array<i32>} : memref<4x200x64xf32, #tpu.memory_space<vmem>>, vector<16xf32>,
        %add3A_836 = arith.addf %add3A_808, %get3A_835 : vector<16xf32>
        %get3A_837 = arith.constant 2 : i32
        %get3A_838 = arith.index_cast %get3A_837 : i32 to index
        %get3A_839 = arith.index_cast %add3A_830 : i32 to index
        %get3A_840 = arith.constant 16 : index
        %get3A_841 = tpu.vector_load %arg9[%get3A_838, %get3A_839, %get3A_840] {strides = array<i32>} : memref<4x200x64xf32, #tpu.memory_space<vmem>>, vector<16xf32>,
        %add3A_842 = arith.addf %add3A_814, %get3A_841 : vector<16xf32>
        %get3A_843 = arith.constant 2 : i32
        %get3A_844 = arith.index_cast %get3A_843 : i32 to index
        %get3A_845 = arith.index_cast %add3A_830 : i32 to index
        %get3A_846 = arith.constant 32 : index
        %get3A_847 = tpu.vector_load %arg9[%get3A_844, %get3A_845, %get3A_846] {strides = array<i32>} : memref<4x200x64xf32, #tpu.memory_space<vmem>>, vector<16xf32>,
        %add3A_848 = arith.addf %add3A_820, %get3A_847 : vector<16xf32>
        %get3A_849 = arith.constant 2 : i32
        %get3A_850 = arith.index_cast %get3A_849 : i32 to index
        %get3A_851 = arith.index_cast %add3A_830 : i32 to index
        %get3A_852 = arith.constant 48 : index
        %get3A_853 = tpu.vector_load %arg9[%get3A_850, %get3A_851, %get3A_852] {strides = array<i32>} : memref<4x200x64xf32, #tpu.memory_space<vmem>>, vector<16xf32>,
        %add3A_854 = arith.addf %add3A_826, %get3A_853 : vector<16xf32>
        %mul3A_855 = arith.constant 8 : i32
        %mul3A_856 = arith.muli %scan3A_795, %mul3A_855 : i32
        %add3A_857 = arith.constant 2 : i32
        %add3A_858 = arith.addi %mul3A_856, %add3A_857 : i32
        %get3A_859 = arith.constant 2 : i32
        %get3A_860 = arith.index_cast %get3A_859 : i32 to index
        %get3A_861 = arith.index_cast %add3A_858 : i32 to index
        %get3A_862 = arith.constant 0 : index
        %get3A_863 = tpu.vector_load %arg9[%get3A_860, %get3A_861, %get3A_862] {strides = array<i32>} : memref<4x200x64xf32, #tpu.memory_space<vmem>>, vector<16xf32>,
        %add3A_864 = arith.addf %add3A_836, %get3A_863 : vector<16xf32>
        %get3A_865 = arith.constant 2 : i32
        %get3A_866 = arith.index_cast %get3A_865 : i32 to index
        %get3A_867 = arith.index_cast %add3A_858 : i32 to index
        %get3A_868 = arith.constant 16 : index
        %get3A_869 = tpu.vector_load %arg9[%get3A_866, %get3A_867, %get3A_868] {strides = array<i32>} : memref<4x200x64xf32, #tpu.memory_space<vmem>>, vector<16xf32>,
        %add3A_870 = arith.addf %add3A_842, %get3A_869 : vector<16xf32>
        %get3A_871 = arith.constant 2 : i32
        %get3A_872 = arith.index_cast %get3A_871 : i32 to index
        %get3A_873 = arith.index_cast %add3A_858 : i32 to index
        %get3A_874 = arith.constant 32 : index
        %get3A_875 = tpu.vector_load %arg9[%get3A_872, %get3A_873, %get3A_874] {strides = array<i32>} : memref<4x200x64xf32, #tpu.memory_space<vmem>>, vector<16xf32>,
        %add3A_876 = arith.addf %add3A_848, %get3A_875 : vector<16xf32>
        %get3A_877 = arith.constant 2 : i32
        %get3A_878 = arith.index_cast %get3A_877 : i32 to index
        %get3A_879 = arith.index_cast %add3A_858 : i32 to index
        %get3A_880 = arith.constant 48 : index
        %get3A_881 = tpu.vector_load %arg9[%get3A_878, %get3A_879, %get3A_880] {strides = array<i32>} : memref<4x200x64xf32, #tpu.memory_space<vmem>>, vector<16xf32>,
        %add3A_882 = arith.addf %add3A_854, %get3A_881 : vector<16xf32>
        %mul3A_883 = arith.constant 8 : i32
        %mul3A_884 = arith.muli %scan3A_795, %mul3A_883 : i32
        %add3A_885 = arith.constant 3 : i32
        %add3A_886 = arith.addi %mul3A_884, %add3A_885 : i32
        %get3A_887 = arith.constant 2 : i32
        %get3A_888 = arith.index_cast %get3A_887 : i32 to index
        %get3A_889 = arith.index_cast %add3A_886 : i32 to index
        %get3A_890 = arith.constant 0 : index
        %get3A_891 = tpu.vector_load %arg9[%get3A_888, %get3A_889, %get3A_890] {strides = array<i32>} : memref<4x200x64xf32, #tpu.memory_space<vmem>>, vector<16xf32>,
        %add3A_892 = arith.addf %add3A_864, %get3A_891 : vector<16xf32>
        %get3A_893 = arith.constant 2 : i32
        %get3A_894 = arith.index_cast %get3A_893 : i32 to index
        %get3A_895 = arith.index_cast %add3A_886 : i32 to index
        %get3A_896 = arith.constant 16 : index
        %get3A_897 = tpu.vector_load %arg9[%get3A_894, %get3A_895, %get3A_896] {strides = array<i32>} : memref<4x200x64xf32, #tpu.memory_space<vmem>>, vector<16xf32>,
        %add3A_898 = arith.addf %add3A_870, %get3A_897 : vector<16xf32>
        %get3A_899 = arith.constant 2 : i32
        %get3A_900 = arith.index_cast %get3A_899 : i32 to index
        %get3A_901 = arith.index_cast %add3A_886 : i32 to index
        %get3A_902 = arith.constant 32 : index
        %get3A_903 = tpu.vector_load %arg9[%get3A_900, %get3A_901, %get3A_902] {strides = array<i32>} : memref<4x200x64xf32, #tpu.memory_space<vmem>>, vector<16xf32>,
        %add3A_904 = arith.addf %add3A_876, %get3A_903 : vector<16xf32>
        %get3A_905 = arith.constant 2 : i32
        %get3A_906 = arith.index_cast %get3A_905 : i32 to index
        %get3A_907 = arith.index_cast %add3A_886 : i32 to index
        %get3A_908 = arith.constant 48 : index
        %get3A_909 = tpu.vector_load %arg9[%get3A_906, %get3A_907, %get3A_908] {strides = array<i32>} : memref<4x200x64xf32, #tpu.memory_space<vmem>>, vector<16xf32>,
        %add3A_910 = arith.addf %add3A_882, %get3A_909 : vector<16xf32>
        %mul3A_911 = arith.constant 8 : i32
        %mul3A_912 = arith.muli %scan3A_795, %mul3A_911 : i32
        %add3A_913 = arith.constant 4 : i32
        %add3A_914 = arith.addi %mul3A_912, %add3A_913 : i32
        %get3A_915 = arith.constant 2 : i32
        %get3A_916 = arith.index_cast %get3A_915 : i32 to index
        %get3A_917 = arith.index_cast %add3A_914 : i32 to index
        %get3A_918 = arith.constant 0 : index
        %get3A_919 = tpu.vector_load %arg9[%get3A_916, %get3A_917, %get3A_918] {strides = array<i32>} : memref<4x200x64xf32, #tpu.memory_space<vmem>>, vector<16xf32>,
        %add3A_920 = arith.addf %add3A_892, %get3A_919 : vector<16xf32>
        %get3A_921 = arith.constant 2 : i32
        %get3A_922 = arith.index_cast %get3A_921 : i32 to index
        %get3A_923 = arith.index_cast %add3A_914 : i32 to index
        %get3A_924 = arith.constant 16 : index
        %get3A_925 = tpu.vector_load %arg9[%get3A_922, %get3A_923, %get3A_924] {strides = array<i32>} : memref<4x200x64xf32, #tpu.memory_space<vmem>>, vector<16xf32>,
        %add3A_926 = arith.addf %add3A_898, %get3A_925 : vector<16xf32>
        %get3A_927 = arith.constant 2 : i32
        %get3A_928 = arith.index_cast %get3A_927 : i32 to index
        %get3A_929 = arith.index_cast %add3A_914 : i32 to index
        %get3A_930 = arith.constant 32 : index
        %get3A_931 = tpu.vector_load %arg9[%get3A_928, %get3A_929, %get3A_930] {strides = array<i32>} : memref<4x200x64xf32, #tpu.memory_space<vmem>>, vector<16xf32>,
        %add3A_932 = arith.addf %add3A_904, %get3A_931 : vector<16xf32>
        %get3A_933 = arith.constant 2 : i32
        %get3A_934 = arith.index_cast %get3A_933 : i32 to index
        %get3A_935 = arith.index_cast %add3A_914 : i32 to index
        %get3A_936 = arith.constant 48 : index
        %get3A_937 = tpu.vector_load %arg9[%get3A_934, %get3A_935, %get3A_936] {strides = array<i32>} : memref<4x200x64xf32, #tpu.memory_space<vmem>>, vector<16xf32>,
        %add3A_938 = arith.addf %add3A_910, %get3A_937 : vector<16xf32>
        %mul3A_939 = arith.constant 8 : i32
        %mul3A_940 = arith.muli %scan3A_795, %mul3A_939 : i32
        %add3A_941 = arith.constant 5 : i32
        %add3A_942 = arith.addi %mul3A_940, %add3A_941 : i32
        %get3A_943 = arith.constant 2 : i32
        %get3A_944 = arith.index_cast %get3A_943 : i32 to index
        %get3A_945 = arith.index_cast %add3A_942 : i32 to index
        %get3A_946 = arith.constant 0 : index
        %get3A_947 = tpu.vector_load %arg9[%get3A_944, %get3A_945, %get3A_946] {strides = array<i32>} : memref<4x200x64xf32, #tpu.memory_space<vmem>>, vector<16xf32>,
        %add3A_948 = arith.addf %add3A_920, %get3A_947 : vector<16xf32>
        %get3A_949 = arith.constant 2 : i32
        %get3A_950 = arith.index_cast %get3A_949 : i32 to index
        %get3A_951 = arith.index_cast %add3A_942 : i32 to index
        %get3A_952 = arith.constant 16 : index
        %get3A_953 = tpu.vector_load %arg9[%get3A_950, %get3A_951, %get3A_952] {strides = array<i32>} : memref<4x200x64xf32, #tpu.memory_space<vmem>>, vector<16xf32>,
        %add3A_954 = arith.addf %add3A_926, %get3A_953 : vector<16xf32>
        %get3A_955 = arith.constant 2 : i32
        %get3A_956 = arith.index_cast %get3A_955 : i32 to index
        %get3A_957 = arith.index_cast %add3A_942 : i32 to index
        %get3A_958 = arith.constant 32 : index
        %get3A_959 = tpu.vector_load %arg9[%get3A_956, %get3A_957, %get3A_958] {strides = array<i32>} : memref<4x200x64xf32, #tpu.memory_space<vmem>>, vector<16xf32>,
        %add3A_960 = arith.addf %add3A_932, %get3A_959 : vector<16xf32>
        %get3A_961 = arith.constant 2 : i32
        %get3A_962 = arith.index_cast %get3A_961 : i32 to index
        %get3A_963 = arith.index_cast %add3A_942 : i32 to index
        %get3A_964 = arith.constant 48 : index
        %get3A_965 = tpu.vector_load %arg9[%get3A_962, %get3A_963, %get3A_964] {strides = array<i32>} : memref<4x200x64xf32, #tpu.memory_space<vmem>>, vector<16xf32>,
        %add3A_966 = arith.addf %add3A_938, %get3A_965 : vector<16xf32>
        %mul3A_967 = arith.constant 8 : i32
        %mul3A_968 = arith.muli %scan3A_795, %mul3A_967 : i32
        %add3A_969 = arith.constant 6 : i32
        %add3A_970 = arith.addi %mul3A_968, %add3A_969 : i32
        %get3A_971 = arith.constant 2 : i32
        %get3A_972 = arith.index_cast %get3A_971 : i32 to index
        %get3A_973 = arith.index_cast %add3A_970 : i32 to index
        %get3A_974 = arith.constant 0 : index
        %get3A_975 = tpu.vector_load %arg9[%get3A_972, %get3A_973, %get3A_974] {strides = array<i32>} : memref<4x200x64xf32, #tpu.memory_space<vmem>>, vector<16xf32>,
        %add3A_976 = arith.addf %add3A_948, %get3A_975 : vector<16xf32>
        %get3A_977 = arith.constant 2 : i32
        %get3A_978 = arith.index_cast %get3A_977 : i32 to index
        %get3A_979 = arith.index_cast %add3A_970 : i32 to index
        %get3A_980 = arith.constant 16 : index
        %get3A_981 = tpu.vector_load %arg9[%get3A_978, %get3A_979, %get3A_980] {strides = array<i32>} : memref<4x200x64xf32, #tpu.memory_space<vmem>>, vector<16xf32>,
        %add3A_982 = arith.addf %add3A_954, %get3A_981 : vector<16xf32>
        %get3A_983 = arith.constant 2 : i32
        %get3A_984 = arith.index_cast %get3A_983 : i32 to index
        %get3A_985 = arith.index_cast %add3A_970 : i32 to index
        %get3A_986 = arith.constant 32 : index
        %get3A_987 = tpu.vector_load %arg9[%get3A_984, %get3A_985, %get3A_986] {strides = array<i32>} : memref<4x200x64xf32, #tpu.memory_space<vmem>>, vector<16xf32>,
        %add3A_988 = arith.addf %add3A_960, %get3A_987 : vector<16xf32>
        %get3A_989 = arith.constant 2 : i32
        %get3A_990 = arith.index_cast %get3A_989 : i32 to index
        %get3A_991 = arith.index_cast %add3A_970 : i32 to index
        %get3A_992 = arith.constant 48 : index
        %get3A_993 = tpu.vector_load %arg9[%get3A_990, %get3A_991, %get3A_992] {strides = array<i32>} : memref<4x200x64xf32, #tpu.memory_space<vmem>>, vector<16xf32>,
        %add3A_994 = arith.addf %add3A_966, %get3A_993 : vector<16xf32>
        %mul3A_995 = arith.constant 8 : i32
        %mul3A_996 = arith.muli %scan3A_795, %mul3A_995 : i32
        %add3A_997 = arith.constant 7 : i32
        %add3A_998 = arith.addi %mul3A_996, %add3A_997 : i32
        %get3A_999 = arith.constant 2 : i32
        %get3A_1000 = arith.index_cast %get3A_999 : i32 to index
        %get3A_1001 = arith.index_cast %add3A_998 : i32 to index
        %get3A_1002 = arith.constant 0 : index
        %get3A_1003 = tpu.vector_load %arg9[%get3A_1000, %get3A_1001, %get3A_1002] {strides = array<i32>} : memref<4x200x64xf32, #tpu.memory_space<vmem>>, vector<16xf32>,
        %add3A_1004 = arith.addf %add3A_976, %get3A_1003 : vector<16xf32>
        %get3A_1005 = arith.constant 2 : i32
        %get3A_1006 = arith.index_cast %get3A_1005 : i32 to index
        %get3A_1007 = arith.index_cast %add3A_998 : i32 to index
        %get3A_1008 = arith.constant 16 : index
        %get3A_1009 = tpu.vector_load %arg9[%get3A_1006, %get3A_1007, %get3A_1008] {strides = array<i32>} : memref<4x200x64xf32, #tpu.memory_space<vmem>>, vector<16xf32>,
        %add3A_1010 = arith.addf %add3A_982, %get3A_1009 : vector<16xf32>
        %get3A_1011 = arith.constant 2 : i32
        %get3A_1012 = arith.index_cast %get3A_1011 : i32 to index
        %get3A_1013 = arith.index_cast %add3A_998 : i32 to index
        %get3A_1014 = arith.constant 32 : index
        %get3A_1015 = tpu.vector_load %arg9[%get3A_1012, %get3A_1013, %get3A_1014] {strides = array<i32>} : memref<4x200x64xf32, #tpu.memory_space<vmem>>, vector<16xf32>,
        %add3A_1016 = arith.addf %add3A_988, %get3A_1015 : vector<16xf32>
        %get3A_1017 = arith.constant 2 : i32
        %get3A_1018 = arith.index_cast %get3A_1017 : i32 to index
        %get3A_1019 = arith.index_cast %add3A_998 : i32 to index
        %get3A_1020 = arith.constant 48 : index
        %get3A_1021 = tpu.vector_load %arg9[%get3A_1018, %get3A_1019, %get3A_1020] {strides = array<i32>} : memref<4x200x64xf32, #tpu.memory_space<vmem>>, vector<16xf32>,
        %add3A_1022 = arith.addf %add3A_994, %get3A_1021 : vector<16xf32>
        scf.yield %add3A_1004, %add3A_1010, %add3A_1016, %add3A_1022 : vector<16xf32>, vector<16xf32>, vector<16xf32>, vector<16xf32>
      }
      %scan3A_565 = arith.constant 25 : i32
      %swap3A_566 = arith.constant 2 : i32
      %swap3A_567 = arith.index_cast %swap3A_566 : i32 to index
      %swap3A_568 = arith.constant 0 : index
      %swap3A_569 = tpu.vector_load %arg11[%swap3A_567, %swap3A_568] {strides = array<i32>} : memref<4x64xf32, #tpu.memory_space<vmem>>, vector<16xf32>,
      tpu.vector_store %arg11[%swap3A_567, %swap3A_568], %scan3A_564#0 {strides = array<i32>} : memref<4x64xf32, #tpu.memory_space<vmem>>, vector<16xf32>,
      %swap3A_570 = arith.constant 2 : i32
      %swap3A_571 = arith.index_cast %swap3A_570 : i32 to index
      %swap3A_572 = arith.constant 16 : index
      %swap3A_573 = tpu.vector_load %arg11[%swap3A_571, %swap3A_572] {strides = array<i32>} : memref<4x64xf32, #tpu.memory_space<vmem>>, vector<16xf32>,
      tpu.vector_store %arg11[%swap3A_571, %swap3A_572], %scan3A_564#1 {strides = array<i32>} : memref<4x64xf32, #tpu.memory_space<vmem>>, vector<16xf32>,
      %swap3A_574 = arith.constant 2 : i32
      %swap3A_575 = arith.index_cast %swap3A_574 : i32 to index
      %swap3A_576 = arith.constant 32 : index
      %swap3A_577 = tpu.vector_load %arg11[%swap3A_575, %swap3A_576] {strides = array<i32>} : memref<4x64xf32, #tpu.memory_space<vmem>>, vector<16xf32>,
      tpu.vector_store %arg11[%swap3A_575, %swap3A_576], %scan3A_564#2 {strides = array<i32>} : memref<4x64xf32, #tpu.memory_space<vmem>>, vector<16xf32>,
      %swap3A_578 = arith.constant 2 : i32
      %swap3A_579 = arith.index_cast %swap3A_578 : i32 to index
      %swap3A_580 = arith.constant 48 : index
      %swap3A_581 = tpu.vector_load %arg11[%swap3A_579, %swap3A_580] {strides = array<i32>} : memref<4x64xf32, #tpu.memory_space<vmem>>, vector<16xf32>,
      tpu.vector_store %arg11[%swap3A_579, %swap3A_580], %scan3A_564#3 {strides = array<i32>} : memref<4x64xf32, #tpu.memory_space<vmem>>, vector<16xf32>,
      %broadcast_in_dim3A_582 = arith.constant 0.000000e+00 : f32
      %broadcast_in_dim3A_583 = vector.broadcast %broadcast_in_dim3A_582 : f32 to vector<16xf32>
      %scan3A_584 = arith.constant 0 : i32
      %scan3A_585 = arith.constant 25 : i32
      %scan3A_586 = arith.addi %scan3A_584, %scan3A_585 : i32
      %scan3A_587 = arith.constant 1 : i32
      %scan3A_588:4 = scf.for %scan3A_795 = %scan3A_584 to %scan3A_586 step %scan3A_587 iter_args(%scan3A_796 = %broadcast_in_dim3A_583, %scan3A_797 = %broadcast_in_dim3A_583, %scan3A_798 = %broadcast_in_dim3A_583, %scan3A_799 = %broadcast_in_dim3A_583) -> (vector<16xf32>, vector<16xf32>, vector<16xf32>, vector<16xf32>)  : i32 {
        %mul3A_800 = arith.constant 8 : i32
        %mul3A_801 = arith.muli %scan3A_795, %mul3A_800 : i32
        %add3A_802 = arith.constant 0 : i32
        %add3A_803 = arith.addi %mul3A_801, %add3A_802 : i32
        %get3A = arith.constant 3 : i32
        %get3A_804 = arith.index_cast %get3A : i32 to index
        %get3A_805 = arith.index_cast %add3A_803 : i32 to index
        %get3A_806 = arith.constant 0 : index
        %get3A_807 = tpu.vector_load %arg9[%get3A_804, %get3A_805, %get3A_806] {strides = array<i32>} : memref<4x200x64xf32, #tpu.memory_space<vmem>>, vector<16xf32>,
        %add3A_808 = arith.addf %scan3A_796, %get3A_807 : vector<16xf32>
        %get3A_809 = arith.constant 3 : i32
        %get3A_810 = arith.index_cast %get3A_809 : i32 to index
        %get3A_811 = arith.index_cast %add3A_803 : i32 to index
        %get3A_812 = arith.constant 16 : index
        %get3A_813 = tpu.vector_load %arg9[%get3A_810, %get3A_811, %get3A_812] {strides = array<i32>} : memref<4x200x64xf32, #tpu.memory_space<vmem>>, vector<16xf32>,
        %add3A_814 = arith.addf %scan3A_797, %get3A_813 : vector<16xf32>
        %get3A_815 = arith.constant 3 : i32
        %get3A_816 = arith.index_cast %get3A_815 : i32 to index
        %get3A_817 = arith.index_cast %add3A_803 : i32 to index
        %get3A_818 = arith.constant 32 : index
        %get3A_819 = tpu.vector_load %arg9[%get3A_816, %get3A_817, %get3A_818] {strides = array<i32>} : memref<4x200x64xf32, #tpu.memory_space<vmem>>, vector<16xf32>,
        %add3A_820 = arith.addf %scan3A_798, %get3A_819 : vector<16xf32>
        %get3A_821 = arith.constant 3 : i32
        %get3A_822 = arith.index_cast %get3A_821 : i32 to index
        %get3A_823 = arith.index_cast %add3A_803 : i32 to index
        %get3A_824 = arith.constant 48 : index
        %get3A_825 = tpu.vector_load %arg9[%get3A_822, %get3A_823, %get3A_824] {strides = array<i32>} : memref<4x200x64xf32, #tpu.memory_space<vmem>>, vector<16xf32>,
        %add3A_826 = arith.addf %scan3A_799, %get3A_825 : vector<16xf32>
        %mul3A_827 = arith.constant 8 : i32
        %mul3A_828 = arith.muli %scan3A_795, %mul3A_827 : i32
        %add3A_829 = arith.constant 1 : i32
        %add3A_830 = arith.addi %mul3A_828, %add3A_829 : i32
        %get3A_831 = arith.constant 3 : i32
        %get3A_832 = arith.index_cast %get3A_831 : i32 to index
        %get3A_833 = arith.index_cast %add3A_830 : i32 to index
        %get3A_834 = arith.constant 0 : index
        %get3A_835 = tpu.vector_load %arg9[%get3A_832, %get3A_833, %get3A_834] {strides = array<i32>} : memref<4x200x64xf32, #tpu.memory_space<vmem>>, vector<16xf32>,
        %add3A_836 = arith.addf %add3A_808, %get3A_835 : vector<16xf32>
        %get3A_837 = arith.constant 3 : i32
        %get3A_838 = arith.index_cast %get3A_837 : i32 to index
        %get3A_839 = arith.index_cast %add3A_830 : i32 to index
        %get3A_840 = arith.constant 16 : index
        %get3A_841 = tpu.vector_load %arg9[%get3A_838, %get3A_839, %get3A_840] {strides = array<i32>} : memref<4x200x64xf32, #tpu.memory_space<vmem>>, vector<16xf32>,
        %add3A_842 = arith.addf %add3A_814, %get3A_841 : vector<16xf32>
        %get3A_843 = arith.constant 3 : i32
        %get3A_844 = arith.index_cast %get3A_843 : i32 to index
        %get3A_845 = arith.index_cast %add3A_830 : i32 to index
        %get3A_846 = arith.constant 32 : index
        %get3A_847 = tpu.vector_load %arg9[%get3A_844, %get3A_845, %get3A_846] {strides = array<i32>} : memref<4x200x64xf32, #tpu.memory_space<vmem>>, vector<16xf32>,
        %add3A_848 = arith.addf %add3A_820, %get3A_847 : vector<16xf32>
        %get3A_849 = arith.constant 3 : i32
        %get3A_850 = arith.index_cast %get3A_849 : i32 to index
        %get3A_851 = arith.index_cast %add3A_830 : i32 to index
        %get3A_852 = arith.constant 48 : index
        %get3A_853 = tpu.vector_load %arg9[%get3A_850, %get3A_851, %get3A_852] {strides = array<i32>} : memref<4x200x64xf32, #tpu.memory_space<vmem>>, vector<16xf32>,
        %add3A_854 = arith.addf %add3A_826, %get3A_853 : vector<16xf32>
        %mul3A_855 = arith.constant 8 : i32
        %mul3A_856 = arith.muli %scan3A_795, %mul3A_855 : i32
        %add3A_857 = arith.constant 2 : i32
        %add3A_858 = arith.addi %mul3A_856, %add3A_857 : i32
        %get3A_859 = arith.constant 3 : i32
        %get3A_860 = arith.index_cast %get3A_859 : i32 to index
        %get3A_861 = arith.index_cast %add3A_858 : i32 to index
        %get3A_862 = arith.constant 0 : index
        %get3A_863 = tpu.vector_load %arg9[%get3A_860, %get3A_861, %get3A_862] {strides = array<i32>} : memref<4x200x64xf32, #tpu.memory_space<vmem>>, vector<16xf32>,
        %add3A_864 = arith.addf %add3A_836, %get3A_863 : vector<16xf32>
        %get3A_865 = arith.constant 3 : i32
        %get3A_866 = arith.index_cast %get3A_865 : i32 to index
        %get3A_867 = arith.index_cast %add3A_858 : i32 to index
        %get3A_868 = arith.constant 16 : index
        %get3A_869 = tpu.vector_load %arg9[%get3A_866, %get3A_867, %get3A_868] {strides = array<i32>} : memref<4x200x64xf32, #tpu.memory_space<vmem>>, vector<16xf32>,
        %add3A_870 = arith.addf %add3A_842, %get3A_869 : vector<16xf32>
        %get3A_871 = arith.constant 3 : i32
        %get3A_872 = arith.index_cast %get3A_871 : i32 to index
        %get3A_873 = arith.index_cast %add3A_858 : i32 to index
        %get3A_874 = arith.constant 32 : index
        %get3A_875 = tpu.vector_load %arg9[%get3A_872, %get3A_873, %get3A_874] {strides = array<i32>} : memref<4x200x64xf32, #tpu.memory_space<vmem>>, vector<16xf32>,
        %add3A_876 = arith.addf %add3A_848, %get3A_875 : vector<16xf32>
        %get3A_877 = arith.constant 3 : i32
        %get3A_878 = arith.index_cast %get3A_877 : i32 to index
        %get3A_879 = arith.index_cast %add3A_858 : i32 to index
        %get3A_880 = arith.constant 48 : index
        %get3A_881 = tpu.vector_load %arg9[%get3A_878, %get3A_879, %get3A_880] {strides = array<i32>} : memref<4x200x64xf32, #tpu.memory_space<vmem>>, vector<16xf32>,
        %add3A_882 = arith.addf %add3A_854, %get3A_881 : vector<16xf32>
        %mul3A_883 = arith.constant 8 : i32
        %mul3A_884 = arith.muli %scan3A_795, %mul3A_883 : i32
        %add3A_885 = arith.constant 3 : i32
        %add3A_886 = arith.addi %mul3A_884, %add3A_885 : i32
        %get3A_887 = arith.constant 3 : i32
        %get3A_888 = arith.index_cast %get3A_887 : i32 to index
        %get3A_889 = arith.index_cast %add3A_886 : i32 to index
        %get3A_890 = arith.constant 0 : index
        %get3A_891 = tpu.vector_load %arg9[%get3A_888, %get3A_889, %get3A_890] {strides = array<i32>} : memref<4x200x64xf32, #tpu.memory_space<vmem>>, vector<16xf32>,
        %add3A_892 = arith.addf %add3A_864, %get3A_891 : vector<16xf32>
        %get3A_893 = arith.constant 3 : i32
        %get3A_894 = arith.index_cast %get3A_893 : i32 to index
        %get3A_895 = arith.index_cast %add3A_886 : i32 to index
        %get3A_896 = arith.constant 16 : index
        %get3A_897 = tpu.vector_load %arg9[%get3A_894, %get3A_895, %get3A_896] {strides = array<i32>} : memref<4x200x64xf32, #tpu.memory_space<vmem>>, vector<16xf32>,
        %add3A_898 = arith.addf %add3A_870, %get3A_897 : vector<16xf32>
        %get3A_899 = arith.constant 3 : i32
        %get3A_900 = arith.index_cast %get3A_899 : i32 to index
        %get3A_901 = arith.index_cast %add3A_886 : i32 to index
        %get3A_902 = arith.constant 32 : index
        %get3A_903 = tpu.vector_load %arg9[%get3A_900, %get3A_901, %get3A_902] {strides = array<i32>} : memref<4x200x64xf32, #tpu.memory_space<vmem>>, vector<16xf32>,
        %add3A_904 = arith.addf %add3A_876, %get3A_903 : vector<16xf32>
        %get3A_905 = arith.constant 3 : i32
        %get3A_906 = arith.index_cast %get3A_905 : i32 to index
        %get3A_907 = arith.index_cast %add3A_886 : i32 to index
        %get3A_908 = arith.constant 48 : index
        %get3A_909 = tpu.vector_load %arg9[%get3A_906, %get3A_907, %get3A_908] {strides = array<i32>} : memref<4x200x64xf32, #tpu.memory_space<vmem>>, vector<16xf32>,
        %add3A_910 = arith.addf %add3A_882, %get3A_909 : vector<16xf32>
        %mul3A_911 = arith.constant 8 : i32
        %mul3A_912 = arith.muli %scan3A_795, %mul3A_911 : i32
        %add3A_913 = arith.constant 4 : i32
        %add3A_914 = arith.addi %mul3A_912, %add3A_913 : i32
        %get3A_915 = arith.constant 3 : i32
        %get3A_916 = arith.index_cast %get3A_915 : i32 to index
        %get3A_917 = arith.index_cast %add3A_914 : i32 to index
        %get3A_918 = arith.constant 0 : index
        %get3A_919 = tpu.vector_load %arg9[%get3A_916, %get3A_917, %get3A_918] {strides = array<i32>} : memref<4x200x64xf32, #tpu.memory_space<vmem>>, vector<16xf32>,
        %add3A_920 = arith.addf %add3A_892, %get3A_919 : vector<16xf32>
        %get3A_921 = arith.constant 3 : i32
        %get3A_922 = arith.index_cast %get3A_921 : i32 to index
        %get3A_923 = arith.index_cast %add3A_914 : i32 to index
        %get3A_924 = arith.constant 16 : index
        %get3A_925 = tpu.vector_load %arg9[%get3A_922, %get3A_923, %get3A_924] {strides = array<i32>} : memref<4x200x64xf32, #tpu.memory_space<vmem>>, vector<16xf32>,
        %add3A_926 = arith.addf %add3A_898, %get3A_925 : vector<16xf32>
        %get3A_927 = arith.constant 3 : i32
        %get3A_928 = arith.index_cast %get3A_927 : i32 to index
        %get3A_929 = arith.index_cast %add3A_914 : i32 to index
        %get3A_930 = arith.constant 32 : index
        %get3A_931 = tpu.vector_load %arg9[%get3A_928, %get3A_929, %get3A_930] {strides = array<i32>} : memref<4x200x64xf32, #tpu.memory_space<vmem>>, vector<16xf32>,
        %add3A_932 = arith.addf %add3A_904, %get3A_931 : vector<16xf32>
        %get3A_933 = arith.constant 3 : i32
        %get3A_934 = arith.index_cast %get3A_933 : i32 to index
        %get3A_935 = arith.index_cast %add3A_914 : i32 to index
        %get3A_936 = arith.constant 48 : index
        %get3A_937 = tpu.vector_load %arg9[%get3A_934, %get3A_935, %get3A_936] {strides = array<i32>} : memref<4x200x64xf32, #tpu.memory_space<vmem>>, vector<16xf32>,
        %add3A_938 = arith.addf %add3A_910, %get3A_937 : vector<16xf32>
        %mul3A_939 = arith.constant 8 : i32
        %mul3A_940 = arith.muli %scan3A_795, %mul3A_939 : i32
        %add3A_941 = arith.constant 5 : i32
        %add3A_942 = arith.addi %mul3A_940, %add3A_941 : i32
        %get3A_943 = arith.constant 3 : i32
        %get3A_944 = arith.index_cast %get3A_943 : i32 to index
        %get3A_945 = arith.index_cast %add3A_942 : i32 to index
        %get3A_946 = arith.constant 0 : index
        %get3A_947 = tpu.vector_load %arg9[%get3A_944, %get3A_945, %get3A_946] {strides = array<i32>} : memref<4x200x64xf32, #tpu.memory_space<vmem>>, vector<16xf32>,
        %add3A_948 = arith.addf %add3A_920, %get3A_947 : vector<16xf32>
        %get3A_949 = arith.constant 3 : i32
        %get3A_950 = arith.index_cast %get3A_949 : i32 to index
        %get3A_951 = arith.index_cast %add3A_942 : i32 to index
        %get3A_952 = arith.constant 16 : index
        %get3A_953 = tpu.vector_load %arg9[%get3A_950, %get3A_951, %get3A_952] {strides = array<i32>} : memref<4x200x64xf32, #tpu.memory_space<vmem>>, vector<16xf32>,
        %add3A_954 = arith.addf %add3A_926, %get3A_953 : vector<16xf32>
        %get3A_955 = arith.constant 3 : i32
        %get3A_956 = arith.index_cast %get3A_955 : i32 to index
        %get3A_957 = arith.index_cast %add3A_942 : i32 to index
        %get3A_958 = arith.constant 32 : index
        %get3A_959 = tpu.vector_load %arg9[%get3A_956, %get3A_957, %get3A_958] {strides = array<i32>} : memref<4x200x64xf32, #tpu.memory_space<vmem>>, vector<16xf32>,
        %add3A_960 = arith.addf %add3A_932, %get3A_959 : vector<16xf32>
        %get3A_961 = arith.constant 3 : i32
        %get3A_962 = arith.index_cast %get3A_961 : i32 to index
        %get3A_963 = arith.index_cast %add3A_942 : i32 to index
        %get3A_964 = arith.constant 48 : index
        %get3A_965 = tpu.vector_load %arg9[%get3A_962, %get3A_963, %get3A_964] {strides = array<i32>} : memref<4x200x64xf32, #tpu.memory_space<vmem>>, vector<16xf32>,
        %add3A_966 = arith.addf %add3A_938, %get3A_965 : vector<16xf32>
        %mul3A_967 = arith.constant 8 : i32
        %mul3A_968 = arith.muli %scan3A_795, %mul3A_967 : i32
        %add3A_969 = arith.constant 6 : i32
        %add3A_970 = arith.addi %mul3A_968, %add3A_969 : i32
        %get3A_971 = arith.constant 3 : i32
        %get3A_972 = arith.index_cast %get3A_971 : i32 to index
        %get3A_973 = arith.index_cast %add3A_970 : i32 to index
        %get3A_974 = arith.constant 0 : index
        %get3A_975 = tpu.vector_load %arg9[%get3A_972, %get3A_973, %get3A_974] {strides = array<i32>} : memref<4x200x64xf32, #tpu.memory_space<vmem>>, vector<16xf32>,
        %add3A_976 = arith.addf %add3A_948, %get3A_975 : vector<16xf32>
        %get3A_977 = arith.constant 3 : i32
        %get3A_978 = arith.index_cast %get3A_977 : i32 to index
        %get3A_979 = arith.index_cast %add3A_970 : i32 to index
        %get3A_980 = arith.constant 16 : index
        %get3A_981 = tpu.vector_load %arg9[%get3A_978, %get3A_979, %get3A_980] {strides = array<i32>} : memref<4x200x64xf32, #tpu.memory_space<vmem>>, vector<16xf32>,
        %add3A_982 = arith.addf %add3A_954, %get3A_981 : vector<16xf32>
        %get3A_983 = arith.constant 3 : i32
        %get3A_984 = arith.index_cast %get3A_983 : i32 to index
        %get3A_985 = arith.index_cast %add3A_970 : i32 to index
        %get3A_986 = arith.constant 32 : index
        %get3A_987 = tpu.vector_load %arg9[%get3A_984, %get3A_985, %get3A_986] {strides = array<i32>} : memref<4x200x64xf32, #tpu.memory_space<vmem>>, vector<16xf32>,
        %add3A_988 = arith.addf %add3A_960, %get3A_987 : vector<16xf32>
        %get3A_989 = arith.constant 3 : i32
        %get3A_990 = arith.index_cast %get3A_989 : i32 to index
        %get3A_991 = arith.index_cast %add3A_970 : i32 to index
        %get3A_992 = arith.constant 48 : index
        %get3A_993 = tpu.vector_load %arg9[%get3A_990, %get3A_991, %get3A_992] {strides = array<i32>} : memref<4x200x64xf32, #tpu.memory_space<vmem>>, vector<16xf32>,
        %add3A_994 = arith.addf %add3A_966, %get3A_993 : vector<16xf32>
        %mul3A_995 = arith.constant 8 : i32
        %mul3A_996 = arith.muli %scan3A_795, %mul3A_995 : i32
        %add3A_997 = arith.constant 7 : i32
        %add3A_998 = arith.addi %mul3A_996, %add3A_997 : i32
        %get3A_999 = arith.constant 3 : i32
        %get3A_1000 = arith.index_cast %get3A_999 : i32 to index
        %get3A_1001 = arith.index_cast %add3A_998 : i32 to index
        %get3A_1002 = arith.constant 0 : index
        %get3A_1003 = tpu.vector_load %arg9[%get3A_1000, %get3A_1001, %get3A_1002] {strides = array<i32>} : memref<4x200x64xf32, #tpu.memory_space<vmem>>, vector<16xf32>,
        %add3A_1004 = arith.addf %add3A_976, %get3A_1003 : vector<16xf32>
        %get3A_1005 = arith.constant 3 : i32
        %get3A_1006 = arith.index_cast %get3A_1005 : i32 to index
        %get3A_1007 = arith.index_cast %add3A_998 : i32 to index
        %get3A_1008 = arith.constant 16 : index
        %get3A_1009 = tpu.vector_load %arg9[%get3A_1006, %get3A_1007, %get3A_1008] {strides = array<i32>} : memref<4x200x64xf32, #tpu.memory_space<vmem>>, vector<16xf32>,
        %add3A_1010 = arith.addf %add3A_982, %get3A_1009 : vector<16xf32>
        %get3A_1011 = arith.constant 3 : i32
        %get3A_1012 = arith.index_cast %get3A_1011 : i32 to index
        %get3A_1013 = arith.index_cast %add3A_998 : i32 to index
        %get3A_1014 = arith.constant 32 : index
        %get3A_1015 = tpu.vector_load %arg9[%get3A_1012, %get3A_1013, %get3A_1014] {strides = array<i32>} : memref<4x200x64xf32, #tpu.memory_space<vmem>>, vector<16xf32>,
        %add3A_1016 = arith.addf %add3A_988, %get3A_1015 : vector<16xf32>
        %get3A_1017 = arith.constant 3 : i32
        %get3A_1018 = arith.index_cast %get3A_1017 : i32 to index
        %get3A_1019 = arith.index_cast %add3A_998 : i32 to index
        %get3A_1020 = arith.constant 48 : index
        %get3A_1021 = tpu.vector_load %arg9[%get3A_1018, %get3A_1019, %get3A_1020] {strides = array<i32>} : memref<4x200x64xf32, #tpu.memory_space<vmem>>, vector<16xf32>,
        %add3A_1022 = arith.addf %add3A_994, %get3A_1021 : vector<16xf32>
        scf.yield %add3A_1004, %add3A_1010, %add3A_1016, %add3A_1022 : vector<16xf32>, vector<16xf32>, vector<16xf32>, vector<16xf32>
      }
      %scan3A_589 = arith.constant 25 : i32
      %swap3A_590 = arith.constant 3 : i32
      %swap3A_591 = arith.index_cast %swap3A_590 : i32 to index
      %swap3A_592 = arith.constant 0 : index
      %swap3A_593 = tpu.vector_load %arg11[%swap3A_591, %swap3A_592] {strides = array<i32>} : memref<4x64xf32, #tpu.memory_space<vmem>>, vector<16xf32>,
      tpu.vector_store %arg11[%swap3A_591, %swap3A_592], %scan3A_588#0 {strides = array<i32>} : memref<4x64xf32, #tpu.memory_space<vmem>>, vector<16xf32>,
      %swap3A_594 = arith.constant 3 : i32
      %swap3A_595 = arith.index_cast %swap3A_594 : i32 to index
      %swap3A_596 = arith.constant 16 : index
      %swap3A_597 = tpu.vector_load %arg11[%swap3A_595, %swap3A_596] {strides = array<i32>} : memref<4x64xf32, #tpu.memory_space<vmem>>, vector<16xf32>,
      tpu.vector_store %arg11[%swap3A_595, %swap3A_596], %scan3A_588#1 {strides = array<i32>} : memref<4x64xf32, #tpu.memory_space<vmem>>, vector<16xf32>,
      %swap3A_598 = arith.constant 3 : i32
      %swap3A_599 = arith.index_cast %swap3A_598 : i32 to index
      %swap3A_600 = arith.constant 32 : index
      %swap3A_601 = tpu.vector_load %arg11[%swap3A_599, %swap3A_600] {strides = array<i32>} : memref<4x64xf32, #tpu.memory_space<vmem>>, vector<16xf32>,
      tpu.vector_store %arg11[%swap3A_599, %swap3A_600], %scan3A_588#2 {strides = array<i32>} : memref<4x64xf32, #tpu.memory_space<vmem>>, vector<16xf32>,
      %swap3A_602 = arith.constant 3 : i32
      %swap3A_603 = arith.index_cast %swap3A_602 : i32 to index
      %swap3A_604 = arith.constant 48 : index
      %swap3A_605 = tpu.vector_load %arg11[%swap3A_603, %swap3A_604] {strides = array<i32>} : memref<4x64xf32, #tpu.memory_space<vmem>>, vector<16xf32>,
      tpu.vector_store %arg11[%swap3A_603, %swap3A_604], %scan3A_588#3 {strides = array<i32>} : memref<4x64xf32, #tpu.memory_space<vmem>>, vector<16xf32>,
      %mul3A_606 = arith.constant 4 : i32
      %mul3A_607 = arith.muli %add3A_464, %mul3A_606 : i32
      %add3A_608 = arith.addi %mul3A_2, %mul3A_607 : i32
      %multiple_of3A_609 = tpu.assume_multiple %add3A_608, 4 : i32
      %dma_start3A_610 = arith.constant 0 : i32
      %dma_start3A_611 = tpu.memref_slice %arg4[%multiple_of3A_609, %dma_start3A_610] : memref<16384x64xf32, #tpu.memory_space<hbm>> -> memref<4x64xf32, #tpu.memory_space<hbm>>
      %dma_start3A_612 = arith.constant 0 : i32
      %dma_start3A_613 = tpu.memref_slice %arg4[%multiple_of3A_609, %dma_start3A_612] : memref<16384x64xf32, #tpu.memory_space<hbm>> -> memref<4x64xf32, #tpu.memory_space<hbm>>
      tpu.enqueue_dma source(%arg11 : memref<4x64xf32, #tpu.memory_space<vmem>>) target(%dma_start3A_613 : memref<4x64xf32, #tpu.memory_space<hbm>>) target_semaphore(%arg19 : memref<!tpu.dma_semaphore, #tpu.memory_space<semaphore_mem>>)
      %add3A_614 = arith.constant 4 : i32
      %add3A_615 = arith.addi %add3A_464, %add3A_614 : i32
      %lt3A_616 = arith.constant 128 : i32
      %lt3A_617 = arith.cmpi slt, %add3A_615, %lt3A_616 : i32
      %convert_element_type3A_618 = arith.extui %lt3A_617 : i1 to i32
      %cond3A_619 = arith.constant 0 : i32
      %cond3A_620 = arith.cmpi ne, %convert_element_type3A_618, %cond3A_619 : i32
      scf.if %cond3A_620 {
        %add3A_795 = arith.constant 4 : i32
        %add3A_796 = arith.addi %add3A_464, %add3A_795 : i32
        %mul3A_797 = arith.constant 4 : i32
        %mul3A_798 = arith.muli %add3A_796, %mul3A_797 : i32
        %add3A_799 = arith.addi %mul3A_2, %mul3A_798 : i32
        %mul3A_800 = arith.constant 200 : i32
        %mul3A_801 = arith.muli %add3A_799, %mul3A_800 : i32
        %multiple_of3A_802 = tpu.assume_multiple %mul3A_801, 800 : i32
        %dma_start3A_803 = tpu.memref_slice %arg2[%multiple_of3A_802] : memref<3276800xi32, #tpu.memory_space<hbm>> -> memref<800xi32, #tpu.memory_space<hbm>>
        %dma_start3A_804 = tpu.memref_slice %arg2[%multiple_of3A_802] : memref<3276800xi32, #tpu.memory_space<hbm>> -> memref<800xi32, #tpu.memory_space<hbm>>
        tpu.enqueue_dma source(%dma_start3A_804 : memref<800xi32, #tpu.memory_space<hbm>>) target(%arg7 : memref<800xi32, #tpu.memory_space<vmem>>) target_semaphore(%arg15 : memref<!tpu.dma_semaphore, #tpu.memory_space<semaphore_mem>>)
      } else {
      }
      %add3A_621 = arith.constant 2 : i32
      %add3A_622 = arith.addi %add3A_464, %add3A_621 : i32
      %lt3A_623 = arith.constant 128 : i32
      %lt3A_624 = arith.cmpi slt, %add3A_622, %lt3A_623 : i32
      %convert_element_type3A_625 = arith.extui %lt3A_624 : i1 to i32
      %cond3A_626 = arith.constant 0 : i32
      %cond3A_627 = arith.cmpi ne, %convert_element_type3A_625, %cond3A_626 : i32
      scf.if %cond3A_627 {
        %dma_wait3A_795 = arith.constant 0 : i32
        %dma_wait3A_796 = tpu.memref_slice %arg2[%dma_wait3A_795] : memref<3276800xi32, #tpu.memory_space<hbm>> -> memref<800xi32, #tpu.memory_space<hbm>>
        %dma_wait3A_797 = arith.constant 0 : i32
        %dma_wait3A_798 = tpu.memref_slice %arg2[%dma_wait3A_797] : memref<3276800xi32, #tpu.memory_space<hbm>> -> memref<800xi32, #tpu.memory_space<hbm>>
        tpu.wait_dma2 semaphore(%arg13 : memref<!tpu.dma_semaphore, #tpu.memory_space<semaphore_mem>>) src(%dma_wait3A_798 : memref<800xi32, #tpu.memory_space<hbm>>) dst(%arg5 : memref<800xi32, #tpu.memory_space<vmem>>)
        %dma_start3A_799 = arith.constant 0 : i32
        %dma_start3A_800 = arith.constant 0 : i32
        %dma_start3A_801 = arith.constant 0 : i32
        %dma_start3A_802 = tpu.memref_slice %arg9[%dma_start3A_799, %dma_start3A_800, %dma_start3A_801] : memref<4x200x64xf32, #tpu.memory_space<vmem>> -> memref<1x200x64xf32, #tpu.memory_space<vmem>>
        %dma_start3A_803 = tpu.memref_squeeze %dma_start3A_802 : memref<1x200x64xf32, #tpu.memory_space<vmem>> -> memref<200x64xf32, #tpu.memory_space<vmem>>
        %dma_start3A_804 = arith.constant 0 : i32
        %dma_start3A_805 = tpu.memref_slice %arg5[%dma_start3A_804] : memref<800xi32, #tpu.memory_space<vmem>> -> memref<200xi32, #tpu.memory_space<vmem>>
        %dma_start3A_806 = arith.constant 0 : i32
        %dma_start3A_807 = arith.constant 0 : i32
        %dma_start3A_808 = tpu.memref_slice %arg3[%dma_start3A_806, %dma_start3A_807] : memref<1000000x64xf32, #tpu.memory_space<hbm>> -> memref<1000000x64xf32, #tpu.memory_space<hbm>>
        tpu.enqueue_indirect_dma source(%dma_start3A_808 : memref<1000000x64xf32, #tpu.memory_space<hbm>>) target(%dma_start3A_803 : memref<200x64xf32, #tpu.memory_space<vmem>>) offsets(%dma_start3A_805 : memref<200xi32, #tpu.memory_space<vmem>>) semaphore(%arg17 : memref<!tpu.dma_semaphore, #tpu.memory_space<semaphore_mem>>)
        %dma_start3A_809 = arith.constant 1 : i32
        %dma_start3A_810 = arith.constant 0 : i32
        %dma_start3A_811 = arith.constant 0 : i32
        %dma_start3A_812 = tpu.memref_slice %arg9[%dma_start3A_809, %dma_start3A_810, %dma_start3A_811] : memref<4x200x64xf32, #tpu.memory_space<vmem>> -> memref<1x200x64xf32, #tpu.memory_space<vmem>>
        %dma_start3A_813 = tpu.memref_squeeze %dma_start3A_812 : memref<1x200x64xf32, #tpu.memory_space<vmem>> -> memref<200x64xf32, #tpu.memory_space<vmem>>
        %dma_start3A_814 = arith.constant 200 : i32
        %dma_start3A_815 = tpu.memref_slice %arg5[%dma_start3A_814] : memref<800xi32, #tpu.memory_space<vmem>> -> memref<200xi32, #tpu.memory_space<vmem>>
        %dma_start3A_816 = arith.constant 0 : i32
        %dma_start3A_817 = arith.constant 0 : i32
        %dma_start3A_818 = tpu.memref_slice %arg3[%dma_start3A_816, %dma_start3A_817] : memref<1000000x64xf32, #tpu.memory_space<hbm>> -> memref<1000000x64xf32, #tpu.memory_space<hbm>>
        tpu.enqueue_indirect_dma source(%dma_start3A_818 : memref<1000000x64xf32, #tpu.memory_space<hbm>>) target(%dma_start3A_813 : memref<200x64xf32, #tpu.memory_space<vmem>>) offsets(%dma_start3A_815 : memref<200xi32, #tpu.memory_space<vmem>>) semaphore(%arg17 : memref<!tpu.dma_semaphore, #tpu.memory_space<semaphore_mem>>)
        %dma_start3A_819 = arith.constant 2 : i32
        %dma_start3A_820 = arith.constant 0 : i32
        %dma_start3A_821 = arith.constant 0 : i32
        %dma_start3A_822 = tpu.memref_slice %arg9[%dma_start3A_819, %dma_start3A_820, %dma_start3A_821] : memref<4x200x64xf32, #tpu.memory_space<vmem>> -> memref<1x200x64xf32, #tpu.memory_space<vmem>>
        %dma_start3A_823 = tpu.memref_squeeze %dma_start3A_822 : memref<1x200x64xf32, #tpu.memory_space<vmem>> -> memref<200x64xf32, #tpu.memory_space<vmem>>
        %dma_start3A_824 = arith.constant 400 : i32
        %dma_start3A_825 = tpu.memref_slice %arg5[%dma_start3A_824] : memref<800xi32, #tpu.memory_space<vmem>> -> memref<200xi32, #tpu.memory_space<vmem>>
        %dma_start3A_826 = arith.constant 0 : i32
        %dma_start3A_827 = arith.constant 0 : i32
        %dma_start3A_828 = tpu.memref_slice %arg3[%dma_start3A_826, %dma_start3A_827] : memref<1000000x64xf32, #tpu.memory_space<hbm>> -> memref<1000000x64xf32, #tpu.memory_space<hbm>>
        tpu.enqueue_indirect_dma source(%dma_start3A_828 : memref<1000000x64xf32, #tpu.memory_space<hbm>>) target(%dma_start3A_823 : memref<200x64xf32, #tpu.memory_space<vmem>>) offsets(%dma_start3A_825 : memref<200xi32, #tpu.memory_space<vmem>>) semaphore(%arg17 : memref<!tpu.dma_semaphore, #tpu.memory_space<semaphore_mem>>)
        %dma_start3A_829 = arith.constant 3 : i32
        %dma_start3A_830 = arith.constant 0 : i32
        %dma_start3A_831 = arith.constant 0 : i32
        %dma_start3A_832 = tpu.memref_slice %arg9[%dma_start3A_829, %dma_start3A_830, %dma_start3A_831] : memref<4x200x64xf32, #tpu.memory_space<vmem>> -> memref<1x200x64xf32, #tpu.memory_space<vmem>>
        %dma_start3A_833 = tpu.memref_squeeze %dma_start3A_832 : memref<1x200x64xf32, #tpu.memory_space<vmem>> -> memref<200x64xf32, #tpu.memory_space<vmem>>
        %dma_start3A_834 = arith.constant 600 : i32
        %dma_start3A_835 = tpu.memref_slice %arg5[%dma_start3A_834] : memref<800xi32, #tpu.memory_space<vmem>> -> memref<200xi32, #tpu.memory_space<vmem>>
        %dma_start3A_836 = arith.constant 0 : i32
        %dma_start3A_837 = arith.constant 0 : i32
        %dma_start3A_838 = tpu.memref_slice %arg3[%dma_start3A_836, %dma_start3A_837] : memref<1000000x64xf32, #tpu.memory_space<hbm>> -> memref<1000000x64xf32, #tpu.memory_space<hbm>>
        tpu.enqueue_indirect_dma source(%dma_start3A_838 : memref<1000000x64xf32, #tpu.memory_space<hbm>>) target(%dma_start3A_833 : memref<200x64xf32, #tpu.memory_space<vmem>>) offsets(%dma_start3A_835 : memref<200xi32, #tpu.memory_space<vmem>>) semaphore(%arg17 : memref<!tpu.dma_semaphore, #tpu.memory_space<semaphore_mem>>)
      } else {
      }
      %mul3A_628 = arith.constant 4 : i32
      %mul3A_629 = arith.muli %scan3A_132, %mul3A_628 : i32
      %add3A_630 = arith.constant 3 : i32
      %add3A_631 = arith.addi %mul3A_629, %add3A_630 : i32
      %dma_wait3A_632 = arith.constant 0 : i32
      %dma_wait3A_633 = arith.constant 0 : i32
      %dma_wait3A_634 = arith.constant 0 : i32
      %dma_wait3A_635 = tpu.memref_slice %arg10[%dma_wait3A_632, %dma_wait3A_633, %dma_wait3A_634] : memref<4x200x64xf32, #tpu.memory_space<vmem>> -> memref<1x200x64xf32, #tpu.memory_space<vmem>>
      %dma_wait3A_636 = tpu.memref_squeeze %dma_wait3A_635 : memref<1x200x64xf32, #tpu.memory_space<vmem>> -> memref<200x64xf32, #tpu.memory_space<vmem>>
      %dma_wait3A_637 = arith.constant 0 : i32
      %dma_wait3A_638 = tpu.memref_slice %arg8[%dma_wait3A_637] : memref<800xi32, #tpu.memory_space<vmem>> -> memref<200xi32, #tpu.memory_space<vmem>>
      %dma_wait3A_639 = arith.constant 0 : i32
      %dma_wait3A_640 = arith.constant 0 : i32
      %dma_wait3A_641 = tpu.memref_slice %arg3[%dma_wait3A_639, %dma_wait3A_640] : memref<1000000x64xf32, #tpu.memory_space<hbm>> -> memref<1000000x64xf32, #tpu.memory_space<hbm>>
      tpu.wait_indirect_dma semaphore(%arg18 : memref<!tpu.dma_semaphore, #tpu.memory_space<semaphore_mem>>) src(%dma_wait3A_641 : memref<1000000x64xf32, #tpu.memory_space<hbm>>) dst(%dma_wait3A_636 : memref<200x64xf32, #tpu.memory_space<vmem>>)
      %dma_wait3A_642 = arith.constant 1 : i32
      %dma_wait3A_643 = arith.constant 0 : i32
      %dma_wait3A_644 = arith.constant 0 : i32
      %dma_wait3A_645 = tpu.memref_slice %arg10[%dma_wait3A_642, %dma_wait3A_643, %dma_wait3A_644] : memref<4x200x64xf32, #tpu.memory_space<vmem>> -> memref<1x200x64xf32, #tpu.memory_space<vmem>>
      %dma_wait3A_646 = tpu.memref_squeeze %dma_wait3A_645 : memref<1x200x64xf32, #tpu.memory_space<vmem>> -> memref<200x64xf32, #tpu.memory_space<vmem>>
      %dma_wait3A_647 = arith.constant 200 : i32
      %dma_wait3A_648 = tpu.memref_slice %arg8[%dma_wait3A_647] : memref<800xi32, #tpu.memory_space<vmem>> -> memref<200xi32, #tpu.memory_space<vmem>>
      %dma_wait3A_649 = arith.constant 0 : i32
      %dma_wait3A_650 = arith.constant 0 : i32
      %dma_wait3A_651 = tpu.memref_slice %arg3[%dma_wait3A_649, %dma_wait3A_650] : memref<1000000x64xf32, #tpu.memory_space<hbm>> -> memref<1000000x64xf32, #tpu.memory_space<hbm>>
      tpu.wait_indirect_dma semaphore(%arg18 : memref<!tpu.dma_semaphore, #tpu.memory_space<semaphore_mem>>) src(%dma_wait3A_651 : memref<1000000x64xf32, #tpu.memory_space<hbm>>) dst(%dma_wait3A_646 : memref<200x64xf32, #tpu.memory_space<vmem>>)
      %dma_wait3A_652 = arith.constant 2 : i32
      %dma_wait3A_653 = arith.constant 0 : i32
      %dma_wait3A_654 = arith.constant 0 : i32
      %dma_wait3A_655 = tpu.memref_slice %arg10[%dma_wait3A_652, %dma_wait3A_653, %dma_wait3A_654] : memref<4x200x64xf32, #tpu.memory_space<vmem>> -> memref<1x200x64xf32, #tpu.memory_space<vmem>>
      %dma_wait3A_656 = tpu.memref_squeeze %dma_wait3A_655 : memref<1x200x64xf32, #tpu.memory_space<vmem>> -> memref<200x64xf32, #tpu.memory_space<vmem>>
      %dma_wait3A_657 = arith.constant 400 : i32
      %dma_wait3A_658 = tpu.memref_slice %arg8[%dma_wait3A_657] : memref<800xi32, #tpu.memory_space<vmem>> -> memref<200xi32, #tpu.memory_space<vmem>>
      %dma_wait3A_659 = arith.constant 0 : i32
      %dma_wait3A_660 = arith.constant 0 : i32
      %dma_wait3A_661 = tpu.memref_slice %arg3[%dma_wait3A_659, %dma_wait3A_660] : memref<1000000x64xf32, #tpu.memory_space<hbm>> -> memref<1000000x64xf32, #tpu.memory_space<hbm>>
      tpu.wait_indirect_dma semaphore(%arg18 : memref<!tpu.dma_semaphore, #tpu.memory_space<semaphore_mem>>) src(%dma_wait3A_661 : memref<1000000x64xf32, #tpu.memory_space<hbm>>) dst(%dma_wait3A_656 : memref<200x64xf32, #tpu.memory_space<vmem>>)
      %dma_wait3A_662 = arith.constant 3 : i32
      %dma_wait3A_663 = arith.constant 0 : i32
      %dma_wait3A_664 = arith.constant 0 : i32
      %dma_wait3A_665 = tpu.memref_slice %arg10[%dma_wait3A_662, %dma_wait3A_663, %dma_wait3A_664] : memref<4x200x64xf32, #tpu.memory_space<vmem>> -> memref<1x200x64xf32, #tpu.memory_space<vmem>>
      %dma_wait3A_666 = tpu.memref_squeeze %dma_wait3A_665 : memref<1x200x64xf32, #tpu.memory_space<vmem>> -> memref<200x64xf32, #tpu.memory_space<vmem>>
      %dma_wait3A_667 = arith.constant 600 : i32
      %dma_wait3A_668 = tpu.memref_slice %arg8[%dma_wait3A_667] : memref<800xi32, #tpu.memory_space<vmem>> -> memref<200xi32, #tpu.memory_space<vmem>>
      %dma_wait3A_669 = arith.constant 0 : i32
      %dma_wait3A_670 = arith.constant 0 : i32
      %dma_wait3A_671 = tpu.memref_slice %arg3[%dma_wait3A_669, %dma_wait3A_670] : memref<1000000x64xf32, #tpu.memory_space<hbm>> -> memref<1000000x64xf32, #tpu.memory_space<hbm>>
      tpu.wait_indirect_dma semaphore(%arg18 : memref<!tpu.dma_semaphore, #tpu.memory_space<semaphore_mem>>) src(%dma_wait3A_671 : memref<1000000x64xf32, #tpu.memory_space<hbm>>) dst(%dma_wait3A_666 : memref<200x64xf32, #tpu.memory_space<vmem>>)
      %ge3A_672 = arith.constant 2 : i32
      %ge3A_673 = arith.cmpi sge, %add3A_631, %ge3A_672 : i32
      %convert_element_type3A_674 = arith.extui %ge3A_673 : i1 to i32
      %cond3A_675 = arith.constant 0 : i32
      %cond3A_676 = arith.cmpi ne, %convert_element_type3A_674, %cond3A_675 : i32
      scf.if %cond3A_676 {
        %dma_wait3A_795 = arith.constant 0 : i32
        %dma_wait3A_796 = arith.constant 0 : i32
        %dma_wait3A_797 = tpu.memref_slice %arg4[%dma_wait3A_795, %dma_wait3A_796] : memref<16384x64xf32, #tpu.memory_space<hbm>> -> memref<4x64xf32, #tpu.memory_space<hbm>>
        %dma_wait3A_798 = arith.constant 0 : i32
        %dma_wait3A_799 = arith.constant 0 : i32
        %dma_wait3A_800 = tpu.memref_slice %arg4[%dma_wait3A_798, %dma_wait3A_799] : memref<16384x64xf32, #tpu.memory_space<hbm>> -> memref<4x64xf32, #tpu.memory_space<hbm>>
        tpu.wait_dma2 semaphore(%arg19 : memref<!tpu.dma_semaphore, #tpu.memory_space<semaphore_mem>>) src(%arg12 : memref<4x64xf32, #tpu.memory_space<vmem>>) dst(%dma_wait3A_800 : memref<4x64xf32, #tpu.memory_space<hbm>>)
      } else {
      }
      %broadcast_in_dim3A_677 = arith.constant 0.000000e+00 : f32
      %broadcast_in_dim3A_678 = vector.broadcast %broadcast_in_dim3A_677 : f32 to vector<16xf32>
      %scan3A_679 = arith.constant 0 : i32
      %scan3A_680 = arith.constant 25 : i32
      %scan3A_681 = arith.addi %scan3A_679, %scan3A_680 : i32
      %scan3A_682 = arith.constant 1 : i32
      %scan3A_683:4 = scf.for %scan3A_795 = %scan3A_679 to %scan3A_681 step %scan3A_682 iter_args(%scan3A_796 = %broadcast_in_dim3A_678, %scan3A_797 = %broadcast_in_dim3A_678, %scan3A_798 = %broadcast_in_dim3A_678, %scan3A_799 = %broadcast_in_dim3A_678) -> (vector<16xf32>, vector<16xf32>, vector<16xf32>, vector<16xf32>)  : i32 {
        %mul3A_800 = arith.constant 8 : i32
        %mul3A_801 = arith.muli %scan3A_795, %mul3A_800 : i32
        %add3A_802 = arith.constant 0 : i32
        %add3A_803 = arith.addi %mul3A_801, %add3A_802 : i32
        %get3A = arith.constant 0 : i32
        %get3A_804 = arith.index_cast %get3A : i32 to index
        %get3A_805 = arith.index_cast %add3A_803 : i32 to index
        %get3A_806 = arith.constant 0 : index
        %get3A_807 = tpu.vector_load %arg10[%get3A_804, %get3A_805, %get3A_806] {strides = array<i32>} : memref<4x200x64xf32, #tpu.memory_space<vmem>>, vector<16xf32>,
        %add3A_808 = arith.addf %scan3A_796, %get3A_807 : vector<16xf32>
        %get3A_809 = arith.constant 0 : i32
        %get3A_810 = arith.index_cast %get3A_809 : i32 to index
        %get3A_811 = arith.index_cast %add3A_803 : i32 to index
        %get3A_812 = arith.constant 16 : index
        %get3A_813 = tpu.vector_load %arg10[%get3A_810, %get3A_811, %get3A_812] {strides = array<i32>} : memref<4x200x64xf32, #tpu.memory_space<vmem>>, vector<16xf32>,
        %add3A_814 = arith.addf %scan3A_797, %get3A_813 : vector<16xf32>
        %get3A_815 = arith.constant 0 : i32
        %get3A_816 = arith.index_cast %get3A_815 : i32 to index
        %get3A_817 = arith.index_cast %add3A_803 : i32 to index
        %get3A_818 = arith.constant 32 : index
        %get3A_819 = tpu.vector_load %arg10[%get3A_816, %get3A_817, %get3A_818] {strides = array<i32>} : memref<4x200x64xf32, #tpu.memory_space<vmem>>, vector<16xf32>,
        %add3A_820 = arith.addf %scan3A_798, %get3A_819 : vector<16xf32>
        %get3A_821 = arith.constant 0 : i32
        %get3A_822 = arith.index_cast %get3A_821 : i32 to index
        %get3A_823 = arith.index_cast %add3A_803 : i32 to index
        %get3A_824 = arith.constant 48 : index
        %get3A_825 = tpu.vector_load %arg10[%get3A_822, %get3A_823, %get3A_824] {strides = array<i32>} : memref<4x200x64xf32, #tpu.memory_space<vmem>>, vector<16xf32>,
        %add3A_826 = arith.addf %scan3A_799, %get3A_825 : vector<16xf32>
        %mul3A_827 = arith.constant 8 : i32
        %mul3A_828 = arith.muli %scan3A_795, %mul3A_827 : i32
        %add3A_829 = arith.constant 1 : i32
        %add3A_830 = arith.addi %mul3A_828, %add3A_829 : i32
        %get3A_831 = arith.constant 0 : i32
        %get3A_832 = arith.index_cast %get3A_831 : i32 to index
        %get3A_833 = arith.index_cast %add3A_830 : i32 to index
        %get3A_834 = arith.constant 0 : index
        %get3A_835 = tpu.vector_load %arg10[%get3A_832, %get3A_833, %get3A_834] {strides = array<i32>} : memref<4x200x64xf32, #tpu.memory_space<vmem>>, vector<16xf32>,
        %add3A_836 = arith.addf %add3A_808, %get3A_835 : vector<16xf32>
        %get3A_837 = arith.constant 0 : i32
        %get3A_838 = arith.index_cast %get3A_837 : i32 to index
        %get3A_839 = arith.index_cast %add3A_830 : i32 to index
        %get3A_840 = arith.constant 16 : index
        %get3A_841 = tpu.vector_load %arg10[%get3A_838, %get3A_839, %get3A_840] {strides = array<i32>} : memref<4x200x64xf32, #tpu.memory_space<vmem>>, vector<16xf32>,
        %add3A_842 = arith.addf %add3A_814, %get3A_841 : vector<16xf32>
        %get3A_843 = arith.constant 0 : i32
        %get3A_844 = arith.index_cast %get3A_843 : i32 to index
        %get3A_845 = arith.index_cast %add3A_830 : i32 to index
        %get3A_846 = arith.constant 32 : index
        %get3A_847 = tpu.vector_load %arg10[%get3A_844, %get3A_845, %get3A_846] {strides = array<i32>} : memref<4x200x64xf32, #tpu.memory_space<vmem>>, vector<16xf32>,
        %add3A_848 = arith.addf %add3A_820, %get3A_847 : vector<16xf32>
        %get3A_849 = arith.constant 0 : i32
        %get3A_850 = arith.index_cast %get3A_849 : i32 to index
        %get3A_851 = arith.index_cast %add3A_830 : i32 to index
        %get3A_852 = arith.constant 48 : index
        %get3A_853 = tpu.vector_load %arg10[%get3A_850, %get3A_851, %get3A_852] {strides = array<i32>} : memref<4x200x64xf32, #tpu.memory_space<vmem>>, vector<16xf32>,
        %add3A_854 = arith.addf %add3A_826, %get3A_853 : vector<16xf32>
        %mul3A_855 = arith.constant 8 : i32
        %mul3A_856 = arith.muli %scan3A_795, %mul3A_855 : i32
        %add3A_857 = arith.constant 2 : i32
        %add3A_858 = arith.addi %mul3A_856, %add3A_857 : i32
        %get3A_859 = arith.constant 0 : i32
        %get3A_860 = arith.index_cast %get3A_859 : i32 to index
        %get3A_861 = arith.index_cast %add3A_858 : i32 to index
        %get3A_862 = arith.constant 0 : index
        %get3A_863 = tpu.vector_load %arg10[%get3A_860, %get3A_861, %get3A_862] {strides = array<i32>} : memref<4x200x64xf32, #tpu.memory_space<vmem>>, vector<16xf32>,
        %add3A_864 = arith.addf %add3A_836, %get3A_863 : vector<16xf32>
        %get3A_865 = arith.constant 0 : i32
        %get3A_866 = arith.index_cast %get3A_865 : i32 to index
        %get3A_867 = arith.index_cast %add3A_858 : i32 to index
        %get3A_868 = arith.constant 16 : index
        %get3A_869 = tpu.vector_load %arg10[%get3A_866, %get3A_867, %get3A_868] {strides = array<i32>} : memref<4x200x64xf32, #tpu.memory_space<vmem>>, vector<16xf32>,
        %add3A_870 = arith.addf %add3A_842, %get3A_869 : vector<16xf32>
        %get3A_871 = arith.constant 0 : i32
        %get3A_872 = arith.index_cast %get3A_871 : i32 to index
        %get3A_873 = arith.index_cast %add3A_858 : i32 to index
        %get3A_874 = arith.constant 32 : index
        %get3A_875 = tpu.vector_load %arg10[%get3A_872, %get3A_873, %get3A_874] {strides = array<i32>} : memref<4x200x64xf32, #tpu.memory_space<vmem>>, vector<16xf32>,
        %add3A_876 = arith.addf %add3A_848, %get3A_875 : vector<16xf32>
        %get3A_877 = arith.constant 0 : i32
        %get3A_878 = arith.index_cast %get3A_877 : i32 to index
        %get3A_879 = arith.index_cast %add3A_858 : i32 to index
        %get3A_880 = arith.constant 48 : index
        %get3A_881 = tpu.vector_load %arg10[%get3A_878, %get3A_879, %get3A_880] {strides = array<i32>} : memref<4x200x64xf32, #tpu.memory_space<vmem>>, vector<16xf32>,
        %add3A_882 = arith.addf %add3A_854, %get3A_881 : vector<16xf32>
        %mul3A_883 = arith.constant 8 : i32
        %mul3A_884 = arith.muli %scan3A_795, %mul3A_883 : i32
        %add3A_885 = arith.constant 3 : i32
        %add3A_886 = arith.addi %mul3A_884, %add3A_885 : i32
        %get3A_887 = arith.constant 0 : i32
        %get3A_888 = arith.index_cast %get3A_887 : i32 to index
        %get3A_889 = arith.index_cast %add3A_886 : i32 to index
        %get3A_890 = arith.constant 0 : index
        %get3A_891 = tpu.vector_load %arg10[%get3A_888, %get3A_889, %get3A_890] {strides = array<i32>} : memref<4x200x64xf32, #tpu.memory_space<vmem>>, vector<16xf32>,
        %add3A_892 = arith.addf %add3A_864, %get3A_891 : vector<16xf32>
        %get3A_893 = arith.constant 0 : i32
        %get3A_894 = arith.index_cast %get3A_893 : i32 to index
        %get3A_895 = arith.index_cast %add3A_886 : i32 to index
        %get3A_896 = arith.constant 16 : index
        %get3A_897 = tpu.vector_load %arg10[%get3A_894, %get3A_895, %get3A_896] {strides = array<i32>} : memref<4x200x64xf32, #tpu.memory_space<vmem>>, vector<16xf32>,
        %add3A_898 = arith.addf %add3A_870, %get3A_897 : vector<16xf32>
        %get3A_899 = arith.constant 0 : i32
        %get3A_900 = arith.index_cast %get3A_899 : i32 to index
        %get3A_901 = arith.index_cast %add3A_886 : i32 to index
        %get3A_902 = arith.constant 32 : index
        %get3A_903 = tpu.vector_load %arg10[%get3A_900, %get3A_901, %get3A_902] {strides = array<i32>} : memref<4x200x64xf32, #tpu.memory_space<vmem>>, vector<16xf32>,
        %add3A_904 = arith.addf %add3A_876, %get3A_903 : vector<16xf32>
        %get3A_905 = arith.constant 0 : i32
        %get3A_906 = arith.index_cast %get3A_905 : i32 to index
        %get3A_907 = arith.index_cast %add3A_886 : i32 to index
        %get3A_908 = arith.constant 48 : index
        %get3A_909 = tpu.vector_load %arg10[%get3A_906, %get3A_907, %get3A_908] {strides = array<i32>} : memref<4x200x64xf32, #tpu.memory_space<vmem>>, vector<16xf32>,
        %add3A_910 = arith.addf %add3A_882, %get3A_909 : vector<16xf32>
        %mul3A_911 = arith.constant 8 : i32
        %mul3A_912 = arith.muli %scan3A_795, %mul3A_911 : i32
        %add3A_913 = arith.constant 4 : i32
        %add3A_914 = arith.addi %mul3A_912, %add3A_913 : i32
        %get3A_915 = arith.constant 0 : i32
        %get3A_916 = arith.index_cast %get3A_915 : i32 to index
        %get3A_917 = arith.index_cast %add3A_914 : i32 to index
        %get3A_918 = arith.constant 0 : index
        %get3A_919 = tpu.vector_load %arg10[%get3A_916, %get3A_917, %get3A_918] {strides = array<i32>} : memref<4x200x64xf32, #tpu.memory_space<vmem>>, vector<16xf32>,
        %add3A_920 = arith.addf %add3A_892, %get3A_919 : vector<16xf32>
        %get3A_921 = arith.constant 0 : i32
        %get3A_922 = arith.index_cast %get3A_921 : i32 to index
        %get3A_923 = arith.index_cast %add3A_914 : i32 to index
        %get3A_924 = arith.constant 16 : index
        %get3A_925 = tpu.vector_load %arg10[%get3A_922, %get3A_923, %get3A_924] {strides = array<i32>} : memref<4x200x64xf32, #tpu.memory_space<vmem>>, vector<16xf32>,
        %add3A_926 = arith.addf %add3A_898, %get3A_925 : vector<16xf32>
        %get3A_927 = arith.constant 0 : i32
        %get3A_928 = arith.index_cast %get3A_927 : i32 to index
        %get3A_929 = arith.index_cast %add3A_914 : i32 to index
        %get3A_930 = arith.constant 32 : index
        %get3A_931 = tpu.vector_load %arg10[%get3A_928, %get3A_929, %get3A_930] {strides = array<i32>} : memref<4x200x64xf32, #tpu.memory_space<vmem>>, vector<16xf32>,
        %add3A_932 = arith.addf %add3A_904, %get3A_931 : vector<16xf32>
        %get3A_933 = arith.constant 0 : i32
        %get3A_934 = arith.index_cast %get3A_933 : i32 to index
        %get3A_935 = arith.index_cast %add3A_914 : i32 to index
        %get3A_936 = arith.constant 48 : index
        %get3A_937 = tpu.vector_load %arg10[%get3A_934, %get3A_935, %get3A_936] {strides = array<i32>} : memref<4x200x64xf32, #tpu.memory_space<vmem>>, vector<16xf32>,
        %add3A_938 = arith.addf %add3A_910, %get3A_937 : vector<16xf32>
        %mul3A_939 = arith.constant 8 : i32
        %mul3A_940 = arith.muli %scan3A_795, %mul3A_939 : i32
        %add3A_941 = arith.constant 5 : i32
        %add3A_942 = arith.addi %mul3A_940, %add3A_941 : i32
        %get3A_943 = arith.constant 0 : i32
        %get3A_944 = arith.index_cast %get3A_943 : i32 to index
        %get3A_945 = arith.index_cast %add3A_942 : i32 to index
        %get3A_946 = arith.constant 0 : index
        %get3A_947 = tpu.vector_load %arg10[%get3A_944, %get3A_945, %get3A_946] {strides = array<i32>} : memref<4x200x64xf32, #tpu.memory_space<vmem>>, vector<16xf32>,
        %add3A_948 = arith.addf %add3A_920, %get3A_947 : vector<16xf32>
        %get3A_949 = arith.constant 0 : i32
        %get3A_950 = arith.index_cast %get3A_949 : i32 to index
        %get3A_951 = arith.index_cast %add3A_942 : i32 to index
        %get3A_952 = arith.constant 16 : index
        %get3A_953 = tpu.vector_load %arg10[%get3A_950, %get3A_951, %get3A_952] {strides = array<i32>} : memref<4x200x64xf32, #tpu.memory_space<vmem>>, vector<16xf32>,
        %add3A_954 = arith.addf %add3A_926, %get3A_953 : vector<16xf32>
        %get3A_955 = arith.constant 0 : i32
        %get3A_956 = arith.index_cast %get3A_955 : i32 to index
        %get3A_957 = arith.index_cast %add3A_942 : i32 to index
        %get3A_958 = arith.constant 32 : index
        %get3A_959 = tpu.vector_load %arg10[%get3A_956, %get3A_957, %get3A_958] {strides = array<i32>} : memref<4x200x64xf32, #tpu.memory_space<vmem>>, vector<16xf32>,
        %add3A_960 = arith.addf %add3A_932, %get3A_959 : vector<16xf32>
        %get3A_961 = arith.constant 0 : i32
        %get3A_962 = arith.index_cast %get3A_961 : i32 to index
        %get3A_963 = arith.index_cast %add3A_942 : i32 to index
        %get3A_964 = arith.constant 48 : index
        %get3A_965 = tpu.vector_load %arg10[%get3A_962, %get3A_963, %get3A_964] {strides = array<i32>} : memref<4x200x64xf32, #tpu.memory_space<vmem>>, vector<16xf32>,
        %add3A_966 = arith.addf %add3A_938, %get3A_965 : vector<16xf32>
        %mul3A_967 = arith.constant 8 : i32
        %mul3A_968 = arith.muli %scan3A_795, %mul3A_967 : i32
        %add3A_969 = arith.constant 6 : i32
        %add3A_970 = arith.addi %mul3A_968, %add3A_969 : i32
        %get3A_971 = arith.constant 0 : i32
        %get3A_972 = arith.index_cast %get3A_971 : i32 to index
        %get3A_973 = arith.index_cast %add3A_970 : i32 to index
        %get3A_974 = arith.constant 0 : index
        %get3A_975 = tpu.vector_load %arg10[%get3A_972, %get3A_973, %get3A_974] {strides = array<i32>} : memref<4x200x64xf32, #tpu.memory_space<vmem>>, vector<16xf32>,
        %add3A_976 = arith.addf %add3A_948, %get3A_975 : vector<16xf32>
        %get3A_977 = arith.constant 0 : i32
        %get3A_978 = arith.index_cast %get3A_977 : i32 to index
        %get3A_979 = arith.index_cast %add3A_970 : i32 to index
        %get3A_980 = arith.constant 16 : index
        %get3A_981 = tpu.vector_load %arg10[%get3A_978, %get3A_979, %get3A_980] {strides = array<i32>} : memref<4x200x64xf32, #tpu.memory_space<vmem>>, vector<16xf32>,
        %add3A_982 = arith.addf %add3A_954, %get3A_981 : vector<16xf32>
        %get3A_983 = arith.constant 0 : i32
        %get3A_984 = arith.index_cast %get3A_983 : i32 to index
        %get3A_985 = arith.index_cast %add3A_970 : i32 to index
        %get3A_986 = arith.constant 32 : index
        %get3A_987 = tpu.vector_load %arg10[%get3A_984, %get3A_985, %get3A_986] {strides = array<i32>} : memref<4x200x64xf32, #tpu.memory_space<vmem>>, vector<16xf32>,
        %add3A_988 = arith.addf %add3A_960, %get3A_987 : vector<16xf32>
        %get3A_989 = arith.constant 0 : i32
        %get3A_990 = arith.index_cast %get3A_989 : i32 to index
        %get3A_991 = arith.index_cast %add3A_970 : i32 to index
        %get3A_992 = arith.constant 48 : index
        %get3A_993 = tpu.vector_load %arg10[%get3A_990, %get3A_991, %get3A_992] {strides = array<i32>} : memref<4x200x64xf32, #tpu.memory_space<vmem>>, vector<16xf32>,
        %add3A_994 = arith.addf %add3A_966, %get3A_993 : vector<16xf32>
        %mul3A_995 = arith.constant 8 : i32
        %mul3A_996 = arith.muli %scan3A_795, %mul3A_995 : i32
        %add3A_997 = arith.constant 7 : i32
        %add3A_998 = arith.addi %mul3A_996, %add3A_997 : i32
        %get3A_999 = arith.constant 0 : i32
        %get3A_1000 = arith.index_cast %get3A_999 : i32 to index
        %get3A_1001 = arith.index_cast %add3A_998 : i32 to index
        %get3A_1002 = arith.constant 0 : index
        %get3A_1003 = tpu.vector_load %arg10[%get3A_1000, %get3A_1001, %get3A_1002] {strides = array<i32>} : memref<4x200x64xf32, #tpu.memory_space<vmem>>, vector<16xf32>,
        %add3A_1004 = arith.addf %add3A_976, %get3A_1003 : vector<16xf32>
        %get3A_1005 = arith.constant 0 : i32
        %get3A_1006 = arith.index_cast %get3A_1005 : i32 to index
        %get3A_1007 = arith.index_cast %add3A_998 : i32 to index
        %get3A_1008 = arith.constant 16 : index
        %get3A_1009 = tpu.vector_load %arg10[%get3A_1006, %get3A_1007, %get3A_1008] {strides = array<i32>} : memref<4x200x64xf32, #tpu.memory_space<vmem>>, vector<16xf32>,
        %add3A_1010 = arith.addf %add3A_982, %get3A_1009 : vector<16xf32>
        %get3A_1011 = arith.constant 0 : i32
        %get3A_1012 = arith.index_cast %get3A_1011 : i32 to index
        %get3A_1013 = arith.index_cast %add3A_998 : i32 to index
        %get3A_1014 = arith.constant 32 : index
        %get3A_1015 = tpu.vector_load %arg10[%get3A_1012, %get3A_1013, %get3A_1014] {strides = array<i32>} : memref<4x200x64xf32, #tpu.memory_space<vmem>>, vector<16xf32>,
        %add3A_1016 = arith.addf %add3A_988, %get3A_1015 : vector<16xf32>
        %get3A_1017 = arith.constant 0 : i32
        %get3A_1018 = arith.index_cast %get3A_1017 : i32 to index
        %get3A_1019 = arith.index_cast %add3A_998 : i32 to index
        %get3A_1020 = arith.constant 48 : index
        %get3A_1021 = tpu.vector_load %arg10[%get3A_1018, %get3A_1019, %get3A_1020] {strides = array<i32>} : memref<4x200x64xf32, #tpu.memory_space<vmem>>, vector<16xf32>,
        %add3A_1022 = arith.addf %add3A_994, %get3A_1021 : vector<16xf32>
        scf.yield %add3A_1004, %add3A_1010, %add3A_1016, %add3A_1022 : vector<16xf32>, vector<16xf32>, vector<16xf32>, vector<16xf32>
      }
      %scan3A_684 = arith.constant 25 : i32
      %swap3A_685 = arith.constant 0 : i32
      %swap3A_686 = arith.index_cast %swap3A_685 : i32 to index
      %swap3A_687 = arith.constant 0 : index
      %swap3A_688 = tpu.vector_load %arg12[%swap3A_686, %swap3A_687] {strides = array<i32>} : memref<4x64xf32, #tpu.memory_space<vmem>>, vector<16xf32>,
      tpu.vector_store %arg12[%swap3A_686, %swap3A_687], %scan3A_683#0 {strides = array<i32>} : memref<4x64xf32, #tpu.memory_space<vmem>>, vector<16xf32>,
      %swap3A_689 = arith.constant 0 : i32
      %swap3A_690 = arith.index_cast %swap3A_689 : i32 to index
      %swap3A_691 = arith.constant 16 : index
      %swap3A_692 = tpu.vector_load %arg12[%swap3A_690, %swap3A_691] {strides = array<i32>} : memref<4x64xf32, #tpu.memory_space<vmem>>, vector<16xf32>,
      tpu.vector_store %arg12[%swap3A_690, %swap3A_691], %scan3A_683#1 {strides = array<i32>} : memref<4x64xf32, #tpu.memory_space<vmem>>, vector<16xf32>,
      %swap3A_693 = arith.constant 0 : i32
      %swap3A_694 = arith.index_cast %swap3A_693 : i32 to index
      %swap3A_695 = arith.constant 32 : index
      %swap3A_696 = tpu.vector_load %arg12[%swap3A_694, %swap3A_695] {strides = array<i32>} : memref<4x64xf32, #tpu.memory_space<vmem>>, vector<16xf32>,
      tpu.vector_store %arg12[%swap3A_694, %swap3A_695], %scan3A_683#2 {strides = array<i32>} : memref<4x64xf32, #tpu.memory_space<vmem>>, vector<16xf32>,
      %swap3A_697 = arith.constant 0 : i32
      %swap3A_698 = arith.index_cast %swap3A_697 : i32 to index
      %swap3A_699 = arith.constant 48 : index
      %swap3A_700 = tpu.vector_load %arg12[%swap3A_698, %swap3A_699] {strides = array<i32>} : memref<4x64xf32, #tpu.memory_space<vmem>>, vector<16xf32>,
      tpu.vector_store %arg12[%swap3A_698, %swap3A_699], %scan3A_683#3 {strides = array<i32>} : memref<4x64xf32, #tpu.memory_space<vmem>>, vector<16xf32>,
      %broadcast_in_dim3A_701 = arith.constant 0.000000e+00 : f32
      %broadcast_in_dim3A_702 = vector.broadcast %broadcast_in_dim3A_701 : f32 to vector<16xf32>
      %scan3A_703 = arith.constant 0 : i32
      %scan3A_704 = arith.constant 25 : i32
      %scan3A_705 = arith.addi %scan3A_703, %scan3A_704 : i32
      %scan3A_706 = arith.constant 1 : i32
      %scan3A_707:4 = scf.for %scan3A_795 = %scan3A_703 to %scan3A_705 step %scan3A_706 iter_args(%scan3A_796 = %broadcast_in_dim3A_702, %scan3A_797 = %broadcast_in_dim3A_702, %scan3A_798 = %broadcast_in_dim3A_702, %scan3A_799 = %broadcast_in_dim3A_702) -> (vector<16xf32>, vector<16xf32>, vector<16xf32>, vector<16xf32>)  : i32 {
        %mul3A_800 = arith.constant 8 : i32
        %mul3A_801 = arith.muli %scan3A_795, %mul3A_800 : i32
        %add3A_802 = arith.constant 0 : i32
        %add3A_803 = arith.addi %mul3A_801, %add3A_802 : i32
        %get3A = arith.constant 1 : i32
        %get3A_804 = arith.index_cast %get3A : i32 to index
        %get3A_805 = arith.index_cast %add3A_803 : i32 to index
        %get3A_806 = arith.constant 0 : index
        %get3A_807 = tpu.vector_load %arg10[%get3A_804, %get3A_805, %get3A_806] {strides = array<i32>} : memref<4x200x64xf32, #tpu.memory_space<vmem>>, vector<16xf32>,
        %add3A_808 = arith.addf %scan3A_796, %get3A_807 : vector<16xf32>
        %get3A_809 = arith.constant 1 : i32
        %get3A_810 = arith.index_cast %get3A_809 : i32 to index
        %get3A_811 = arith.index_cast %add3A_803 : i32 to index
        %get3A_812 = arith.constant 16 : index
        %get3A_813 = tpu.vector_load %arg10[%get3A_810, %get3A_811, %get3A_812] {strides = array<i32>} : memref<4x200x64xf32, #tpu.memory_space<vmem>>, vector<16xf32>,
        %add3A_814 = arith.addf %scan3A_797, %get3A_813 : vector<16xf32>
        %get3A_815 = arith.constant 1 : i32
        %get3A_816 = arith.index_cast %get3A_815 : i32 to index
        %get3A_817 = arith.index_cast %add3A_803 : i32 to index
        %get3A_818 = arith.constant 32 : index
        %get3A_819 = tpu.vector_load %arg10[%get3A_816, %get3A_817, %get3A_818] {strides = array<i32>} : memref<4x200x64xf32, #tpu.memory_space<vmem>>, vector<16xf32>,
        %add3A_820 = arith.addf %scan3A_798, %get3A_819 : vector<16xf32>
        %get3A_821 = arith.constant 1 : i32
        %get3A_822 = arith.index_cast %get3A_821 : i32 to index
        %get3A_823 = arith.index_cast %add3A_803 : i32 to index
        %get3A_824 = arith.constant 48 : index
        %get3A_825 = tpu.vector_load %arg10[%get3A_822, %get3A_823, %get3A_824] {strides = array<i32>} : memref<4x200x64xf32, #tpu.memory_space<vmem>>, vector<16xf32>,
        %add3A_826 = arith.addf %scan3A_799, %get3A_825 : vector<16xf32>
        %mul3A_827 = arith.constant 8 : i32
        %mul3A_828 = arith.muli %scan3A_795, %mul3A_827 : i32
        %add3A_829 = arith.constant 1 : i32
        %add3A_830 = arith.addi %mul3A_828, %add3A_829 : i32
        %get3A_831 = arith.constant 1 : i32
        %get3A_832 = arith.index_cast %get3A_831 : i32 to index
        %get3A_833 = arith.index_cast %add3A_830 : i32 to index
        %get3A_834 = arith.constant 0 : index
        %get3A_835 = tpu.vector_load %arg10[%get3A_832, %get3A_833, %get3A_834] {strides = array<i32>} : memref<4x200x64xf32, #tpu.memory_space<vmem>>, vector<16xf32>,
        %add3A_836 = arith.addf %add3A_808, %get3A_835 : vector<16xf32>
        %get3A_837 = arith.constant 1 : i32
        %get3A_838 = arith.index_cast %get3A_837 : i32 to index
        %get3A_839 = arith.index_cast %add3A_830 : i32 to index
        %get3A_840 = arith.constant 16 : index
        %get3A_841 = tpu.vector_load %arg10[%get3A_838, %get3A_839, %get3A_840] {strides = array<i32>} : memref<4x200x64xf32, #tpu.memory_space<vmem>>, vector<16xf32>,
        %add3A_842 = arith.addf %add3A_814, %get3A_841 : vector<16xf32>
        %get3A_843 = arith.constant 1 : i32
        %get3A_844 = arith.index_cast %get3A_843 : i32 to index
        %get3A_845 = arith.index_cast %add3A_830 : i32 to index
        %get3A_846 = arith.constant 32 : index
        %get3A_847 = tpu.vector_load %arg10[%get3A_844, %get3A_845, %get3A_846] {strides = array<i32>} : memref<4x200x64xf32, #tpu.memory_space<vmem>>, vector<16xf32>,
        %add3A_848 = arith.addf %add3A_820, %get3A_847 : vector<16xf32>
        %get3A_849 = arith.constant 1 : i32
        %get3A_850 = arith.index_cast %get3A_849 : i32 to index
        %get3A_851 = arith.index_cast %add3A_830 : i32 to index
        %get3A_852 = arith.constant 48 : index
        %get3A_853 = tpu.vector_load %arg10[%get3A_850, %get3A_851, %get3A_852] {strides = array<i32>} : memref<4x200x64xf32, #tpu.memory_space<vmem>>, vector<16xf32>,
        %add3A_854 = arith.addf %add3A_826, %get3A_853 : vector<16xf32>
        %mul3A_855 = arith.constant 8 : i32
        %mul3A_856 = arith.muli %scan3A_795, %mul3A_855 : i32
        %add3A_857 = arith.constant 2 : i32
        %add3A_858 = arith.addi %mul3A_856, %add3A_857 : i32
        %get3A_859 = arith.constant 1 : i32
        %get3A_860 = arith.index_cast %get3A_859 : i32 to index
        %get3A_861 = arith.index_cast %add3A_858 : i32 to index
        %get3A_862 = arith.constant 0 : index
        %get3A_863 = tpu.vector_load %arg10[%get3A_860, %get3A_861, %get3A_862] {strides = array<i32>} : memref<4x200x64xf32, #tpu.memory_space<vmem>>, vector<16xf32>,
        %add3A_864 = arith.addf %add3A_836, %get3A_863 : vector<16xf32>
        %get3A_865 = arith.constant 1 : i32
        %get3A_866 = arith.index_cast %get3A_865 : i32 to index
        %get3A_867 = arith.index_cast %add3A_858 : i32 to index
        %get3A_868 = arith.constant 16 : index
        %get3A_869 = tpu.vector_load %arg10[%get3A_866, %get3A_867, %get3A_868] {strides = array<i32>} : memref<4x200x64xf32, #tpu.memory_space<vmem>>, vector<16xf32>,
        %add3A_870 = arith.addf %add3A_842, %get3A_869 : vector<16xf32>
        %get3A_871 = arith.constant 1 : i32
        %get3A_872 = arith.index_cast %get3A_871 : i32 to index
        %get3A_873 = arith.index_cast %add3A_858 : i32 to index
        %get3A_874 = arith.constant 32 : index
        %get3A_875 = tpu.vector_load %arg10[%get3A_872, %get3A_873, %get3A_874] {strides = array<i32>} : memref<4x200x64xf32, #tpu.memory_space<vmem>>, vector<16xf32>,
        %add3A_876 = arith.addf %add3A_848, %get3A_875 : vector<16xf32>
        %get3A_877 = arith.constant 1 : i32
        %get3A_878 = arith.index_cast %get3A_877 : i32 to index
        %get3A_879 = arith.index_cast %add3A_858 : i32 to index
        %get3A_880 = arith.constant 48 : index
        %get3A_881 = tpu.vector_load %arg10[%get3A_878, %get3A_879, %get3A_880] {strides = array<i32>} : memref<4x200x64xf32, #tpu.memory_space<vmem>>, vector<16xf32>,
        %add3A_882 = arith.addf %add3A_854, %get3A_881 : vector<16xf32>
        %mul3A_883 = arith.constant 8 : i32
        %mul3A_884 = arith.muli %scan3A_795, %mul3A_883 : i32
        %add3A_885 = arith.constant 3 : i32
        %add3A_886 = arith.addi %mul3A_884, %add3A_885 : i32
        %get3A_887 = arith.constant 1 : i32
        %get3A_888 = arith.index_cast %get3A_887 : i32 to index
        %get3A_889 = arith.index_cast %add3A_886 : i32 to index
        %get3A_890 = arith.constant 0 : index
        %get3A_891 = tpu.vector_load %arg10[%get3A_888, %get3A_889, %get3A_890] {strides = array<i32>} : memref<4x200x64xf32, #tpu.memory_space<vmem>>, vector<16xf32>,
        %add3A_892 = arith.addf %add3A_864, %get3A_891 : vector<16xf32>
        %get3A_893 = arith.constant 1 : i32
        %get3A_894 = arith.index_cast %get3A_893 : i32 to index
        %get3A_895 = arith.index_cast %add3A_886 : i32 to index
        %get3A_896 = arith.constant 16 : index
        %get3A_897 = tpu.vector_load %arg10[%get3A_894, %get3A_895, %get3A_896] {strides = array<i32>} : memref<4x200x64xf32, #tpu.memory_space<vmem>>, vector<16xf32>,
        %add3A_898 = arith.addf %add3A_870, %get3A_897 : vector<16xf32>
        %get3A_899 = arith.constant 1 : i32
        %get3A_900 = arith.index_cast %get3A_899 : i32 to index
        %get3A_901 = arith.index_cast %add3A_886 : i32 to index
        %get3A_902 = arith.constant 32 : index
        %get3A_903 = tpu.vector_load %arg10[%get3A_900, %get3A_901, %get3A_902] {strides = array<i32>} : memref<4x200x64xf32, #tpu.memory_space<vmem>>, vector<16xf32>,
        %add3A_904 = arith.addf %add3A_876, %get3A_903 : vector<16xf32>
        %get3A_905 = arith.constant 1 : i32
        %get3A_906 = arith.index_cast %get3A_905 : i32 to index
        %get3A_907 = arith.index_cast %add3A_886 : i32 to index
        %get3A_908 = arith.constant 48 : index
        %get3A_909 = tpu.vector_load %arg10[%get3A_906, %get3A_907, %get3A_908] {strides = array<i32>} : memref<4x200x64xf32, #tpu.memory_space<vmem>>, vector<16xf32>,
        %add3A_910 = arith.addf %add3A_882, %get3A_909 : vector<16xf32>
        %mul3A_911 = arith.constant 8 : i32
        %mul3A_912 = arith.muli %scan3A_795, %mul3A_911 : i32
        %add3A_913 = arith.constant 4 : i32
        %add3A_914 = arith.addi %mul3A_912, %add3A_913 : i32
        %get3A_915 = arith.constant 1 : i32
        %get3A_916 = arith.index_cast %get3A_915 : i32 to index
        %get3A_917 = arith.index_cast %add3A_914 : i32 to index
        %get3A_918 = arith.constant 0 : index
        %get3A_919 = tpu.vector_load %arg10[%get3A_916, %get3A_917, %get3A_918] {strides = array<i32>} : memref<4x200x64xf32, #tpu.memory_space<vmem>>, vector<16xf32>,
        %add3A_920 = arith.addf %add3A_892, %get3A_919 : vector<16xf32>
        %get3A_921 = arith.constant 1 : i32
        %get3A_922 = arith.index_cast %get3A_921 : i32 to index
        %get3A_923 = arith.index_cast %add3A_914 : i32 to index
        %get3A_924 = arith.constant 16 : index
        %get3A_925 = tpu.vector_load %arg10[%get3A_922, %get3A_923, %get3A_924] {strides = array<i32>} : memref<4x200x64xf32, #tpu.memory_space<vmem>>, vector<16xf32>,
        %add3A_926 = arith.addf %add3A_898, %get3A_925 : vector<16xf32>
        %get3A_927 = arith.constant 1 : i32
        %get3A_928 = arith.index_cast %get3A_927 : i32 to index
        %get3A_929 = arith.index_cast %add3A_914 : i32 to index
        %get3A_930 = arith.constant 32 : index
        %get3A_931 = tpu.vector_load %arg10[%get3A_928, %get3A_929, %get3A_930] {strides = array<i32>} : memref<4x200x64xf32, #tpu.memory_space<vmem>>, vector<16xf32>,
        %add3A_932 = arith.addf %add3A_904, %get3A_931 : vector<16xf32>
        %get3A_933 = arith.constant 1 : i32
        %get3A_934 = arith.index_cast %get3A_933 : i32 to index
        %get3A_935 = arith.index_cast %add3A_914 : i32 to index
        %get3A_936 = arith.constant 48 : index
        %get3A_937 = tpu.vector_load %arg10[%get3A_934, %get3A_935, %get3A_936] {strides = array<i32>} : memref<4x200x64xf32, #tpu.memory_space<vmem>>, vector<16xf32>,
        %add3A_938 = arith.addf %add3A_910, %get3A_937 : vector<16xf32>
        %mul3A_939 = arith.constant 8 : i32
        %mul3A_940 = arith.muli %scan3A_795, %mul3A_939 : i32
        %add3A_941 = arith.constant 5 : i32
        %add3A_942 = arith.addi %mul3A_940, %add3A_941 : i32
        %get3A_943 = arith.constant 1 : i32
        %get3A_944 = arith.index_cast %get3A_943 : i32 to index
        %get3A_945 = arith.index_cast %add3A_942 : i32 to index
        %get3A_946 = arith.constant 0 : index
        %get3A_947 = tpu.vector_load %arg10[%get3A_944, %get3A_945, %get3A_946] {strides = array<i32>} : memref<4x200x64xf32, #tpu.memory_space<vmem>>, vector<16xf32>,
        %add3A_948 = arith.addf %add3A_920, %get3A_947 : vector<16xf32>
        %get3A_949 = arith.constant 1 : i32
        %get3A_950 = arith.index_cast %get3A_949 : i32 to index
        %get3A_951 = arith.index_cast %add3A_942 : i32 to index
        %get3A_952 = arith.constant 16 : index
        %get3A_953 = tpu.vector_load %arg10[%get3A_950, %get3A_951, %get3A_952] {strides = array<i32>} : memref<4x200x64xf32, #tpu.memory_space<vmem>>, vector<16xf32>,
        %add3A_954 = arith.addf %add3A_926, %get3A_953 : vector<16xf32>
        %get3A_955 = arith.constant 1 : i32
        %get3A_956 = arith.index_cast %get3A_955 : i32 to index
        %get3A_957 = arith.index_cast %add3A_942 : i32 to index
        %get3A_958 = arith.constant 32 : index
        %get3A_959 = tpu.vector_load %arg10[%get3A_956, %get3A_957, %get3A_958] {strides = array<i32>} : memref<4x200x64xf32, #tpu.memory_space<vmem>>, vector<16xf32>,
        %add3A_960 = arith.addf %add3A_932, %get3A_959 : vector<16xf32>
        %get3A_961 = arith.constant 1 : i32
        %get3A_962 = arith.index_cast %get3A_961 : i32 to index
        %get3A_963 = arith.index_cast %add3A_942 : i32 to index
        %get3A_964 = arith.constant 48 : index
        %get3A_965 = tpu.vector_load %arg10[%get3A_962, %get3A_963, %get3A_964] {strides = array<i32>} : memref<4x200x64xf32, #tpu.memory_space<vmem>>, vector<16xf32>,
        %add3A_966 = arith.addf %add3A_938, %get3A_965 : vector<16xf32>
        %mul3A_967 = arith.constant 8 : i32
        %mul3A_968 = arith.muli %scan3A_795, %mul3A_967 : i32
        %add3A_969 = arith.constant 6 : i32
        %add3A_970 = arith.addi %mul3A_968, %add3A_969 : i32
        %get3A_971 = arith.constant 1 : i32
        %get3A_972 = arith.index_cast %get3A_971 : i32 to index
        %get3A_973 = arith.index_cast %add3A_970 : i32 to index
        %get3A_974 = arith.constant 0 : index
        %get3A_975 = tpu.vector_load %arg10[%get3A_972, %get3A_973, %get3A_974] {strides = array<i32>} : memref<4x200x64xf32, #tpu.memory_space<vmem>>, vector<16xf32>,
        %add3A_976 = arith.addf %add3A_948, %get3A_975 : vector<16xf32>
        %get3A_977 = arith.constant 1 : i32
        %get3A_978 = arith.index_cast %get3A_977 : i32 to index
        %get3A_979 = arith.index_cast %add3A_970 : i32 to index
        %get3A_980 = arith.constant 16 : index
        %get3A_981 = tpu.vector_load %arg10[%get3A_978, %get3A_979, %get3A_980] {strides = array<i32>} : memref<4x200x64xf32, #tpu.memory_space<vmem>>, vector<16xf32>,
        %add3A_982 = arith.addf %add3A_954, %get3A_981 : vector<16xf32>
        %get3A_983 = arith.constant 1 : i32
        %get3A_984 = arith.index_cast %get3A_983 : i32 to index
        %get3A_985 = arith.index_cast %add3A_970 : i32 to index
        %get3A_986 = arith.constant 32 : index
        %get3A_987 = tpu.vector_load %arg10[%get3A_984, %get3A_985, %get3A_986] {strides = array<i32>} : memref<4x200x64xf32, #tpu.memory_space<vmem>>, vector<16xf32>,
        %add3A_988 = arith.addf %add3A_960, %get3A_987 : vector<16xf32>
        %get3A_989 = arith.constant 1 : i32
        %get3A_990 = arith.index_cast %get3A_989 : i32 to index
        %get3A_991 = arith.index_cast %add3A_970 : i32 to index
        %get3A_992 = arith.constant 48 : index
        %get3A_993 = tpu.vector_load %arg10[%get3A_990, %get3A_991, %get3A_992] {strides = array<i32>} : memref<4x200x64xf32, #tpu.memory_space<vmem>>, vector<16xf32>,
        %add3A_994 = arith.addf %add3A_966, %get3A_993 : vector<16xf32>
        %mul3A_995 = arith.constant 8 : i32
        %mul3A_996 = arith.muli %scan3A_795, %mul3A_995 : i32
        %add3A_997 = arith.constant 7 : i32
        %add3A_998 = arith.addi %mul3A_996, %add3A_997 : i32
        %get3A_999 = arith.constant 1 : i32
        %get3A_1000 = arith.index_cast %get3A_999 : i32 to index
        %get3A_1001 = arith.index_cast %add3A_998 : i32 to index
        %get3A_1002 = arith.constant 0 : index
        %get3A_1003 = tpu.vector_load %arg10[%get3A_1000, %get3A_1001, %get3A_1002] {strides = array<i32>} : memref<4x200x64xf32, #tpu.memory_space<vmem>>, vector<16xf32>,
        %add3A_1004 = arith.addf %add3A_976, %get3A_1003 : vector<16xf32>
        %get3A_1005 = arith.constant 1 : i32
        %get3A_1006 = arith.index_cast %get3A_1005 : i32 to index
        %get3A_1007 = arith.index_cast %add3A_998 : i32 to index
        %get3A_1008 = arith.constant 16 : index
        %get3A_1009 = tpu.vector_load %arg10[%get3A_1006, %get3A_1007, %get3A_1008] {strides = array<i32>} : memref<4x200x64xf32, #tpu.memory_space<vmem>>, vector<16xf32>,
        %add3A_1010 = arith.addf %add3A_982, %get3A_1009 : vector<16xf32>
        %get3A_1011 = arith.constant 1 : i32
        %get3A_1012 = arith.index_cast %get3A_1011 : i32 to index
        %get3A_1013 = arith.index_cast %add3A_998 : i32 to index
        %get3A_1014 = arith.constant 32 : index
        %get3A_1015 = tpu.vector_load %arg10[%get3A_1012, %get3A_1013, %get3A_1014] {strides = array<i32>} : memref<4x200x64xf32, #tpu.memory_space<vmem>>, vector<16xf32>,
        %add3A_1016 = arith.addf %add3A_988, %get3A_1015 : vector<16xf32>
        %get3A_1017 = arith.constant 1 : i32
        %get3A_1018 = arith.index_cast %get3A_1017 : i32 to index
        %get3A_1019 = arith.index_cast %add3A_998 : i32 to index
        %get3A_1020 = arith.constant 48 : index
        %get3A_1021 = tpu.vector_load %arg10[%get3A_1018, %get3A_1019, %get3A_1020] {strides = array<i32>} : memref<4x200x64xf32, #tpu.memory_space<vmem>>, vector<16xf32>,
        %add3A_1022 = arith.addf %add3A_994, %get3A_1021 : vector<16xf32>
        scf.yield %add3A_1004, %add3A_1010, %add3A_1016, %add3A_1022 : vector<16xf32>, vector<16xf32>, vector<16xf32>, vector<16xf32>
      }
      %scan3A_708 = arith.constant 25 : i32
      %swap3A_709 = arith.constant 1 : i32
      %swap3A_710 = arith.index_cast %swap3A_709 : i32 to index
      %swap3A_711 = arith.constant 0 : index
      %swap3A_712 = tpu.vector_load %arg12[%swap3A_710, %swap3A_711] {strides = array<i32>} : memref<4x64xf32, #tpu.memory_space<vmem>>, vector<16xf32>,
      tpu.vector_store %arg12[%swap3A_710, %swap3A_711], %scan3A_707#0 {strides = array<i32>} : memref<4x64xf32, #tpu.memory_space<vmem>>, vector<16xf32>,
      %swap3A_713 = arith.constant 1 : i32
      %swap3A_714 = arith.index_cast %swap3A_713 : i32 to index
      %swap3A_715 = arith.constant 16 : index
      %swap3A_716 = tpu.vector_load %arg12[%swap3A_714, %swap3A_715] {strides = array<i32>} : memref<4x64xf32, #tpu.memory_space<vmem>>, vector<16xf32>,
      tpu.vector_store %arg12[%swap3A_714, %swap3A_715], %scan3A_707#1 {strides = array<i32>} : memref<4x64xf32, #tpu.memory_space<vmem>>, vector<16xf32>,
      %swap3A_717 = arith.constant 1 : i32
      %swap3A_718 = arith.index_cast %swap3A_717 : i32 to index
      %swap3A_719 = arith.constant 32 : index
      %swap3A_720 = tpu.vector_load %arg12[%swap3A_718, %swap3A_719] {strides = array<i32>} : memref<4x64xf32, #tpu.memory_space<vmem>>, vector<16xf32>,
      tpu.vector_store %arg12[%swap3A_718, %swap3A_719], %scan3A_707#2 {strides = array<i32>} : memref<4x64xf32, #tpu.memory_space<vmem>>, vector<16xf32>,
      %swap3A_721 = arith.constant 1 : i32
      %swap3A_722 = arith.index_cast %swap3A_721 : i32 to index
      %swap3A_723 = arith.constant 48 : index
      %swap3A_724 = tpu.vector_load %arg12[%swap3A_722, %swap3A_723] {strides = array<i32>} : memref<4x64xf32, #tpu.memory_space<vmem>>, vector<16xf32>,
      tpu.vector_store %arg12[%swap3A_722, %swap3A_723], %scan3A_707#3 {strides = array<i32>} : memref<4x64xf32, #tpu.memory_space<vmem>>, vector<16xf32>,
      %broadcast_in_dim3A_725 = arith.constant 0.000000e+00 : f32
      %broadcast_in_dim3A_726 = vector.broadcast %broadcast_in_dim3A_725 : f32 to vector<16xf32>
      %scan3A_727 = arith.constant 0 : i32
      %scan3A_728 = arith.constant 25 : i32
      %scan3A_729 = arith.addi %scan3A_727, %scan3A_728 : i32
      %scan3A_730 = arith.constant 1 : i32
      %scan3A_731:4 = scf.for %scan3A_795 = %scan3A_727 to %scan3A_729 step %scan3A_730 iter_args(%scan3A_796 = %broadcast_in_dim3A_726, %scan3A_797 = %broadcast_in_dim3A_726, %scan3A_798 = %broadcast_in_dim3A_726, %scan3A_799 = %broadcast_in_dim3A_726) -> (vector<16xf32>, vector<16xf32>, vector<16xf32>, vector<16xf32>)  : i32 {
        %mul3A_800 = arith.constant 8 : i32
        %mul3A_801 = arith.muli %scan3A_795, %mul3A_800 : i32
        %add3A_802 = arith.constant 0 : i32
        %add3A_803 = arith.addi %mul3A_801, %add3A_802 : i32
        %get3A = arith.constant 2 : i32
        %get3A_804 = arith.index_cast %get3A : i32 to index
        %get3A_805 = arith.index_cast %add3A_803 : i32 to index
        %get3A_806 = arith.constant 0 : index
        %get3A_807 = tpu.vector_load %arg10[%get3A_804, %get3A_805, %get3A_806] {strides = array<i32>} : memref<4x200x64xf32, #tpu.memory_space<vmem>>, vector<16xf32>,
        %add3A_808 = arith.addf %scan3A_796, %get3A_807 : vector<16xf32>
        %get3A_809 = arith.constant 2 : i32
        %get3A_810 = arith.index_cast %get3A_809 : i32 to index
        %get3A_811 = arith.index_cast %add3A_803 : i32 to index
        %get3A_812 = arith.constant 16 : index
        %get3A_813 = tpu.vector_load %arg10[%get3A_810, %get3A_811, %get3A_812] {strides = array<i32>} : memref<4x200x64xf32, #tpu.memory_space<vmem>>, vector<16xf32>,
        %add3A_814 = arith.addf %scan3A_797, %get3A_813 : vector<16xf32>
        %get3A_815 = arith.constant 2 : i32
        %get3A_816 = arith.index_cast %get3A_815 : i32 to index
        %get3A_817 = arith.index_cast %add3A_803 : i32 to index
        %get3A_818 = arith.constant 32 : index
        %get3A_819 = tpu.vector_load %arg10[%get3A_816, %get3A_817, %get3A_818] {strides = array<i32>} : memref<4x200x64xf32, #tpu.memory_space<vmem>>, vector<16xf32>,
        %add3A_820 = arith.addf %scan3A_798, %get3A_819 : vector<16xf32>
        %get3A_821 = arith.constant 2 : i32
        %get3A_822 = arith.index_cast %get3A_821 : i32 to index
        %get3A_823 = arith.index_cast %add3A_803 : i32 to index
        %get3A_824 = arith.constant 48 : index
        %get3A_825 = tpu.vector_load %arg10[%get3A_822, %get3A_823, %get3A_824] {strides = array<i32>} : memref<4x200x64xf32, #tpu.memory_space<vmem>>, vector<16xf32>,
        %add3A_826 = arith.addf %scan3A_799, %get3A_825 : vector<16xf32>
        %mul3A_827 = arith.constant 8 : i32
        %mul3A_828 = arith.muli %scan3A_795, %mul3A_827 : i32
        %add3A_829 = arith.constant 1 : i32
        %add3A_830 = arith.addi %mul3A_828, %add3A_829 : i32
        %get3A_831 = arith.constant 2 : i32
        %get3A_832 = arith.index_cast %get3A_831 : i32 to index
        %get3A_833 = arith.index_cast %add3A_830 : i32 to index
        %get3A_834 = arith.constant 0 : index
        %get3A_835 = tpu.vector_load %arg10[%get3A_832, %get3A_833, %get3A_834] {strides = array<i32>} : memref<4x200x64xf32, #tpu.memory_space<vmem>>, vector<16xf32>,
        %add3A_836 = arith.addf %add3A_808, %get3A_835 : vector<16xf32>
        %get3A_837 = arith.constant 2 : i32
        %get3A_838 = arith.index_cast %get3A_837 : i32 to index
        %get3A_839 = arith.index_cast %add3A_830 : i32 to index
        %get3A_840 = arith.constant 16 : index
        %get3A_841 = tpu.vector_load %arg10[%get3A_838, %get3A_839, %get3A_840] {strides = array<i32>} : memref<4x200x64xf32, #tpu.memory_space<vmem>>, vector<16xf32>,
        %add3A_842 = arith.addf %add3A_814, %get3A_841 : vector<16xf32>
        %get3A_843 = arith.constant 2 : i32
        %get3A_844 = arith.index_cast %get3A_843 : i32 to index
        %get3A_845 = arith.index_cast %add3A_830 : i32 to index
        %get3A_846 = arith.constant 32 : index
        %get3A_847 = tpu.vector_load %arg10[%get3A_844, %get3A_845, %get3A_846] {strides = array<i32>} : memref<4x200x64xf32, #tpu.memory_space<vmem>>, vector<16xf32>,
        %add3A_848 = arith.addf %add3A_820, %get3A_847 : vector<16xf32>
        %get3A_849 = arith.constant 2 : i32
        %get3A_850 = arith.index_cast %get3A_849 : i32 to index
        %get3A_851 = arith.index_cast %add3A_830 : i32 to index
        %get3A_852 = arith.constant 48 : index
        %get3A_853 = tpu.vector_load %arg10[%get3A_850, %get3A_851, %get3A_852] {strides = array<i32>} : memref<4x200x64xf32, #tpu.memory_space<vmem>>, vector<16xf32>,
        %add3A_854 = arith.addf %add3A_826, %get3A_853 : vector<16xf32>
        %mul3A_855 = arith.constant 8 : i32
        %mul3A_856 = arith.muli %scan3A_795, %mul3A_855 : i32
        %add3A_857 = arith.constant 2 : i32
        %add3A_858 = arith.addi %mul3A_856, %add3A_857 : i32
        %get3A_859 = arith.constant 2 : i32
        %get3A_860 = arith.index_cast %get3A_859 : i32 to index
        %get3A_861 = arith.index_cast %add3A_858 : i32 to index
        %get3A_862 = arith.constant 0 : index
        %get3A_863 = tpu.vector_load %arg10[%get3A_860, %get3A_861, %get3A_862] {strides = array<i32>} : memref<4x200x64xf32, #tpu.memory_space<vmem>>, vector<16xf32>,
        %add3A_864 = arith.addf %add3A_836, %get3A_863 : vector<16xf32>
        %get3A_865 = arith.constant 2 : i32
        %get3A_866 = arith.index_cast %get3A_865 : i32 to index
        %get3A_867 = arith.index_cast %add3A_858 : i32 to index
        %get3A_868 = arith.constant 16 : index
        %get3A_869 = tpu.vector_load %arg10[%get3A_866, %get3A_867, %get3A_868] {strides = array<i32>} : memref<4x200x64xf32, #tpu.memory_space<vmem>>, vector<16xf32>,
        %add3A_870 = arith.addf %add3A_842, %get3A_869 : vector<16xf32>
        %get3A_871 = arith.constant 2 : i32
        %get3A_872 = arith.index_cast %get3A_871 : i32 to index
        %get3A_873 = arith.index_cast %add3A_858 : i32 to index
        %get3A_874 = arith.constant 32 : index
        %get3A_875 = tpu.vector_load %arg10[%get3A_872, %get3A_873, %get3A_874] {strides = array<i32>} : memref<4x200x64xf32, #tpu.memory_space<vmem>>, vector<16xf32>,
        %add3A_876 = arith.addf %add3A_848, %get3A_875 : vector<16xf32>
        %get3A_877 = arith.constant 2 : i32
        %get3A_878 = arith.index_cast %get3A_877 : i32 to index
        %get3A_879 = arith.index_cast %add3A_858 : i32 to index
        %get3A_880 = arith.constant 48 : index
        %get3A_881 = tpu.vector_load %arg10[%get3A_878, %get3A_879, %get3A_880] {strides = array<i32>} : memref<4x200x64xf32, #tpu.memory_space<vmem>>, vector<16xf32>,
        %add3A_882 = arith.addf %add3A_854, %get3A_881 : vector<16xf32>
        %mul3A_883 = arith.constant 8 : i32
        %mul3A_884 = arith.muli %scan3A_795, %mul3A_883 : i32
        %add3A_885 = arith.constant 3 : i32
        %add3A_886 = arith.addi %mul3A_884, %add3A_885 : i32
        %get3A_887 = arith.constant 2 : i32
        %get3A_888 = arith.index_cast %get3A_887 : i32 to index
        %get3A_889 = arith.index_cast %add3A_886 : i32 to index
        %get3A_890 = arith.constant 0 : index
        %get3A_891 = tpu.vector_load %arg10[%get3A_888, %get3A_889, %get3A_890] {strides = array<i32>} : memref<4x200x64xf32, #tpu.memory_space<vmem>>, vector<16xf32>,
        %add3A_892 = arith.addf %add3A_864, %get3A_891 : vector<16xf32>
        %get3A_893 = arith.constant 2 : i32
        %get3A_894 = arith.index_cast %get3A_893 : i32 to index
        %get3A_895 = arith.index_cast %add3A_886 : i32 to index
        %get3A_896 = arith.constant 16 : index
        %get3A_897 = tpu.vector_load %arg10[%get3A_894, %get3A_895, %get3A_896] {strides = array<i32>} : memref<4x200x64xf32, #tpu.memory_space<vmem>>, vector<16xf32>,
        %add3A_898 = arith.addf %add3A_870, %get3A_897 : vector<16xf32>
        %get3A_899 = arith.constant 2 : i32
        %get3A_900 = arith.index_cast %get3A_899 : i32 to index
        %get3A_901 = arith.index_cast %add3A_886 : i32 to index
        %get3A_902 = arith.constant 32 : index
        %get3A_903 = tpu.vector_load %arg10[%get3A_900, %get3A_901, %get3A_902] {strides = array<i32>} : memref<4x200x64xf32, #tpu.memory_space<vmem>>, vector<16xf32>,
        %add3A_904 = arith.addf %add3A_876, %get3A_903 : vector<16xf32>
        %get3A_905 = arith.constant 2 : i32
        %get3A_906 = arith.index_cast %get3A_905 : i32 to index
        %get3A_907 = arith.index_cast %add3A_886 : i32 to index
        %get3A_908 = arith.constant 48 : index
        %get3A_909 = tpu.vector_load %arg10[%get3A_906, %get3A_907, %get3A_908] {strides = array<i32>} : memref<4x200x64xf32, #tpu.memory_space<vmem>>, vector<16xf32>,
        %add3A_910 = arith.addf %add3A_882, %get3A_909 : vector<16xf32>
        %mul3A_911 = arith.constant 8 : i32
        %mul3A_912 = arith.muli %scan3A_795, %mul3A_911 : i32
        %add3A_913 = arith.constant 4 : i32
        %add3A_914 = arith.addi %mul3A_912, %add3A_913 : i32
        %get3A_915 = arith.constant 2 : i32
        %get3A_916 = arith.index_cast %get3A_915 : i32 to index
        %get3A_917 = arith.index_cast %add3A_914 : i32 to index
        %get3A_918 = arith.constant 0 : index
        %get3A_919 = tpu.vector_load %arg10[%get3A_916, %get3A_917, %get3A_918] {strides = array<i32>} : memref<4x200x64xf32, #tpu.memory_space<vmem>>, vector<16xf32>,
        %add3A_920 = arith.addf %add3A_892, %get3A_919 : vector<16xf32>
        %get3A_921 = arith.constant 2 : i32
        %get3A_922 = arith.index_cast %get3A_921 : i32 to index
        %get3A_923 = arith.index_cast %add3A_914 : i32 to index
        %get3A_924 = arith.constant 16 : index
        %get3A_925 = tpu.vector_load %arg10[%get3A_922, %get3A_923, %get3A_924] {strides = array<i32>} : memref<4x200x64xf32, #tpu.memory_space<vmem>>, vector<16xf32>,
        %add3A_926 = arith.addf %add3A_898, %get3A_925 : vector<16xf32>
        %get3A_927 = arith.constant 2 : i32
        %get3A_928 = arith.index_cast %get3A_927 : i32 to index
        %get3A_929 = arith.index_cast %add3A_914 : i32 to index
        %get3A_930 = arith.constant 32 : index
        %get3A_931 = tpu.vector_load %arg10[%get3A_928, %get3A_929, %get3A_930] {strides = array<i32>} : memref<4x200x64xf32, #tpu.memory_space<vmem>>, vector<16xf32>,
        %add3A_932 = arith.addf %add3A_904, %get3A_931 : vector<16xf32>
        %get3A_933 = arith.constant 2 : i32
        %get3A_934 = arith.index_cast %get3A_933 : i32 to index
        %get3A_935 = arith.index_cast %add3A_914 : i32 to index
        %get3A_936 = arith.constant 48 : index
        %get3A_937 = tpu.vector_load %arg10[%get3A_934, %get3A_935, %get3A_936] {strides = array<i32>} : memref<4x200x64xf32, #tpu.memory_space<vmem>>, vector<16xf32>,
        %add3A_938 = arith.addf %add3A_910, %get3A_937 : vector<16xf32>
        %mul3A_939 = arith.constant 8 : i32
        %mul3A_940 = arith.muli %scan3A_795, %mul3A_939 : i32
        %add3A_941 = arith.constant 5 : i32
        %add3A_942 = arith.addi %mul3A_940, %add3A_941 : i32
        %get3A_943 = arith.constant 2 : i32
        %get3A_944 = arith.index_cast %get3A_943 : i32 to index
        %get3A_945 = arith.index_cast %add3A_942 : i32 to index
        %get3A_946 = arith.constant 0 : index
        %get3A_947 = tpu.vector_load %arg10[%get3A_944, %get3A_945, %get3A_946] {strides = array<i32>} : memref<4x200x64xf32, #tpu.memory_space<vmem>>, vector<16xf32>,
        %add3A_948 = arith.addf %add3A_920, %get3A_947 : vector<16xf32>
        %get3A_949 = arith.constant 2 : i32
        %get3A_950 = arith.index_cast %get3A_949 : i32 to index
        %get3A_951 = arith.index_cast %add3A_942 : i32 to index
        %get3A_952 = arith.constant 16 : index
        %get3A_953 = tpu.vector_load %arg10[%get3A_950, %get3A_951, %get3A_952] {strides = array<i32>} : memref<4x200x64xf32, #tpu.memory_space<vmem>>, vector<16xf32>,
        %add3A_954 = arith.addf %add3A_926, %get3A_953 : vector<16xf32>
        %get3A_955 = arith.constant 2 : i32
        %get3A_956 = arith.index_cast %get3A_955 : i32 to index
        %get3A_957 = arith.index_cast %add3A_942 : i32 to index
        %get3A_958 = arith.constant 32 : index
        %get3A_959 = tpu.vector_load %arg10[%get3A_956, %get3A_957, %get3A_958] {strides = array<i32>} : memref<4x200x64xf32, #tpu.memory_space<vmem>>, vector<16xf32>,
        %add3A_960 = arith.addf %add3A_932, %get3A_959 : vector<16xf32>
        %get3A_961 = arith.constant 2 : i32
        %get3A_962 = arith.index_cast %get3A_961 : i32 to index
        %get3A_963 = arith.index_cast %add3A_942 : i32 to index
        %get3A_964 = arith.constant 48 : index
        %get3A_965 = tpu.vector_load %arg10[%get3A_962, %get3A_963, %get3A_964] {strides = array<i32>} : memref<4x200x64xf32, #tpu.memory_space<vmem>>, vector<16xf32>,
        %add3A_966 = arith.addf %add3A_938, %get3A_965 : vector<16xf32>
        %mul3A_967 = arith.constant 8 : i32
        %mul3A_968 = arith.muli %scan3A_795, %mul3A_967 : i32
        %add3A_969 = arith.constant 6 : i32
        %add3A_970 = arith.addi %mul3A_968, %add3A_969 : i32
        %get3A_971 = arith.constant 2 : i32
        %get3A_972 = arith.index_cast %get3A_971 : i32 to index
        %get3A_973 = arith.index_cast %add3A_970 : i32 to index
        %get3A_974 = arith.constant 0 : index
        %get3A_975 = tpu.vector_load %arg10[%get3A_972, %get3A_973, %get3A_974] {strides = array<i32>} : memref<4x200x64xf32, #tpu.memory_space<vmem>>, vector<16xf32>,
        %add3A_976 = arith.addf %add3A_948, %get3A_975 : vector<16xf32>
        %get3A_977 = arith.constant 2 : i32
        %get3A_978 = arith.index_cast %get3A_977 : i32 to index
        %get3A_979 = arith.index_cast %add3A_970 : i32 to index
        %get3A_980 = arith.constant 16 : index
        %get3A_981 = tpu.vector_load %arg10[%get3A_978, %get3A_979, %get3A_980] {strides = array<i32>} : memref<4x200x64xf32, #tpu.memory_space<vmem>>, vector<16xf32>,
        %add3A_982 = arith.addf %add3A_954, %get3A_981 : vector<16xf32>
        %get3A_983 = arith.constant 2 : i32
        %get3A_984 = arith.index_cast %get3A_983 : i32 to index
        %get3A_985 = arith.index_cast %add3A_970 : i32 to index
        %get3A_986 = arith.constant 32 : index
        %get3A_987 = tpu.vector_load %arg10[%get3A_984, %get3A_985, %get3A_986] {strides = array<i32>} : memref<4x200x64xf32, #tpu.memory_space<vmem>>, vector<16xf32>,
        %add3A_988 = arith.addf %add3A_960, %get3A_987 : vector<16xf32>
        %get3A_989 = arith.constant 2 : i32
        %get3A_990 = arith.index_cast %get3A_989 : i32 to index
        %get3A_991 = arith.index_cast %add3A_970 : i32 to index
        %get3A_992 = arith.constant 48 : index
        %get3A_993 = tpu.vector_load %arg10[%get3A_990, %get3A_991, %get3A_992] {strides = array<i32>} : memref<4x200x64xf32, #tpu.memory_space<vmem>>, vector<16xf32>,
        %add3A_994 = arith.addf %add3A_966, %get3A_993 : vector<16xf32>
        %mul3A_995 = arith.constant 8 : i32
        %mul3A_996 = arith.muli %scan3A_795, %mul3A_995 : i32
        %add3A_997 = arith.constant 7 : i32
        %add3A_998 = arith.addi %mul3A_996, %add3A_997 : i32
        %get3A_999 = arith.constant 2 : i32
        %get3A_1000 = arith.index_cast %get3A_999 : i32 to index
        %get3A_1001 = arith.index_cast %add3A_998 : i32 to index
        %get3A_1002 = arith.constant 0 : index
        %get3A_1003 = tpu.vector_load %arg10[%get3A_1000, %get3A_1001, %get3A_1002] {strides = array<i32>} : memref<4x200x64xf32, #tpu.memory_space<vmem>>, vector<16xf32>,
        %add3A_1004 = arith.addf %add3A_976, %get3A_1003 : vector<16xf32>
        %get3A_1005 = arith.constant 2 : i32
        %get3A_1006 = arith.index_cast %get3A_1005 : i32 to index
        %get3A_1007 = arith.index_cast %add3A_998 : i32 to index
        %get3A_1008 = arith.constant 16 : index
        %get3A_1009 = tpu.vector_load %arg10[%get3A_1006, %get3A_1007, %get3A_1008] {strides = array<i32>} : memref<4x200x64xf32, #tpu.memory_space<vmem>>, vector<16xf32>,
        %add3A_1010 = arith.addf %add3A_982, %get3A_1009 : vector<16xf32>
        %get3A_1011 = arith.constant 2 : i32
        %get3A_1012 = arith.index_cast %get3A_1011 : i32 to index
        %get3A_1013 = arith.index_cast %add3A_998 : i32 to index
        %get3A_1014 = arith.constant 32 : index
        %get3A_1015 = tpu.vector_load %arg10[%get3A_1012, %get3A_1013, %get3A_1014] {strides = array<i32>} : memref<4x200x64xf32, #tpu.memory_space<vmem>>, vector<16xf32>,
        %add3A_1016 = arith.addf %add3A_988, %get3A_1015 : vector<16xf32>
        %get3A_1017 = arith.constant 2 : i32
        %get3A_1018 = arith.index_cast %get3A_1017 : i32 to index
        %get3A_1019 = arith.index_cast %add3A_998 : i32 to index
        %get3A_1020 = arith.constant 48 : index
        %get3A_1021 = tpu.vector_load %arg10[%get3A_1018, %get3A_1019, %get3A_1020] {strides = array<i32>} : memref<4x200x64xf32, #tpu.memory_space<vmem>>, vector<16xf32>,
        %add3A_1022 = arith.addf %add3A_994, %get3A_1021 : vector<16xf32>
        scf.yield %add3A_1004, %add3A_1010, %add3A_1016, %add3A_1022 : vector<16xf32>, vector<16xf32>, vector<16xf32>, vector<16xf32>
      }
      %scan3A_732 = arith.constant 25 : i32
      %swap3A_733 = arith.constant 2 : i32
      %swap3A_734 = arith.index_cast %swap3A_733 : i32 to index
      %swap3A_735 = arith.constant 0 : index
      %swap3A_736 = tpu.vector_load %arg12[%swap3A_734, %swap3A_735] {strides = array<i32>} : memref<4x64xf32, #tpu.memory_space<vmem>>, vector<16xf32>,
      tpu.vector_store %arg12[%swap3A_734, %swap3A_735], %scan3A_731#0 {strides = array<i32>} : memref<4x64xf32, #tpu.memory_space<vmem>>, vector<16xf32>,
      %swap3A_737 = arith.constant 2 : i32
      %swap3A_738 = arith.index_cast %swap3A_737 : i32 to index
      %swap3A_739 = arith.constant 16 : index
      %swap3A_740 = tpu.vector_load %arg12[%swap3A_738, %swap3A_739] {strides = array<i32>} : memref<4x64xf32, #tpu.memory_space<vmem>>, vector<16xf32>,
      tpu.vector_store %arg12[%swap3A_738, %swap3A_739], %scan3A_731#1 {strides = array<i32>} : memref<4x64xf32, #tpu.memory_space<vmem>>, vector<16xf32>,
      %swap3A_741 = arith.constant 2 : i32
      %swap3A_742 = arith.index_cast %swap3A_741 : i32 to index
      %swap3A_743 = arith.constant 32 : index
      %swap3A_744 = tpu.vector_load %arg12[%swap3A_742, %swap3A_743] {strides = array<i32>} : memref<4x64xf32, #tpu.memory_space<vmem>>, vector<16xf32>,
      tpu.vector_store %arg12[%swap3A_742, %swap3A_743], %scan3A_731#2 {strides = array<i32>} : memref<4x64xf32, #tpu.memory_space<vmem>>, vector<16xf32>,
      %swap3A_745 = arith.constant 2 : i32
      %swap3A_746 = arith.index_cast %swap3A_745 : i32 to index
      %swap3A_747 = arith.constant 48 : index
      %swap3A_748 = tpu.vector_load %arg12[%swap3A_746, %swap3A_747] {strides = array<i32>} : memref<4x64xf32, #tpu.memory_space<vmem>>, vector<16xf32>,
      tpu.vector_store %arg12[%swap3A_746, %swap3A_747], %scan3A_731#3 {strides = array<i32>} : memref<4x64xf32, #tpu.memory_space<vmem>>, vector<16xf32>,
      %broadcast_in_dim3A_749 = arith.constant 0.000000e+00 : f32
      %broadcast_in_dim3A_750 = vector.broadcast %broadcast_in_dim3A_749 : f32 to vector<16xf32>
      %scan3A_751 = arith.constant 0 : i32
      %scan3A_752 = arith.constant 25 : i32
      %scan3A_753 = arith.addi %scan3A_751, %scan3A_752 : i32
      %scan3A_754 = arith.constant 1 : i32
      %scan3A_755:4 = scf.for %scan3A_795 = %scan3A_751 to %scan3A_753 step %scan3A_754 iter_args(%scan3A_796 = %broadcast_in_dim3A_750, %scan3A_797 = %broadcast_in_dim3A_750, %scan3A_798 = %broadcast_in_dim3A_750, %scan3A_799 = %broadcast_in_dim3A_750) -> (vector<16xf32>, vector<16xf32>, vector<16xf32>, vector<16xf32>)  : i32 {
        %mul3A_800 = arith.constant 8 : i32
        %mul3A_801 = arith.muli %scan3A_795, %mul3A_800 : i32
        %add3A_802 = arith.constant 0 : i32
        %add3A_803 = arith.addi %mul3A_801, %add3A_802 : i32
        %get3A = arith.constant 3 : i32
        %get3A_804 = arith.index_cast %get3A : i32 to index
        %get3A_805 = arith.index_cast %add3A_803 : i32 to index
        %get3A_806 = arith.constant 0 : index
        %get3A_807 = tpu.vector_load %arg10[%get3A_804, %get3A_805, %get3A_806] {strides = array<i32>} : memref<4x200x64xf32, #tpu.memory_space<vmem>>, vector<16xf32>,
        %add3A_808 = arith.addf %scan3A_796, %get3A_807 : vector<16xf32>
        %get3A_809 = arith.constant 3 : i32
        %get3A_810 = arith.index_cast %get3A_809 : i32 to index
        %get3A_811 = arith.index_cast %add3A_803 : i32 to index
        %get3A_812 = arith.constant 16 : index
        %get3A_813 = tpu.vector_load %arg10[%get3A_810, %get3A_811, %get3A_812] {strides = array<i32>} : memref<4x200x64xf32, #tpu.memory_space<vmem>>, vector<16xf32>,
        %add3A_814 = arith.addf %scan3A_797, %get3A_813 : vector<16xf32>
        %get3A_815 = arith.constant 3 : i32
        %get3A_816 = arith.index_cast %get3A_815 : i32 to index
        %get3A_817 = arith.index_cast %add3A_803 : i32 to index
        %get3A_818 = arith.constant 32 : index
        %get3A_819 = tpu.vector_load %arg10[%get3A_816, %get3A_817, %get3A_818] {strides = array<i32>} : memref<4x200x64xf32, #tpu.memory_space<vmem>>, vector<16xf32>,
        %add3A_820 = arith.addf %scan3A_798, %get3A_819 : vector<16xf32>
        %get3A_821 = arith.constant 3 : i32
        %get3A_822 = arith.index_cast %get3A_821 : i32 to index
        %get3A_823 = arith.index_cast %add3A_803 : i32 to index
        %get3A_824 = arith.constant 48 : index
        %get3A_825 = tpu.vector_load %arg10[%get3A_822, %get3A_823, %get3A_824] {strides = array<i32>} : memref<4x200x64xf32, #tpu.memory_space<vmem>>, vector<16xf32>,
        %add3A_826 = arith.addf %scan3A_799, %get3A_825 : vector<16xf32>
        %mul3A_827 = arith.constant 8 : i32
        %mul3A_828 = arith.muli %scan3A_795, %mul3A_827 : i32
        %add3A_829 = arith.constant 1 : i32
        %add3A_830 = arith.addi %mul3A_828, %add3A_829 : i32
        %get3A_831 = arith.constant 3 : i32
        %get3A_832 = arith.index_cast %get3A_831 : i32 to index
        %get3A_833 = arith.index_cast %add3A_830 : i32 to index
        %get3A_834 = arith.constant 0 : index
        %get3A_835 = tpu.vector_load %arg10[%get3A_832, %get3A_833, %get3A_834] {strides = array<i32>} : memref<4x200x64xf32, #tpu.memory_space<vmem>>, vector<16xf32>,
        %add3A_836 = arith.addf %add3A_808, %get3A_835 : vector<16xf32>
        %get3A_837 = arith.constant 3 : i32
        %get3A_838 = arith.index_cast %get3A_837 : i32 to index
        %get3A_839 = arith.index_cast %add3A_830 : i32 to index
        %get3A_840 = arith.constant 16 : index
        %get3A_841 = tpu.vector_load %arg10[%get3A_838, %get3A_839, %get3A_840] {strides = array<i32>} : memref<4x200x64xf32, #tpu.memory_space<vmem>>, vector<16xf32>,
        %add3A_842 = arith.addf %add3A_814, %get3A_841 : vector<16xf32>
        %get3A_843 = arith.constant 3 : i32
        %get3A_844 = arith.index_cast %get3A_843 : i32 to index
        %get3A_845 = arith.index_cast %add3A_830 : i32 to index
        %get3A_846 = arith.constant 32 : index
        %get3A_847 = tpu.vector_load %arg10[%get3A_844, %get3A_845, %get3A_846] {strides = array<i32>} : memref<4x200x64xf32, #tpu.memory_space<vmem>>, vector<16xf32>,
        %add3A_848 = arith.addf %add3A_820, %get3A_847 : vector<16xf32>
        %get3A_849 = arith.constant 3 : i32
        %get3A_850 = arith.index_cast %get3A_849 : i32 to index
        %get3A_851 = arith.index_cast %add3A_830 : i32 to index
        %get3A_852 = arith.constant 48 : index
        %get3A_853 = tpu.vector_load %arg10[%get3A_850, %get3A_851, %get3A_852] {strides = array<i32>} : memref<4x200x64xf32, #tpu.memory_space<vmem>>, vector<16xf32>,
        %add3A_854 = arith.addf %add3A_826, %get3A_853 : vector<16xf32>
        %mul3A_855 = arith.constant 8 : i32
        %mul3A_856 = arith.muli %scan3A_795, %mul3A_855 : i32
        %add3A_857 = arith.constant 2 : i32
        %add3A_858 = arith.addi %mul3A_856, %add3A_857 : i32
        %get3A_859 = arith.constant 3 : i32
        %get3A_860 = arith.index_cast %get3A_859 : i32 to index
        %get3A_861 = arith.index_cast %add3A_858 : i32 to index
        %get3A_862 = arith.constant 0 : index
        %get3A_863 = tpu.vector_load %arg10[%get3A_860, %get3A_861, %get3A_862] {strides = array<i32>} : memref<4x200x64xf32, #tpu.memory_space<vmem>>, vector<16xf32>,
        %add3A_864 = arith.addf %add3A_836, %get3A_863 : vector<16xf32>
        %get3A_865 = arith.constant 3 : i32
        %get3A_866 = arith.index_cast %get3A_865 : i32 to index
        %get3A_867 = arith.index_cast %add3A_858 : i32 to index
        %get3A_868 = arith.constant 16 : index
        %get3A_869 = tpu.vector_load %arg10[%get3A_866, %get3A_867, %get3A_868] {strides = array<i32>} : memref<4x200x64xf32, #tpu.memory_space<vmem>>, vector<16xf32>,
        %add3A_870 = arith.addf %add3A_842, %get3A_869 : vector<16xf32>
        %get3A_871 = arith.constant 3 : i32
        %get3A_872 = arith.index_cast %get3A_871 : i32 to index
        %get3A_873 = arith.index_cast %add3A_858 : i32 to index
        %get3A_874 = arith.constant 32 : index
        %get3A_875 = tpu.vector_load %arg10[%get3A_872, %get3A_873, %get3A_874] {strides = array<i32>} : memref<4x200x64xf32, #tpu.memory_space<vmem>>, vector<16xf32>,
        %add3A_876 = arith.addf %add3A_848, %get3A_875 : vector<16xf32>
        %get3A_877 = arith.constant 3 : i32
        %get3A_878 = arith.index_cast %get3A_877 : i32 to index
        %get3A_879 = arith.index_cast %add3A_858 : i32 to index
        %get3A_880 = arith.constant 48 : index
        %get3A_881 = tpu.vector_load %arg10[%get3A_878, %get3A_879, %get3A_880] {strides = array<i32>} : memref<4x200x64xf32, #tpu.memory_space<vmem>>, vector<16xf32>,
        %add3A_882 = arith.addf %add3A_854, %get3A_881 : vector<16xf32>
        %mul3A_883 = arith.constant 8 : i32
        %mul3A_884 = arith.muli %scan3A_795, %mul3A_883 : i32
        %add3A_885 = arith.constant 3 : i32
        %add3A_886 = arith.addi %mul3A_884, %add3A_885 : i32
        %get3A_887 = arith.constant 3 : i32
        %get3A_888 = arith.index_cast %get3A_887 : i32 to index
        %get3A_889 = arith.index_cast %add3A_886 : i32 to index
        %get3A_890 = arith.constant 0 : index
        %get3A_891 = tpu.vector_load %arg10[%get3A_888, %get3A_889, %get3A_890] {strides = array<i32>} : memref<4x200x64xf32, #tpu.memory_space<vmem>>, vector<16xf32>,
        %add3A_892 = arith.addf %add3A_864, %get3A_891 : vector<16xf32>
        %get3A_893 = arith.constant 3 : i32
        %get3A_894 = arith.index_cast %get3A_893 : i32 to index
        %get3A_895 = arith.index_cast %add3A_886 : i32 to index
        %get3A_896 = arith.constant 16 : index
        %get3A_897 = tpu.vector_load %arg10[%get3A_894, %get3A_895, %get3A_896] {strides = array<i32>} : memref<4x200x64xf32, #tpu.memory_space<vmem>>, vector<16xf32>,
        %add3A_898 = arith.addf %add3A_870, %get3A_897 : vector<16xf32>
        %get3A_899 = arith.constant 3 : i32
        %get3A_900 = arith.index_cast %get3A_899 : i32 to index
        %get3A_901 = arith.index_cast %add3A_886 : i32 to index
        %get3A_902 = arith.constant 32 : index
        %get3A_903 = tpu.vector_load %arg10[%get3A_900, %get3A_901, %get3A_902] {strides = array<i32>} : memref<4x200x64xf32, #tpu.memory_space<vmem>>, vector<16xf32>,
        %add3A_904 = arith.addf %add3A_876, %get3A_903 : vector<16xf32>
        %get3A_905 = arith.constant 3 : i32
        %get3A_906 = arith.index_cast %get3A_905 : i32 to index
        %get3A_907 = arith.index_cast %add3A_886 : i32 to index
        %get3A_908 = arith.constant 48 : index
        %get3A_909 = tpu.vector_load %arg10[%get3A_906, %get3A_907, %get3A_908] {strides = array<i32>} : memref<4x200x64xf32, #tpu.memory_space<vmem>>, vector<16xf32>,
        %add3A_910 = arith.addf %add3A_882, %get3A_909 : vector<16xf32>
        %mul3A_911 = arith.constant 8 : i32
        %mul3A_912 = arith.muli %scan3A_795, %mul3A_911 : i32
        %add3A_913 = arith.constant 4 : i32
        %add3A_914 = arith.addi %mul3A_912, %add3A_913 : i32
        %get3A_915 = arith.constant 3 : i32
        %get3A_916 = arith.index_cast %get3A_915 : i32 to index
        %get3A_917 = arith.index_cast %add3A_914 : i32 to index
        %get3A_918 = arith.constant 0 : index
        %get3A_919 = tpu.vector_load %arg10[%get3A_916, %get3A_917, %get3A_918] {strides = array<i32>} : memref<4x200x64xf32, #tpu.memory_space<vmem>>, vector<16xf32>,
        %add3A_920 = arith.addf %add3A_892, %get3A_919 : vector<16xf32>
        %get3A_921 = arith.constant 3 : i32
        %get3A_922 = arith.index_cast %get3A_921 : i32 to index
        %get3A_923 = arith.index_cast %add3A_914 : i32 to index
        %get3A_924 = arith.constant 16 : index
        %get3A_925 = tpu.vector_load %arg10[%get3A_922, %get3A_923, %get3A_924] {strides = array<i32>} : memref<4x200x64xf32, #tpu.memory_space<vmem>>, vector<16xf32>,
        %add3A_926 = arith.addf %add3A_898, %get3A_925 : vector<16xf32>
        %get3A_927 = arith.constant 3 : i32
        %get3A_928 = arith.index_cast %get3A_927 : i32 to index
        %get3A_929 = arith.index_cast %add3A_914 : i32 to index
        %get3A_930 = arith.constant 32 : index
        %get3A_931 = tpu.vector_load %arg10[%get3A_928, %get3A_929, %get3A_930] {strides = array<i32>} : memref<4x200x64xf32, #tpu.memory_space<vmem>>, vector<16xf32>,
        %add3A_932 = arith.addf %add3A_904, %get3A_931 : vector<16xf32>
        %get3A_933 = arith.constant 3 : i32
        %get3A_934 = arith.index_cast %get3A_933 : i32 to index
        %get3A_935 = arith.index_cast %add3A_914 : i32 to index
        %get3A_936 = arith.constant 48 : index
        %get3A_937 = tpu.vector_load %arg10[%get3A_934, %get3A_935, %get3A_936] {strides = array<i32>} : memref<4x200x64xf32, #tpu.memory_space<vmem>>, vector<16xf32>,
        %add3A_938 = arith.addf %add3A_910, %get3A_937 : vector<16xf32>
        %mul3A_939 = arith.constant 8 : i32
        %mul3A_940 = arith.muli %scan3A_795, %mul3A_939 : i32
        %add3A_941 = arith.constant 5 : i32
        %add3A_942 = arith.addi %mul3A_940, %add3A_941 : i32
        %get3A_943 = arith.constant 3 : i32
        %get3A_944 = arith.index_cast %get3A_943 : i32 to index
        %get3A_945 = arith.index_cast %add3A_942 : i32 to index
        %get3A_946 = arith.constant 0 : index
        %get3A_947 = tpu.vector_load %arg10[%get3A_944, %get3A_945, %get3A_946] {strides = array<i32>} : memref<4x200x64xf32, #tpu.memory_space<vmem>>, vector<16xf32>,
        %add3A_948 = arith.addf %add3A_920, %get3A_947 : vector<16xf32>
        %get3A_949 = arith.constant 3 : i32
        %get3A_950 = arith.index_cast %get3A_949 : i32 to index
        %get3A_951 = arith.index_cast %add3A_942 : i32 to index
        %get3A_952 = arith.constant 16 : index
        %get3A_953 = tpu.vector_load %arg10[%get3A_950, %get3A_951, %get3A_952] {strides = array<i32>} : memref<4x200x64xf32, #tpu.memory_space<vmem>>, vector<16xf32>,
        %add3A_954 = arith.addf %add3A_926, %get3A_953 : vector<16xf32>
        %get3A_955 = arith.constant 3 : i32
        %get3A_956 = arith.index_cast %get3A_955 : i32 to index
        %get3A_957 = arith.index_cast %add3A_942 : i32 to index
        %get3A_958 = arith.constant 32 : index
        %get3A_959 = tpu.vector_load %arg10[%get3A_956, %get3A_957, %get3A_958] {strides = array<i32>} : memref<4x200x64xf32, #tpu.memory_space<vmem>>, vector<16xf32>,
        %add3A_960 = arith.addf %add3A_932, %get3A_959 : vector<16xf32>
        %get3A_961 = arith.constant 3 : i32
        %get3A_962 = arith.index_cast %get3A_961 : i32 to index
        %get3A_963 = arith.index_cast %add3A_942 : i32 to index
        %get3A_964 = arith.constant 48 : index
        %get3A_965 = tpu.vector_load %arg10[%get3A_962, %get3A_963, %get3A_964] {strides = array<i32>} : memref<4x200x64xf32, #tpu.memory_space<vmem>>, vector<16xf32>,
        %add3A_966 = arith.addf %add3A_938, %get3A_965 : vector<16xf32>
        %mul3A_967 = arith.constant 8 : i32
        %mul3A_968 = arith.muli %scan3A_795, %mul3A_967 : i32
        %add3A_969 = arith.constant 6 : i32
        %add3A_970 = arith.addi %mul3A_968, %add3A_969 : i32
        %get3A_971 = arith.constant 3 : i32
        %get3A_972 = arith.index_cast %get3A_971 : i32 to index
        %get3A_973 = arith.index_cast %add3A_970 : i32 to index
        %get3A_974 = arith.constant 0 : index
        %get3A_975 = tpu.vector_load %arg10[%get3A_972, %get3A_973, %get3A_974] {strides = array<i32>} : memref<4x200x64xf32, #tpu.memory_space<vmem>>, vector<16xf32>,
        %add3A_976 = arith.addf %add3A_948, %get3A_975 : vector<16xf32>
        %get3A_977 = arith.constant 3 : i32
        %get3A_978 = arith.index_cast %get3A_977 : i32 to index
        %get3A_979 = arith.index_cast %add3A_970 : i32 to index
        %get3A_980 = arith.constant 16 : index
        %get3A_981 = tpu.vector_load %arg10[%get3A_978, %get3A_979, %get3A_980] {strides = array<i32>} : memref<4x200x64xf32, #tpu.memory_space<vmem>>, vector<16xf32>,
        %add3A_982 = arith.addf %add3A_954, %get3A_981 : vector<16xf32>
        %get3A_983 = arith.constant 3 : i32
        %get3A_984 = arith.index_cast %get3A_983 : i32 to index
        %get3A_985 = arith.index_cast %add3A_970 : i32 to index
        %get3A_986 = arith.constant 32 : index
        %get3A_987 = tpu.vector_load %arg10[%get3A_984, %get3A_985, %get3A_986] {strides = array<i32>} : memref<4x200x64xf32, #tpu.memory_space<vmem>>, vector<16xf32>,
        %add3A_988 = arith.addf %add3A_960, %get3A_987 : vector<16xf32>
        %get3A_989 = arith.constant 3 : i32
        %get3A_990 = arith.index_cast %get3A_989 : i32 to index
        %get3A_991 = arith.index_cast %add3A_970 : i32 to index
        %get3A_992 = arith.constant 48 : index
        %get3A_993 = tpu.vector_load %arg10[%get3A_990, %get3A_991, %get3A_992] {strides = array<i32>} : memref<4x200x64xf32, #tpu.memory_space<vmem>>, vector<16xf32>,
        %add3A_994 = arith.addf %add3A_966, %get3A_993 : vector<16xf32>
        %mul3A_995 = arith.constant 8 : i32
        %mul3A_996 = arith.muli %scan3A_795, %mul3A_995 : i32
        %add3A_997 = arith.constant 7 : i32
        %add3A_998 = arith.addi %mul3A_996, %add3A_997 : i32
        %get3A_999 = arith.constant 3 : i32
        %get3A_1000 = arith.index_cast %get3A_999 : i32 to index
        %get3A_1001 = arith.index_cast %add3A_998 : i32 to index
        %get3A_1002 = arith.constant 0 : index
        %get3A_1003 = tpu.vector_load %arg10[%get3A_1000, %get3A_1001, %get3A_1002] {strides = array<i32>} : memref<4x200x64xf32, #tpu.memory_space<vmem>>, vector<16xf32>,
        %add3A_1004 = arith.addf %add3A_976, %get3A_1003 : vector<16xf32>
        %get3A_1005 = arith.constant 3 : i32
        %get3A_1006 = arith.index_cast %get3A_1005 : i32 to index
        %get3A_1007 = arith.index_cast %add3A_998 : i32 to index
        %get3A_1008 = arith.constant 16 : index
        %get3A_1009 = tpu.vector_load %arg10[%get3A_1006, %get3A_1007, %get3A_1008] {strides = array<i32>} : memref<4x200x64xf32, #tpu.memory_space<vmem>>, vector<16xf32>,
        %add3A_1010 = arith.addf %add3A_982, %get3A_1009 : vector<16xf32>
        %get3A_1011 = arith.constant 3 : i32
        %get3A_1012 = arith.index_cast %get3A_1011 : i32 to index
        %get3A_1013 = arith.index_cast %add3A_998 : i32 to index
        %get3A_1014 = arith.constant 32 : index
        %get3A_1015 = tpu.vector_load %arg10[%get3A_1012, %get3A_1013, %get3A_1014] {strides = array<i32>} : memref<4x200x64xf32, #tpu.memory_space<vmem>>, vector<16xf32>,
        %add3A_1016 = arith.addf %add3A_988, %get3A_1015 : vector<16xf32>
        %get3A_1017 = arith.constant 3 : i32
        %get3A_1018 = arith.index_cast %get3A_1017 : i32 to index
        %get3A_1019 = arith.index_cast %add3A_998 : i32 to index
        %get3A_1020 = arith.constant 48 : index
        %get3A_1021 = tpu.vector_load %arg10[%get3A_1018, %get3A_1019, %get3A_1020] {strides = array<i32>} : memref<4x200x64xf32, #tpu.memory_space<vmem>>, vector<16xf32>,
        %add3A_1022 = arith.addf %add3A_994, %get3A_1021 : vector<16xf32>
        scf.yield %add3A_1004, %add3A_1010, %add3A_1016, %add3A_1022 : vector<16xf32>, vector<16xf32>, vector<16xf32>, vector<16xf32>
      }
      %scan3A_756 = arith.constant 25 : i32
      %swap3A_757 = arith.constant 3 : i32
      %swap3A_758 = arith.index_cast %swap3A_757 : i32 to index
      %swap3A_759 = arith.constant 0 : index
      %swap3A_760 = tpu.vector_load %arg12[%swap3A_758, %swap3A_759] {strides = array<i32>} : memref<4x64xf32, #tpu.memory_space<vmem>>, vector<16xf32>,
      tpu.vector_store %arg12[%swap3A_758, %swap3A_759], %scan3A_755#0 {strides = array<i32>} : memref<4x64xf32, #tpu.memory_space<vmem>>, vector<16xf32>,
      %swap3A_761 = arith.constant 3 : i32
      %swap3A_762 = arith.index_cast %swap3A_761 : i32 to index
      %swap3A_763 = arith.constant 16 : index
      %swap3A_764 = tpu.vector_load %arg12[%swap3A_762, %swap3A_763] {strides = array<i32>} : memref<4x64xf32, #tpu.memory_space<vmem>>, vector<16xf32>,
      tpu.vector_store %arg12[%swap3A_762, %swap3A_763], %scan3A_755#1 {strides = array<i32>} : memref<4x64xf32, #tpu.memory_space<vmem>>, vector<16xf32>,
      %swap3A_765 = arith.constant 3 : i32
      %swap3A_766 = arith.index_cast %swap3A_765 : i32 to index
      %swap3A_767 = arith.constant 32 : index
      %swap3A_768 = tpu.vector_load %arg12[%swap3A_766, %swap3A_767] {strides = array<i32>} : memref<4x64xf32, #tpu.memory_space<vmem>>, vector<16xf32>,
      tpu.vector_store %arg12[%swap3A_766, %swap3A_767], %scan3A_755#2 {strides = array<i32>} : memref<4x64xf32, #tpu.memory_space<vmem>>, vector<16xf32>,
      %swap3A_769 = arith.constant 3 : i32
      %swap3A_770 = arith.index_cast %swap3A_769 : i32 to index
      %swap3A_771 = arith.constant 48 : index
      %swap3A_772 = tpu.vector_load %arg12[%swap3A_770, %swap3A_771] {strides = array<i32>} : memref<4x64xf32, #tpu.memory_space<vmem>>, vector<16xf32>,
      tpu.vector_store %arg12[%swap3A_770, %swap3A_771], %scan3A_755#3 {strides = array<i32>} : memref<4x64xf32, #tpu.memory_space<vmem>>, vector<16xf32>,
      %mul3A_773 = arith.constant 4 : i32
      %mul3A_774 = arith.muli %add3A_631, %mul3A_773 : i32
      %add3A_775 = arith.addi %mul3A_2, %mul3A_774 : i32
      %multiple_of3A_776 = tpu.assume_multiple %add3A_775, 4 : i32
      %dma_start3A_777 = arith.constant 0 : i32
      %dma_start3A_778 = tpu.memref_slice %arg4[%multiple_of3A_776, %dma_start3A_777] : memref<16384x64xf32, #tpu.memory_space<hbm>> -> memref<4x64xf32, #tpu.memory_space<hbm>>
      %dma_start3A_779 = arith.constant 0 : i32
      %dma_start3A_780 = tpu.memref_slice %arg4[%multiple_of3A_776, %dma_start3A_779] : memref<16384x64xf32, #tpu.memory_space<hbm>> -> memref<4x64xf32, #tpu.memory_space<hbm>>
      tpu.enqueue_dma source(%arg12 : memref<4x64xf32, #tpu.memory_space<vmem>>) target(%dma_start3A_780 : memref<4x64xf32, #tpu.memory_space<hbm>>) target_semaphore(%arg19 : memref<!tpu.dma_semaphore, #tpu.memory_space<semaphore_mem>>)
      %add3A_781 = arith.constant 4 : i32
      %add3A_782 = arith.addi %add3A_631, %add3A_781 : i32
      %lt3A_783 = arith.constant 128 : i32
      %lt3A_784 = arith.cmpi slt, %add3A_782, %lt3A_783 : i32
      %convert_element_type3A_785 = arith.extui %lt3A_784 : i1 to i32
      %cond3A_786 = arith.constant 0 : i32
      %cond3A_787 = arith.cmpi ne, %convert_element_type3A_785, %cond3A_786 : i32
      scf.if %cond3A_787 {
        %add3A_795 = arith.constant 4 : i32
        %add3A_796 = arith.addi %add3A_631, %add3A_795 : i32
        %mul3A_797 = arith.constant 4 : i32
        %mul3A_798 = arith.muli %add3A_796, %mul3A_797 : i32
        %add3A_799 = arith.addi %mul3A_2, %mul3A_798 : i32
        %mul3A_800 = arith.constant 200 : i32
        %mul3A_801 = arith.muli %add3A_799, %mul3A_800 : i32
        %multiple_of3A_802 = tpu.assume_multiple %mul3A_801, 800 : i32
        %dma_start3A_803 = tpu.memref_slice %arg2[%multiple_of3A_802] : memref<3276800xi32, #tpu.memory_space<hbm>> -> memref<800xi32, #tpu.memory_space<hbm>>
        %dma_start3A_804 = tpu.memref_slice %arg2[%multiple_of3A_802] : memref<3276800xi32, #tpu.memory_space<hbm>> -> memref<800xi32, #tpu.memory_space<hbm>>
        tpu.enqueue_dma source(%dma_start3A_804 : memref<800xi32, #tpu.memory_space<hbm>>) target(%arg8 : memref<800xi32, #tpu.memory_space<vmem>>) target_semaphore(%arg16 : memref<!tpu.dma_semaphore, #tpu.memory_space<semaphore_mem>>)
      } else {
      }
      %add3A_788 = arith.constant 2 : i32
      %add3A_789 = arith.addi %add3A_631, %add3A_788 : i32
      %lt3A_790 = arith.constant 128 : i32
      %lt3A_791 = arith.cmpi slt, %add3A_789, %lt3A_790 : i32
      %convert_element_type3A_792 = arith.extui %lt3A_791 : i1 to i32
      %cond3A_793 = arith.constant 0 : i32
      %cond3A_794 = arith.cmpi ne, %convert_element_type3A_792, %cond3A_793 : i32
      scf.if %cond3A_794 {
        %dma_wait3A_795 = arith.constant 0 : i32
        %dma_wait3A_796 = tpu.memref_slice %arg2[%dma_wait3A_795] : memref<3276800xi32, #tpu.memory_space<hbm>> -> memref<800xi32, #tpu.memory_space<hbm>>
        %dma_wait3A_797 = arith.constant 0 : i32
        %dma_wait3A_798 = tpu.memref_slice %arg2[%dma_wait3A_797] : memref<3276800xi32, #tpu.memory_space<hbm>> -> memref<800xi32, #tpu.memory_space<hbm>>
        tpu.wait_dma2 semaphore(%arg14 : memref<!tpu.dma_semaphore, #tpu.memory_space<semaphore_mem>>) src(%dma_wait3A_798 : memref<800xi32, #tpu.memory_space<hbm>>) dst(%arg6 : memref<800xi32, #tpu.memory_space<vmem>>)
        %dma_start3A_799 = arith.constant 0 : i32
        %dma_start3A_800 = arith.constant 0 : i32
        %dma_start3A_801 = arith.constant 0 : i32
        %dma_start3A_802 = tpu.memref_slice %arg10[%dma_start3A_799, %dma_start3A_800, %dma_start3A_801] : memref<4x200x64xf32, #tpu.memory_space<vmem>> -> memref<1x200x64xf32, #tpu.memory_space<vmem>>
        %dma_start3A_803 = tpu.memref_squeeze %dma_start3A_802 : memref<1x200x64xf32, #tpu.memory_space<vmem>> -> memref<200x64xf32, #tpu.memory_space<vmem>>
        %dma_start3A_804 = arith.constant 0 : i32
        %dma_start3A_805 = tpu.memref_slice %arg6[%dma_start3A_804] : memref<800xi32, #tpu.memory_space<vmem>> -> memref<200xi32, #tpu.memory_space<vmem>>
        %dma_start3A_806 = arith.constant 0 : i32
        %dma_start3A_807 = arith.constant 0 : i32
        %dma_start3A_808 = tpu.memref_slice %arg3[%dma_start3A_806, %dma_start3A_807] : memref<1000000x64xf32, #tpu.memory_space<hbm>> -> memref<1000000x64xf32, #tpu.memory_space<hbm>>
        tpu.enqueue_indirect_dma source(%dma_start3A_808 : memref<1000000x64xf32, #tpu.memory_space<hbm>>) target(%dma_start3A_803 : memref<200x64xf32, #tpu.memory_space<vmem>>) offsets(%dma_start3A_805 : memref<200xi32, #tpu.memory_space<vmem>>) semaphore(%arg18 : memref<!tpu.dma_semaphore, #tpu.memory_space<semaphore_mem>>)
        %dma_start3A_809 = arith.constant 1 : i32
        %dma_start3A_810 = arith.constant 0 : i32
        %dma_start3A_811 = arith.constant 0 : i32
        %dma_start3A_812 = tpu.memref_slice %arg10[%dma_start3A_809, %dma_start3A_810, %dma_start3A_811] : memref<4x200x64xf32, #tpu.memory_space<vmem>> -> memref<1x200x64xf32, #tpu.memory_space<vmem>>
        %dma_start3A_813 = tpu.memref_squeeze %dma_start3A_812 : memref<1x200x64xf32, #tpu.memory_space<vmem>> -> memref<200x64xf32, #tpu.memory_space<vmem>>
        %dma_start3A_814 = arith.constant 200 : i32
        %dma_start3A_815 = tpu.memref_slice %arg6[%dma_start3A_814] : memref<800xi32, #tpu.memory_space<vmem>> -> memref<200xi32, #tpu.memory_space<vmem>>
        %dma_start3A_816 = arith.constant 0 : i32
        %dma_start3A_817 = arith.constant 0 : i32
        %dma_start3A_818 = tpu.memref_slice %arg3[%dma_start3A_816, %dma_start3A_817] : memref<1000000x64xf32, #tpu.memory_space<hbm>> -> memref<1000000x64xf32, #tpu.memory_space<hbm>>
        tpu.enqueue_indirect_dma source(%dma_start3A_818 : memref<1000000x64xf32, #tpu.memory_space<hbm>>) target(%dma_start3A_813 : memref<200x64xf32, #tpu.memory_space<vmem>>) offsets(%dma_start3A_815 : memref<200xi32, #tpu.memory_space<vmem>>) semaphore(%arg18 : memref<!tpu.dma_semaphore, #tpu.memory_space<semaphore_mem>>)
        %dma_start3A_819 = arith.constant 2 : i32
        %dma_start3A_820 = arith.constant 0 : i32
        %dma_start3A_821 = arith.constant 0 : i32
        %dma_start3A_822 = tpu.memref_slice %arg10[%dma_start3A_819, %dma_start3A_820, %dma_start3A_821] : memref<4x200x64xf32, #tpu.memory_space<vmem>> -> memref<1x200x64xf32, #tpu.memory_space<vmem>>
        %dma_start3A_823 = tpu.memref_squeeze %dma_start3A_822 : memref<1x200x64xf32, #tpu.memory_space<vmem>> -> memref<200x64xf32, #tpu.memory_space<vmem>>
        %dma_start3A_824 = arith.constant 400 : i32
        %dma_start3A_825 = tpu.memref_slice %arg6[%dma_start3A_824] : memref<800xi32, #tpu.memory_space<vmem>> -> memref<200xi32, #tpu.memory_space<vmem>>
        %dma_start3A_826 = arith.constant 0 : i32
        %dma_start3A_827 = arith.constant 0 : i32
        %dma_start3A_828 = tpu.memref_slice %arg3[%dma_start3A_826, %dma_start3A_827] : memref<1000000x64xf32, #tpu.memory_space<hbm>> -> memref<1000000x64xf32, #tpu.memory_space<hbm>>
        tpu.enqueue_indirect_dma source(%dma_start3A_828 : memref<1000000x64xf32, #tpu.memory_space<hbm>>) target(%dma_start3A_823 : memref<200x64xf32, #tpu.memory_space<vmem>>) offsets(%dma_start3A_825 : memref<200xi32, #tpu.memory_space<vmem>>) semaphore(%arg18 : memref<!tpu.dma_semaphore, #tpu.memory_space<semaphore_mem>>)
        %dma_start3A_829 = arith.constant 3 : i32
        %dma_start3A_830 = arith.constant 0 : i32
        %dma_start3A_831 = arith.constant 0 : i32
        %dma_start3A_832 = tpu.memref_slice %arg10[%dma_start3A_829, %dma_start3A_830, %dma_start3A_831] : memref<4x200x64xf32, #tpu.memory_space<vmem>> -> memref<1x200x64xf32, #tpu.memory_space<vmem>>
        %dma_start3A_833 = tpu.memref_squeeze %dma_start3A_832 : memref<1x200x64xf32, #tpu.memory_space<vmem>> -> memref<200x64xf32, #tpu.memory_space<vmem>>
        %dma_start3A_834 = arith.constant 600 : i32
        %dma_start3A_835 = tpu.memref_slice %arg6[%dma_start3A_834] : memref<800xi32, #tpu.memory_space<vmem>> -> memref<200xi32, #tpu.memory_space<vmem>>
        %dma_start3A_836 = arith.constant 0 : i32
        %dma_start3A_837 = arith.constant 0 : i32
        %dma_start3A_838 = tpu.memref_slice %arg3[%dma_start3A_836, %dma_start3A_837] : memref<1000000x64xf32, #tpu.memory_space<hbm>> -> memref<1000000x64xf32, #tpu.memory_space<hbm>>
        tpu.enqueue_indirect_dma source(%dma_start3A_838 : memref<1000000x64xf32, #tpu.memory_space<hbm>>) target(%dma_start3A_833 : memref<200x64xf32, #tpu.memory_space<vmem>>) offsets(%dma_start3A_835 : memref<200xi32, #tpu.memory_space<vmem>>) semaphore(%arg18 : memref<!tpu.dma_semaphore, #tpu.memory_space<semaphore_mem>>)
      } else {
      }
    }
    %scan3A_119 = arith.constant 32 : i32
    %dma_wait3A_120 = arith.constant 0 : i32
    %dma_wait3A_121 = arith.constant 0 : i32
    %dma_wait3A_122 = tpu.memref_slice %arg4[%dma_wait3A_120, %dma_wait3A_121] : memref<16384x64xf32, #tpu.memory_space<hbm>> -> memref<4x64xf32, #tpu.memory_space<hbm>>
    %dma_wait3A_123 = arith.constant 0 : i32
    %dma_wait3A_124 = arith.constant 0 : i32
    %dma_wait3A_125 = tpu.memref_slice %arg4[%dma_wait3A_123, %dma_wait3A_124] : memref<16384x64xf32, #tpu.memory_space<hbm>> -> memref<4x64xf32, #tpu.memory_space<hbm>>
    tpu.wait_dma2 semaphore(%arg19 : memref<!tpu.dma_semaphore, #tpu.memory_space<semaphore_mem>>) src(%arg11 : memref<4x64xf32, #tpu.memory_space<vmem>>) dst(%dma_wait3A_125 : memref<4x64xf32, #tpu.memory_space<hbm>>)
    %dma_wait3A_126 = arith.constant 0 : i32
    %dma_wait3A_127 = arith.constant 0 : i32
    %dma_wait3A_128 = tpu.memref_slice %arg4[%dma_wait3A_126, %dma_wait3A_127] : memref<16384x64xf32, #tpu.memory_space<hbm>> -> memref<4x64xf32, #tpu.memory_space<hbm>>
    %dma_wait3A_129 = arith.constant 0 : i32
    %dma_wait3A_130 = arith.constant 0 : i32
    %dma_wait3A_131 = tpu.memref_slice %arg4[%dma_wait3A_129, %dma_wait3A_130] : memref<16384x64xf32, #tpu.memory_space<hbm>> -> memref<4x64xf32, #tpu.memory_space<hbm>>
    tpu.wait_dma2 semaphore(%arg19 : memref<!tpu.dma_semaphore, #tpu.memory_space<semaphore_mem>>) src(%arg11 : memref<4x64xf32, #tpu.memory_space<vmem>>) dst(%dma_wait3A_131 : memref<4x64xf32, #tpu.memory_space<hbm>>)
    return
  }
}

module attributes {stable_mosaic.version = 14 : i64} {
  func.func @_mlp_body(%arg0: i32, %arg1: memref<2048x64xf32, #tpu.memory_space<vmem>>, %arg2: memref<64x256xf32, #tpu.memory_space<vmem>>, %arg3: memref<1x256xf32, #tpu.memory_space<vmem>>, %arg4: memref<1x256xf32, #tpu.memory_space<vmem>>, %arg5: memref<1x1xf32, #tpu.memory_space<vmem>>, %arg6: memref<2048x1xf32, #tpu.memory_space<vmem>>) attributes {dimension_semantics = [#tpu.dimension_semantics<arbitrary>], iteration_bounds = array<i64: 8>, scalar_prefetch = 0 : i64, scratch_operands = 0 : i64, tpu.core_type = #tpu.core_type<tc>, window_params = [{transform_indices = @transform_0, window_bounds = array<i64: 2048, 64>}, {pipeline_mode = #tpu.pipeline_mode<synchronous>, transform_indices = @transform_1, window_bounds = array<i64: 64, 256>}, {pipeline_mode = #tpu.pipeline_mode<synchronous>, transform_indices = @transform_2, window_bounds = array<i64: 1, 256>}, {pipeline_mode = #tpu.pipeline_mode<synchronous>, transform_indices = @transform_3, window_bounds = array<i64: 1, 256>}, {pipeline_mode = #tpu.pipeline_mode<synchronous>, transform_indices = @transform_4, window_bounds = array<i64: 1, 1>}, {transform_indices = @transform_5, window_bounds = array<i64: 2048, 1>}]} {
    %get3A = arith.constant 0 : index
    %get3A_0 = arith.constant 0 : index
    %get3A_1 = vector.load %arg1[%get3A, %get3A_0] : memref<2048x64xf32, #tpu.memory_space<vmem>>, vector<2048x64xf32>
    %mul3A = arith.constant 5.000000e-03 : f32
    %mul3A_2 = vector.broadcast %mul3A : f32 to vector<2048x64xf32>
    %mul3A_3 = arith.mulf %get3A_1, %mul3A_2 : vector<2048x64xf32>
    %get3A_4 = arith.constant 0 : index
    %get3A_5 = arith.constant 0 : index
    %get3A_6 = vector.load %arg2[%get3A_4, %get3A_5] : memref<64x256xf32, #tpu.memory_space<vmem>>, vector<64x256xf32>
    %dot_general3A = arith.constant dense<0.000000e+00> : vector<2048x256xf32>
    %dot_general3A_7 = tpu.matmul %mul3A_3, %get3A_6, %dot_general3A {dimension_numbers = #tpu.dot_dimension_numbers<[1], [0], [0], [1], [0, 0, 1, 1], [], []>, transpose_lhs_hint = false} : vector<2048x64xf32>, vector<64x256xf32>, vector<2048x256xf32> -> vector<2048x256xf32>
    %get3A_8 = arith.constant 0 : index
    %get3A_9 = arith.constant 0 : index
    %get3A_10 = vector.load %arg3[%get3A_8, %get3A_9] : memref<1x256xf32, #tpu.memory_space<vmem>>, vector<1x256xf32>
    %add3A = vector.broadcast %get3A_10 : vector<1x256xf32> to vector<2048x256xf32>
    %add3A_11 = arith.addf %dot_general3A_7, %add3A : vector<2048x256xf32>
    %max3A = arith.constant 0.000000e+00 : f32
    %max3A_12 = vector.broadcast %max3A : f32 to vector<2048x256xf32>
    %max3A_13 = arith.maximumf %add3A_11, %max3A_12 : vector<2048x256xf32>
    %get3A_14 = arith.constant 0 : index
    %get3A_15 = arith.constant 0 : index
    %get3A_16 = vector.load %arg4[%get3A_14, %get3A_15] : memref<1x256xf32, #tpu.memory_space<vmem>>, vector<1x256xf32>
    %mul3A_17 = vector.broadcast %get3A_16 : vector<1x256xf32> to vector<2048x256xf32>
    %mul3A_18 = arith.mulf %max3A_13, %mul3A_17 : vector<2048x256xf32>
    %reduce_sum3A = arith.constant dense<0.000000e+00> : vector<2048xf32>
    %reduce_sum3A_19 = vector.multi_reduction <add>, %mul3A_18, %reduce_sum3A [1] : vector<2048x256xf32> to vector<2048xf32>
    %broadcast_in_dim3A = vector.shape_cast %reduce_sum3A_19 : vector<2048xf32> to vector<2048x1xf32>
    %get3A_20 = arith.constant 0 : index
    %get3A_21 = arith.constant 0 : index
    %get3A_22 = vector.load %arg5[%get3A_20, %get3A_21] : memref<1x1xf32, #tpu.memory_space<vmem>>, vector<1x1xf32>
    %add3A_23 = vector.broadcast %get3A_22 : vector<1x1xf32> to vector<2048x1xf32>
    %add3A_24 = arith.addf %broadcast_in_dim3A, %add3A_23 : vector<2048x1xf32>
    %neg3A = arith.constant 0.000000e+00 : f32
    %neg3A_25 = vector.broadcast %neg3A : f32 to vector<2048x1xf32>
    %neg3A_26 = arith.subf %neg3A_25, %add3A_24 : vector<2048x1xf32>
    %exp3A = math.exp %neg3A_26 : vector<2048x1xf32>
    %add3A_27 = arith.constant 1.000000e+00 : f32
    %add3A_28 = vector.broadcast %add3A_27 : f32 to vector<2048x1xf32>
    %add3A_29 = arith.addf %add3A_28, %exp3A : vector<2048x1xf32>
    %div3A = arith.constant 1.000000e+00 : f32
    %div3A_30 = vector.broadcast %div3A : f32 to vector<2048x1xf32>
    %div3A_31 = arith.divf %div3A_30, %add3A_29 : vector<2048x1xf32>
    %swap3A = arith.constant 0 : index
    %swap3A_32 = arith.constant 0 : index
    %swap3A_33 = vector.load %arg6[%swap3A, %swap3A_32] : memref<2048x1xf32, #tpu.memory_space<vmem>>, vector<2048x1xf32>
    tpu.vector_store %arg6[%swap3A, %swap3A_32], %div3A_31 {strides = array<i32>} : memref<2048x1xf32, #tpu.memory_space<vmem>>, vector<2048x1xf32>,
    return
  }
  func.func @transform_0(%arg0: i32) -> (i32, i32) {
    %c0_i32 = arith.constant 0 : i32
    %c0_i32_0 = arith.constant 0 : i32
    return %arg0, %c0_i32 : i32, i32
  }
  func.func @transform_1(%arg0: i32) -> (i32, i32) {
    %c0_i32 = arith.constant 0 : i32
    %c0_i32_0 = arith.constant 0 : i32
    %c0_i32_1 = arith.constant 0 : i32
    return %c0_i32, %c0_i32_0 : i32, i32
  }
  func.func @transform_2(%arg0: i32) -> (i32, i32) {
    %c0_i32 = arith.constant 0 : i32
    %c0_i32_0 = arith.constant 0 : i32
    %c0_i32_1 = arith.constant 0 : i32
    return %c0_i32, %c0_i32_0 : i32, i32
  }
  func.func @transform_3(%arg0: i32) -> (i32, i32) {
    %c0_i32 = arith.constant 0 : i32
    %c0_i32_0 = arith.constant 0 : i32
    %c0_i32_1 = arith.constant 0 : i32
    return %c0_i32, %c0_i32_0 : i32, i32
  }
  func.func @transform_4(%arg0: i32) -> (i32, i32) {
    %c0_i32 = arith.constant 0 : i32
    %c0_i32_0 = arith.constant 0 : i32
    %c0_i32_1 = arith.constant 0 : i32
    return %c0_i32, %c0_i32_0 : i32, i32
  }
  func.func @transform_5(%arg0: i32) -> (i32, i32) {
    %c0_i32 = arith.constant 0 : i32
    %c0_i32_0 = arith.constant 0 : i32
    return %arg0, %c0_i32 : i32, i32
  }
}

</mosaic_0001>

<sc_bundles>
// kernel: kernel.4.cloned.1.call-start
scs
__scs_entry_jumppad:
0x0: {  	(pc) =	sbr.rel $0x88, $3  }
0x1: {  	(tag) =	ssettag $0x0;
	lr =	simm.s32 $0x1  }
0x2: {  	[smem:$0x3F9B] =	sst lr;
	_ =	strace $0xD0000000  }
0x3: {  	_ = 	snop  }
0x4: {  	_ = 	snop  }
0x5: {  	_ = 	snop  }
0x6: {  	_ = 	snop  }
0x7: {  	_ = 	snop  }
__scs_overlays_trampoline_lowered:
0x8: {  	[smem:$0x3FAA] =	sst s0  }
0x9: {  	[smem:$0x3FAB] =	sst s1  }
0xa: {  	[smem:$0x3FAC] =	sst s2  }
0xb: {  	[smem:$0x3FAD] =	sst s3  }
0xc: {  	[smem:$0x3FAE] =	sst s4  }
0xd: {  	[smem:$0x3FAF] =	sst s5  }
0xe: {  	[smem:$0x3FB0] =	sst s6  }
0xf: {  	[smem:$0x3FB1] =	sst s7  }
0x10: {  	[smem:$0x3FB2] =	sst s8  }
0x11: {  	[smem:$0x3FB3] =	sst s9;
	s0 =	simm.s32 @!p0 $0x0  }
0x12: {  	s1 =	sld [smem:$0x3F99];
	s0 =	simm.s32 @p0 $0x1  }
0x13: {  	[smem:$0x3FB4] =	sst s0;
	s0 =	simm.s32 @!p1 $0x0  }
0x14: {  	s2 =	sld [smem:$0x3F98];
	s0 =	simm.s32 @p1 $0x1  }
0x15: {  	[smem:$0x3FB5] =	sst s0;
	s0 =	simm.s32 @!p2 $0x0  }
0x16: {  	s3 =	sld [smem:$0x3FDB];
	s0 =	simm.s32 @p2 $0x1  }
0x17: {  	s4 =	simm.s32 $0x1BF5;
	[smem:$0x3FB7] =	sst s0  }
0x18: {  	s0 =	sld [smem:$0x3F9A];
	_ =	swait.ge [sflag:s4], $0x0  }
0x19: {  	s7 =	sld [smem:$0x3F9B]  }
0x1a: {  	s8 =	sadd.s32 $0xFFFFE003, lr  }
0x1b: {  	s9 =	sadd.s32 $0xFFFFFEF7, lr;
	s5 =	simm.s32 $0xFFFFFFFF;
	p2 =	slt.u32 s8, $0xFFFFF086  }
0x1c: {  	p1 =	slt.u32 s9, $0xF7A;
	s5 =	simm.s32 @!p2 $0x0  }
0x1d: {  	s5 =	simm.s32 @p1 $0x1;
	p0 =	seq.s32 s7, s2  }
0x1e: {  	s7 =	smul.u32 @!p0 $0xF7A, s2;
	p2 =	seq.s32 @!p0 s5, $0x0  }
0x1f: {  	s9 =	smul.u32 $0xF7A, s1;
	s8 =	simm.s32 @!p0 $0x1BF5;
	p2 =	por !p2, p0  }
0x20: {  	[sflag:s8] =	ssyncset.s32 @!p0 $0xFFFFF086;
	s6 =	sadd.s32 @!p0 s3, s7;
	s7 =	simm.s32 @!p0 $0x108  }
0x21: {  	s3 =	sadd.s32 s3, s9;
	s6 =	sadd.s32 @!p0 $0x88, s6;
	s7 =	simm.s32 @p2 $0x1082  }
0x22: {  	[simem:s7], [sflag:s8] =	dma.local @!p0 [hbm:s6], $0xF7A  }
0x23: {  	s9 =	sor.u32 $0xD0000000, s2;
	s6 =	simm.s32 $0x108;
	_ =	swait.ge @!p0 [sflag:s8], $0x0  }
0x24: {  	s3 =	sadd.s32 $0x88, s3;
	s6 =	simm.s32 @!p1 $0x1082;
	[sflag:s4] =	ssyncset.s32 $0xFFFFF086  }
0x25: {  	[simem:s6], [sflag:s4] =	dma.local [hbm:s3], $0xF7A  }
0x26: {  	[smem:$0x3F9B] =	sst s1;
	(tag) =	ssettag s2;
	_ =	strace s9  }
0x27: {  	s1 =	sld [smem:$0x3FAB]  }
0x28: {  	s2 =	sld [smem:$0x3FAC]  }
0x29: {  	s4 =	sld [smem:$0x3FAE]  }
0x2a: {  	p0 =	seq.s32 s5, $0x0;
	s5 =	sld [smem:$0x3FAF]  }
0x2b: {  	s6 =	sld [smem:$0x3FB0]  }
0x2c: {  	s7 =	sld [smem:$0x3FB1]  }
0x2d: {  	s3 =	simm.s32 $0x108;
	s8 =	sld [smem:$0x3FB2]  }
0x2e: {  	s3 =	simm.s32 @!p0 $0x1082;
	s9 =	sld [smem:$0x3FB3]  }
0x2f: {  	lr =	sadd.s32 s0, s3;
	s0 =	sld [smem:$0x3FAA]  }
0x30: {  	s3 =	sld [smem:$0x3FAD]  }
0x31: {  	[smem:$0x3FB6] =	sst s10  }
0x32: {  	s10 =	sld [smem:$0x3FB4];
	_ =	sdelay $0x3  }
0x33: {  	p0 =	seq.s32 s10, $0x1;
	s10 =	sld [smem:$0x3FB6];
	_ =	sdelay $0x3  }
0x34: {  	[smem:$0x3FB6] =	sst s10  }
0x35: {  	s10 =	sld [smem:$0x3FB5];
	_ =	sdelay $0x3  }
0x36: {  	p1 =	seq.s32 s10, $0x1;
	s10 =	sld [smem:$0x3FB6];
	_ =	sdelay $0x3  }
0x37: {  	[smem:$0x3FB6] =	sst s10  }
0x38: {  	s10 =	sld [smem:$0x3FB7]  }
0x39: {  	_ = 	snop;
	(pc) =	sbr.ind lr, $3  }
0x3a: {  	_ = 	snop  }
0x3b: {  	_ = 	snop  }
0x3c: {  	p2 =	seq.s32 s10, $0x1;
	s10 =	sld [smem:$0x3FB6]  }
0x3d: {  	_ =	shalt  }
0x3e: {  	_ =	shalt  }
0x3f: {  	_ =	shalt  }
0x40: {  	_ =	shalt  }
0x41: {  	_ =	shalt  }
0x42: {  	_ =	shalt  }
0x43: {  	_ =	shalt  }
0x44: {  	_ =	shalt  }
0x45: {  	_ =	shalt  }
0x46: {  	_ =	shalt  }
0x47: {  	_ =	shalt  }
0x48: {  	_ =	shalt  }
0x49: {  	_ =	shalt  }
0x4a: {  	_ =	shalt  }
0x4b: {  	_ =	shalt  }
0x4c: {  	_ =	shalt  }
0x4d: {  	_ =	shalt  }
0x4e: {  	_ =	shalt  }
0x4f: {  	_ =	shalt  }
0x50: {  	_ =	shalt  }
0x51: {  	_ =	shalt  }
0x52: {  	_ =	shalt  }
0x53: {  	_ =	shalt  }
0x54: {  	_ =	shalt  }
0x55: {  	_ =	shalt  }
0x56: {  	_ =	shalt  }
0x57: {  	_ =	shalt  }
0x58: {  	_ =	shalt  }
0x59: {  	_ =	shalt  }
0x5a: {  	_ =	shalt  }
0x5b: {  	_ =	shalt  }
0x5c: {  	_ =	shalt  }
0x5d: {  	_ =	shalt  }
0x5e: {  	_ =	shalt  }
0x5f: {  	_ =	shalt  }
0x60: {  	_ =	shalt  }
0x61: {  	_ =	shalt  }
0x62: {  	_ =	shalt  }
0x63: {  	_ =	shalt  }
0x64: {  	_ =	shalt  }
0x65: {  	_ =	shalt  }
0x66: {  	_ =	shalt  }
0x67: {  	_ =	shalt  }
0x68: {  	_ =	shalt  }
0x69: {  	_ =	shalt  }
0x6a: {  	_ =	shalt  }
0x6b: {  	_ =	shalt  }
0x6c: {  	_ =	shalt  }
0x6d: {  	_ =	shalt  }
0x6e: {  	_ =	shalt  }
0x6f: {  	_ =	shalt  }
0x70: {  	_ =	shalt  }
0x71: {  	_ =	shalt  }
0x72: {  	_ =	shalt  }
0x73: {  	_ =	shalt  }
0x74: {  	_ =	shalt  }
0x75: {  	_ =	shalt  }
0x76: {  	_ =	shalt  }
0x77: {  	_ =	shalt  }
0x78: {  	_ =	shalt  }
0x79: {  	_ =	shalt  }
0x7a: {  	_ =	shalt  }
0x7b: {  	_ =	shalt  }
0x7c: {  	_ =	shalt  }
0x7d: {  	_ =	shalt  }
0x7e: {  	_ =	shalt  }
0x7f: {  	_ =	shalt  }
0x80: {  	_ =	shalt  }
0x81: {  	_ =	shalt  }
0x82: {  	_ =	shalt  }
0x83: {  	_ =	shalt  }
0x84: {  	_ =	shalt  }
0x85: {  	_ =	shalt  }
0x86: {  	_ =	shalt  }
0x87: {  	_ =	shalt  }
.Lfunc_end0:
.L_simem_size_0:
called_computation_lowered:
.L_overlay_start_0:
0x88: {  	s2 =	sld [smem:$0x3FD9]  }
0x89: {  	s3 =	sld [smem:$0x3FFE];
	_ =	sdelay $0x1  }
0x8a: {  	s1 =	srdreg.scid  }
0x8b: {  	s0 =	sand.u32 $0x1, s1  }
0x8c: {  	s16 =	sshll.u32 s0, $0xA;
	s2 =	sadd.s32 s3, s2  }
0x8d: {  	s2 =	sadd.s32 s2, s16  }
0x8e: {  	[smem:$0x3FC2] =	sst s2  }
0x8f: {  	_ = 	snop  }
0x90: {  	(tm) =	ssettm $0x1  }
0x91: {  	s17 =	sld [smem:$0x3FFB];
	_ =	sdelay $0x3  }
0x92: {  	_ =	strace s17  }
0x93: {  	s2 =	sld [smem:$0x3FFC];
	_ =	sdelay $0x3  }
0x94: {  	_ =	strace s2  }
0x95: {  	s2 =	sld [smem:$0x3FFD];
	_ =	sdelay $0x3  }
0x96: {  	_ =	strace s2  }
0x97: {  	_ =	strace $0x8FFFFFFF  }
0x98: {  	s18 =	sld [smem:$0x3FDB];
	_ =	sdelay $0x1  }
0x99: {  	s19 =	simm.s32 $_scs_section_size  }
0x9a: {  	s4 =	simm.s32 $_size__tile_overlayer_lowered;
	s5 =	simm.s32 $_tile_overlayer_lowered  }
0x9b: {  	s22 =	simm.s32 $0x1BFF;
	s21 =	sshll.u32 s5, $0x1;
	s2 =	sadd.s32 s19, s18  }
0x9c: {  	s6 =	simm.s32 $0x0;
	s20 =	sshll.u32 s4, $0x1;
	s4 =	sadd.s32 s21, s2  }
0x9d: {  	[timem:s6], [sflag:s22] =	dma.local [hbm:s4], s20  }
0x9e: {  	_ =	swait.ge [sflag:s22], s20  }
0x9f: {  	s3 =	ssub.s32 $0x0, s20;
	[sflag:s22] =	ssyncset.done $0x0  }
0xa0: {  	[sflag:s22] =	ssyncadd.s32 s3;
	_ =	sdelay $0x1  }
0xa1: {  	s23 =	simm.s32 $0x1B8B  }
0xa2: {  	_ =	swait.ge [sflag:s23], $0x1  }
0xa3: {  	[sflag:s23] =	ssyncset.done $0x0  }
0xa4: {  	s25 =	simm.s32 $0x1B8E;
	s24 =	sld [smem:$0x3FFE];
	[sflag:s23] =	ssyncadd.s32 $0xFFFFFFFF  }
0xa5: {  	s26 =	simm.s32 $execute0_lowered;
	[smem:$0x3FD2] =	sst s25  }
0xa6: {  	s4 =	sshll.u32 s26, $0x1;
	_ =	strace $0x80000046;
	[dreg:$0x1] =	wrdreg $0xFFFFFFFF  }
0xa7: {  	s28 =	simm.s32 $_size_execute0_lowered;
	s2 =	sadd.s32 s2, s4;
	[dreg:$0x0] =	wrdreg $0x0  }
0xa8: {  	s4 =	sshll.u32 s28, $0x1;
	[dreg:$0x2] =	wrdreg s2  }
0xa9: {  	[dreg:$0x3] =	wrdreg s4  }
0xaa: {  	[dreg:$0x4] =	wrdreg $0xC0  }
0xab: {  	_ =	task [dreg:s6], $0x5FFFF  }
0xac: {  	[dreg:$0x1] =	wrdreg $0xFFFFFFFF  }
0xad: {  	[dreg:$0x0] =	wrdreg $0x60  }
0xae: {  	[dreg:$0x2] =	wrdreg s24  }
0xaf: {  	[dreg:$0x3] =	wrdreg $0x9  }
0xb0: {  	_ =	task.clear_ibuf [dreg:s6], $0x4FFFF;
	_ =	strace $0x90000046  }
0xb1: {  	s29 =	simm.s32 $0x9;
	_ =	strace $0x80000048  }
0xb2: {  	_ =	swait.ge [sflag:s29], $0x1  }
0xb3: {  	[sflag:s29] =	ssyncadd.s32 $0xFFFFFFFF  }
0xb4: {  	_ =	strace $0x90000048  }
0xb5: {  	_ =	sfence  }
0xb6: {  	s30 =	sld [smem:$0x0];
	_ =	sdelay $0x2  }
0xb7: {  	s31 =	sshll.u32 s1, $0xD;
	s1 =	sshrl.u32 s1, $0x2  }
0xb8: {  	s3 =	sand.u32 $0x4000, s31;
	s1 =	sadd.s32 s1, s30  }
0xb9: {  	s0 =	sor.u32 s3, s0;
	s1 =	sshll.u32 s1, $0x11  }
0xba: {  	s0 =	sor.u32 s1, s0  }
0xbb: {  	s0 =	sadd.s32 $0x8F2B, s0  }
0xbc: {  	[sflag:s0] =	ssyncadd.remote.s32 $0x1  }
0xbd: {  	_ =	sfence.sel $0xFFFF  }
0xbe: {  	[dreg:$0x0] =	wrdreg $0xFFFFFFFF;
	(pc) =	sbr.abs _section_cstart, $3  }
0xbf: {  	[dreg:$0x1] =	wrdreg $0xFFFFFFFF  }
0xc0: {  	_ =	task.clear_ibuf [dreg:s6], $0x2FFFF;
	_ =	strace $0x9FFFFFFF  }
0xc1: {  	(tm) =	ssettm $0x7FFFFFFF  }
tec
execute0_lowered:
.L_overlay_start_1:
0x0: {  	(tag) =	ssettag $0x1  }
0x1: {  	s0 =	rddreg [dreg:$0x0]  }
0x2: {  	s1 =	srdreg.scid;
	s3 =	stileid.u32  }
0x3: {  	s2 =	simm.s32 $0x0;
	s21 =	simm.s32 $0x960;
	s23 =	simm.s32 $0xC8  }
0x4: {  	s31 =	simm.s32 $0x2;
	s10 =	simm.s32 $0x16A80;
	s18 =	simm.s32 $0x5  }
0x5: {  	s22 =	simm.s32 $0x3;
	s29 =	simm.s32 $0x19D80;
	s19 =	simm.s32 $0x7  }
0x6: {  	s20 =	simm.s32 $0x0;
	s1 =	sand.u32 $0x1, s1;
	s3 =	sshll.u32 s3, $0x1  }
0x7: {  	[smem:$0x7FF] =	sst s2;
	s4 =	sadd.s32 $0xF43000, s0;
	s5 =	sadd.s32 $0x64C00, s0  }
0x8: {  	s14 =	sadd.s32 $0x64C40, s0;
	s16 =	sadd.s32 $0x64C60, s0;
	s6 =	sor.u32 s1, s3  }
0x9: {  	_ =	strace $0x80000047;
	s1 =	ssub.s32 $0x2, s1;
	s7 =	smul.u32 $0x3200, s6  }
0xa: {  	s3 =	sadd.s32 $0xC00, s0;
	s0 =	simm.s32 $0xD480;
	s8 =	sshrl.u32 s1, $0x1  }
0xb: {  	s11 =	sshll.u32 s6, $0xC;
	s1 =	ssub.s32 s1, s8;
	s25 =	sadd.s32 s3, s7  }
0xc: {  	s7 =	sshll.u32 s6, $0x9;
	s30 =	smax.u32 s1, $0x1;
	[dreg:$0x2] =	wrdreg s25  }
0xd: {  	s6 =	simm.s32 $0x19C80;
	s9 =	sadd.s32 $0x64, s25;
	[dreg:$0x7] =	wrdreg s30  }
.Ltmp0:
0xe: {  	s26 =	sadd.s32 $0xC8, s25;
	[dreg:$0x3] =	wrdreg s9;
	(pc) =	sbr.rel .LBB2_1-.Ltmp0, $4  }
0xf: {  	s1 =	simm.s32 $0x6;
	s8 =	sadd.s32 $0x12C, s25;
	[dreg:$0x4] =	wrdreg s26  }
0x10: {  	s12 =	sor.u32 $0x10, s7;
	s28 =	sor.u32 $0x1C, s7;
	[dreg:$0x5] =	wrdreg s8  }
0x11: {  	s13 =	sor.u32 $0x14, s7;
	s15 =	sor.u32 $0x18, s7;
	[dreg:$0x6] =	wrdreg s28  }
0x12: {  	s26 =	simm.s32 $0x10680;
	s8 =	simm.s32 $0x13880;
	s9 =	simm.s32 $0x4  }
.LBB2_36:
0x13: {  	_ =	swait.ge [sflag:s19], $0x100  }
0x14: {  	[sflag:s19] =	ssyncset.done $0x0  }
0x15: {  	[sflag:s19] =	ssyncadd.s32 $0xFFFFFF00  }
0x16: {  	_ =	swait.ge [sflag:s19], $0x100  }
0x17: {  	s20 =	rddreg [dreg:$0x8]  }
0x18: {  	s17 =	rddreg [dreg:$0x7];
	s20 =	sadd.s32 $0x1, s20  }
0x19: {  	p0 =	sne.s32 s20, s17  }
.Ltmp1:
0x1a: {  	_ = 	snop;
	(pc) =	sbr.rel @!p0 .LBB2_37-.Ltmp1, $3  }
0x1b: {  	_ =	sdelay $0x1  }
0x1c: {  	[sflag:s19] =	ssyncset.done $0x0  }
0x1d: {  	[sflag:s19] =	ssyncadd.s32 $0xFFFFFF00  }
.LBB2_1:
0x1e: {  	[dreg:$0x8] =	wrdreg s20  }
0x1f: {  	s17 =	rddreg [dreg:$0x2]  }
0x20: {  	[tilespmem:s2], [sflag:$0x1] =	stream.linear.gather [hbm4b:s17+s2], $0x320, $0x38;
	[tilespmem:$0x19E80] =	vst v63  }
0x21: {  	s28 =	rddreg [dreg:$0x3];
	s20 =	simm.s32 $0x320  }
0x22: {  	[tilespmem:s20], [sflag:$0x2] =	stream.linear.gather [hbm4b:s28+s2], $0x320, $0x38;
	[tilespmem:$0x19E80] =	vst v63  }
0x23: {  	s30 =	rddreg [dreg:$0x4];
	s24 =	simm.s32 $0x640  }
0x24: {  	[tilespmem:s24], [sflag:$0x3] =	stream.linear.gather [hbm4b:s30+s2], $0x320, $0x38;
	[tilespmem:$0x19E80] =	vst v63  }
0x25: {  	s25 =	simm.s32 $0x1;
	s24 =	rddreg [dreg:$0x5]  }
0x26: {  	[tilespmem:s21], [sflag:$0x4] =	stream.linear.gather [hbm4b:s24+s2], $0x320, $0x38;
	[tilespmem:$0x19E80] =	vst v63  }
0x27: {  	_ =	swait.ge [sflag:s25], $0x320  }
0x28: {  	[sflag:s25] =	ssyncset.done $0x0  }
0x29: {  	s28 =	simm.s32 $0xC80;
	[sflag:s25] =	ssyncadd.s32 $0xFFFFFCE0  }
0x2a: {  	[tilespmem:s28], [sflag:$0x5] =	stream.indirect.gather [hbm4b:s4+s23], $0x40, s2, s23, $0xb8;
	[tilespmem:$0x19E80] =	vst v63  }
0x2b: {  	s30 =	simm.s32 $0x3E80  }
0x2c: {  	[tilespmem:s30], [sflag:$0x5] =	stream.indirect.gather [hbm4b:s4+s23], $0x40, s23, s23, $0xb8;
	[tilespmem:$0x19E80] =	vst v63  }
0x2d: {  	s24 =	simm.s32 $0x190;
	s25 =	simm.s32 $0x7080  }
0x2e: {  	[tilespmem:s25], [sflag:$0x5] =	stream.indirect.gather [hbm4b:s4+s23], $0x40, s24, s23, $0xb8;
	[tilespmem:$0x19E80] =	vst v63  }
0x2f: {  	s28 =	simm.s32 $0x258;
	s30 =	simm.s32 $0xA280  }
0x30: {  	[tilespmem:s30], [sflag:$0x5] =	stream.indirect.gather [hbm4b:s4+s23], $0x40, s28, s23, $0xb8;
	[tilespmem:$0x19E80] =	vst v63  }
0x31: {  	_ =	swait.ge [sflag:s31], $0x320  }
0x32: {  	[sflag:s31] =	ssyncset.done $0x0  }
0x33: {  	[sflag:s31] =	ssyncadd.s32 $0xFFFFFCE0  }
0x34: {  	[tilespmem:s0], [sflag:$0x6] =	stream.indirect.gather [hbm4b:s4+s23], $0x40, s20, s23, $0xb8;
	[tilespmem:$0x19E80] =	vst v63  }
0x35: {  	s25 =	simm.s32 $0x3E8  }
0x36: {  	[tilespmem:s26], [sflag:$0x6] =	stream.indirect.gather [hbm4b:s4+s23], $0x40, s25, s23, $0xb8;
	[tilespmem:$0x19E80] =	vst v63  }
0x37: {  	s28 =	simm.s32 $0x4B0  }
0x38: {  	[tilespmem:s8], [sflag:$0x6] =	stream.indirect.gather [hbm4b:s4+s23], $0x40, s28, s23, $0xb8;
	[tilespmem:$0x19E80] =	vst v63  }
0x39: {  	s30 =	simm.s32 $0x578;
	s20 =	simm.s32 $0x0  }
0x3a: {  	[tilespmem:s10], [sflag:$0x6] =	stream.indirect.gather [hbm4b:s4+s23], $0x40, s30, s23, $0xb8;
	[tilespmem:$0x19E80] =	vst v63  }
.LBB2_2:
0x3b: {  	_ =	swait.ge [sflag:s18], $0x3200  }
0x3c: {  	[sflag:s18] =	ssyncset.done $0x0  }
0x3d: {  	[sflag:s18] =	ssyncadd.s32 $0xFFFFCE00  }
0x3e: {  	_ =	swait.ge [sflag:s18], $0x3200  }
0x3f: {  	[sflag:s18] =	ssyncset.done $0x0  }
0x40: {  	[sflag:s18] =	ssyncadd.s32 $0xFFFFCE00  }
0x41: {  	_ =	swait.ge [sflag:s18], $0x3200  }
0x42: {  	[sflag:s18] =	ssyncset.done $0x0  }
0x43: {  	[sflag:s18] =	ssyncadd.s32 $0xFFFFCE00  }
0x44: {  	_ =	swait.ge [sflag:s18], $0x3200  }
0x45: {  	p1 =	seq.s32 s20, $0x0;
	[sflag:s18] =	ssyncset.done $0x0  }
0x46: {  	s24 =	simm.s32 @!p1 $0x7;
	[sflag:s18] =	ssyncadd.s32 $0xFFFFCE00  }
0x47: {  	_ =	swait.ge @!p1 [sflag:s24], $0x100  }
0x48: {  	[sflag:s24] =	ssyncset.done @!p1 $0x0  }
0x49: {  	s25 =	simm.s32 $0x0;
	[sflag:s24] =	ssyncadd.s32 @!p1 $0xFFFFFF00  }
0x4a: {  	v0 =	vld [tilespmem:s25+$0xE40]  }
0x4b: {  	v1 =	vld [tilespmem:s25+$0xE50]  }
0x4c: {  	v2 =	vld [tilespmem:s25+$0xE00]  }
0x4d: {  	v3 =	vld [tilespmem:s25+$0xE10]  }
0x4e: {  	v4 =	vld [tilespmem:s25+$0xDC0]  }
0x4f: {  	v5 =	vld [tilespmem:s25+$0xDD0]  }
0x50: {  	v6 =	vld [tilespmem:s25+$0xD80]  }
0x51: {  	v7 =	vld [tilespmem:s25+$0xD90]  }
0x52: {  	v9 =	vld [tilespmem:s25+$0xD40]  }
0x53: {  	v8 =	vld [tilespmem:s25+$0xD50]  }
0x54: {  	v11 =	vld [tilespmem:s25+$0xD00]  }
0x55: {  	v10 =	vld [tilespmem:s25+$0xD10]  }
0x56: {  	v17 =	vld [tilespmem:s25+$0xCC0]  }
0x57: {  	v16 =	vld [tilespmem:s25+$0xCD0]  }
0x58: {  	v18 =	vld [tilespmem:s25+$0xC80]  }
0x59: {  	v12 =	vimm.f32 $0.0e+00;
	v20 =	vld [tilespmem:s25+$0xC90]  }
0x5a: {  	s28 =	simm.s32 $0x800;
	v15 =	vimm.f32 $0.0e+00;
	v14 =	vimm.f32 $0.0e+00;
	v13 =	vimm.f32 $0.0e+00;
	s24 =	sshll.u32 s20, $0x4;
	v19 =	vld [tilespmem:s25+$0xCA0]  }
.LBB2_3:
0x5b: {  	p0 =	sne.s32 s28, $0xC000;
	v21 =	vld [tilespmem:s25+$0xCB0]  }
0x5c: {  	v22 =	vld [tilespmem:s25+$0xCE0]  }
0x5d: {  	v23 =	vld [tilespmem:s25+$0xCF0]  }
0x5e: {  	v24 =	vld [tilespmem:s25+$0xD20]  }
0x5f: {  	v12 =	vadd.f32 v18, v12;
	v15 =	vadd.f32 v20, v15;
	v18 =	vld [tilespmem:s25+$0xD30]  }
0x60: {  	v14 =	vadd.f32 v19, v14;
	v13 =	vadd.f32 v21, v13;
	v19 =	vld [tilespmem:s25+$0xD60]  }
0x61: {  	v12 =	vadd.f32 v17, v12;
	v15 =	vadd.f32 v16, v15;
	v16 =	vld [tilespmem:s25+$0xD70]  }
0x62: {  	v14 =	vadd.f32 v22, v14;
	v13 =	vadd.f32 v23, v13;
	v17 =	vld [tilespmem:s25+$0xDA0]  }
0x63: {  	v11 =	vadd.f32 v11, v12;
	v10 =	vadd.f32 v10, v15;
	v12 =	vld [tilespmem:s25+$0xDB0]  }
0x64: {  	v14 =	vadd.f32 v24, v14;
	v13 =	vadd.f32 v18, v13;
	v15 =	vld [tilespmem:s25+$0xDE0]  }
0x65: {  	v9 =	vadd.f32 v9, v11;
	v8 =	vadd.f32 v8, v10;
	v10 =	vld [tilespmem:s25+$0xDF0]  }
0x66: {  	v11 =	vadd.f32 v19, v14;
	v13 =	vadd.f32 v16, v13;
	v14 =	vld [tilespmem:s25+$0xE20]  }
0x67: {  	v6 =	vadd.f32 v6, v9;
	v7 =	vadd.f32 v7, v8;
	v8 =	vld [tilespmem:s25+$0xE30]  }
0x68: {  	v9 =	vadd.f32 v17, v11;
	v11 =	vadd.f32 v12, v13;
	v13 =	vld [tilespmem:s25+$0xE60]  }
0x69: {  	v4 =	vadd.f32 v4, v6;
	v5 =	vadd.f32 v5, v7;
	v6 =	vld [tilespmem:s25+$0xE70];
	s25 =	sshra.s32 s28, $0x2  }
0x6a: {  	v9 =	vadd.f32 v15, v9;
	v7 =	vld [tilespmem:s25+$0xE40];
	v10 =	vadd.f32 v10, v11  }
0x6b: {  	v4 =	vadd.f32 v2, v4;
	v5 =	vadd.f32 v3, v5;
	v11 =	vld [tilespmem:s25+$0xE50]  }
0x6c: {  	v9 =	vadd.f32 v14, v9;
	v2 =	vld [tilespmem:s25+$0xE00];
	v8 =	vadd.f32 v8, v10  }
0x6d: {  	v12 =	vadd.f32 v0, v4;
	v15 =	vadd.f32 v1, v5;
	v3 =	vld [tilespmem:s25+$0xE10]  }
0x6e: {  	v14 =	vadd.f32 v13, v9;
	v4 =	vld [tilespmem:s25+$0xDC0];
	v13 =	vadd.f32 v6, v8  }
0x6f: {  	v5 =	vld [tilespmem:s25+$0xDD0];
	v0 =	vmov v7  }
0x70: {  	v6 =	vld [tilespmem:s25+$0xD80];
	v1 =	vmov v11  }
0x71: {  	v7 =	vld [tilespmem:s25+$0xD90]  }
0x72: {  	v9 =	vld [tilespmem:s25+$0xD40]  }
0x73: {  	v8 =	vld [tilespmem:s25+$0xD50]  }
0x74: {  	v11 =	vld [tilespmem:s25+$0xD00]  }
0x75: {  	v10 =	vld [tilespmem:s25+$0xD10]  }
.Ltmp2:
0x76: {  	v17 =	vld [tilespmem:s25+$0xCC0];
	(pc) =	sbr.rel @p0 .LBB2_3-.Ltmp2, $4  }
0x77: {  	v16 =	vld [tilespmem:s25+$0xCD0]  }
0x78: {  	v18 =	vld [tilespmem:s25+$0xC80]  }
0x79: {  	v20 =	vld [tilespmem:s25+$0xC90]  }
0x7a: {  	s28 =	sadd.s32 $0x800, s28;
	v19 =	vld [tilespmem:s25+$0xCA0]  }
0x7b: {  	v21 =	vld [tilespmem:s25+$0xCB0]  }
0x7c: {  	v22 =	vld [tilespmem:s25+$0xCE0]  }
0x7d: {  	v23 =	vld [tilespmem:s25+$0xCF0];
	v12 =	vadd.f32 v18, v12  }
0x7e: {  	v18 =	vld [tilespmem:s25+$0xD20];
	v15 =	vadd.f32 v20, v15  }
0x7f: {  	v20 =	vld [tilespmem:s25+$0xD30];
	v14 =	vadd.f32 v19, v14;
	v12 =	vadd.f32 v17, v12  }
0x80: {  	v17 =	vld [tilespmem:s25+$0xD60];
	v13 =	vadd.f32 v21, v13;
	v15 =	vadd.f32 v16, v15  }
0x81: {  	v16 =	vld [tilespmem:s25+$0xD70];
	v14 =	vadd.f32 v22, v14;
	v11 =	vadd.f32 v11, v12  }
0x82: {  	v12 =	vadd.f32 v23, v13;
	v13 =	vld [tilespmem:s25+$0xDA0];
	v10 =	vadd.f32 v10, v15  }
0x83: {  	v15 =	vld [tilespmem:s25+$0xDB0];
	v14 =	vadd.f32 v18, v14;
	v9 =	vadd.f32 v9, v11  }
0x84: {  	v11 =	vadd.f32 v20, v12;
	v12 =	vld [tilespmem:s25+$0xDE0];
	v8 =	vadd.f32 v8, v10  }
0x85: {  	v10 =	vld [tilespmem:s25+$0xDF0];
	v14 =	vadd.f32 v17, v14;
	v6 =	vadd.f32 v6, v9  }
0x86: {  	v9 =	vadd.f32 v16, v11;
	v11 =	vld [tilespmem:s25+$0xE20];
	v7 =	vadd.f32 v7, v8  }
0x87: {  	v8 =	vld [tilespmem:s25+$0xE30];
	v13 =	vadd.f32 v13, v14;
	v4 =	vadd.f32 v4, v6  }
0x88: {  	v6 =	vadd.f32 v15, v9;
	v9 =	vld [tilespmem:s25+$0xE60];
	v5 =	vadd.f32 v5, v7  }
0x89: {  	v7 =	vld [tilespmem:s25+$0xE70];
	v12 =	vadd.f32 v12, v13;
	v2 =	vadd.f32 v2, v4  }
0x8a: {  	v4 =	vadd.f32 v10, v6;
	v3 =	vadd.f32 v3, v5  }
0x8b: {  	v5 =	vadd.f32 v11, v12;
	v0 =	vadd.f32 v0, v2  }
0x8c: {  	v2 =	vadd.f32 v8, v4;
	v1 =	vadd.f32 v1, v3  }
0x8d: {  	v3 =	vadd.f32 v9, v5;
	[tilespmem:$0x19C80] =	vst v0  }
0x8e: {  	v0 =	vadd.f32 v7, v2;
	[tilespmem:$0x19C90] =	vst v1  }
0x8f: {  	[tilespmem:$0x19CA0] =	vst v3  }
0x90: {  	s25 =	simm.s32 $0x0;
	[tilespmem:$0x19CB0] =	vst v0  }
0x91: {  	v0 =	vld [tilespmem:s25+$0x4040]  }
0x92: {  	v1 =	vld [tilespmem:s25+$0x4050]  }
0x93: {  	v2 =	vld [tilespmem:s25+$0x4000]  }
0x94: {  	v3 =	vld [tilespmem:s25+$0x4010]  }
0x95: {  	v4 =	vld [tilespmem:s25+$0x3FC0]  }
0x96: {  	v5 =	vld [tilespmem:s25+$0x3FD0]  }
0x97: {  	v6 =	vld [tilespmem:s25+$0x3F80]  }
0x98: {  	v7 =	vld [tilespmem:s25+$0x3F90]  }
0x99: {  	v9 =	vld [tilespmem:s25+$0x3F40]  }
0x9a: {  	v8 =	vld [tilespmem:s25+$0x3F50]  }
0x9b: {  	v11 =	vld [tilespmem:s25+$0x3F00]  }
0x9c: {  	v10 =	vld [tilespmem:s25+$0x3F10]  }
0x9d: {  	v17 =	vld [tilespmem:s25+$0x3EC0]  }
0x9e: {  	v16 =	vld [tilespmem:s25+$0x3ED0]  }
0x9f: {  	v19 =	vld [tilespmem:s25+$0x3E80]  }
0xa0: {  	v14 =	vimm.f32 $0.0e+00;
	v20 =	vld [tilespmem:s25+$0x3E90]  }
0xa1: {  	s28 =	simm.s32 $0x800;
	v15 =	vimm.f32 $0.0e+00;
	v13 =	vimm.f32 $0.0e+00;
	v12 =	vimm.f32 $0.0e+00;
	v18 =	vld [tilespmem:s25+$0x3EA0]  }
.LBB2_5:
0xa2: {  	p0 =	sne.s32 s28, $0xC000;
	v21 =	vld [tilespmem:s25+$0x3EB0]  }
0xa3: {  	v22 =	vld [tilespmem:s25+$0x3EE0]  }
0xa4: {  	v23 =	vld [tilespmem:s25+$0x3EF0]  }
0xa5: {  	v24 =	vld [tilespmem:s25+$0x3F20]  }
0xa6: {  	v12 =	vadd.f32 v19, v12;
	v15 =	vadd.f32 v20, v15;
	v19 =	vld [tilespmem:s25+$0x3F30]  }
0xa7: {  	v14 =	vadd.f32 v18, v14;
	v13 =	vadd.f32 v21, v13;
	v18 =	vld [tilespmem:s25+$0x3F60]  }
0xa8: {  	v12 =	vadd.f32 v17, v12;
	v15 =	vadd.f32 v16, v15;
	v16 =	vld [tilespmem:s25+$0x3F70]  }
0xa9: {  	v14 =	vadd.f32 v22, v14;
	v13 =	vadd.f32 v23, v13;
	v17 =	vld [tilespmem:s25+$0x3FA0]  }
0xaa: {  	v11 =	vadd.f32 v11, v12;
	v10 =	vadd.f32 v10, v15;
	v12 =	vld [tilespmem:s25+$0x3FB0]  }
0xab: {  	v14 =	vadd.f32 v24, v14;
	v13 =	vadd.f32 v19, v13;
	v15 =	vld [tilespmem:s25+$0x3FE0]  }
0xac: {  	v9 =	vadd.f32 v9, v11;
	v8 =	vadd.f32 v8, v10;
	v10 =	vld [tilespmem:s25+$0x3FF0]  }
0xad: {  	v11 =	vadd.f32 v18, v14;
	v13 =	vadd.f32 v16, v13;
	v14 =	vld [tilespmem:s25+$0x4020]  }
0xae: {  	v6 =	vadd.f32 v6, v9;
	v7 =	vadd.f32 v7, v8;
	v8 =	vld [tilespmem:s25+$0x4030]  }
0xaf: {  	v9 =	vadd.f32 v17, v11;
	v11 =	vadd.f32 v12, v13;
	v13 =	vld [tilespmem:s25+$0x4060]  }
0xb0: {  	v4 =	vadd.f32 v4, v6;
	v5 =	vadd.f32 v5, v7;
	v6 =	vld [tilespmem:s25+$0x4070];
	s25 =	sshra.s32 s28, $0x2  }
0xb1: {  	v9 =	vadd.f32 v15, v9;
	v7 =	vld [tilespmem:s25+$0x4040];
	v10 =	vadd.f32 v10, v11  }
0xb2: {  	v4 =	vadd.f32 v2, v4;
	v5 =	vadd.f32 v3, v5;
	v11 =	vld [tilespmem:s25+$0x4050]  }
0xb3: {  	v9 =	vadd.f32 v14, v9;
	v2 =	vld [tilespmem:s25+$0x4000];
	v8 =	vadd.f32 v8, v10  }
0xb4: {  	v12 =	vadd.f32 v0, v4;
	v15 =	vadd.f32 v1, v5;
	v3 =	vld [tilespmem:s25+$0x4010]  }
0xb5: {  	v14 =	vadd.f32 v13, v9;
	v4 =	vld [tilespmem:s25+$0x3FC0];
	v13 =	vadd.f32 v6, v8  }
0xb6: {  	v5 =	vld [tilespmem:s25+$0x3FD0];
	v0 =	vmov v7  }
0xb7: {  	v6 =	vld [tilespmem:s25+$0x3F80];
	v1 =	vmov v11  }
0xb8: {  	v7 =	vld [tilespmem:s25+$0x3F90]  }
0xb9: {  	v9 =	vld [tilespmem:s25+$0x3F40]  }
0xba: {  	v8 =	vld [tilespmem:s25+$0x3F50]  }
0xbb: {  	v11 =	vld [tilespmem:s25+$0x3F00]  }
0xbc: {  	v10 =	vld [tilespmem:s25+$0x3F10]  }
.Ltmp3:
0xbd: {  	v17 =	vld [tilespmem:s25+$0x3EC0];
	(pc) =	sbr.rel @p0 .LBB2_5-.Ltmp3, $4  }
0xbe: {  	v16 =	vld [tilespmem:s25+$0x3ED0]  }
0xbf: {  	v19 =	vld [tilespmem:s25+$0x3E80]  }
0xc0: {  	v20 =	vld [tilespmem:s25+$0x3E90]  }
0xc1: {  	s28 =	sadd.s32 $0x800, s28;
	v18 =	vld [tilespmem:s25+$0x3EA0]  }
0xc2: {  	v21 =	vld [tilespmem:s25+$0x3EB0]  }
0xc3: {  	v22 =	vld [tilespmem:s25+$0x3EE0]  }
0xc4: {  	v23 =	vld [tilespmem:s25+$0x3EF0];
	v12 =	vadd.f32 v19, v12  }
0xc5: {  	v19 =	vld [tilespmem:s25+$0x3F20];
	v15 =	vadd.f32 v20, v15  }
0xc6: {  	v20 =	vld [tilespmem:s25+$0x3F30];
	v14 =	vadd.f32 v18, v14;
	v12 =	vadd.f32 v17, v12  }
0xc7: {  	v17 =	vld [tilespmem:s25+$0x3F60];
	v13 =	vadd.f32 v21, v13;
	v15 =	vadd.f32 v16, v15  }
0xc8: {  	v16 =	vld [tilespmem:s25+$0x3F70];
	v14 =	vadd.f32 v22, v14;
	v11 =	vadd.f32 v11, v12  }
0xc9: {  	v12 =	vadd.f32 v23, v13;
	v13 =	vld [tilespmem:s25+$0x3FA0];
	v10 =	vadd.f32 v10, v15  }
0xca: {  	v15 =	vld [tilespmem:s25+$0x3FB0];
	v14 =	vadd.f32 v19, v14;
	v9 =	vadd.f32 v9, v11  }
0xcb: {  	v11 =	vadd.f32 v20, v12;
	v12 =	vld [tilespmem:s25+$0x3FE0];
	v8 =	vadd.f32 v8, v10  }
0xcc: {  	v10 =	vld [tilespmem:s25+$0x3FF0];
	v14 =	vadd.f32 v17, v14;
	v6 =	vadd.f32 v6, v9  }
0xcd: {  	v9 =	vadd.f32 v16, v11;
	v11 =	vld [tilespmem:s25+$0x4020];
	v7 =	vadd.f32 v7, v8  }
0xce: {  	v8 =	vld [tilespmem:s25+$0x4030];
	v13 =	vadd.f32 v13, v14;
	v4 =	vadd.f32 v4, v6  }
0xcf: {  	v6 =	vadd.f32 v15, v9;
	v9 =	vld [tilespmem:s25+$0x4060];
	v5 =	vadd.f32 v5, v7  }
0xd0: {  	v7 =	vld [tilespmem:s25+$0x4070];
	v12 =	vadd.f32 v12, v13;
	v2 =	vadd.f32 v2, v4  }
0xd1: {  	v4 =	vadd.f32 v10, v6;
	v3 =	vadd.f32 v3, v5  }
0xd2: {  	v5 =	vadd.f32 v11, v12;
	v0 =	vadd.f32 v0, v2  }
0xd3: {  	v2 =	vadd.f32 v8, v4;
	v1 =	vadd.f32 v1, v3  }
0xd4: {  	v3 =	vadd.f32 v9, v5;
	[tilespmem:$0x19CC0] =	vst v0  }
0xd5: {  	v0 =	vadd.f32 v7, v2;
	[tilespmem:$0x19CD0] =	vst v1  }
0xd6: {  	[tilespmem:$0x19CE0] =	vst v3  }
0xd7: {  	s25 =	simm.s32 $0x0;
	[tilespmem:$0x19CF0] =	vst v0  }
0xd8: {  	v0 =	vld [tilespmem:s25+$0x7240]  }
0xd9: {  	v1 =	vld [tilespmem:s25+$0x7250]  }
0xda: {  	v2 =	vld [tilespmem:s25+$0x7200]  }
0xdb: {  	v3 =	vld [tilespmem:s25+$0x7210]  }
0xdc: {  	v4 =	vld [tilespmem:s25+$0x71C0]  }
0xdd: {  	v5 =	vld [tilespmem:s25+$0x71D0]  }
0xde: {  	v6 =	vld [tilespmem:s25+$0x7180]  }
0xdf: {  	v7 =	vld [tilespmem:s25+$0x7190]  }
0xe0: {  	v9 =	vld [tilespmem:s25+$0x7140]  }
0xe1: {  	v8 =	vld [tilespmem:s25+$0x7150]  }
0xe2: {  	v11 =	vld [tilespmem:s25+$0x7100]  }
0xe3: {  	v10 =	vld [tilespmem:s25+$0x7110]  }
0xe4: {  	v17 =	vld [tilespmem:s25+$0x70C0]  }
0xe5: {  	v16 =	vld [tilespmem:s25+$0x70D0]  }
0xe6: {  	v19 =	vld [tilespmem:s25+$0x7080]  }
0xe7: {  	v14 =	vimm.f32 $0.0e+00;
	v20 =	vld [tilespmem:s25+$0x7090]  }
0xe8: {  	s28 =	simm.s32 $0x800;
	v15 =	vimm.f32 $0.0e+00;
	v13 =	vimm.f32 $0.0e+00;
	v12 =	vimm.f32 $0.0e+00;
	v18 =	vld [tilespmem:s25+$0x70A0]  }
.LBB2_7:
0xe9: {  	p0 =	sne.s32 s28, $0xC000;
	v21 =	vld [tilespmem:s25+$0x70B0]  }
0xea: {  	v22 =	vld [tilespmem:s25+$0x70E0]  }
0xeb: {  	v23 =	vld [tilespmem:s25+$0x70F0]  }
0xec: {  	v24 =	vld [tilespmem:s25+$0x7120]  }
0xed: {  	v12 =	vadd.f32 v19, v12;
	v15 =	vadd.f32 v20, v15;
	v19 =	vld [tilespmem:s25+$0x7130]  }
0xee: {  	v14 =	vadd.f32 v18, v14;
	v13 =	vadd.f32 v21, v13;
	v18 =	vld [tilespmem:s25+$0x7160]  }
0xef: {  	v12 =	vadd.f32 v17, v12;
	v15 =	vadd.f32 v16, v15;
	v16 =	vld [tilespmem:s25+$0x7170]  }
0xf0: {  	v14 =	vadd.f32 v22, v14;
	v13 =	vadd.f32 v23, v13;
	v17 =	vld [tilespmem:s25+$0x71A0]  }
0xf1: {  	v11 =	vadd.f32 v11, v12;
	v10 =	vadd.f32 v10, v15;
	v12 =	vld [tilespmem:s25+$0x71B0]  }
0xf2: {  	v14 =	vadd.f32 v24, v14;
	v13 =	vadd.f32 v19, v13;
	v15 =	vld [tilespmem:s25+$0x71E0]  }
0xf3: {  	v9 =	vadd.f32 v9, v11;
	v8 =	vadd.f32 v8, v10;
	v10 =	vld [tilespmem:s25+$0x71F0]  }
0xf4: {  	v11 =	vadd.f32 v18, v14;
	v13 =	vadd.f32 v16, v13;
	v14 =	vld [tilespmem:s25+$0x7220]  }
0xf5: {  	v6 =	vadd.f32 v6, v9;
	v7 =	vadd.f32 v7, v8;
	v8 =	vld [tilespmem:s25+$0x7230]  }
0xf6: {  	v9 =	vadd.f32 v17, v11;
	v11 =	vadd.f32 v12, v13;
	v13 =	vld [tilespmem:s25+$0x7260]  }
0xf7: {  	v4 =	vadd.f32 v4, v6;
	v5 =	vadd.f32 v5, v7;
	v6 =	vld [tilespmem:s25+$0x7270];
	s25 =	sshra.s32 s28, $0x2  }
0xf8: {  	v9 =	vadd.f32 v15, v9;
	v7 =	vld [tilespmem:s25+$0x7240];
	v10 =	vadd.f32 v10, v11  }
0xf9: {  	v4 =	vadd.f32 v2, v4;
	v5 =	vadd.f32 v3, v5;
	v11 =	vld [tilespmem:s25+$0x7250]  }
0xfa: {  	v9 =	vadd.f32 v14, v9;
	v2 =	vld [tilespmem:s25+$0x7200];
	v8 =	vadd.f32 v8, v10  }
0xfb: {  	v12 =	vadd.f32 v0, v4;
	v15 =	vadd.f32 v1, v5;
	v3 =	vld [tilespmem:s25+$0x7210]  }
0xfc: {  	v14 =	vadd.f32 v13, v9;
	v4 =	vld [tilespmem:s25+$0x71C0];
	v13 =	vadd.f32 v6, v8  }
0xfd: {  	v5 =	vld [tilespmem:s25+$0x71D0];
	v0 =	vmov v7  }
0xfe: {  	v6 =	vld [tilespmem:s25+$0x7180];
	v1 =	vmov v11  }
0xff: {  	v7 =	vld [tilespmem:s25+$0x7190]  }
0x100: {  	v9 =	vld [tilespmem:s25+$0x7140]  }
0x101: {  	v8 =	vld [tilespmem:s25+$0x7150]  }
0x102: {  	v11 =	vld [tilespmem:s25+$0x7100]  }
0x103: {  	v10 =	vld [tilespmem:s25+$0x7110]  }
.Ltmp4:
0x104: {  	v17 =	vld [tilespmem:s25+$0x70C0];
	(pc) =	sbr.rel @p0 .LBB2_7-.Ltmp4, $4  }
0x105: {  	v16 =	vld [tilespmem:s25+$0x70D0]  }
0x106: {  	v19 =	vld [tilespmem:s25+$0x7080]  }
0x107: {  	v20 =	vld [tilespmem:s25+$0x7090]  }
0x108: {  	s28 =	sadd.s32 $0x800, s28;
	v18 =	vld [tilespmem:s25+$0x70A0]  }
0x109: {  	v21 =	vld [tilespmem:s25+$0x70B0]  }
0x10a: {  	v22 =	vld [tilespmem:s25+$0x70E0]  }
0x10b: {  	v23 =	vld [tilespmem:s25+$0x70F0];
	v12 =	vadd.f32 v19, v12  }
0x10c: {  	v19 =	vld [tilespmem:s25+$0x7120];
	v15 =	vadd.f32 v20, v15  }
0x10d: {  	v20 =	vld [tilespmem:s25+$0x7130];
	v14 =	vadd.f32 v18, v14;
	v12 =	vadd.f32 v17, v12  }
0x10e: {  	v17 =	vld [tilespmem:s25+$0x7160];
	v13 =	vadd.f32 v21, v13;
	v15 =	vadd.f32 v16, v15  }
0x10f: {  	v16 =	vld [tilespmem:s25+$0x7170];
	v14 =	vadd.f32 v22, v14;
	v11 =	vadd.f32 v11, v12  }
0x110: {  	v12 =	vadd.f32 v23, v13;
	v13 =	vld [tilespmem:s25+$0x71A0];
	v10 =	vadd.f32 v10, v15  }
0x111: {  	v15 =	vld [tilespmem:s25+$0x71B0];
	v14 =	vadd.f32 v19, v14;
	v9 =	vadd.f32 v9, v11  }
0x112: {  	v11 =	vadd.f32 v20, v12;
	v12 =	vld [tilespmem:s25+$0x71E0];
	v8 =	vadd.f32 v8, v10  }
0x113: {  	v10 =	vld [tilespmem:s25+$0x71F0];
	v14 =	vadd.f32 v17, v14;
	v6 =	vadd.f32 v6, v9  }
0x114: {  	v9 =	vadd.f32 v16, v11;
	v11 =	vld [tilespmem:s25+$0x7220];
	v7 =	vadd.f32 v7, v8  }
0x115: {  	v8 =	vld [tilespmem:s25+$0x7230];
	v13 =	vadd.f32 v13, v14;
	v4 =	vadd.f32 v4, v6  }
0x116: {  	v6 =	vadd.f32 v15, v9;
	v9 =	vld [tilespmem:s25+$0x7260];
	v5 =	vadd.f32 v5, v7  }
0x117: {  	v7 =	vld [tilespmem:s25+$0x7270];
	v12 =	vadd.f32 v12, v13;
	v2 =	vadd.f32 v2, v4  }
0x118: {  	v4 =	vadd.f32 v10, v6;
	v3 =	vadd.f32 v3, v5  }
0x119: {  	v5 =	vadd.f32 v11, v12;
	v0 =	vadd.f32 v0, v2  }
0x11a: {  	v2 =	vadd.f32 v8, v4;
	v1 =	vadd.f32 v1, v3  }
0x11b: {  	v3 =	vadd.f32 v9, v5;
	[tilespmem:$0x19D00] =	vst v0  }
0x11c: {  	v0 =	vadd.f32 v7, v2;
	[tilespmem:$0x19D10] =	vst v1  }
0x11d: {  	[tilespmem:$0x19D20] =	vst v3  }
0x11e: {  	s25 =	simm.s32 $0x0;
	[tilespmem:$0x19D30] =	vst v0  }
0x11f: {  	v0 =	vld [tilespmem:s25+$0xA440]  }
0x120: {  	v1 =	vld [tilespmem:s25+$0xA450]  }
0x121: {  	v2 =	vld [tilespmem:s25+$0xA400]  }
0x122: {  	v3 =	vld [tilespmem:s25+$0xA410]  }
0x123: {  	v4 =	vld [tilespmem:s25+$0xA3C0]  }
0x124: {  	v5 =	vld [tilespmem:s25+$0xA3D0]  }
0x125: {  	v6 =	vld [tilespmem:s25+$0xA380]  }
0x126: {  	v7 =	vld [tilespmem:s25+$0xA390]  }
0x127: {  	v9 =	vld [tilespmem:s25+$0xA340]  }
0x128: {  	v8 =	vld [tilespmem:s25+$0xA350]  }
0x129: {  	v11 =	vld [tilespmem:s25+$0xA300]  }
0x12a: {  	v10 =	vld [tilespmem:s25+$0xA310]  }
0x12b: {  	v17 =	vld [tilespmem:s25+$0xA2C0]  }
0x12c: {  	v16 =	vld [tilespmem:s25+$0xA2D0]  }
0x12d: {  	v19 =	vld [tilespmem:s25+$0xA280]  }
0x12e: {  	v14 =	vimm.f32 $0.0e+00;
	v20 =	vld [tilespmem:s25+$0xA290]  }
0x12f: {  	s28 =	simm.s32 $0x800;
	v15 =	vimm.f32 $0.0e+00;
	v13 =	vimm.f32 $0.0e+00;
	v12 =	vimm.f32 $0.0e+00;
	v18 =	vld [tilespmem:s25+$0xA2A0]  }
.LBB2_9:
0x130: {  	p0 =	sne.s32 s28, $0xC000;
	v21 =	vld [tilespmem:s25+$0xA2B0]  }
0x131: {  	v22 =	vld [tilespmem:s25+$0xA2E0]  }
0x132: {  	v23 =	vld [tilespmem:s25+$0xA2F0]  }
0x133: {  	v24 =	vld [tilespmem:s25+$0xA320]  }
0x134: {  	v12 =	vadd.f32 v19, v12;
	v15 =	vadd.f32 v20, v15;
	v19 =	vld [tilespmem:s25+$0xA330]  }
0x135: {  	v14 =	vadd.f32 v18, v14;
	v13 =	vadd.f32 v21, v13;
	v18 =	vld [tilespmem:s25+$0xA360]  }
0x136: {  	v12 =	vadd.f32 v17, v12;
	v15 =	vadd.f32 v16, v15;
	v16 =	vld [tilespmem:s25+$0xA370]  }
0x137: {  	v14 =	vadd.f32 v22, v14;
	v13 =	vadd.f32 v23, v13;
	v17 =	vld [tilespmem:s25+$0xA3A0]  }
0x138: {  	v11 =	vadd.f32 v11, v12;
	v10 =	vadd.f32 v10, v15;
	v12 =	vld [tilespmem:s25+$0xA3B0]  }
0x139: {  	v14 =	vadd.f32 v24, v14;
	v13 =	vadd.f32 v19, v13;
	v15 =	vld [tilespmem:s25+$0xA3E0]  }
0x13a: {  	v9 =	vadd.f32 v9, v11;
	v8 =	vadd.f32 v8, v10;
	v10 =	vld [tilespmem:s25+$0xA3F0]  }
0x13b: {  	v11 =	vadd.f32 v18, v14;
	v13 =	vadd.f32 v16, v13;
	v14 =	vld [tilespmem:s25+$0xA420]  }
0x13c: {  	v6 =	vadd.f32 v6, v9;
	v7 =	vadd.f32 v7, v8;
	v8 =	vld [tilespmem:s25+$0xA430]  }
0x13d: {  	v9 =	vadd.f32 v17, v11;
	v11 =	vadd.f32 v12, v13;
	v13 =	vld [tilespmem:s25+$0xA460]  }
0x13e: {  	v4 =	vadd.f32 v4, v6;
	v5 =	vadd.f32 v5, v7;
	v6 =	vld [tilespmem:s25+$0xA470];
	s25 =	sshra.s32 s28, $0x2  }
0x13f: {  	v9 =	vadd.f32 v15, v9;
	v7 =	vld [tilespmem:s25+$0xA440];
	v10 =	vadd.f32 v10, v11  }
0x140: {  	v4 =	vadd.f32 v2, v4;
	v5 =	vadd.f32 v3, v5;
	v11 =	vld [tilespmem:s25+$0xA450]  }
0x141: {  	v9 =	vadd.f32 v14, v9;
	v2 =	vld [tilespmem:s25+$0xA400];
	v8 =	vadd.f32 v8, v10  }
0x142: {  	v12 =	vadd.f32 v0, v4;
	v15 =	vadd.f32 v1, v5;
	v3 =	vld [tilespmem:s25+$0xA410]  }
0x143: {  	v14 =	vadd.f32 v13, v9;
	v4 =	vld [tilespmem:s25+$0xA3C0];
	v13 =	vadd.f32 v6, v8  }
0x144: {  	v5 =	vld [tilespmem:s25+$0xA3D0];
	v0 =	vmov v7  }
0x145: {  	v6 =	vld [tilespmem:s25+$0xA380];
	v1 =	vmov v11  }
0x146: {  	v7 =	vld [tilespmem:s25+$0xA390]  }
0x147: {  	v9 =	vld [tilespmem:s25+$0xA340]  }
0x148: {  	v8 =	vld [tilespmem:s25+$0xA350]  }
0x149: {  	v11 =	vld [tilespmem:s25+$0xA300]  }
0x14a: {  	v10 =	vld [tilespmem:s25+$0xA310]  }
.Ltmp5:
0x14b: {  	v17 =	vld [tilespmem:s25+$0xA2C0];
	(pc) =	sbr.rel @p0 .LBB2_9-.Ltmp5, $4  }
0x14c: {  	v16 =	vld [tilespmem:s25+$0xA2D0]  }
0x14d: {  	v19 =	vld [tilespmem:s25+$0xA280]  }
0x14e: {  	v20 =	vld [tilespmem:s25+$0xA290]  }
0x14f: {  	s28 =	sadd.s32 $0x800, s28;
	v18 =	vld [tilespmem:s25+$0xA2A0]  }
0x150: {  	v21 =	vld [tilespmem:s25+$0xA2B0]  }
0x151: {  	v22 =	vld [tilespmem:s25+$0xA2E0]  }
0x152: {  	v23 =	vld [tilespmem:s25+$0xA2F0];
	v12 =	vadd.f32 v19, v12  }
0x153: {  	v19 =	vld [tilespmem:s25+$0xA320];
	v15 =	vadd.f32 v20, v15  }
0x154: {  	v20 =	vld [tilespmem:s25+$0xA330];
	v14 =	vadd.f32 v18, v14;
	v12 =	vadd.f32 v17, v12  }
0x155: {  	v17 =	vld [tilespmem:s25+$0xA360];
	v13 =	vadd.f32 v21, v13;
	v15 =	vadd.f32 v16, v15  }
0x156: {  	v16 =	vld [tilespmem:s25+$0xA370];
	v14 =	vadd.f32 v22, v14;
	v11 =	vadd.f32 v11, v12  }
0x157: {  	v12 =	vadd.f32 v23, v13;
	v13 =	vld [tilespmem:s25+$0xA3A0];
	v10 =	vadd.f32 v10, v15  }
0x158: {  	v15 =	vld [tilespmem:s25+$0xA3B0];
	v14 =	vadd.f32 v19, v14;
	v9 =	vadd.f32 v9, v11  }
0x159: {  	v11 =	vadd.f32 v20, v12;
	v12 =	vld [tilespmem:s25+$0xA3E0];
	v8 =	vadd.f32 v8, v10  }
0x15a: {  	v10 =	vld [tilespmem:s25+$0xA3F0];
	v14 =	vadd.f32 v17, v14;
	v6 =	vadd.f32 v6, v9  }
0x15b: {  	v9 =	vadd.f32 v16, v11;
	v11 =	vld [tilespmem:s25+$0xA420];
	v7 =	vadd.f32 v7, v8  }
0x15c: {  	v8 =	vld [tilespmem:s25+$0xA430];
	v13 =	vadd.f32 v13, v14;
	v4 =	vadd.f32 v4, v6  }
0x15d: {  	v6 =	vadd.f32 v15, v9;
	v9 =	vld [tilespmem:s25+$0xA460];
	v5 =	vadd.f32 v5, v7  }
0x15e: {  	v7 =	vld [tilespmem:s25+$0xA470];
	v12 =	vadd.f32 v12, v13;
	v2 =	vadd.f32 v2, v4  }
0x15f: {  	v4 =	vadd.f32 v10, v6;
	v3 =	vadd.f32 v3, v5  }
0x160: {  	v5 =	vadd.f32 v11, v12;
	v0 =	vadd.f32 v0, v2  }
0x161: {  	v2 =	vadd.f32 v8, v4;
	v1 =	vadd.f32 v1, v3  }
0x162: {  	v3 =	vadd.f32 v9, v5;
	[tilespmem:$0x19D40] =	vst v0  }
0x163: {  	s17 =	sshll.u32 s20, $0x7;
	p0 =	seq.s32 s20, $0x1F;
	v0 =	vadd.f32 v7, v2;
	[tilespmem:$0x19D50] =	vst v1  }
0x164: {  	s28 =	sadd.s32 @!p0 s24, s12;
	s25 =	sadd.s32 s11, s17;
	[tilespmem:$0x19D60] =	vst v3  }
0x165: {  	s28 =	smul.u32 @!p0 $0x19, s28;
	s30 =	sadd.s32 s5, s25;
	[tilespmem:$0x19D70] =	vst v0  }
0x166: {  	[hbm4b:s30+s2] =	stream.linear.scatter [tilespmem:s6], [sflag:$0x7], $0x100, $0x38;
	[tilespmem:$0x19E80] =	vst v63  }
0x167: {  	s28 =	sadd.s32 @!p0 s3, s28;
	s30 =	simm.s32 @!p0 $0x0  }
0x168: {  	[tilespmem:s30], [sflag:$0x1] =	stream.linear.gather @!p0 [hbm4b:s28+s30], $0x320, $0x38;
	[tilespmem:$0x19E80] =	vst v63  }
0x169: {  	_ =	swait.ge [sflag:s22], $0x320  }
0x16a: {  	[sflag:s22] =	ssyncset.done $0x0  }
0x16b: {  	s17 =	simm.s32 $0x640;
	s28 =	simm.s32 $0xC80;
	[sflag:s22] =	ssyncadd.s32 $0xFFFFFCE0  }
0x16c: {  	[tilespmem:s28], [sflag:$0x5] =	stream.indirect.gather [hbm4b:s4+s23], $0x40, s17, s23, $0xb8;
	[tilespmem:$0x19E80] =	vst v63  }
0x16d: {  	s17 =	simm.s32 $0x3E80;
	s28 =	simm.s32 $0x708  }
0x16e: {  	[tilespmem:s17], [sflag:$0x5] =	stream.indirect.gather [hbm4b:s4+s23], $0x40, s28, s23, $0xb8;
	[tilespmem:$0x19E80] =	vst v63  }
0x16f: {  	s17 =	simm.s32 $0x7080;
	s28 =	simm.s32 $0x7D0  }
0x170: {  	[tilespmem:s17], [sflag:$0x5] =	stream.indirect.gather [hbm4b:s4+s23], $0x40, s28, s23, $0xb8;
	[tilespmem:$0x19E80] =	vst v63  }
0x171: {  	s17 =	simm.s32 $0xA280;
	s28 =	simm.s32 $0x898  }
0x172: {  	[tilespmem:s17], [sflag:$0x5] =	stream.indirect.gather [hbm4b:s4+s23], $0x40, s28, s23, $0xb8;
	[tilespmem:$0x19E80] =	vst v63  }
0x173: {  	_ =	swait.ge [sflag:s1], $0x3200  }
0x174: {  	[sflag:s1] =	ssyncset.done $0x0  }
0x175: {  	[sflag:s1] =	ssyncadd.s32 $0xFFFFCE00  }
0x176: {  	_ =	swait.ge [sflag:s1], $0x3200  }
0x177: {  	[sflag:s1] =	ssyncset.done $0x0  }
0x178: {  	[sflag:s1] =	ssyncadd.s32 $0xFFFFCE00  }
0x179: {  	_ =	swait.ge [sflag:s1], $0x3200  }
0x17a: {  	[sflag:s1] =	ssyncset.done $0x0  }
0x17b: {  	[sflag:s1] =	ssyncadd.s32 $0xFFFFCE00  }
0x17c: {  	_ =	swait.ge [sflag:s1], $0x3200  }
0x17d: {  	[sflag:s1] =	ssyncset.done $0x0  }
0x17e: {  	s28 =	simm.s32 @!p1 $0x7;
	[sflag:s1] =	ssyncadd.s32 $0xFFFFCE00  }
0x17f: {  	_ =	swait.ge @!p1 [sflag:s28], $0x100  }
0x180: {  	[sflag:s28] =	ssyncset.done @!p1 $0x0  }
0x181: {  	[sflag:s28] =	ssyncadd.s32 @!p1 $0xFFFFFF00;
	s28 =	simm.s32 $0x0  }
0x182: {  	v0 =	vld [tilespmem:s28+$0xD640]  }
0x183: {  	v1 =	vld [tilespmem:s28+$0xD650]  }
0x184: {  	v2 =	vld [tilespmem:s28+$0xD600]  }
0x185: {  	v3 =	vld [tilespmem:s28+$0xD610]  }
0x186: {  	v4 =	vld [tilespmem:s28+$0xD5C0]  }
0x187: {  	v5 =	vld [tilespmem:s28+$0xD5D0]  }
0x188: {  	v6 =	vld [tilespmem:s28+$0xD580]  }
0x189: {  	v7 =	vld [tilespmem:s28+$0xD590]  }
0x18a: {  	v9 =	vld [tilespmem:s28+$0xD540]  }
0x18b: {  	v8 =	vld [tilespmem:s28+$0xD550]  }
0x18c: {  	v11 =	vld [tilespmem:s28+$0xD500]  }
0x18d: {  	v10 =	vld [tilespmem:s28+$0xD510]  }
0x18e: {  	v17 =	vld [tilespmem:s28+$0xD4C0]  }
0x18f: {  	v16 =	vld [tilespmem:s28+$0xD4D0]  }
0x190: {  	v19 =	vld [tilespmem:s28+$0xD480]  }
0x191: {  	v14 =	vimm.f32 $0.0e+00;
	v20 =	vld [tilespmem:s28+$0xD490]  }
0x192: {  	v15 =	vimm.f32 $0.0e+00;
	v13 =	vimm.f32 $0.0e+00;
	v12 =	vimm.f32 $0.0e+00;
	s30 =	simm.s32 $0x800;
	v18 =	vld [tilespmem:s28+$0xD4A0]  }
.LBB2_11:
0x193: {  	p1 =	sne.s32 s30, $0xC000;
	v21 =	vld [tilespmem:s28+$0xD4B0]  }
0x194: {  	v22 =	vld [tilespmem:s28+$0xD4E0]  }
0x195: {  	v23 =	vld [tilespmem:s28+$0xD4F0]  }
0x196: {  	v24 =	vld [tilespmem:s28+$0xD520]  }
0x197: {  	v12 =	vadd.f32 v19, v12;
	v15 =	vadd.f32 v20, v15;
	v19 =	vld [tilespmem:s28+$0xD530]  }
0x198: {  	v14 =	vadd.f32 v18, v14;
	v13 =	vadd.f32 v21, v13;
	v18 =	vld [tilespmem:s28+$0xD560]  }
0x199: {  	v12 =	vadd.f32 v17, v12;
	v15 =	vadd.f32 v16, v15;
	v16 =	vld [tilespmem:s28+$0xD570]  }
0x19a: {  	v14 =	vadd.f32 v22, v14;
	v13 =	vadd.f32 v23, v13;
	v17 =	vld [tilespmem:s28+$0xD5A0]  }
0x19b: {  	v11 =	vadd.f32 v11, v12;
	v10 =	vadd.f32 v10, v15;
	v12 =	vld [tilespmem:s28+$0xD5B0]  }
0x19c: {  	v14 =	vadd.f32 v24, v14;
	v13 =	vadd.f32 v19, v13;
	v15 =	vld [tilespmem:s28+$0xD5E0]  }
0x19d: {  	v9 =	vadd.f32 v9, v11;
	v8 =	vadd.f32 v8, v10;
	v10 =	vld [tilespmem:s28+$0xD5F0]  }
0x19e: {  	v11 =	vadd.f32 v18, v14;
	v13 =	vadd.f32 v16, v13;
	v14 =	vld [tilespmem:s28+$0xD620]  }
0x19f: {  	v6 =	vadd.f32 v6, v9;
	v7 =	vadd.f32 v7, v8;
	v8 =	vld [tilespmem:s28+$0xD630]  }
0x1a0: {  	v9 =	vadd.f32 v17, v11;
	v11 =	vadd.f32 v12, v13;
	v13 =	vld [tilespmem:s28+$0xD660]  }
0x1a1: {  	v4 =	vadd.f32 v4, v6;
	v5 =	vadd.f32 v5, v7;
	v6 =	vld [tilespmem:s28+$0xD670];
	s28 =	sshra.s32 s30, $0x2  }
0x1a2: {  	v9 =	vadd.f32 v15, v9;
	v7 =	vld [tilespmem:s28+$0xD640];
	v10 =	vadd.f32 v10, v11  }
0x1a3: {  	v4 =	vadd.f32 v2, v4;
	v5 =	vadd.f32 v3, v5;
	v11 =	vld [tilespmem:s28+$0xD650]  }
0x1a4: {  	v9 =	vadd.f32 v14, v9;
	v2 =	vld [tilespmem:s28+$0xD600];
	v8 =	vadd.f32 v8, v10  }
0x1a5: {  	v12 =	vadd.f32 v0, v4;
	v15 =	vadd.f32 v1, v5;
	v3 =	vld [tilespmem:s28+$0xD610]  }
0x1a6: {  	v14 =	vadd.f32 v13, v9;
	v4 =	vld [tilespmem:s28+$0xD5C0];
	v13 =	vadd.f32 v6, v8  }
0x1a7: {  	v5 =	vld [tilespmem:s28+$0xD5D0];
	v0 =	vmov v7  }
0x1a8: {  	v6 =	vld [tilespmem:s28+$0xD580];
	v1 =	vmov v11  }
0x1a9: {  	v7 =	vld [tilespmem:s28+$0xD590]  }
0x1aa: {  	v9 =	vld [tilespmem:s28+$0xD540]  }
0x1ab: {  	v8 =	vld [tilespmem:s28+$0xD550]  }
0x1ac: {  	v11 =	vld [tilespmem:s28+$0xD500]  }
0x1ad: {  	v10 =	vld [tilespmem:s28+$0xD510]  }
.Ltmp6:
0x1ae: {  	v17 =	vld [tilespmem:s28+$0xD4C0];
	(pc) =	sbr.rel @p1 .LBB2_11-.Ltmp6, $4  }
0x1af: {  	v16 =	vld [tilespmem:s28+$0xD4D0]  }
0x1b0: {  	v19 =	vld [tilespmem:s28+$0xD480]  }
0x1b1: {  	v20 =	vld [tilespmem:s28+$0xD490]  }
0x1b2: {  	s30 =	sadd.s32 $0x800, s30;
	v18 =	vld [tilespmem:s28+$0xD4A0]  }
0x1b3: {  	v21 =	vld [tilespmem:s28+$0xD4B0]  }
0x1b4: {  	v22 =	vld [tilespmem:s28+$0xD4E0]  }
0x1b5: {  	v23 =	vld [tilespmem:s28+$0xD4F0];
	v12 =	vadd.f32 v19, v12  }
0x1b6: {  	v19 =	vld [tilespmem:s28+$0xD520];
	v15 =	vadd.f32 v20, v15  }
0x1b7: {  	v20 =	vld [tilespmem:s28+$0xD530];
	v14 =	vadd.f32 v18, v14;
	v12 =	vadd.f32 v17, v12  }
0x1b8: {  	v17 =	vld [tilespmem:s28+$0xD560];
	v13 =	vadd.f32 v21, v13;
	v15 =	vadd.f32 v16, v15  }
0x1b9: {  	v16 =	vld [tilespmem:s28+$0xD570];
	v14 =	vadd.f32 v22, v14;
	v11 =	vadd.f32 v11, v12  }
0x1ba: {  	v12 =	vadd.f32 v23, v13;
	v13 =	vld [tilespmem:s28+$0xD5A0];
	v10 =	vadd.f32 v10, v15  }
0x1bb: {  	v15 =	vld [tilespmem:s28+$0xD5B0];
	v14 =	vadd.f32 v19, v14;
	v9 =	vadd.f32 v9, v11  }
0x1bc: {  	v11 =	vadd.f32 v20, v12;
	v12 =	vld [tilespmem:s28+$0xD5E0];
	v8 =	vadd.f32 v8, v10  }
0x1bd: {  	v10 =	vld [tilespmem:s28+$0xD5F0];
	v14 =	vadd.f32 v17, v14;
	v6 =	vadd.f32 v6, v9  }
0x1be: {  	v9 =	vadd.f32 v16, v11;
	v11 =	vld [tilespmem:s28+$0xD620];
	v7 =	vadd.f32 v7, v8  }
0x1bf: {  	v8 =	vld [tilespmem:s28+$0xD630];
	v13 =	vadd.f32 v13, v14;
	v4 =	vadd.f32 v4, v6  }
0x1c0: {  	v6 =	vadd.f32 v15, v9;
	v9 =	vld [tilespmem:s28+$0xD660];
	v5 =	vadd.f32 v5, v7  }
0x1c1: {  	v7 =	vld [tilespmem:s28+$0xD670];
	v12 =	vadd.f32 v12, v13;
	v2 =	vadd.f32 v2, v4  }
0x1c2: {  	v4 =	vadd.f32 v10, v6;
	v3 =	vadd.f32 v3, v5  }
0x1c3: {  	v5 =	vadd.f32 v11, v12;
	v0 =	vadd.f32 v0, v2  }
0x1c4: {  	v2 =	vadd.f32 v8, v4;
	v1 =	vadd.f32 v1, v3  }
0x1c5: {  	v3 =	vadd.f32 v9, v5;
	[tilespmem:$0x19D80] =	vst v0  }
0x1c6: {  	v0 =	vadd.f32 v7, v2;
	[tilespmem:$0x19D90] =	vst v1  }
0x1c7: {  	[tilespmem:$0x19DA0] =	vst v3  }
0x1c8: {  	s28 =	simm.s32 $0x0;
	[tilespmem:$0x19DB0] =	vst v0  }
0x1c9: {  	v0 =	vld [tilespmem:s28+$0x10840]  }
0x1ca: {  	v1 =	vld [tilespmem:s28+$0x10850]  }
0x1cb: {  	v2 =	vld [tilespmem:s28+$0x10800]  }
0x1cc: {  	v3 =	vld [tilespmem:s28+$0x10810]  }
0x1cd: {  	v4 =	vld [tilespmem:s28+$0x107C0]  }
0x1ce: {  	v5 =	vld [tilespmem:s28+$0x107D0]  }
0x1cf: {  	v6 =	vld [tilespmem:s28+$0x10780]  }
0x1d0: {  	v7 =	vld [tilespmem:s28+$0x10790]  }
0x1d1: {  	v9 =	vld [tilespmem:s28+$0x10740]  }
0x1d2: {  	v8 =	vld [tilespmem:s28+$0x10750]  }
0x1d3: {  	v11 =	vld [tilespmem:s28+$0x10700]  }
0x1d4: {  	v10 =	vld [tilespmem:s28+$0x10710]  }
0x1d5: {  	v17 =	vld [tilespmem:s28+$0x106C0]  }
0x1d6: {  	v16 =	vld [tilespmem:s28+$0x106D0]  }
0x1d7: {  	v19 =	vld [tilespmem:s28+$0x10680]  }
0x1d8: {  	v14 =	vimm.f32 $0.0e+00;
	v20 =	vld [tilespmem:s28+$0x10690]  }
0x1d9: {  	s30 =	simm.s32 $0x800;
	v15 =	vimm.f32 $0.0e+00;
	v13 =	vimm.f32 $0.0e+00;
	v12 =	vimm.f32 $0.0e+00;
	v18 =	vld [tilespmem:s28+$0x106A0]  }
.LBB2_13:
0x1da: {  	p1 =	sne.s32 s30, $0xC000;
	v21 =	vld [tilespmem:s28+$0x106B0]  }
0x1db: {  	v22 =	vld [tilespmem:s28+$0x106E0]  }
0x1dc: {  	v23 =	vld [tilespmem:s28+$0x106F0]  }
0x1dd: {  	v24 =	vld [tilespmem:s28+$0x10720]  }
0x1de: {  	v12 =	vadd.f32 v19, v12;
	v15 =	vadd.f32 v20, v15;
	v19 =	vld [tilespmem:s28+$0x10730]  }
0x1df: {  	v14 =	vadd.f32 v18, v14;
	v13 =	vadd.f32 v21, v13;
	v18 =	vld [tilespmem:s28+$0x10760]  }
0x1e0: {  	v12 =	vadd.f32 v17, v12;
	v15 =	vadd.f32 v16, v15;
	v16 =	vld [tilespmem:s28+$0x10770]  }
0x1e1: {  	v14 =	vadd.f32 v22, v14;
	v13 =	vadd.f32 v23, v13;
	v17 =	vld [tilespmem:s28+$0x107A0]  }
0x1e2: {  	v11 =	vadd.f32 v11, v12;
	v10 =	vadd.f32 v10, v15;
	v12 =	vld [tilespmem:s28+$0x107B0]  }
0x1e3: {  	v14 =	vadd.f32 v24, v14;
	v13 =	vadd.f32 v19, v13;
	v15 =	vld [tilespmem:s28+$0x107E0]  }
0x1e4: {  	v9 =	vadd.f32 v9, v11;
	v8 =	vadd.f32 v8, v10;
	v10 =	vld [tilespmem:s28+$0x107F0]  }
0x1e5: {  	v11 =	vadd.f32 v18, v14;
	v13 =	vadd.f32 v16, v13;
	v14 =	vld [tilespmem:s28+$0x10820]  }
0x1e6: {  	v6 =	vadd.f32 v6, v9;
	v7 =	vadd.f32 v7, v8;
	v8 =	vld [tilespmem:s28+$0x10830]  }
0x1e7: {  	v9 =	vadd.f32 v17, v11;
	v11 =	vadd.f32 v12, v13;
	v13 =	vld [tilespmem:s28+$0x10860]  }
0x1e8: {  	v4 =	vadd.f32 v4, v6;
	v5 =	vadd.f32 v5, v7;
	v6 =	vld [tilespmem:s28+$0x10870];
	s28 =	sshra.s32 s30, $0x2  }
0x1e9: {  	v9 =	vadd.f32 v15, v9;
	v7 =	vld [tilespmem:s28+$0x10840];
	v10 =	vadd.f32 v10, v11  }
0x1ea: {  	v4 =	vadd.f32 v2, v4;
	v5 =	vadd.f32 v3, v5;
	v11 =	vld [tilespmem:s28+$0x10850]  }
0x1eb: {  	v9 =	vadd.f32 v14, v9;
	v2 =	vld [tilespmem:s28+$0x10800];
	v8 =	vadd.f32 v8, v10  }
0x1ec: {  	v12 =	vadd.f32 v0, v4;
	v15 =	vadd.f32 v1, v5;
	v3 =	vld [tilespmem:s28+$0x10810]  }
0x1ed: {  	v14 =	vadd.f32 v13, v9;
	v4 =	vld [tilespmem:s28+$0x107C0];
	v13 =	vadd.f32 v6, v8  }
0x1ee: {  	v5 =	vld [tilespmem:s28+$0x107D0];
	v0 =	vmov v7  }
0x1ef: {  	v6 =	vld [tilespmem:s28+$0x10780];
	v1 =	vmov v11  }
0x1f0: {  	v7 =	vld [tilespmem:s28+$0x10790]  }
0x1f1: {  	v9 =	vld [tilespmem:s28+$0x10740]  }
0x1f2: {  	v8 =	vld [tilespmem:s28+$0x10750]  }
0x1f3: {  	v11 =	vld [tilespmem:s28+$0x10700]  }
0x1f4: {  	v10 =	vld [tilespmem:s28+$0x10710]  }
.Ltmp7:
0x1f5: {  	v17 =	vld [tilespmem:s28+$0x106C0];
	(pc) =	sbr.rel @p1 .LBB2_13-.Ltmp7, $4  }
0x1f6: {  	v16 =	vld [tilespmem:s28+$0x106D0]  }
0x1f7: {  	v19 =	vld [tilespmem:s28+$0x10680]  }
0x1f8: {  	v20 =	vld [tilespmem:s28+$0x10690]  }
0x1f9: {  	s30 =	sadd.s32 $0x800, s30;
	v18 =	vld [tilespmem:s28+$0x106A0]  }
0x1fa: {  	v21 =	vld [tilespmem:s28+$0x106B0]  }
0x1fb: {  	v22 =	vld [tilespmem:s28+$0x106E0]  }
0x1fc: {  	v23 =	vld [tilespmem:s28+$0x106F0];
	v12 =	vadd.f32 v19, v12  }
0x1fd: {  	v19 =	vld [tilespmem:s28+$0x10720];
	v15 =	vadd.f32 v20, v15  }
0x1fe: {  	v20 =	vld [tilespmem:s28+$0x10730];
	v14 =	vadd.f32 v18, v14;
	v12 =	vadd.f32 v17, v12  }
0x1ff: {  	v17 =	vld [tilespmem:s28+$0x10760];
	v13 =	vadd.f32 v21, v13;
	v15 =	vadd.f32 v16, v15  }
0x200: {  	v16 =	vld [tilespmem:s28+$0x10770];
	v14 =	vadd.f32 v22, v14;
	v11 =	vadd.f32 v11, v12  }
0x201: {  	v12 =	vadd.f32 v23, v13;
	v13 =	vld [tilespmem:s28+$0x107A0];
	v10 =	vadd.f32 v10, v15  }
0x202: {  	v15 =	vld [tilespmem:s28+$0x107B0];
	v14 =	vadd.f32 v19, v14;
	v9 =	vadd.f32 v9, v11  }
0x203: {  	v11 =	vadd.f32 v20, v12;
	v12 =	vld [tilespmem:s28+$0x107E0];
	v8 =	vadd.f32 v8, v10  }
0x204: {  	v10 =	vld [tilespmem:s28+$0x107F0];
	v14 =	vadd.f32 v17, v14;
	v6 =	vadd.f32 v6, v9  }
0x205: {  	v9 =	vadd.f32 v16, v11;
	v11 =	vld [tilespmem:s28+$0x10820];
	v7 =	vadd.f32 v7, v8  }
0x206: {  	v8 =	vld [tilespmem:s28+$0x10830];
	v13 =	vadd.f32 v13, v14;
	v4 =	vadd.f32 v4, v6  }
0x207: {  	v6 =	vadd.f32 v15, v9;
	v9 =	vld [tilespmem:s28+$0x10860];
	v5 =	vadd.f32 v5, v7  }
0x208: {  	v7 =	vld [tilespmem:s28+$0x10870];
	v12 =	vadd.f32 v12, v13;
	v2 =	vadd.f32 v2, v4  }
0x209: {  	v4 =	vadd.f32 v10, v6;
	v3 =	vadd.f32 v3, v5  }
0x20a: {  	v5 =	vadd.f32 v11, v12;
	v0 =	vadd.f32 v0, v2  }
0x20b: {  	v2 =	vadd.f32 v8, v4;
	v1 =	vadd.f32 v1, v3  }
0x20c: {  	v3 =	vadd.f32 v9, v5;
	[tilespmem:$0x19DC0] =	vst v0  }
0x20d: {  	v0 =	vadd.f32 v7, v2;
	[tilespmem:$0x19DD0] =	vst v1  }
0x20e: {  	[tilespmem:$0x19DE0] =	vst v3  }
0x20f: {  	s28 =	simm.s32 $0x0;
	[tilespmem:$0x19DF0] =	vst v0  }
0x210: {  	v0 =	vld [tilespmem:s28+$0x13A40]  }
0x211: {  	v1 =	vld [tilespmem:s28+$0x13A50]  }
0x212: {  	v2 =	vld [tilespmem:s28+$0x13A00]  }
0x213: {  	v3 =	vld [tilespmem:s28+$0x13A10]  }
0x214: {  	v4 =	vld [tilespmem:s28+$0x139C0]  }
0x215: {  	v5 =	vld [tilespmem:s28+$0x139D0]  }
0x216: {  	v6 =	vld [tilespmem:s28+$0x13980]  }
0x217: {  	v7 =	vld [tilespmem:s28+$0x13990]  }
0x218: {  	v9 =	vld [tilespmem:s28+$0x13940]  }
0x219: {  	v8 =	vld [tilespmem:s28+$0x13950]  }
0x21a: {  	v11 =	vld [tilespmem:s28+$0x13900]  }
0x21b: {  	v10 =	vld [tilespmem:s28+$0x13910]  }
0x21c: {  	v17 =	vld [tilespmem:s28+$0x138C0]  }
0x21d: {  	v16 =	vld [tilespmem:s28+$0x138D0]  }
0x21e: {  	v19 =	vld [tilespmem:s28+$0x13880]  }
0x21f: {  	v14 =	vimm.f32 $0.0e+00;
	v20 =	vld [tilespmem:s28+$0x13890]  }
0x220: {  	s30 =	simm.s32 $0x800;
	v15 =	vimm.f32 $0.0e+00;
	v13 =	vimm.f32 $0.0e+00;
	v12 =	vimm.f32 $0.0e+00;
	v18 =	vld [tilespmem:s28+$0x138A0]  }
.LBB2_15:
0x221: {  	p1 =	sne.s32 s30, $0xC000;
	v21 =	vld [tilespmem:s28+$0x138B0]  }
0x222: {  	v22 =	vld [tilespmem:s28+$0x138E0]  }
0x223: {  	v23 =	vld [tilespmem:s28+$0x138F0]  }
0x224: {  	v24 =	vld [tilespmem:s28+$0x13920]  }
0x225: {  	v12 =	vadd.f32 v19, v12;
	v15 =	vadd.f32 v20, v15;
	v19 =	vld [tilespmem:s28+$0x13930]  }
0x226: {  	v14 =	vadd.f32 v18, v14;
	v13 =	vadd.f32 v21, v13;
	v18 =	vld [tilespmem:s28+$0x13960]  }
0x227: {  	v12 =	vadd.f32 v17, v12;
	v15 =	vadd.f32 v16, v15;
	v16 =	vld [tilespmem:s28+$0x13970]  }
0x228: {  	v14 =	vadd.f32 v22, v14;
	v13 =	vadd.f32 v23, v13;
	v17 =	vld [tilespmem:s28+$0x139A0]  }
0x229: {  	v11 =	vadd.f32 v11, v12;
	v10 =	vadd.f32 v10, v15;
	v12 =	vld [tilespmem:s28+$0x139B0]  }
0x22a: {  	v14 =	vadd.f32 v24, v14;
	v13 =	vadd.f32 v19, v13;
	v15 =	vld [tilespmem:s28+$0x139E0]  }
0x22b: {  	v9 =	vadd.f32 v9, v11;
	v8 =	vadd.f32 v8, v10;
	v10 =	vld [tilespmem:s28+$0x139F0]  }
0x22c: {  	v11 =	vadd.f32 v18, v14;
	v13 =	vadd.f32 v16, v13;
	v14 =	vld [tilespmem:s28+$0x13A20]  }
0x22d: {  	v6 =	vadd.f32 v6, v9;
	v7 =	vadd.f32 v7, v8;
	v8 =	vld [tilespmem:s28+$0x13A30]  }
0x22e: {  	v9 =	vadd.f32 v17, v11;
	v11 =	vadd.f32 v12, v13;
	v13 =	vld [tilespmem:s28+$0x13A60]  }
0x22f: {  	v4 =	vadd.f32 v4, v6;
	v5 =	vadd.f32 v5, v7;
	v6 =	vld [tilespmem:s28+$0x13A70];
	s28 =	sshra.s32 s30, $0x2  }
0x230: {  	v9 =	vadd.f32 v15, v9;
	v7 =	vld [tilespmem:s28+$0x13A40];
	v10 =	vadd.f32 v10, v11  }
0x231: {  	v4 =	vadd.f32 v2, v4;
	v5 =	vadd.f32 v3, v5;
	v11 =	vld [tilespmem:s28+$0x13A50]  }
0x232: {  	v9 =	vadd.f32 v14, v9;
	v2 =	vld [tilespmem:s28+$0x13A00];
	v8 =	vadd.f32 v8, v10  }
0x233: {  	v12 =	vadd.f32 v0, v4;
	v15 =	vadd.f32 v1, v5;
	v3 =	vld [tilespmem:s28+$0x13A10]  }
0x234: {  	v14 =	vadd.f32 v13, v9;
	v4 =	vld [tilespmem:s28+$0x139C0];
	v13 =	vadd.f32 v6, v8  }
0x235: {  	v5 =	vld [tilespmem:s28+$0x139D0];
	v0 =	vmov v7  }
0x236: {  	v6 =	vld [tilespmem:s28+$0x13980];
	v1 =	vmov v11  }
0x237: {  	v7 =	vld [tilespmem:s28+$0x13990]  }
0x238: {  	v9 =	vld [tilespmem:s28+$0x13940]  }
0x239: {  	v8 =	vld [tilespmem:s28+$0x13950]  }
0x23a: {  	v11 =	vld [tilespmem:s28+$0x13900]  }
0x23b: {  	v10 =	vld [tilespmem:s28+$0x13910]  }
.Ltmp8:
0x23c: {  	v17 =	vld [tilespmem:s28+$0x138C0];
	(pc) =	sbr.rel @p1 .LBB2_15-.Ltmp8, $4  }
0x23d: {  	v16 =	vld [tilespmem:s28+$0x138D0]  }
0x23e: {  	v19 =	vld [tilespmem:s28+$0x13880]  }
0x23f: {  	v20 =	vld [tilespmem:s28+$0x13890]  }
0x240: {  	s30 =	sadd.s32 $0x800, s30;
	v18 =	vld [tilespmem:s28+$0x138A0]  }
0x241: {  	v21 =	vld [tilespmem:s28+$0x138B0]  }
0x242: {  	v22 =	vld [tilespmem:s28+$0x138E0]  }
0x243: {  	v23 =	vld [tilespmem:s28+$0x138F0];
	v12 =	vadd.f32 v19, v12  }
0x244: {  	v19 =	vld [tilespmem:s28+$0x13920];
	v15 =	vadd.f32 v20, v15  }
0x245: {  	v20 =	vld [tilespmem:s28+$0x13930];
	v14 =	vadd.f32 v18, v14;
	v12 =	vadd.f32 v17, v12  }
0x246: {  	v17 =	vld [tilespmem:s28+$0x13960];
	v13 =	vadd.f32 v21, v13;
	v15 =	vadd.f32 v16, v15  }
0x247: {  	v16 =	vld [tilespmem:s28+$0x13970];
	v14 =	vadd.f32 v22, v14;
	v11 =	vadd.f32 v11, v12  }
0x248: {  	v12 =	vadd.f32 v23, v13;
	v13 =	vld [tilespmem:s28+$0x139A0];
	v10 =	vadd.f32 v10, v15  }
0x249: {  	v15 =	vld [tilespmem:s28+$0x139B0];
	v14 =	vadd.f32 v19, v14;
	v9 =	vadd.f32 v9, v11  }
0x24a: {  	v11 =	vadd.f32 v20, v12;
	v12 =	vld [tilespmem:s28+$0x139E0];
	v8 =	vadd.f32 v8, v10  }
0x24b: {  	v10 =	vld [tilespmem:s28+$0x139F0];
	v14 =	vadd.f32 v17, v14;
	v6 =	vadd.f32 v6, v9  }
0x24c: {  	v9 =	vadd.f32 v16, v11;
	v11 =	vld [tilespmem:s28+$0x13A20];
	v7 =	vadd.f32 v7, v8  }
0x24d: {  	v8 =	vld [tilespmem:s28+$0x13A30];
	v13 =	vadd.f32 v13, v14;
	v4 =	vadd.f32 v4, v6  }
0x24e: {  	v6 =	vadd.f32 v15, v9;
	v9 =	vld [tilespmem:s28+$0x13A60];
	v5 =	vadd.f32 v5, v7  }
0x24f: {  	v7 =	vld [tilespmem:s28+$0x13A70];
	v12 =	vadd.f32 v12, v13;
	v2 =	vadd.f32 v2, v4  }
0x250: {  	v4 =	vadd.f32 v10, v6;
	v3 =	vadd.f32 v3, v5  }
0x251: {  	v5 =	vadd.f32 v11, v12;
	v0 =	vadd.f32 v0, v2  }
0x252: {  	v2 =	vadd.f32 v8, v4;
	v1 =	vadd.f32 v1, v3  }
0x253: {  	v3 =	vadd.f32 v9, v5;
	[tilespmem:$0x19E00] =	vst v0  }
0x254: {  	v0 =	vadd.f32 v7, v2;
	[tilespmem:$0x19E10] =	vst v1  }
0x255: {  	[tilespmem:$0x19E20] =	vst v3  }
0x256: {  	s28 =	simm.s32 $0x0;
	[tilespmem:$0x19E30] =	vst v0  }
0x257: {  	v0 =	vld [tilespmem:s28+$0x16C40]  }
0x258: {  	v1 =	vld [tilespmem:s28+$0x16C50]  }
0x259: {  	v2 =	vld [tilespmem:s28+$0x16C00]  }
0x25a: {  	v3 =	vld [tilespmem:s28+$0x16C10]  }
0x25b: {  	v4 =	vld [tilespmem:s28+$0x16BC0]  }
0x25c: {  	v5 =	vld [tilespmem:s28+$0x16BD0]  }
0x25d: {  	v6 =	vld [tilespmem:s28+$0x16B80]  }
0x25e: {  	v7 =	vld [tilespmem:s28+$0x16B90]  }
0x25f: {  	v9 =	vld [tilespmem:s28+$0x16B40]  }
0x260: {  	v8 =	vld [tilespmem:s28+$0x16B50]  }
0x261: {  	v11 =	vld [tilespmem:s28+$0x16B00]  }
0x262: {  	v10 =	vld [tilespmem:s28+$0x16B10]  }
0x263: {  	v17 =	vld [tilespmem:s28+$0x16AC0]  }
0x264: {  	v16 =	vld [tilespmem:s28+$0x16AD0]  }
0x265: {  	v19 =	vld [tilespmem:s28+$0x16A80]  }
0x266: {  	v14 =	vimm.f32 $0.0e+00;
	v20 =	vld [tilespmem:s28+$0x16A90]  }
0x267: {  	s30 =	simm.s32 $0x800;
	v15 =	vimm.f32 $0.0e+00;
	v13 =	vimm.f32 $0.0e+00;
	v12 =	vimm.f32 $0.0e+00;
	v18 =	vld [tilespmem:s28+$0x16AA0]  }
.LBB2_17:
0x268: {  	p1 =	sne.s32 s30, $0xC000;
	v21 =	vld [tilespmem:s28+$0x16AB0]  }
0x269: {  	v22 =	vld [tilespmem:s28+$0x16AE0]  }
0x26a: {  	v23 =	vld [tilespmem:s28+$0x16AF0]  }
0x26b: {  	v24 =	vld [tilespmem:s28+$0x16B20]  }
0x26c: {  	v12 =	vadd.f32 v19, v12;
	v15 =	vadd.f32 v20, v15;
	v19 =	vld [tilespmem:s28+$0x16B30]  }
0x26d: {  	v14 =	vadd.f32 v18, v14;
	v13 =	vadd.f32 v21, v13;
	v18 =	vld [tilespmem:s28+$0x16B60]  }
0x26e: {  	v12 =	vadd.f32 v17, v12;
	v15 =	vadd.f32 v16, v15;
	v16 =	vld [tilespmem:s28+$0x16B70]  }
0x26f: {  	v14 =	vadd.f32 v22, v14;
	v13 =	vadd.f32 v23, v13;
	v17 =	vld [tilespmem:s28+$0x16BA0]  }
0x270: {  	v11 =	vadd.f32 v11, v12;
	v10 =	vadd.f32 v10, v15;
	v12 =	vld [tilespmem:s28+$0x16BB0]  }
0x271: {  	v14 =	vadd.f32 v24, v14;
	v13 =	vadd.f32 v19, v13;
	v15 =	vld [tilespmem:s28+$0x16BE0]  }
0x272: {  	v9 =	vadd.f32 v9, v11;
	v8 =	vadd.f32 v8, v10;
	v10 =	vld [tilespmem:s28+$0x16BF0]  }
0x273: {  	v11 =	vadd.f32 v18, v14;
	v13 =	vadd.f32 v16, v13;
	v14 =	vld [tilespmem:s28+$0x16C20]  }
0x274: {  	v6 =	vadd.f32 v6, v9;
	v7 =	vadd.f32 v7, v8;
	v8 =	vld [tilespmem:s28+$0x16C30]  }
0x275: {  	v9 =	vadd.f32 v17, v11;
	v11 =	vadd.f32 v12, v13;
	v13 =	vld [tilespmem:s28+$0x16C60]  }
0x276: {  	v4 =	vadd.f32 v4, v6;
	v5 =	vadd.f32 v5, v7;
	v6 =	vld [tilespmem:s28+$0x16C70];
	s28 =	sshra.s32 s30, $0x2  }
0x277: {  	v9 =	vadd.f32 v15, v9;
	v7 =	vld [tilespmem:s28+$0x16C40];
	v10 =	vadd.f32 v10, v11  }
0x278: {  	v4 =	vadd.f32 v2, v4;
	v5 =	vadd.f32 v3, v5;
	v11 =	vld [tilespmem:s28+$0x16C50]  }
0x279: {  	v9 =	vadd.f32 v14, v9;
	v2 =	vld [tilespmem:s28+$0x16C00];
	v8 =	vadd.f32 v8, v10  }
0x27a: {  	v12 =	vadd.f32 v0, v4;
	v15 =	vadd.f32 v1, v5;
	v3 =	vld [tilespmem:s28+$0x16C10]  }
0x27b: {  	v14 =	vadd.f32 v13, v9;
	v4 =	vld [tilespmem:s28+$0x16BC0];
	v13 =	vadd.f32 v6, v8  }
0x27c: {  	v5 =	vld [tilespmem:s28+$0x16BD0];
	v0 =	vmov v7  }
0x27d: {  	v6 =	vld [tilespmem:s28+$0x16B80];
	v1 =	vmov v11  }
0x27e: {  	v7 =	vld [tilespmem:s28+$0x16B90]  }
0x27f: {  	v9 =	vld [tilespmem:s28+$0x16B40]  }
0x280: {  	v8 =	vld [tilespmem:s28+$0x16B50]  }
0x281: {  	v11 =	vld [tilespmem:s28+$0x16B00]  }
0x282: {  	v10 =	vld [tilespmem:s28+$0x16B10]  }
.Ltmp9:
0x283: {  	v17 =	vld [tilespmem:s28+$0x16AC0];
	(pc) =	sbr.rel @p1 .LBB2_17-.Ltmp9, $4  }
0x284: {  	v16 =	vld [tilespmem:s28+$0x16AD0]  }
0x285: {  	v19 =	vld [tilespmem:s28+$0x16A80]  }
0x286: {  	v20 =	vld [tilespmem:s28+$0x16A90]  }
0x287: {  	s30 =	sadd.s32 $0x800, s30;
	v18 =	vld [tilespmem:s28+$0x16AA0]  }
0x288: {  	v21 =	vld [tilespmem:s28+$0x16AB0]  }
0x289: {  	v22 =	vld [tilespmem:s28+$0x16AE0]  }
0x28a: {  	v23 =	vld [tilespmem:s28+$0x16AF0];
	v12 =	vadd.f32 v19, v12  }
0x28b: {  	v19 =	vld [tilespmem:s28+$0x16B20];
	v15 =	vadd.f32 v20, v15  }
0x28c: {  	v20 =	vld [tilespmem:s28+$0x16B30];
	v14 =	vadd.f32 v18, v14;
	v12 =	vadd.f32 v17, v12  }
0x28d: {  	v17 =	vld [tilespmem:s28+$0x16B60];
	v13 =	vadd.f32 v21, v13;
	v15 =	vadd.f32 v16, v15  }
0x28e: {  	v16 =	vld [tilespmem:s28+$0x16B70];
	v14 =	vadd.f32 v22, v14;
	v11 =	vadd.f32 v11, v12  }
0x28f: {  	v12 =	vadd.f32 v23, v13;
	v13 =	vld [tilespmem:s28+$0x16BA0];
	v10 =	vadd.f32 v10, v15  }
0x290: {  	v15 =	vld [tilespmem:s28+$0x16BB0];
	v14 =	vadd.f32 v19, v14;
	v9 =	vadd.f32 v9, v11  }
0x291: {  	v11 =	vadd.f32 v20, v12;
	v12 =	vld [tilespmem:s28+$0x16BE0];
	v8 =	vadd.f32 v8, v10  }
0x292: {  	v10 =	vld [tilespmem:s28+$0x16BF0];
	v14 =	vadd.f32 v17, v14;
	v6 =	vadd.f32 v6, v9  }
0x293: {  	v9 =	vadd.f32 v16, v11;
	v11 =	vld [tilespmem:s28+$0x16C20];
	v7 =	vadd.f32 v7, v8  }
0x294: {  	v8 =	vld [tilespmem:s28+$0x16C30];
	v13 =	vadd.f32 v13, v14;
	v4 =	vadd.f32 v4, v6  }
0x295: {  	v6 =	vadd.f32 v15, v9;
	v9 =	vld [tilespmem:s28+$0x16C60];
	v5 =	vadd.f32 v5, v7  }
0x296: {  	v7 =	vld [tilespmem:s28+$0x16C70];
	v12 =	vadd.f32 v12, v13;
	v2 =	vadd.f32 v2, v4  }
0x297: {  	v4 =	vadd.f32 v10, v6;
	v3 =	vadd.f32 v3, v5  }
0x298: {  	v5 =	vadd.f32 v11, v12;
	v0 =	vadd.f32 v0, v2  }
0x299: {  	s28 =	sadd.s32 s24, s7;
	v2 =	vadd.f32 v8, v4;
	v1 =	vadd.f32 v1, v3  }
0x29a: {  	s28 =	sshll.u32 s28, $0x3;
	v3 =	vadd.f32 v9, v5;
	[tilespmem:$0x19E40] =	vst v0  }
0x29b: {  	s28 =	sadd.s32 $0x20, s28;
	v0 =	vadd.f32 v7, v2;
	[tilespmem:$0x19E50] =	vst v1  }
0x29c: {  	s30 =	sadd.s32 @!p0 s24, s13;
	s28 =	sand.u32 $0x1FFFFFA0, s28;
	[tilespmem:$0x19E60] =	vst v3  }
0x29d: {  	s30 =	smul.u32 @!p0 $0x19, s30;
	s28 =	sadd.s32 s5, s28;
	[tilespmem:$0x19E70] =	vst v0  }
0x29e: {  	[hbm4b:s28+s2] =	stream.linear.scatter [tilespmem:s29], [sflag:$0x7], $0x100, $0x38;
	[tilespmem:$0x19E80] =	vst v63  }
0x29f: {  	s17 =	simm.s32 @!p0 $0x320;
	s28 =	sadd.s32 @!p0 s3, s30;
	s30 =	simm.s32 @!p0 $0x0  }
0x2a0: {  	[tilespmem:s17], [sflag:$0x2] =	stream.linear.gather @!p0 [hbm4b:s28+s30], $0x320, $0x38;
	[tilespmem:$0x19E80] =	vst v63  }
0x2a1: {  	_ =	swait.ge [sflag:s9], $0x320  }
0x2a2: {  	[sflag:s9] =	ssyncset.done $0x0  }
0x2a3: {  	[sflag:s9] =	ssyncadd.s32 $0xFFFFFCE0  }
0x2a4: {  	[tilespmem:s0], [sflag:$0x6] =	stream.indirect.gather [hbm4b:s4+s23], $0x40, s21, s23, $0xb8;
	[tilespmem:$0x19E80] =	vst v63  }
0x2a5: {  	s17 =	simm.s32 $0xA28  }
0x2a6: {  	[tilespmem:s26], [sflag:$0x6] =	stream.indirect.gather [hbm4b:s4+s23], $0x40, s17, s23, $0xb8;
	[tilespmem:$0x19E80] =	vst v63  }
0x2a7: {  	s17 =	simm.s32 $0xAF0  }
0x2a8: {  	[tilespmem:s8], [sflag:$0x6] =	stream.indirect.gather [hbm4b:s4+s23], $0x40, s17, s23, $0xb8;
	[tilespmem:$0x19E80] =	vst v63  }
0x2a9: {  	s17 =	simm.s32 $0xBB8  }
0x2aa: {  	[tilespmem:s10], [sflag:$0x6] =	stream.indirect.gather [hbm4b:s4+s23], $0x40, s17, s23, $0xb8;
	[tilespmem:$0x19E80] =	vst v63  }
0x2ab: {  	_ =	swait.ge [sflag:s18], $0x3200  }
0x2ac: {  	[sflag:s18] =	ssyncset.done $0x0  }
0x2ad: {  	[sflag:s18] =	ssyncadd.s32 $0xFFFFCE00  }
0x2ae: {  	_ =	swait.ge [sflag:s18], $0x3200  }
0x2af: {  	[sflag:s18] =	ssyncset.done $0x0  }
0x2b0: {  	[sflag:s18] =	ssyncadd.s32 $0xFFFFCE00  }
0x2b1: {  	_ =	swait.ge [sflag:s18], $0x3200  }
0x2b2: {  	[sflag:s18] =	ssyncset.done $0x0  }
0x2b3: {  	[sflag:s18] =	ssyncadd.s32 $0xFFFFCE00  }
0x2b4: {  	_ =	swait.ge [sflag:s18], $0x3200  }
0x2b5: {  	[sflag:s18] =	ssyncset.done $0x0  }
0x2b6: {  	[sflag:s18] =	ssyncadd.s32 $0xFFFFCE00  }
0x2b7: {  	_ =	swait.ge [sflag:s19], $0x100  }
0x2b8: {  	[sflag:s19] =	ssyncset.done $0x0  }
0x2b9: {  	s28 =	simm.s32 $0x0;
	[sflag:s19] =	ssyncadd.s32 $0xFFFFFF00  }
0x2ba: {  	v0 =	vld [tilespmem:s28+$0xE40]  }
0x2bb: {  	v1 =	vld [tilespmem:s28+$0xE50]  }
0x2bc: {  	v2 =	vld [tilespmem:s28+$0xE00]  }
0x2bd: {  	v3 =	vld [tilespmem:s28+$0xE10]  }
0x2be: {  	v4 =	vld [tilespmem:s28+$0xDC0]  }
0x2bf: {  	v5 =	vld [tilespmem:s28+$0xDD0]  }
0x2c0: {  	v6 =	vld [tilespmem:s28+$0xD80]  }
0x2c1: {  	v7 =	vld [tilespmem:s28+$0xD90]  }
0x2c2: {  	v9 =	vld [tilespmem:s28+$0xD40]  }
0x2c3: {  	v8 =	vld [tilespmem:s28+$0xD50]  }
0x2c4: {  	v11 =	vld [tilespmem:s28+$0xD00]  }
0x2c5: {  	v10 =	vld [tilespmem:s28+$0xD10]  }
0x2c6: {  	v17 =	vld [tilespmem:s28+$0xCC0]  }
0x2c7: {  	v16 =	vld [tilespmem:s28+$0xCD0]  }
0x2c8: {  	v19 =	vld [tilespmem:s28+$0xC80]  }
0x2c9: {  	v14 =	vimm.f32 $0.0e+00;
	v20 =	vld [tilespmem:s28+$0xC90]  }
0x2ca: {  	v15 =	vimm.f32 $0.0e+00;
	v13 =	vimm.f32 $0.0e+00;
	v12 =	vimm.f32 $0.0e+00;
	s30 =	simm.s32 $0x800;
	v18 =	vld [tilespmem:s28+$0xCA0]  }
.LBB2_19:
0x2cb: {  	p1 =	sne.s32 s30, $0xC000;
	v21 =	vld [tilespmem:s28+$0xCB0]  }
0x2cc: {  	v22 =	vld [tilespmem:s28+$0xCE0]  }
0x2cd: {  	v23 =	vld [tilespmem:s28+$0xCF0]  }
0x2ce: {  	v24 =	vld [tilespmem:s28+$0xD20]  }
0x2cf: {  	v12 =	vadd.f32 v19, v12;
	v15 =	vadd.f32 v20, v15;
	v19 =	vld [tilespmem:s28+$0xD30]  }
0x2d0: {  	v14 =	vadd.f32 v18, v14;
	v13 =	vadd.f32 v21, v13;
	v18 =	vld [tilespmem:s28+$0xD60]  }
0x2d1: {  	v12 =	vadd.f32 v17, v12;
	v15 =	vadd.f32 v16, v15;
	v16 =	vld [tilespmem:s28+$0xD70]  }
0x2d2: {  	v14 =	vadd.f32 v22, v14;
	v13 =	vadd.f32 v23, v13;
	v17 =	vld [tilespmem:s28+$0xDA0]  }
0x2d3: {  	v11 =	vadd.f32 v11, v12;
	v10 =	vadd.f32 v10, v15;
	v12 =	vld [tilespmem:s28+$0xDB0]  }
0x2d4: {  	v14 =	vadd.f32 v24, v14;
	v13 =	vadd.f32 v19, v13;
	v15 =	vld [tilespmem:s28+$0xDE0]  }
0x2d5: {  	v9 =	vadd.f32 v9, v11;
	v8 =	vadd.f32 v8, v10;
	v10 =	vld [tilespmem:s28+$0xDF0]  }
0x2d6: {  	v11 =	vadd.f32 v18, v14;
	v13 =	vadd.f32 v16, v13;
	v14 =	vld [tilespmem:s28+$0xE20]  }
0x2d7: {  	v6 =	vadd.f32 v6, v9;
	v7 =	vadd.f32 v7, v8;
	v8 =	vld [tilespmem:s28+$0xE30]  }
0x2d8: {  	v9 =	vadd.f32 v17, v11;
	v11 =	vadd.f32 v12, v13;
	v13 =	vld [tilespmem:s28+$0xE60]  }
0x2d9: {  	v4 =	vadd.f32 v4, v6;
	v5 =	vadd.f32 v5, v7;
	v6 =	vld [tilespmem:s28+$0xE70];
	s28 =	sshra.s32 s30, $0x2  }
0x2da: {  	v9 =	vadd.f32 v15, v9;
	v7 =	vld [tilespmem:s28+$0xE40];
	v10 =	vadd.f32 v10, v11  }
0x2db: {  	v4 =	vadd.f32 v2, v4;
	v5 =	vadd.f32 v3, v5;
	v11 =	vld [tilespmem:s28+$0xE50]  }
0x2dc: {  	v9 =	vadd.f32 v14, v9;
	v2 =	vld [tilespmem:s28+$0xE00];
	v8 =	vadd.f32 v8, v10  }
0x2dd: {  	v12 =	vadd.f32 v0, v4;
	v15 =	vadd.f32 v1, v5;
	v3 =	vld [tilespmem:s28+$0xE10]  }
0x2de: {  	v14 =	vadd.f32 v13, v9;
	v4 =	vld [tilespmem:s28+$0xDC0];
	v13 =	vadd.f32 v6, v8  }
0x2df: {  	v5 =	vld [tilespmem:s28+$0xDD0];
	v0 =	vmov v7  }
0x2e0: {  	v6 =	vld [tilespmem:s28+$0xD80];
	v1 =	vmov v11  }
0x2e1: {  	v7 =	vld [tilespmem:s28+$0xD90]  }
0x2e2: {  	v9 =	vld [tilespmem:s28+$0xD40]  }
0x2e3: {  	v8 =	vld [tilespmem:s28+$0xD50]  }
0x2e4: {  	v11 =	vld [tilespmem:s28+$0xD00]  }
0x2e5: {  	v10 =	vld [tilespmem:s28+$0xD10]  }
.Ltmp10:
0x2e6: {  	v17 =	vld [tilespmem:s28+$0xCC0];
	(pc) =	sbr.rel @p1 .LBB2_19-.Ltmp10, $4  }
0x2e7: {  	v16 =	vld [tilespmem:s28+$0xCD0]  }
0x2e8: {  	v19 =	vld [tilespmem:s28+$0xC80]  }
0x2e9: {  	v20 =	vld [tilespmem:s28+$0xC90]  }
0x2ea: {  	s30 =	sadd.s32 $0x800, s30;
	v18 =	vld [tilespmem:s28+$0xCA0]  }
0x2eb: {  	v21 =	vld [tilespmem:s28+$0xCB0]  }
0x2ec: {  	v22 =	vld [tilespmem:s28+$0xCE0]  }
0x2ed: {  	v23 =	vld [tilespmem:s28+$0xCF0];
	v12 =	vadd.f32 v19, v12  }
0x2ee: {  	v19 =	vld [tilespmem:s28+$0xD20];
	v15 =	vadd.f32 v20, v15  }
0x2ef: {  	v20 =	vld [tilespmem:s28+$0xD30];
	v14 =	vadd.f32 v18, v14;
	v12 =	vadd.f32 v17, v12  }
0x2f0: {  	v17 =	vld [tilespmem:s28+$0xD60];
	v13 =	vadd.f32 v21, v13;
	v15 =	vadd.f32 v16, v15  }
0x2f1: {  	v16 =	vld [tilespmem:s28+$0xD70];
	v14 =	vadd.f32 v22, v14;
	v11 =	vadd.f32 v11, v12  }
0x2f2: {  	v12 =	vadd.f32 v23, v13;
	v13 =	vld [tilespmem:s28+$0xDA0];
	v10 =	vadd.f32 v10, v15  }
0x2f3: {  	v15 =	vld [tilespmem:s28+$0xDB0];
	v14 =	vadd.f32 v19, v14;
	v9 =	vadd.f32 v9, v11  }
0x2f4: {  	v11 =	vadd.f32 v20, v12;
	v12 =	vld [tilespmem:s28+$0xDE0];
	v8 =	vadd.f32 v8, v10  }
0x2f5: {  	v10 =	vld [tilespmem:s28+$0xDF0];
	v14 =	vadd.f32 v17, v14;
	v6 =	vadd.f32 v6, v9  }
0x2f6: {  	v9 =	vadd.f32 v16, v11;
	v11 =	vld [tilespmem:s28+$0xE20];
	v7 =	vadd.f32 v7, v8  }
0x2f7: {  	v8 =	vld [tilespmem:s28+$0xE30];
	v13 =	vadd.f32 v13, v14;
	v4 =	vadd.f32 v4, v6  }
0x2f8: {  	v6 =	vadd.f32 v15, v9;
	v9 =	vld [tilespmem:s28+$0xE60];
	v5 =	vadd.f32 v5, v7  }
0x2f9: {  	v7 =	vld [tilespmem:s28+$0xE70];
	v12 =	vadd.f32 v12, v13;
	v2 =	vadd.f32 v2, v4  }
0x2fa: {  	v4 =	vadd.f32 v10, v6;
	v3 =	vadd.f32 v3, v5  }
0x2fb: {  	v5 =	vadd.f32 v11, v12;
	v0 =	vadd.f32 v0, v2  }
0x2fc: {  	v2 =	vadd.f32 v8, v4;
	v1 =	vadd.f32 v1, v3  }
0x2fd: {  	v3 =	vadd.f32 v9, v5;
	[tilespmem:$0x19C80] =	vst v0  }
0x2fe: {  	v0 =	vadd.f32 v7, v2;
	[tilespmem:$0x19C90] =	vst v1  }
0x2ff: {  	[tilespmem:$0x19CA0] =	vst v3  }
0x300: {  	s28 =	simm.s32 $0x0;
	[tilespmem:$0x19CB0] =	vst v0  }
0x301: {  	v0 =	vld [tilespmem:s28+$0x4040]  }
0x302: {  	v1 =	vld [tilespmem:s28+$0x4050]  }
0x303: {  	v2 =	vld [tilespmem:s28+$0x4000]  }
0x304: {  	v3 =	vld [tilespmem:s28+$0x4010]  }
0x305: {  	v4 =	vld [tilespmem:s28+$0x3FC0]  }
0x306: {  	v5 =	vld [tilespmem:s28+$0x3FD0]  }
0x307: {  	v6 =	vld [tilespmem:s28+$0x3F80]  }
0x308: {  	v7 =	vld [tilespmem:s28+$0x3F90]  }
0x309: {  	v9 =	vld [tilespmem:s28+$0x3F40]  }
0x30a: {  	v8 =	vld [tilespmem:s28+$0x3F50]  }
0x30b: {  	v11 =	vld [tilespmem:s28+$0x3F00]  }
0x30c: {  	v10 =	vld [tilespmem:s28+$0x3F10]  }
0x30d: {  	v17 =	vld [tilespmem:s28+$0x3EC0]  }
0x30e: {  	v16 =	vld [tilespmem:s28+$0x3ED0]  }
0x30f: {  	v19 =	vld [tilespmem:s28+$0x3E80]  }
0x310: {  	v14 =	vimm.f32 $0.0e+00;
	v20 =	vld [tilespmem:s28+$0x3E90]  }
0x311: {  	s30 =	simm.s32 $0x800;
	v15 =	vimm.f32 $0.0e+00;
	v13 =	vimm.f32 $0.0e+00;
	v12 =	vimm.f32 $0.0e+00;
	v18 =	vld [tilespmem:s28+$0x3EA0]  }
.LBB2_21:
0x312: {  	p1 =	sne.s32 s30, $0xC000;
	v21 =	vld [tilespmem:s28+$0x3EB0]  }
0x313: {  	v22 =	vld [tilespmem:s28+$0x3EE0]  }
0x314: {  	v23 =	vld [tilespmem:s28+$0x3EF0]  }
0x315: {  	v24 =	vld [tilespmem:s28+$0x3F20]  }
0x316: {  	v12 =	vadd.f32 v19, v12;
	v15 =	vadd.f32 v20, v15;
	v19 =	vld [tilespmem:s28+$0x3F30]  }
0x317: {  	v14 =	vadd.f32 v18, v14;
	v13 =	vadd.f32 v21, v13;
	v18 =	vld [tilespmem:s28+$0x3F60]  }
0x318: {  	v12 =	vadd.f32 v17, v12;
	v15 =	vadd.f32 v16, v15;
	v16 =	vld [tilespmem:s28+$0x3F70]  }
0x319: {  	v14 =	vadd.f32 v22, v14;
	v13 =	vadd.f32 v23, v13;
	v17 =	vld [tilespmem:s28+$0x3FA0]  }
0x31a: {  	v11 =	vadd.f32 v11, v12;
	v10 =	vadd.f32 v10, v15;
	v12 =	vld [tilespmem:s28+$0x3FB0]  }
0x31b: {  	v14 =	vadd.f32 v24, v14;
	v13 =	vadd.f32 v19, v13;
	v15 =	vld [tilespmem:s28+$0x3FE0]  }
0x31c: {  	v9 =	vadd.f32 v9, v11;
	v8 =	vadd.f32 v8, v10;
	v10 =	vld [tilespmem:s28+$0x3FF0]  }
0x31d: {  	v11 =	vadd.f32 v18, v14;
	v13 =	vadd.f32 v16, v13;
	v14 =	vld [tilespmem:s28+$0x4020]  }
0x31e: {  	v6 =	vadd.f32 v6, v9;
	v7 =	vadd.f32 v7, v8;
	v8 =	vld [tilespmem:s28+$0x4030]  }
0x31f: {  	v9 =	vadd.f32 v17, v11;
	v11 =	vadd.f32 v12, v13;
	v13 =	vld [tilespmem:s28+$0x4060]  }
0x320: {  	v4 =	vadd.f32 v4, v6;
	v5 =	vadd.f32 v5, v7;
	v6 =	vld [tilespmem:s28+$0x4070];
	s28 =	sshra.s32 s30, $0x2  }
0x321: {  	v9 =	vadd.f32 v15, v9;
	v7 =	vld [tilespmem:s28+$0x4040];
	v10 =	vadd.f32 v10, v11  }
0x322: {  	v4 =	vadd.f32 v2, v4;
	v5 =	vadd.f32 v3, v5;
	v11 =	vld [tilespmem:s28+$0x4050]  }
0x323: {  	v9 =	vadd.f32 v14, v9;
	v2 =	vld [tilespmem:s28+$0x4000];
	v8 =	vadd.f32 v8, v10  }
0x324: {  	v12 =	vadd.f32 v0, v4;
	v15 =	vadd.f32 v1, v5;
	v3 =	vld [tilespmem:s28+$0x4010]  }
0x325: {  	v14 =	vadd.f32 v13, v9;
	v4 =	vld [tilespmem:s28+$0x3FC0];
	v13 =	vadd.f32 v6, v8  }
0x326: {  	v5 =	vld [tilespmem:s28+$0x3FD0];
	v0 =	vmov v7  }
0x327: {  	v6 =	vld [tilespmem:s28+$0x3F80];
	v1 =	vmov v11  }
0x328: {  	v7 =	vld [tilespmem:s28+$0x3F90]  }
0x329: {  	v9 =	vld [tilespmem:s28+$0x3F40]  }
0x32a: {  	v8 =	vld [tilespmem:s28+$0x3F50]  }
0x32b: {  	v11 =	vld [tilespmem:s28+$0x3F00]  }
0x32c: {  	v10 =	vld [tilespmem:s28+$0x3F10]  }
.Ltmp11:
0x32d: {  	v17 =	vld [tilespmem:s28+$0x3EC0];
	(pc) =	sbr.rel @p1 .LBB2_21-.Ltmp11, $4  }
0x32e: {  	v16 =	vld [tilespmem:s28+$0x3ED0]  }
0x32f: {  	v19 =	vld [tilespmem:s28+$0x3E80]  }
0x330: {  	v20 =	vld [tilespmem:s28+$0x3E90]  }
0x331: {  	s30 =	sadd.s32 $0x800, s30;
	v18 =	vld [tilespmem:s28+$0x3EA0]  }
0x332: {  	v21 =	vld [tilespmem:s28+$0x3EB0]  }
0x333: {  	v22 =	vld [tilespmem:s28+$0x3EE0]  }
0x334: {  	v23 =	vld [tilespmem:s28+$0x3EF0];
	v12 =	vadd.f32 v19, v12  }
0x335: {  	v19 =	vld [tilespmem:s28+$0x3F20];
	v15 =	vadd.f32 v20, v15  }
0x336: {  	v20 =	vld [tilespmem:s28+$0x3F30];
	v14 =	vadd.f32 v18, v14;
	v12 =	vadd.f32 v17, v12  }
0x337: {  	v17 =	vld [tilespmem:s28+$0x3F60];
	v13 =	vadd.f32 v21, v13;
	v15 =	vadd.f32 v16, v15  }
0x338: {  	v16 =	vld [tilespmem:s28+$0x3F70];
	v14 =	vadd.f32 v22, v14;
	v11 =	vadd.f32 v11, v12  }
0x339: {  	v12 =	vadd.f32 v23, v13;
	v13 =	vld [tilespmem:s28+$0x3FA0];
	v10 =	vadd.f32 v10, v15  }
0x33a: {  	v15 =	vld [tilespmem:s28+$0x3FB0];
	v14 =	vadd.f32 v19, v14;
	v9 =	vadd.f32 v9, v11  }
0x33b: {  	v11 =	vadd.f32 v20, v12;
	v12 =	vld [tilespmem:s28+$0x3FE0];
	v8 =	vadd.f32 v8, v10  }
0x33c: {  	v10 =	vld [tilespmem:s28+$0x3FF0];
	v14 =	vadd.f32 v17, v14;
	v6 =	vadd.f32 v6, v9  }
0x33d: {  	v9 =	vadd.f32 v16, v11;
	v11 =	vld [tilespmem:s28+$0x4020];
	v7 =	vadd.f32 v7, v8  }
0x33e: {  	v8 =	vld [tilespmem:s28+$0x4030];
	v13 =	vadd.f32 v13, v14;
	v4 =	vadd.f32 v4, v6  }
0x33f: {  	v6 =	vadd.f32 v15, v9;
	v9 =	vld [tilespmem:s28+$0x4060];
	v5 =	vadd.f32 v5, v7  }
0x340: {  	v7 =	vld [tilespmem:s28+$0x4070];
	v12 =	vadd.f32 v12, v13;
	v2 =	vadd.f32 v2, v4  }
0x341: {  	v4 =	vadd.f32 v10, v6;
	v3 =	vadd.f32 v3, v5  }
0x342: {  	v5 =	vadd.f32 v11, v12;
	v0 =	vadd.f32 v0, v2  }
0x343: {  	v2 =	vadd.f32 v8, v4;
	v1 =	vadd.f32 v1, v3  }
0x344: {  	v3 =	vadd.f32 v9, v5;
	[tilespmem:$0x19CC0] =	vst v0  }
0x345: {  	v0 =	vadd.f32 v7, v2;
	[tilespmem:$0x19CD0] =	vst v1  }
0x346: {  	[tilespmem:$0x19CE0] =	vst v3  }
0x347: {  	s28 =	simm.s32 $0x0;
	[tilespmem:$0x19CF0] =	vst v0  }
0x348: {  	v0 =	vld [tilespmem:s28+$0x7240]  }
0x349: {  	v1 =	vld [tilespmem:s28+$0x7250]  }
0x34a: {  	v2 =	vld [tilespmem:s28+$0x7200]  }
0x34b: {  	v3 =	vld [tilespmem:s28+$0x7210]  }
0x34c: {  	v4 =	vld [tilespmem:s28+$0x71C0]  }
0x34d: {  	v5 =	vld [tilespmem:s28+$0x71D0]  }
0x34e: {  	v6 =	vld [tilespmem:s28+$0x7180]  }
0x34f: {  	v7 =	vld [tilespmem:s28+$0x7190]  }
0x350: {  	v9 =	vld [tilespmem:s28+$0x7140]  }
0x351: {  	v8 =	vld [tilespmem:s28+$0x7150]  }
0x352: {  	v11 =	vld [tilespmem:s28+$0x7100]  }
0x353: {  	v10 =	vld [tilespmem:s28+$0x7110]  }
0x354: {  	v17 =	vld [tilespmem:s28+$0x70C0]  }
0x355: {  	v16 =	vld [tilespmem:s28+$0x70D0]  }
0x356: {  	v19 =	vld [tilespmem:s28+$0x7080]  }
0x357: {  	v14 =	vimm.f32 $0.0e+00;
	v20 =	vld [tilespmem:s28+$0x7090]  }
0x358: {  	s30 =	simm.s32 $0x800;
	v15 =	vimm.f32 $0.0e+00;
	v13 =	vimm.f32 $0.0e+00;
	v12 =	vimm.f32 $0.0e+00;
	v18 =	vld [tilespmem:s28+$0x70A0]  }
.LBB2_23:
0x359: {  	p1 =	sne.s32 s30, $0xC000;
	v21 =	vld [tilespmem:s28+$0x70B0]  }
0x35a: {  	v22 =	vld [tilespmem:s28+$0x70E0]  }
0x35b: {  	v23 =	vld [tilespmem:s28+$0x70F0]  }
0x35c: {  	v24 =	vld [tilespmem:s28+$0x7120]  }
0x35d: {  	v12 =	vadd.f32 v19, v12;
	v15 =	vadd.f32 v20, v15;
	v19 =	vld [tilespmem:s28+$0x7130]  }
0x35e: {  	v14 =	vadd.f32 v18, v14;
	v13 =	vadd.f32 v21, v13;
	v18 =	vld [tilespmem:s28+$0x7160]  }
0x35f: {  	v12 =	vadd.f32 v17, v12;
	v15 =	vadd.f32 v16, v15;
	v16 =	vld [tilespmem:s28+$0x7170]  }
0x360: {  	v14 =	vadd.f32 v22, v14;
	v13 =	vadd.f32 v23, v13;
	v17 =	vld [tilespmem:s28+$0x71A0]  }
0x361: {  	v11 =	vadd.f32 v11, v12;
	v10 =	vadd.f32 v10, v15;
	v12 =	vld [tilespmem:s28+$0x71B0]  }
0x362: {  	v14 =	vadd.f32 v24, v14;
	v13 =	vadd.f32 v19, v13;
	v15 =	vld [tilespmem:s28+$0x71E0]  }
0x363: {  	v9 =	vadd.f32 v9, v11;
	v8 =	vadd.f32 v8, v10;
	v10 =	vld [tilespmem:s28+$0x71F0]  }
0x364: {  	v11 =	vadd.f32 v18, v14;
	v13 =	vadd.f32 v16, v13;
	v14 =	vld [tilespmem:s28+$0x7220]  }
0x365: {  	v6 =	vadd.f32 v6, v9;
	v7 =	vadd.f32 v7, v8;
	v8 =	vld [tilespmem:s28+$0x7230]  }
0x366: {  	v9 =	vadd.f32 v17, v11;
	v11 =	vadd.f32 v12, v13;
	v13 =	vld [tilespmem:s28+$0x7260]  }
0x367: {  	v4 =	vadd.f32 v4, v6;
	v5 =	vadd.f32 v5, v7;
	v6 =	vld [tilespmem:s28+$0x7270];
	s28 =	sshra.s32 s30, $0x2  }
0x368: {  	v9 =	vadd.f32 v15, v9;
	v7 =	vld [tilespmem:s28+$0x7240];
	v10 =	vadd.f32 v10, v11  }
0x369: {  	v4 =	vadd.f32 v2, v4;
	v5 =	vadd.f32 v3, v5;
	v11 =	vld [tilespmem:s28+$0x7250]  }
0x36a: {  	v9 =	vadd.f32 v14, v9;
	v2 =	vld [tilespmem:s28+$0x7200];
	v8 =	vadd.f32 v8, v10  }
0x36b: {  	v12 =	vadd.f32 v0, v4;
	v15 =	vadd.f32 v1, v5;
	v3 =	vld [tilespmem:s28+$0x7210]  }
0x36c: {  	v14 =	vadd.f32 v13, v9;
	v4 =	vld [tilespmem:s28+$0x71C0];
	v13 =	vadd.f32 v6, v8  }
0x36d: {  	v5 =	vld [tilespmem:s28+$0x71D0];
	v0 =	vmov v7  }
0x36e: {  	v6 =	vld [tilespmem:s28+$0x7180];
	v1 =	vmov v11  }
0x36f: {  	v7 =	vld [tilespmem:s28+$0x7190]  }
0x370: {  	v9 =	vld [tilespmem:s28+$0x7140]  }
0x371: {  	v8 =	vld [tilespmem:s28+$0x7150]  }
0x372: {  	v11 =	vld [tilespmem:s28+$0x7100]  }
0x373: {  	v10 =	vld [tilespmem:s28+$0x7110]  }
.Ltmp12:
0x374: {  	v17 =	vld [tilespmem:s28+$0x70C0];
	(pc) =	sbr.rel @p1 .LBB2_23-.Ltmp12, $4  }
0x375: {  	v16 =	vld [tilespmem:s28+$0x70D0]  }
0x376: {  	v19 =	vld [tilespmem:s28+$0x7080]  }
0x377: {  	v20 =	vld [tilespmem:s28+$0x7090]  }
0x378: {  	s30 =	sadd.s32 $0x800, s30;
	v18 =	vld [tilespmem:s28+$0x70A0]  }
0x379: {  	v21 =	vld [tilespmem:s28+$0x70B0]  }
0x37a: {  	v22 =	vld [tilespmem:s28+$0x70E0]  }
0x37b: {  	v23 =	vld [tilespmem:s28+$0x70F0];
	v12 =	vadd.f32 v19, v12  }
0x37c: {  	v19 =	vld [tilespmem:s28+$0x7120];
	v15 =	vadd.f32 v20, v15  }
0x37d: {  	v20 =	vld [tilespmem:s28+$0x7130];
	v14 =	vadd.f32 v18, v14;
	v12 =	vadd.f32 v17, v12  }
0x37e: {  	v17 =	vld [tilespmem:s28+$0x7160];
	v13 =	vadd.f32 v21, v13;
	v15 =	vadd.f32 v16, v15  }
0x37f: {  	v16 =	vld [tilespmem:s28+$0x7170];
	v14 =	vadd.f32 v22, v14;
	v11 =	vadd.f32 v11, v12  }
0x380: {  	v12 =	vadd.f32 v23, v13;
	v13 =	vld [tilespmem:s28+$0x71A0];
	v10 =	vadd.f32 v10, v15  }
0x381: {  	v15 =	vld [tilespmem:s28+$0x71B0];
	v14 =	vadd.f32 v19, v14;
	v9 =	vadd.f32 v9, v11  }
0x382: {  	v11 =	vadd.f32 v20, v12;
	v12 =	vld [tilespmem:s28+$0x71E0];
	v8 =	vadd.f32 v8, v10  }
0x383: {  	v10 =	vld [tilespmem:s28+$0x71F0];
	v14 =	vadd.f32 v17, v14;
	v6 =	vadd.f32 v6, v9  }
0x384: {  	v9 =	vadd.f32 v16, v11;
	v11 =	vld [tilespmem:s28+$0x7220];
	v7 =	vadd.f32 v7, v8  }
0x385: {  	v8 =	vld [tilespmem:s28+$0x7230];
	v13 =	vadd.f32 v13, v14;
	v4 =	vadd.f32 v4, v6  }
0x386: {  	v6 =	vadd.f32 v15, v9;
	v9 =	vld [tilespmem:s28+$0x7260];
	v5 =	vadd.f32 v5, v7  }
0x387: {  	v7 =	vld [tilespmem:s28+$0x7270];
	v12 =	vadd.f32 v12, v13;
	v2 =	vadd.f32 v2, v4  }
0x388: {  	v4 =	vadd.f32 v10, v6;
	v3 =	vadd.f32 v3, v5  }
0x389: {  	v5 =	vadd.f32 v11, v12;
	v0 =	vadd.f32 v0, v2  }
0x38a: {  	v2 =	vadd.f32 v8, v4;
	v1 =	vadd.f32 v1, v3  }
0x38b: {  	v3 =	vadd.f32 v9, v5;
	[tilespmem:$0x19D00] =	vst v0  }
0x38c: {  	v0 =	vadd.f32 v7, v2;
	[tilespmem:$0x19D10] =	vst v1  }
0x38d: {  	[tilespmem:$0x19D20] =	vst v3  }
0x38e: {  	s28 =	simm.s32 $0x0;
	[tilespmem:$0x19D30] =	vst v0  }
0x38f: {  	v0 =	vld [tilespmem:s28+$0xA440]  }
0x390: {  	v1 =	vld [tilespmem:s28+$0xA450]  }
0x391: {  	v2 =	vld [tilespmem:s28+$0xA400]  }
0x392: {  	v3 =	vld [tilespmem:s28+$0xA410]  }
0x393: {  	v4 =	vld [tilespmem:s28+$0xA3C0]  }
0x394: {  	v5 =	vld [tilespmem:s28+$0xA3D0]  }
0x395: {  	v6 =	vld [tilespmem:s28+$0xA380]  }
0x396: {  	v7 =	vld [tilespmem:s28+$0xA390]  }
0x397: {  	v9 =	vld [tilespmem:s28+$0xA340]  }
0x398: {  	v8 =	vld [tilespmem:s28+$0xA350]  }
0x399: {  	v11 =	vld [tilespmem:s28+$0xA300]  }
0x39a: {  	v10 =	vld [tilespmem:s28+$0xA310]  }
0x39b: {  	v17 =	vld [tilespmem:s28+$0xA2C0]  }
0x39c: {  	v16 =	vld [tilespmem:s28+$0xA2D0]  }
0x39d: {  	v19 =	vld [tilespmem:s28+$0xA280]  }
0x39e: {  	v14 =	vimm.f32 $0.0e+00;
	v20 =	vld [tilespmem:s28+$0xA290]  }
0x39f: {  	s30 =	simm.s32 $0x800;
	v15 =	vimm.f32 $0.0e+00;
	v13 =	vimm.f32 $0.0e+00;
	v12 =	vimm.f32 $0.0e+00;
	v18 =	vld [tilespmem:s28+$0xA2A0]  }
.LBB2_25:
0x3a0: {  	p1 =	sne.s32 s30, $0xC000;
	v21 =	vld [tilespmem:s28+$0xA2B0]  }
0x3a1: {  	v22 =	vld [tilespmem:s28+$0xA2E0]  }
0x3a2: {  	v23 =	vld [tilespmem:s28+$0xA2F0]  }
0x3a3: {  	v24 =	vld [tilespmem:s28+$0xA320]  }
0x3a4: {  	v12 =	vadd.f32 v19, v12;
	v15 =	vadd.f32 v20, v15;
	v19 =	vld [tilespmem:s28+$0xA330]  }
0x3a5: {  	v14 =	vadd.f32 v18, v14;
	v13 =	vadd.f32 v21, v13;
	v18 =	vld [tilespmem:s28+$0xA360]  }
0x3a6: {  	v12 =	vadd.f32 v17, v12;
	v15 =	vadd.f32 v16, v15;
	v16 =	vld [tilespmem:s28+$0xA370]  }
0x3a7: {  	v14 =	vadd.f32 v22, v14;
	v13 =	vadd.f32 v23, v13;
	v17 =	vld [tilespmem:s28+$0xA3A0]  }
0x3a8: {  	v11 =	vadd.f32 v11, v12;
	v10 =	vadd.f32 v10, v15;
	v12 =	vld [tilespmem:s28+$0xA3B0]  }
0x3a9: {  	v14 =	vadd.f32 v24, v14;
	v13 =	vadd.f32 v19, v13;
	v15 =	vld [tilespmem:s28+$0xA3E0]  }
0x3aa: {  	v9 =	vadd.f32 v9, v11;
	v8 =	vadd.f32 v8, v10;
	v10 =	vld [tilespmem:s28+$0xA3F0]  }
0x3ab: {  	v11 =	vadd.f32 v18, v14;
	v13 =	vadd.f32 v16, v13;
	v14 =	vld [tilespmem:s28+$0xA420]  }
0x3ac: {  	v6 =	vadd.f32 v6, v9;
	v7 =	vadd.f32 v7, v8;
	v8 =	vld [tilespmem:s28+$0xA430]  }
0x3ad: {  	v9 =	vadd.f32 v17, v11;
	v11 =	vadd.f32 v12, v13;
	v13 =	vld [tilespmem:s28+$0xA460]  }
0x3ae: {  	v4 =	vadd.f32 v4, v6;
	v5 =	vadd.f32 v5, v7;
	v6 =	vld [tilespmem:s28+$0xA470];
	s28 =	sshra.s32 s30, $0x2  }
0x3af: {  	v9 =	vadd.f32 v15, v9;
	v7 =	vld [tilespmem:s28+$0xA440];
	v10 =	vadd.f32 v10, v11  }
0x3b0: {  	v4 =	vadd.f32 v2, v4;
	v5 =	vadd.f32 v3, v5;
	v11 =	vld [tilespmem:s28+$0xA450]  }
0x3b1: {  	v9 =	vadd.f32 v14, v9;
	v2 =	vld [tilespmem:s28+$0xA400];
	v8 =	vadd.f32 v8, v10  }
0x3b2: {  	v12 =	vadd.f32 v0, v4;
	v15 =	vadd.f32 v1, v5;
	v3 =	vld [tilespmem:s28+$0xA410]  }
0x3b3: {  	v14 =	vadd.f32 v13, v9;
	v4 =	vld [tilespmem:s28+$0xA3C0];
	v13 =	vadd.f32 v6, v8  }
0x3b4: {  	v5 =	vld [tilespmem:s28+$0xA3D0];
	v0 =	vmov v7  }
0x3b5: {  	v6 =	vld [tilespmem:s28+$0xA380];
	v1 =	vmov v11  }
0x3b6: {  	v7 =	vld [tilespmem:s28+$0xA390]  }
0x3b7: {  	v9 =	vld [tilespmem:s28+$0xA340]  }
0x3b8: {  	v8 =	vld [tilespmem:s28+$0xA350]  }
0x3b9: {  	v11 =	vld [tilespmem:s28+$0xA300]  }
0x3ba: {  	v10 =	vld [tilespmem:s28+$0xA310]  }
.Ltmp13:
0x3bb: {  	v17 =	vld [tilespmem:s28+$0xA2C0];
	(pc) =	sbr.rel @p1 .LBB2_25-.Ltmp13, $4  }
0x3bc: {  	v16 =	vld [tilespmem:s28+$0xA2D0]  }
0x3bd: {  	v19 =	vld [tilespmem:s28+$0xA280]  }
0x3be: {  	v20 =	vld [tilespmem:s28+$0xA290]  }
0x3bf: {  	s30 =	sadd.s32 $0x800, s30;
	v18 =	vld [tilespmem:s28+$0xA2A0]  }
0x3c0: {  	v21 =	vld [tilespmem:s28+$0xA2B0]  }
0x3c1: {  	v22 =	vld [tilespmem:s28+$0xA2E0]  }
0x3c2: {  	v23 =	vld [tilespmem:s28+$0xA2F0];
	v12 =	vadd.f32 v19, v12  }
0x3c3: {  	v19 =	vld [tilespmem:s28+$0xA320];
	v15 =	vadd.f32 v20, v15  }
0x3c4: {  	v20 =	vld [tilespmem:s28+$0xA330];
	v14 =	vadd.f32 v18, v14;
	v12 =	vadd.f32 v17, v12  }
0x3c5: {  	v17 =	vld [tilespmem:s28+$0xA360];
	v13 =	vadd.f32 v21, v13;
	v15 =	vadd.f32 v16, v15  }
0x3c6: {  	v16 =	vld [tilespmem:s28+$0xA370];
	v14 =	vadd.f32 v22, v14;
	v11 =	vadd.f32 v11, v12  }
0x3c7: {  	v12 =	vadd.f32 v23, v13;
	v13 =	vld [tilespmem:s28+$0xA3A0];
	v10 =	vadd.f32 v10, v15  }
0x3c8: {  	v15 =	vld [tilespmem:s28+$0xA3B0];
	v14 =	vadd.f32 v19, v14;
	v9 =	vadd.f32 v9, v11  }
0x3c9: {  	v11 =	vadd.f32 v20, v12;
	v12 =	vld [tilespmem:s28+$0xA3E0];
	v8 =	vadd.f32 v8, v10  }
0x3ca: {  	v10 =	vld [tilespmem:s28+$0xA3F0];
	v14 =	vadd.f32 v17, v14;
	v6 =	vadd.f32 v6, v9  }
0x3cb: {  	v9 =	vadd.f32 v16, v11;
	v11 =	vld [tilespmem:s28+$0xA420];
	v7 =	vadd.f32 v7, v8  }
0x3cc: {  	v8 =	vld [tilespmem:s28+$0xA430];
	v13 =	vadd.f32 v13, v14;
	v4 =	vadd.f32 v4, v6  }
0x3cd: {  	v6 =	vadd.f32 v15, v9;
	v9 =	vld [tilespmem:s28+$0xA460];
	v5 =	vadd.f32 v5, v7  }
0x3ce: {  	v7 =	vld [tilespmem:s28+$0xA470];
	v12 =	vadd.f32 v12, v13;
	v2 =	vadd.f32 v2, v4  }
0x3cf: {  	v4 =	vadd.f32 v10, v6;
	v3 =	vadd.f32 v3, v5  }
0x3d0: {  	v5 =	vadd.f32 v11, v12;
	v0 =	vadd.f32 v0, v2  }
0x3d1: {  	v2 =	vadd.f32 v8, v4;
	v1 =	vadd.f32 v1, v3  }
0x3d2: {  	v3 =	vadd.f32 v9, v5;
	[tilespmem:$0x19D40] =	vst v0  }
0x3d3: {  	v0 =	vadd.f32 v7, v2;
	[tilespmem:$0x19D50] =	vst v1  }
0x3d4: {  	s17 =	sadd.s32 @!p0 s24, s15;
	[tilespmem:$0x19D60] =	vst v3  }
0x3d5: {  	s17 =	smul.u32 @!p0 $0x19, s17;
	s28 =	sadd.s32 s25, s14;
	[tilespmem:$0x19D70] =	vst v0  }
0x3d6: {  	[hbm4b:s28+s2] =	stream.linear.scatter [tilespmem:s6], [sflag:$0x7], $0x100, $0x38;
	[tilespmem:$0x19E80] =	vst v63  }
0x3d7: {  	s30 =	simm.s32 @!p0 $0x640;
	s17 =	sadd.s32 @!p0 s3, s17;
	s28 =	simm.s32 @!p0 $0x0  }
0x3d8: {  	[tilespmem:s30], [sflag:$0x3] =	stream.linear.gather @!p0 [hbm4b:s17+s28], $0x320, $0x38;
	[tilespmem:$0x19E80] =	vst v63  }
0x3d9: {  	s17 =	simm.s32 @!p0 $0x1  }
0x3da: {  	_ =	swait.ge @!p0 [sflag:s17], $0x320  }
0x3db: {  	[sflag:s17] =	ssyncset.done @!p0 $0x0  }
0x3dc: {  	s30 =	simm.s32 @!p0 $0xC80;
	[sflag:s17] =	ssyncadd.s32 @!p0 $0xFFFFFCE0;
	s17 =	simm.s32 @!p0 $0xC8  }
0x3dd: {  	[tilespmem:s30], [sflag:$0x5] =	stream.indirect.gather @!p0 [hbm4b:s4+s17], $0x40, s28, s17, $0xb8;
	[tilespmem:$0x19E80] =	vst v63  }
0x3de: {  	s28 =	simm.s32 @!p0 $0x3E80  }
0x3df: {  	[tilespmem:s28], [sflag:$0x5] =	stream.indirect.gather @!p0 [hbm4b:s4+s17], $0x40, s17, s17, $0xb8;
	[tilespmem:$0x19E80] =	vst v63  }
0x3e0: {  	s30 =	simm.s32 @!p0 $0x7080;
	s28 =	simm.s32 @!p0 $0x190  }
0x3e1: {  	[tilespmem:s30], [sflag:$0x5] =	stream.indirect.gather @!p0 [hbm4b:s4+s17], $0x40, s28, s17, $0xb8;
	[tilespmem:$0x19E80] =	vst v63  }
0x3e2: {  	s28 =	simm.s32 @!p0 $0x258;
	s30 =	simm.s32 @!p0 $0xA280  }
0x3e3: {  	[tilespmem:s30], [sflag:$0x5] =	stream.indirect.gather @!p0 [hbm4b:s4+s17], $0x40, s28, s17, $0xb8;
	[tilespmem:$0x19E80] =	vst v63  }
0x3e4: {  	_ =	swait.ge [sflag:s1], $0x3200  }
0x3e5: {  	[sflag:s1] =	ssyncset.done $0x0  }
0x3e6: {  	[sflag:s1] =	ssyncadd.s32 $0xFFFFCE00  }
0x3e7: {  	_ =	swait.ge [sflag:s1], $0x3200  }
0x3e8: {  	[sflag:s1] =	ssyncset.done $0x0  }
0x3e9: {  	[sflag:s1] =	ssyncadd.s32 $0xFFFFCE00  }
0x3ea: {  	_ =	swait.ge [sflag:s1], $0x3200  }
0x3eb: {  	[sflag:s1] =	ssyncset.done $0x0  }
0x3ec: {  	[sflag:s1] =	ssyncadd.s32 $0xFFFFCE00  }
0x3ed: {  	_ =	swait.ge [sflag:s1], $0x3200  }
0x3ee: {  	[sflag:s1] =	ssyncset.done $0x0  }
0x3ef: {  	[sflag:s1] =	ssyncadd.s32 $0xFFFFCE00  }
0x3f0: {  	_ =	swait.ge [sflag:s19], $0x100  }
0x3f1: {  	[sflag:s19] =	ssyncset.done $0x0  }
0x3f2: {  	s28 =	simm.s32 $0x0;
	[sflag:s19] =	ssyncadd.s32 $0xFFFFFF00  }
0x3f3: {  	v0 =	vld [tilespmem:s28+$0xD640]  }
0x3f4: {  	v1 =	vld [tilespmem:s28+$0xD650]  }
0x3f5: {  	v2 =	vld [tilespmem:s28+$0xD600]  }
0x3f6: {  	v3 =	vld [tilespmem:s28+$0xD610]  }
0x3f7: {  	v4 =	vld [tilespmem:s28+$0xD5C0]  }
0x3f8: {  	v5 =	vld [tilespmem:s28+$0xD5D0]  }
0x3f9: {  	v6 =	vld [tilespmem:s28+$0xD580]  }
0x3fa: {  	v7 =	vld [tilespmem:s28+$0xD590]  }
0x3fb: {  	v9 =	vld [tilespmem:s28+$0xD540]  }
0x3fc: {  	v8 =	vld [tilespmem:s28+$0xD550]  }
0x3fd: {  	v11 =	vld [tilespmem:s28+$0xD500]  }
0x3fe: {  	v10 =	vld [tilespmem:s28+$0xD510]  }
0x3ff: {  	v17 =	vld [tilespmem:s28+$0xD4C0]  }
0x400: {  	v16 =	vld [tilespmem:s28+$0xD4D0]  }
0x401: {  	v19 =	vld [tilespmem:s28+$0xD480]  }
0x402: {  	v14 =	vimm.f32 $0.0e+00;
	v20 =	vld [tilespmem:s28+$0xD490]  }
0x403: {  	v15 =	vimm.f32 $0.0e+00;
	v13 =	vimm.f32 $0.0e+00;
	v12 =	vimm.f32 $0.0e+00;
	s30 =	simm.s32 $0x800;
	v18 =	vld [tilespmem:s28+$0xD4A0]  }
.LBB2_27:
0x404: {  	p1 =	sne.s32 s30, $0xC000;
	v21 =	vld [tilespmem:s28+$0xD4B0]  }
0x405: {  	v22 =	vld [tilespmem:s28+$0xD4E0]  }
0x406: {  	v23 =	vld [tilespmem:s28+$0xD4F0]  }
0x407: {  	v24 =	vld [tilespmem:s28+$0xD520]  }
0x408: {  	v12 =	vadd.f32 v19, v12;
	v15 =	vadd.f32 v20, v15;
	v19 =	vld [tilespmem:s28+$0xD530]  }
0x409: {  	v14 =	vadd.f32 v18, v14;
	v13 =	vadd.f32 v21, v13;
	v18 =	vld [tilespmem:s28+$0xD560]  }
0x40a: {  	v12 =	vadd.f32 v17, v12;
	v15 =	vadd.f32 v16, v15;
	v16 =	vld [tilespmem:s28+$0xD570]  }
0x40b: {  	v14 =	vadd.f32 v22, v14;
	v13 =	vadd.f32 v23, v13;
	v17 =	vld [tilespmem:s28+$0xD5A0]  }
0x40c: {  	v11 =	vadd.f32 v11, v12;
	v10 =	vadd.f32 v10, v15;
	v12 =	vld [tilespmem:s28+$0xD5B0]  }
0x40d: {  	v14 =	vadd.f32 v24, v14;
	v13 =	vadd.f32 v19, v13;
	v15 =	vld [tilespmem:s28+$0xD5E0]  }
0x40e: {  	v9 =	vadd.f32 v9, v11;
	v8 =	vadd.f32 v8, v10;
	v10 =	vld [tilespmem:s28+$0xD5F0]  }
0x40f: {  	v11 =	vadd.f32 v18, v14;
	v13 =	vadd.f32 v16, v13;
	v14 =	vld [tilespmem:s28+$0xD620]  }
0x410: {  	v6 =	vadd.f32 v6, v9;
	v7 =	vadd.f32 v7, v8;
	v8 =	vld [tilespmem:s28+$0xD630]  }
0x411: {  	v9 =	vadd.f32 v17, v11;
	v11 =	vadd.f32 v12, v13;
	v13 =	vld [tilespmem:s28+$0xD660]  }
0x412: {  	v4 =	vadd.f32 v4, v6;
	v5 =	vadd.f32 v5, v7;
	v6 =	vld [tilespmem:s28+$0xD670];
	s28 =	sshra.s32 s30, $0x2  }
0x413: {  	v9 =	vadd.f32 v15, v9;
	v7 =	vld [tilespmem:s28+$0xD640];
	v10 =	vadd.f32 v10, v11  }
0x414: {  	v4 =	vadd.f32 v2, v4;
	v5 =	vadd.f32 v3, v5;
	v11 =	vld [tilespmem:s28+$0xD650]  }
0x415: {  	v9 =	vadd.f32 v14, v9;
	v2 =	vld [tilespmem:s28+$0xD600];
	v8 =	vadd.f32 v8, v10  }
0x416: {  	v12 =	vadd.f32 v0, v4;
	v15 =	vadd.f32 v1, v5;
	v3 =	vld [tilespmem:s28+$0xD610]  }
0x417: {  	v14 =	vadd.f32 v13, v9;
	v4 =	vld [tilespmem:s28+$0xD5C0];
	v13 =	vadd.f32 v6, v8  }
0x418: {  	v5 =	vld [tilespmem:s28+$0xD5D0];
	v0 =	vmov v7  }
0x419: {  	v6 =	vld [tilespmem:s28+$0xD580];
	v1 =	vmov v11  }
0x41a: {  	v7 =	vld [tilespmem:s28+$0xD590]  }
0x41b: {  	v9 =	vld [tilespmem:s28+$0xD540]  }
0x41c: {  	v8 =	vld [tilespmem:s28+$0xD550]  }
0x41d: {  	v11 =	vld [tilespmem:s28+$0xD500]  }
0x41e: {  	v10 =	vld [tilespmem:s28+$0xD510]  }
.Ltmp14:
0x41f: {  	v17 =	vld [tilespmem:s28+$0xD4C0];
	(pc) =	sbr.rel @p1 .LBB2_27-.Ltmp14, $4  }
0x420: {  	v16 =	vld [tilespmem:s28+$0xD4D0]  }
0x421: {  	v19 =	vld [tilespmem:s28+$0xD480]  }
0x422: {  	v20 =	vld [tilespmem:s28+$0xD490]  }
0x423: {  	s30 =	sadd.s32 $0x800, s30;
	v18 =	vld [tilespmem:s28+$0xD4A0]  }
0x424: {  	v21 =	vld [tilespmem:s28+$0xD4B0]  }
0x425: {  	v22 =	vld [tilespmem:s28+$0xD4E0]  }
0x426: {  	v23 =	vld [tilespmem:s28+$0xD4F0];
	v12 =	vadd.f32 v19, v12  }
0x427: {  	v19 =	vld [tilespmem:s28+$0xD520];
	v15 =	vadd.f32 v20, v15  }
0x428: {  	v20 =	vld [tilespmem:s28+$0xD530];
	v14 =	vadd.f32 v18, v14;
	v12 =	vadd.f32 v17, v12  }
0x429: {  	v17 =	vld [tilespmem:s28+$0xD560];
	v13 =	vadd.f32 v21, v13;
	v15 =	vadd.f32 v16, v15  }
0x42a: {  	v16 =	vld [tilespmem:s28+$0xD570];
	v14 =	vadd.f32 v22, v14;
	v11 =	vadd.f32 v11, v12  }
0x42b: {  	v12 =	vadd.f32 v23, v13;
	v13 =	vld [tilespmem:s28+$0xD5A0];
	v10 =	vadd.f32 v10, v15  }
0x42c: {  	v15 =	vld [tilespmem:s28+$0xD5B0];
	v14 =	vadd.f32 v19, v14;
	v9 =	vadd.f32 v9, v11  }
0x42d: {  	v11 =	vadd.f32 v20, v12;
	v12 =	vld [tilespmem:s28+$0xD5E0];
	v8 =	vadd.f32 v8, v10  }
0x42e: {  	v10 =	vld [tilespmem:s28+$0xD5F0];
	v14 =	vadd.f32 v17, v14;
	v6 =	vadd.f32 v6, v9  }
0x42f: {  	v9 =	vadd.f32 v16, v11;
	v11 =	vld [tilespmem:s28+$0xD620];
	v7 =	vadd.f32 v7, v8  }
0x430: {  	v8 =	vld [tilespmem:s28+$0xD630];
	v13 =	vadd.f32 v13, v14;
	v4 =	vadd.f32 v4, v6  }
0x431: {  	v6 =	vadd.f32 v15, v9;
	v9 =	vld [tilespmem:s28+$0xD660];
	v5 =	vadd.f32 v5, v7  }
0x432: {  	v7 =	vld [tilespmem:s28+$0xD670];
	v12 =	vadd.f32 v12, v13;
	v2 =	vadd.f32 v2, v4  }
0x433: {  	v4 =	vadd.f32 v10, v6;
	v3 =	vadd.f32 v3, v5  }
0x434: {  	v5 =	vadd.f32 v11, v12;
	v0 =	vadd.f32 v0, v2  }
0x435: {  	v2 =	vadd.f32 v8, v4;
	v1 =	vadd.f32 v1, v3  }
0x436: {  	v3 =	vadd.f32 v9, v5;
	[tilespmem:$0x19D80] =	vst v0  }
0x437: {  	v0 =	vadd.f32 v7, v2;
	[tilespmem:$0x19D90] =	vst v1  }
0x438: {  	[tilespmem:$0x19DA0] =	vst v3  }
0x439: {  	s28 =	simm.s32 $0x0;
	[tilespmem:$0x19DB0] =	vst v0  }
0x43a: {  	v0 =	vld [tilespmem:s28+$0x10840]  }
0x43b: {  	v1 =	vld [tilespmem:s28+$0x10850]  }
0x43c: {  	v2 =	vld [tilespmem:s28+$0x10800]  }
0x43d: {  	v3 =	vld [tilespmem:s28+$0x10810]  }
0x43e: {  	v4 =	vld [tilespmem:s28+$0x107C0]  }
0x43f: {  	v5 =	vld [tilespmem:s28+$0x107D0]  }
0x440: {  	v6 =	vld [tilespmem:s28+$0x10780]  }
0x441: {  	v7 =	vld [tilespmem:s28+$0x10790]  }
0x442: {  	v9 =	vld [tilespmem:s28+$0x10740]  }
0x443: {  	v8 =	vld [tilespmem:s28+$0x10750]  }
0x444: {  	v11 =	vld [tilespmem:s28+$0x10700]  }
0x445: {  	v10 =	vld [tilespmem:s28+$0x10710]  }
0x446: {  	v17 =	vld [tilespmem:s28+$0x106C0]  }
0x447: {  	v16 =	vld [tilespmem:s28+$0x106D0]  }
0x448: {  	v19 =	vld [tilespmem:s28+$0x10680]  }
0x449: {  	v14 =	vimm.f32 $0.0e+00;
	v20 =	vld [tilespmem:s28+$0x10690]  }
0x44a: {  	s30 =	simm.s32 $0x800;
	v15 =	vimm.f32 $0.0e+00;
	v13 =	vimm.f32 $0.0e+00;
	v12 =	vimm.f32 $0.0e+00;
	v18 =	vld [tilespmem:s28+$0x106A0]  }
.LBB2_29:
0x44b: {  	p1 =	sne.s32 s30, $0xC000;
	v21 =	vld [tilespmem:s28+$0x106B0]  }
0x44c: {  	v22 =	vld [tilespmem:s28+$0x106E0]  }
0x44d: {  	v23 =	vld [tilespmem:s28+$0x106F0]  }
0x44e: {  	v24 =	vld [tilespmem:s28+$0x10720]  }
0x44f: {  	v12 =	vadd.f32 v19, v12;
	v15 =	vadd.f32 v20, v15;
	v19 =	vld [tilespmem:s28+$0x10730]  }
0x450: {  	v14 =	vadd.f32 v18, v14;
	v13 =	vadd.f32 v21, v13;
	v18 =	vld [tilespmem:s28+$0x10760]  }
0x451: {  	v12 =	vadd.f32 v17, v12;
	v15 =	vadd.f32 v16, v15;
	v16 =	vld [tilespmem:s28+$0x10770]  }
0x452: {  	v14 =	vadd.f32 v22, v14;
	v13 =	vadd.f32 v23, v13;
	v17 =	vld [tilespmem:s28+$0x107A0]  }
0x453: {  	v11 =	vadd.f32 v11, v12;
	v10 =	vadd.f32 v10, v15;
	v12 =	vld [tilespmem:s28+$0x107B0]  }
0x454: {  	v14 =	vadd.f32 v24, v14;
	v13 =	vadd.f32 v19, v13;
	v15 =	vld [tilespmem:s28+$0x107E0]  }
0x455: {  	v9 =	vadd.f32 v9, v11;
	v8 =	vadd.f32 v8, v10;
	v10 =	vld [tilespmem:s28+$0x107F0]  }
0x456: {  	v11 =	vadd.f32 v18, v14;
	v13 =	vadd.f32 v16, v13;
	v14 =	vld [tilespmem:s28+$0x10820]  }
0x457: {  	v6 =	vadd.f32 v6, v9;
	v7 =	vadd.f32 v7, v8;
	v8 =	vld [tilespmem:s28+$0x10830]  }
0x458: {  	v9 =	vadd.f32 v17, v11;
	v11 =	vadd.f32 v12, v13;
	v13 =	vld [tilespmem:s28+$0x10860]  }
0x459: {  	v4 =	vadd.f32 v4, v6;
	v5 =	vadd.f32 v5, v7;
	v6 =	vld [tilespmem:s28+$0x10870];
	s28 =	sshra.s32 s30, $0x2  }
0x45a: {  	v9 =	vadd.f32 v15, v9;
	v7 =	vld [tilespmem:s28+$0x10840];
	v10 =	vadd.f32 v10, v11  }
0x45b: {  	v4 =	vadd.f32 v2, v4;
	v5 =	vadd.f32 v3, v5;
	v11 =	vld [tilespmem:s28+$0x10850]  }
0x45c: {  	v9 =	vadd.f32 v14, v9;
	v2 =	vld [tilespmem:s28+$0x10800];
	v8 =	vadd.f32 v8, v10  }
0x45d: {  	v12 =	vadd.f32 v0, v4;
	v15 =	vadd.f32 v1, v5;
	v3 =	vld [tilespmem:s28+$0x10810]  }
0x45e: {  	v14 =	vadd.f32 v13, v9;
	v4 =	vld [tilespmem:s28+$0x107C0];
	v13 =	vadd.f32 v6, v8  }
0x45f: {  	v5 =	vld [tilespmem:s28+$0x107D0];
	v0 =	vmov v7  }
0x460: {  	v6 =	vld [tilespmem:s28+$0x10780];
	v1 =	vmov v11  }
0x461: {  	v7 =	vld [tilespmem:s28+$0x10790]  }
0x462: {  	v9 =	vld [tilespmem:s28+$0x10740]  }
0x463: {  	v8 =	vld [tilespmem:s28+$0x10750]  }
0x464: {  	v11 =	vld [tilespmem:s28+$0x10700]  }
0x465: {  	v10 =	vld [tilespmem:s28+$0x10710]  }
.Ltmp15:
0x466: {  	v17 =	vld [tilespmem:s28+$0x106C0];
	(pc) =	sbr.rel @p1 .LBB2_29-.Ltmp15, $4  }
0x467: {  	v16 =	vld [tilespmem:s28+$0x106D0]  }
0x468: {  	v19 =	vld [tilespmem:s28+$0x10680]  }
0x469: {  	v20 =	vld [tilespmem:s28+$0x10690]  }
0x46a: {  	s30 =	sadd.s32 $0x800, s30;
	v18 =	vld [tilespmem:s28+$0x106A0]  }
0x46b: {  	v21 =	vld [tilespmem:s28+$0x106B0]  }
0x46c: {  	v22 =	vld [tilespmem:s28+$0x106E0]  }
0x46d: {  	v23 =	vld [tilespmem:s28+$0x106F0];
	v12 =	vadd.f32 v19, v12  }
0x46e: {  	v19 =	vld [tilespmem:s28+$0x10720];
	v15 =	vadd.f32 v20, v15  }
0x46f: {  	v20 =	vld [tilespmem:s28+$0x10730];
	v14 =	vadd.f32 v18, v14;
	v12 =	vadd.f32 v17, v12  }
0x470: {  	v17 =	vld [tilespmem:s28+$0x10760];
	v13 =	vadd.f32 v21, v13;
	v15 =	vadd.f32 v16, v15  }
0x471: {  	v16 =	vld [tilespmem:s28+$0x10770];
	v14 =	vadd.f32 v22, v14;
	v11 =	vadd.f32 v11, v12  }
0x472: {  	v12 =	vadd.f32 v23, v13;
	v13 =	vld [tilespmem:s28+$0x107A0];
	v10 =	vadd.f32 v10, v15  }
0x473: {  	v15 =	vld [tilespmem:s28+$0x107B0];
	v14 =	vadd.f32 v19, v14;
	v9 =	vadd.f32 v9, v11  }
0x474: {  	v11 =	vadd.f32 v20, v12;
	v12 =	vld [tilespmem:s28+$0x107E0];
	v8 =	vadd.f32 v8, v10  }
0x475: {  	v10 =	vld [tilespmem:s28+$0x107F0];
	v14 =	vadd.f32 v17, v14;
	v6 =	vadd.f32 v6, v9  }
0x476: {  	v9 =	vadd.f32 v16, v11;
	v11 =	vld [tilespmem:s28+$0x10820];
	v7 =	vadd.f32 v7, v8  }
0x477: {  	v8 =	vld [tilespmem:s28+$0x10830];
	v13 =	vadd.f32 v13, v14;
	v4 =	vadd.f32 v4, v6  }
0x478: {  	v6 =	vadd.f32 v15, v9;
	v9 =	vld [tilespmem:s28+$0x10860];
	v5 =	vadd.f32 v5, v7  }
0x479: {  	v7 =	vld [tilespmem:s28+$0x10870];
	v12 =	vadd.f32 v12, v13;
	v2 =	vadd.f32 v2, v4  }
0x47a: {  	v4 =	vadd.f32 v10, v6;
	v3 =	vadd.f32 v3, v5  }
0x47b: {  	v5 =	vadd.f32 v11, v12;
	v0 =	vadd.f32 v0, v2  }
0x47c: {  	v2 =	vadd.f32 v8, v4;
	v1 =	vadd.f32 v1, v3  }
0x47d: {  	v3 =	vadd.f32 v9, v5;
	[tilespmem:$0x19DC0] =	vst v0  }
0x47e: {  	v0 =	vadd.f32 v7, v2;
	[tilespmem:$0x19DD0] =	vst v1  }
0x47f: {  	[tilespmem:$0x19DE0] =	vst v3  }
0x480: {  	s28 =	simm.s32 $0x0;
	[tilespmem:$0x19DF0] =	vst v0  }
0x481: {  	v0 =	vld [tilespmem:s28+$0x13A40]  }
0x482: {  	v1 =	vld [tilespmem:s28+$0x13A50]  }
0x483: {  	v2 =	vld [tilespmem:s28+$0x13A00]  }
0x484: {  	v3 =	vld [tilespmem:s28+$0x13A10]  }
0x485: {  	v4 =	vld [tilespmem:s28+$0x139C0]  }
0x486: {  	v5 =	vld [tilespmem:s28+$0x139D0]  }
0x487: {  	v6 =	vld [tilespmem:s28+$0x13980]  }
0x488: {  	v7 =	vld [tilespmem:s28+$0x13990]  }
0x489: {  	v9 =	vld [tilespmem:s28+$0x13940]  }
0x48a: {  	v8 =	vld [tilespmem:s28+$0x13950]  }
0x48b: {  	v11 =	vld [tilespmem:s28+$0x13900]  }
0x48c: {  	v10 =	vld [tilespmem:s28+$0x13910]  }
0x48d: {  	v17 =	vld [tilespmem:s28+$0x138C0]  }
0x48e: {  	v16 =	vld [tilespmem:s28+$0x138D0]  }
0x48f: {  	v19 =	vld [tilespmem:s28+$0x13880]  }
0x490: {  	v14 =	vimm.f32 $0.0e+00;
	v20 =	vld [tilespmem:s28+$0x13890]  }
0x491: {  	s30 =	simm.s32 $0x800;
	v15 =	vimm.f32 $0.0e+00;
	v13 =	vimm.f32 $0.0e+00;
	v12 =	vimm.f32 $0.0e+00;
	v18 =	vld [tilespmem:s28+$0x138A0]  }
.LBB2_31:
0x492: {  	p1 =	sne.s32 s30, $0xC000;
	v21 =	vld [tilespmem:s28+$0x138B0]  }
0x493: {  	v22 =	vld [tilespmem:s28+$0x138E0]  }
0x494: {  	v23 =	vld [tilespmem:s28+$0x138F0]  }
0x495: {  	v24 =	vld [tilespmem:s28+$0x13920]  }
0x496: {  	v12 =	vadd.f32 v19, v12;
	v15 =	vadd.f32 v20, v15;
	v19 =	vld [tilespmem:s28+$0x13930]  }
0x497: {  	v14 =	vadd.f32 v18, v14;
	v13 =	vadd.f32 v21, v13;
	v18 =	vld [tilespmem:s28+$0x13960]  }
0x498: {  	v12 =	vadd.f32 v17, v12;
	v15 =	vadd.f32 v16, v15;
	v16 =	vld [tilespmem:s28+$0x13970]  }
0x499: {  	v14 =	vadd.f32 v22, v14;
	v13 =	vadd.f32 v23, v13;
	v17 =	vld [tilespmem:s28+$0x139A0]  }
0x49a: {  	v11 =	vadd.f32 v11, v12;
	v10 =	vadd.f32 v10, v15;
	v12 =	vld [tilespmem:s28+$0x139B0]  }
0x49b: {  	v14 =	vadd.f32 v24, v14;
	v13 =	vadd.f32 v19, v13;
	v15 =	vld [tilespmem:s28+$0x139E0]  }
0x49c: {  	v9 =	vadd.f32 v9, v11;
	v8 =	vadd.f32 v8, v10;
	v10 =	vld [tilespmem:s28+$0x139F0]  }
0x49d: {  	v11 =	vadd.f32 v18, v14;
	v13 =	vadd.f32 v16, v13;
	v14 =	vld [tilespmem:s28+$0x13A20]  }
0x49e: {  	v6 =	vadd.f32 v6, v9;
	v7 =	vadd.f32 v7, v8;
	v8 =	vld [tilespmem:s28+$0x13A30]  }
0x49f: {  	v9 =	vadd.f32 v17, v11;
	v11 =	vadd.f32 v12, v13;
	v13 =	vld [tilespmem:s28+$0x13A60]  }
0x4a0: {  	v4 =	vadd.f32 v4, v6;
	v5 =	vadd.f32 v5, v7;
	v6 =	vld [tilespmem:s28+$0x13A70];
	s28 =	sshra.s32 s30, $0x2  }
0x4a1: {  	v9 =	vadd.f32 v15, v9;
	v7 =	vld [tilespmem:s28+$0x13A40];
	v10 =	vadd.f32 v10, v11  }
0x4a2: {  	v4 =	vadd.f32 v2, v4;
	v5 =	vadd.f32 v3, v5;
	v11 =	vld [tilespmem:s28+$0x13A50]  }
0x4a3: {  	v9 =	vadd.f32 v14, v9;
	v2 =	vld [tilespmem:s28+$0x13A00];
	v8 =	vadd.f32 v8, v10  }
0x4a4: {  	v12 =	vadd.f32 v0, v4;
	v15 =	vadd.f32 v1, v5;
	v3 =	vld [tilespmem:s28+$0x13A10]  }
0x4a5: {  	v14 =	vadd.f32 v13, v9;
	v4 =	vld [tilespmem:s28+$0x139C0];
	v13 =	vadd.f32 v6, v8  }
0x4a6: {  	v5 =	vld [tilespmem:s28+$0x139D0];
	v0 =	vmov v7  }
0x4a7: {  	v6 =	vld [tilespmem:s28+$0x13980];
	v1 =	vmov v11  }
0x4a8: {  	v7 =	vld [tilespmem:s28+$0x13990]  }
0x4a9: {  	v9 =	vld [tilespmem:s28+$0x13940]  }
0x4aa: {  	v8 =	vld [tilespmem:s28+$0x13950]  }
0x4ab: {  	v11 =	vld [tilespmem:s28+$0x13900]  }
0x4ac: {  	v10 =	vld [tilespmem:s28+$0x13910]  }
.Ltmp16:
0x4ad: {  	v17 =	vld [tilespmem:s28+$0x138C0];
	(pc) =	sbr.rel @p1 .LBB2_31-.Ltmp16, $4  }
0x4ae: {  	v16 =	vld [tilespmem:s28+$0x138D0]  }
0x4af: {  	v19 =	vld [tilespmem:s28+$0x13880]  }
0x4b0: {  	v20 =	vld [tilespmem:s28+$0x13890]  }
0x4b1: {  	s30 =	sadd.s32 $0x800, s30;
	v18 =	vld [tilespmem:s28+$0x138A0]  }
0x4b2: {  	v21 =	vld [tilespmem:s28+$0x138B0]  }
0x4b3: {  	v22 =	vld [tilespmem:s28+$0x138E0]  }
0x4b4: {  	v23 =	vld [tilespmem:s28+$0x138F0];
	v12 =	vadd.f32 v19, v12  }
0x4b5: {  	v19 =	vld [tilespmem:s28+$0x13920];
	v15 =	vadd.f32 v20, v15  }
0x4b6: {  	v20 =	vld [tilespmem:s28+$0x13930];
	v14 =	vadd.f32 v18, v14;
	v12 =	vadd.f32 v17, v12  }
0x4b7: {  	v17 =	vld [tilespmem:s28+$0x13960];
	v13 =	vadd.f32 v21, v13;
	v15 =	vadd.f32 v16, v15  }
0x4b8: {  	v16 =	vld [tilespmem:s28+$0x13970];
	v14 =	vadd.f32 v22, v14;
	v11 =	vadd.f32 v11, v12  }
0x4b9: {  	v12 =	vadd.f32 v23, v13;
	v13 =	vld [tilespmem:s28+$0x139A0];
	v10 =	vadd.f32 v10, v15  }
0x4ba: {  	v15 =	vld [tilespmem:s28+$0x139B0];
	v14 =	vadd.f32 v19, v14;
	v9 =	vadd.f32 v9, v11  }
0x4bb: {  	v11 =	vadd.f32 v20, v12;
	v12 =	vld [tilespmem:s28+$0x139E0];
	v8 =	vadd.f32 v8, v10  }
0x4bc: {  	v10 =	vld [tilespmem:s28+$0x139F0];
	v14 =	vadd.f32 v17, v14;
	v6 =	vadd.f32 v6, v9  }
0x4bd: {  	v9 =	vadd.f32 v16, v11;
	v11 =	vld [tilespmem:s28+$0x13A20];
	v7 =	vadd.f32 v7, v8  }
0x4be: {  	v8 =	vld [tilespmem:s28+$0x13A30];
	v13 =	vadd.f32 v13, v14;
	v4 =	vadd.f32 v4, v6  }
0x4bf: {  	v6 =	vadd.f32 v15, v9;
	v9 =	vld [tilespmem:s28+$0x13A60];
	v5 =	vadd.f32 v5, v7  }
0x4c0: {  	v7 =	vld [tilespmem:s28+$0x13A70];
	v12 =	vadd.f32 v12, v13;
	v2 =	vadd.f32 v2, v4  }
0x4c1: {  	v4 =	vadd.f32 v10, v6;
	v3 =	vadd.f32 v3, v5  }
0x4c2: {  	v5 =	vadd.f32 v11, v12;
	v0 =	vadd.f32 v0, v2  }
0x4c3: {  	v2 =	vadd.f32 v8, v4;
	v1 =	vadd.f32 v1, v3  }
0x4c4: {  	v3 =	vadd.f32 v9, v5;
	[tilespmem:$0x19E00] =	vst v0  }
0x4c5: {  	v0 =	vadd.f32 v7, v2;
	[tilespmem:$0x19E10] =	vst v1  }
0x4c6: {  	[tilespmem:$0x19E20] =	vst v3  }
0x4c7: {  	s28 =	simm.s32 $0x0;
	[tilespmem:$0x19E30] =	vst v0  }
0x4c8: {  	v0 =	vld [tilespmem:s28+$0x16C40]  }
0x4c9: {  	v1 =	vld [tilespmem:s28+$0x16C50]  }
0x4ca: {  	v2 =	vld [tilespmem:s28+$0x16C00]  }
0x4cb: {  	v3 =	vld [tilespmem:s28+$0x16C10]  }
0x4cc: {  	v4 =	vld [tilespmem:s28+$0x16BC0]  }
0x4cd: {  	v5 =	vld [tilespmem:s28+$0x16BD0]  }
0x4ce: {  	v6 =	vld [tilespmem:s28+$0x16B80]  }
0x4cf: {  	v7 =	vld [tilespmem:s28+$0x16B90]  }
0x4d0: {  	v9 =	vld [tilespmem:s28+$0x16B40]  }
0x4d1: {  	v8 =	vld [tilespmem:s28+$0x16B50]  }
0x4d2: {  	v11 =	vld [tilespmem:s28+$0x16B00]  }
0x4d3: {  	v10 =	vld [tilespmem:s28+$0x16B10]  }
0x4d4: {  	v17 =	vld [tilespmem:s28+$0x16AC0]  }
0x4d5: {  	v16 =	vld [tilespmem:s28+$0x16AD0]  }
0x4d6: {  	v19 =	vld [tilespmem:s28+$0x16A80]  }
0x4d7: {  	v14 =	vimm.f32 $0.0e+00;
	v20 =	vld [tilespmem:s28+$0x16A90]  }
0x4d8: {  	s30 =	simm.s32 $0x800;
	v15 =	vimm.f32 $0.0e+00;
	v13 =	vimm.f32 $0.0e+00;
	v12 =	vimm.f32 $0.0e+00;
	v18 =	vld [tilespmem:s28+$0x16AA0]  }
.LBB2_33:
0x4d9: {  	p1 =	sne.s32 s30, $0xC000;
	v21 =	vld [tilespmem:s28+$0x16AB0]  }
0x4da: {  	v22 =	vld [tilespmem:s28+$0x16AE0]  }
0x4db: {  	v23 =	vld [tilespmem:s28+$0x16AF0]  }
0x4dc: {  	v24 =	vld [tilespmem:s28+$0x16B20]  }
0x4dd: {  	v12 =	vadd.f32 v19, v12;
	v15 =	vadd.f32 v20, v15;
	v19 =	vld [tilespmem:s28+$0x16B30]  }
0x4de: {  	v14 =	vadd.f32 v18, v14;
	v13 =	vadd.f32 v21, v13;
	v18 =	vld [tilespmem:s28+$0x16B60]  }
0x4df: {  	v12 =	vadd.f32 v17, v12;
	v15 =	vadd.f32 v16, v15;
	v16 =	vld [tilespmem:s28+$0x16B70]  }
0x4e0: {  	v14 =	vadd.f32 v22, v14;
	v13 =	vadd.f32 v23, v13;
	v17 =	vld [tilespmem:s28+$0x16BA0]  }
0x4e1: {  	v11 =	vadd.f32 v11, v12;
	v10 =	vadd.f32 v10, v15;
	v12 =	vld [tilespmem:s28+$0x16BB0]  }
0x4e2: {  	v14 =	vadd.f32 v24, v14;
	v13 =	vadd.f32 v19, v13;
	v15 =	vld [tilespmem:s28+$0x16BE0]  }
0x4e3: {  	v9 =	vadd.f32 v9, v11;
	v8 =	vadd.f32 v8, v10;
	v10 =	vld [tilespmem:s28+$0x16BF0]  }
0x4e4: {  	v11 =	vadd.f32 v18, v14;
	v13 =	vadd.f32 v16, v13;
	v14 =	vld [tilespmem:s28+$0x16C20]  }
0x4e5: {  	v6 =	vadd.f32 v6, v9;
	v7 =	vadd.f32 v7, v8;
	v8 =	vld [tilespmem:s28+$0x16C30]  }
0x4e6: {  	v9 =	vadd.f32 v17, v11;
	v11 =	vadd.f32 v12, v13;
	v13 =	vld [tilespmem:s28+$0x16C60]  }
0x4e7: {  	v4 =	vadd.f32 v4, v6;
	v5 =	vadd.f32 v5, v7;
	v6 =	vld [tilespmem:s28+$0x16C70];
	s28 =	sshra.s32 s30, $0x2  }
0x4e8: {  	v9 =	vadd.f32 v15, v9;
	v7 =	vld [tilespmem:s28+$0x16C40];
	v10 =	vadd.f32 v10, v11  }
0x4e9: {  	v4 =	vadd.f32 v2, v4;
	v5 =	vadd.f32 v3, v5;
	v11 =	vld [tilespmem:s28+$0x16C50]  }
0x4ea: {  	v9 =	vadd.f32 v14, v9;
	v2 =	vld [tilespmem:s28+$0x16C00];
	v8 =	vadd.f32 v8, v10  }
0x4eb: {  	v12 =	vadd.f32 v0, v4;
	v15 =	vadd.f32 v1, v5;
	v3 =	vld [tilespmem:s28+$0x16C10]  }
0x4ec: {  	v14 =	vadd.f32 v13, v9;
	v4 =	vld [tilespmem:s28+$0x16BC0];
	v13 =	vadd.f32 v6, v8  }
0x4ed: {  	v5 =	vld [tilespmem:s28+$0x16BD0];
	v0 =	vmov v7  }
0x4ee: {  	v6 =	vld [tilespmem:s28+$0x16B80];
	v1 =	vmov v11  }
0x4ef: {  	v7 =	vld [tilespmem:s28+$0x16B90]  }
0x4f0: {  	v9 =	vld [tilespmem:s28+$0x16B40]  }
0x4f1: {  	v8 =	vld [tilespmem:s28+$0x16B50]  }
0x4f2: {  	v11 =	vld [tilespmem:s28+$0x16B00]  }
0x4f3: {  	v10 =	vld [tilespmem:s28+$0x16B10]  }
.Ltmp17:
0x4f4: {  	v17 =	vld [tilespmem:s28+$0x16AC0];
	(pc) =	sbr.rel @p1 .LBB2_33-.Ltmp17, $4  }
0x4f5: {  	v16 =	vld [tilespmem:s28+$0x16AD0]  }
0x4f6: {  	v19 =	vld [tilespmem:s28+$0x16A80]  }
0x4f7: {  	v20 =	vld [tilespmem:s28+$0x16A90]  }
0x4f8: {  	s30 =	sadd.s32 $0x800, s30;
	v18 =	vld [tilespmem:s28+$0x16AA0]  }
0x4f9: {  	v21 =	vld [tilespmem:s28+$0x16AB0]  }
0x4fa: {  	v22 =	vld [tilespmem:s28+$0x16AE0]  }
0x4fb: {  	v23 =	vld [tilespmem:s28+$0x16AF0];
	v12 =	vadd.f32 v19, v12  }
0x4fc: {  	v43 =	vld [tilespmem:s28+$0x16B20];
	v15 =	vadd.f32 v20, v15  }
0x4fd: {  	v44 =	vld [tilespmem:s28+$0x16B30];
	v14 =	vadd.f32 v18, v14;
	v12 =	vadd.f32 v17, v12  }
0x4fe: {  	v45 =	vld [tilespmem:s28+$0x16B60];
	v13 =	vadd.f32 v21, v13;
	v15 =	vadd.f32 v16, v15  }
0x4ff: {  	v46 =	vld [tilespmem:s28+$0x16B70];
	v14 =	vadd.f32 v22, v14;
	v11 =	vadd.f32 v11, v12  }
0x500: {  	v48 =	vld [tilespmem:s28+$0x16BA0];
	v47 =	vadd.f32 v23, v13;
	v10 =	vadd.f32 v10, v15  }
0x501: {  	v49 =	vld [tilespmem:s28+$0x16BB0];
	v14 =	vadd.f32 v43, v14;
	v9 =	vadd.f32 v9, v11  }
0x502: {  	v51 =	vld [tilespmem:s28+$0x16BE0];
	v50 =	vadd.f32 v44, v47;
	v8 =	vadd.f32 v8, v10  }
0x503: {  	v52 =	vld [tilespmem:s28+$0x16BF0];
	v14 =	vadd.f32 v45, v14;
	v6 =	vadd.f32 v6, v9  }
0x504: {  	v54 =	vld [tilespmem:s28+$0x16C20];
	v53 =	vadd.f32 v46, v50;
	v7 =	vadd.f32 v7, v8  }
0x505: {  	v55 =	vld [tilespmem:s28+$0x16C30];
	v13 =	vadd.f32 v48, v14;
	v4 =	vadd.f32 v4, v6  }
0x506: {  	v57 =	vld [tilespmem:s28+$0x16C60];
	v56 =	vadd.f32 v49, v53;
	v5 =	vadd.f32 v5, v7  }
0x507: {  	v58 =	vld [tilespmem:s28+$0x16C70];
	v12 =	vadd.f32 v51, v13;
	v2 =	vadd.f32 v2, v4  }
0x508: {  	v59 =	vadd.f32 v52, v56;
	v3 =	vadd.f32 v3, v5  }
0x509: {  	v60 =	vadd.f32 v54, v12;
	v0 =	vadd.f32 v0, v2  }
0x50a: {  	v61 =	vadd.f32 v55, v59;
	v1 =	vadd.f32 v1, v3  }
.Ltmp18:
0x50b: {  	v62 =	vadd.f32 v57, v60;
	[tilespmem:$0x19E40] =	vst v0;
	(pc) =	sbr.rel @p0 .LBB2_36-.Ltmp18, $4  }
0x50c: {  	v63 =	vadd.f32 v58, v61;
	[tilespmem:$0x19E50] =	vst v1  }
0x50d: {  	[tilespmem:$0x19E60] =	vst v62  }
0x50e: {  	s17 =	sadd.s32 s25, s16;
	[tilespmem:$0x19E70] =	vst v63  }
0x50f: {  	[hbm4b:s17+s2] =	stream.linear.scatter [tilespmem:s29], [sflag:$0x7], $0x100, $0x38;
	[tilespmem:$0x19E80] =	vst v63  }
0x510: {  	s17 =	rddreg [dreg:$0x6]  }
0x511: {  	s17 =	sadd.s32 s24, s17  }
0x512: {  	s17 =	smul.u32 $0x19, s17;
	_ =	sdelay $0x1  }
0x513: {  	s17 =	sadd.s32 s3, s17  }
0x514: {  	[tilespmem:s21], [sflag:$0x4] =	stream.linear.gather [hbm4b:s17+s2], $0x320, $0x38;
	[tilespmem:$0x19E80] =	vst v63  }
0x515: {  	_ =	swait.ge [sflag:s31], $0x320  }
0x516: {  	[sflag:s31] =	ssyncset.done $0x0  }
0x517: {  	s24 =	simm.s32 $0x320;
	[sflag:s31] =	ssyncadd.s32 $0xFFFFFCE0  }
0x518: {  	[tilespmem:s0], [sflag:$0x6] =	stream.indirect.gather [hbm4b:s4+s23], $0x40, s24, s23, $0xb8;
	[tilespmem:$0x19E80] =	vst v63  }
0x519: {  	s25 =	simm.s32 $0x3E8  }
0x51a: {  	[tilespmem:s26], [sflag:$0x6] =	stream.indirect.gather [hbm4b:s4+s23], $0x40, s25, s23, $0xb8;
	[tilespmem:$0x19E80] =	vst v63  }
.Ltmp19:
0x51b: {  	_ = 	snop;
	(pc) =	sbr.rel .LBB2_2-.Ltmp19, $4  }
0x51c: {  	s28 =	simm.s32 $0x4B0  }
0x51d: {  	[tilespmem:s8], [sflag:$0x6] =	stream.indirect.gather [hbm4b:s4+s23], $0x40, s28, s23, $0xb8;
	[tilespmem:$0x19E80] =	vst v63  }
0x51e: {  	s30 =	simm.s32 $0x578;
	s20 =	sadd.s32 $0x1, s20  }
0x51f: {  	[tilespmem:s10], [sflag:$0x6] =	stream.indirect.gather [hbm4b:s4+s23], $0x40, s30, s23, $0xb8;
	[tilespmem:$0x19E80] =	vst v63  }
.LBB2_37:
0x520: {  	_ =	sfence.sel $0x180000  }
0x521: {  	[bflag:$0x0] =	sbarrier.arrive $0xFFFF  }
0x522: {  	_ =	strace $0x90000047  }
0x523: {  	s0 =	stileid.u32;
	[bflag:$0x2] =	sbarrier.arrive $0xFFFF  }
0x524: {  	p0 =	sne.s32 s0, $0x0;
	s0 =	rddreg [dreg:$0x1]  }
0x525: {  	s0 =	sadd.s32 @!p0 $0x100000, s0  }
0x526: {  	[sflag:s0] =	ssyncadd.tile.s32 @!p0 $0x1;
	_ =	shalt  }
.Lfunc_end2:
_tile_overlayer_lowered:
.L_overlay_start_2:
0x527: {  	(tag) =	ssettag $0x2  }
0x528: {  	s0 =	rddreg [dreg:$0x0];
	s2 =	stileid.u32  }
0x529: {  	s1 =	rddreg [dreg:$0x1];
	p0 =	sne.s32 s2, $0x0  }
0x52a: {  	s3 =	rddreg [dreg:$0x2];
	[bflag:$0x3] =	sbarrier.arrive $0xFFFF;
	s2 =	simm.s32 @!p0 $0x1C08  }
0x52b: {  	[timem:s3], [sflag:s2] =	dma.local @!p0 [hbm:s0], s1  }
0x52c: {  	s0 =	simm.s32 @!p0 $0x8  }
0x52d: {  	_ =	swait.ge @!p0 [sflag:s0], s1  }
0x52e: {  	s1 =	ssub.s32 @!p0 $0x0, s1;
	[sflag:s0] =	ssyncset.done @!p0 $0x0  }
0x52f: {  	[sflag:s0] =	ssyncadd.s32 @!p0 s1  }
0x530: {  	[bflag:$0x3] =	sbarrier.arrive $0xFFFF  }
0x531: {  	_ =	shalt  }

</sc_bundles>
